<compile_context>
chip_gen: v7x
topology: tpu7x:2x2x1
jax: 0.10.2.dev20260603
libtpu: 0.0.44.dev20260713+nightly
codegen_flags: <defaults>
</compile_context>

<pallas_src>
import functools

import jax
import jax.numpy as jnp
from jax import lax
from jax.experimental import pallas as pl
from jax.experimental.pallas import tpu as pltpu
from jax.experimental.pallas import tpu_sc as plsc

B = 4096
L = 200
D = 128
C = 1000

NC, NS = 2, 16
NW = NC * NS
BPW = B // NW
C0, C1 = 104, 96

_LANES = 16
_G = D // _LANES


_UNROLL = 4


def _accum_rows(buf, n, acc):
    def body(i, acc):
        r0 = i * _UNROLL
        for u in range(_UNROLL):
            acc = tuple(acc[g] + buf[r0 + u, pl.ds(g * _LANES, _LANES)]
                        for g in range(_G))
        return acc
    return lax.fori_loop(0, n // _UNROLL, body, acc)


_NSETS = 3
B0 = 3584
B1 = B - B0


def _bag_sum_body(bags_hbm, table_hbm, out_hbm,
                  idx_v, buf00, buf01, buf10, buf11, buf20, buf21, outs_v,
                  sem00, sem01, sem10, sem11, sem20, sem21,
                  *, start, bpwh):
    wid = lax.axis_index("s") * NC + lax.axis_index("c")
    base = start + wid * bpwh
    bufs = ((buf00, buf01), (buf10, buf11), (buf20, buf21))
    sems = ((sem00, sem01), (sem10, sem11), (sem20, sem21))

    pltpu.sync_copy(bags_hbm.at[pl.ds(base * L, bpwh * L)], idx_v)

    def issue0(b, k):
        pltpu.async_copy(table_hbm.at[idx_v.at[pl.ds(b * L, C0)]],
                         bufs[k][0], sems[k][0])

    def issue1(b, k):
        pltpu.async_copy(table_hbm.at[idx_v.at[pl.ds(b * L + C0, C1)]],
                         bufs[k][1], sems[k][1])

    def drain_reduce(b, k):
        acc = tuple(jnp.zeros((_LANES,), jnp.float32) for _ in range(_G))
        pltpu.make_async_copy(
            table_hbm.at[idx_v.at[pl.ds(b * L, C0)]],
            bufs[k][0], sems[k][0]).wait()
        acc = _accum_rows(bufs[k][0], C0, acc)

        @pl.when(b + _NSETS < bpwh)
        def _():
            issue0(b + _NSETS, k)

        pltpu.make_async_copy(
            table_hbm.at[idx_v.at[pl.ds(b * L + C0, C1)]],
            bufs[k][1], sems[k][1]).wait()
        acc = _accum_rows(bufs[k][1], C1, acc)

        @pl.when(b + _NSETS < bpwh)
        def _():
            issue1(b + _NSETS, k)

        for g in range(_G):
            outs_v[b, pl.ds(g * _LANES, _LANES)] = acc[g]

    for k in range(_NSETS):
        issue0(k, k)
        issue1(k, k)

    def group_body(i, _):
        for k in range(_NSETS):
            drain_reduce(_NSETS * i + k, k)
        return 0

    ngroups = bpwh // _NSETS
    lax.fori_loop(0, ngroups, group_body, 0)
    for k in range(bpwh - _NSETS * ngroups):
        drain_reduce(_NSETS * ngroups + k, k)

    pltpu.sync_copy(outs_v, out_hbm.at[pl.ds(wid * bpwh, bpwh)])


def _sc_bag_sum_chunk(input_bags_flat, emb_table, start, nbags):
    bpwh = nbags // NW
    mesh = plsc.VectorSubcoreMesh(core_axis_name="c", subcore_axis_name="s")
    return pl.kernel(
        functools.partial(_bag_sum_body, start=start, bpwh=bpwh),
        out_type=jax.ShapeDtypeStruct((nbags, D), jnp.float32),
        mesh=mesh,
        scratch_types=(
            [pltpu.VMEM((bpwh * L,), jnp.int32)]
            + [pltpu.VMEM((n, D), jnp.float32)
               for _ in range(_NSETS) for n in (C0, C1)]
            + [pltpu.VMEM((bpwh, D), jnp.float32)]
            + [pltpu.SemaphoreType.DMA] * (2 * _NSETS)
        ),
    )(input_bags_flat, emb_table)


_BLK = 256


def _head_body(h_ref, w_ref, bt_ref, o_ref):
    h = h_ref[...] * (1.0 / L)
    logits = jax.lax.dot_general(
        w_ref[...], h, (((1,), (1,)), ((), ())),
        preferred_element_type=jnp.float32) + bt_ref[...]
    m = jnp.max(logits, axis=0, keepdims=True)
    s = logits - m
    lse = jnp.log(jnp.sum(jnp.exp(s), axis=0, keepdims=True))
    o_ref[...] = s - lse


def _head_body2(prev_ref, h_ref, w_ref, bt_ref, o_ref):
    del prev_ref
    _head_body(h_ref, w_ref, bt_ref, o_ref)


def _tc_head_first(hidden_sums, W, bt):
    return pl.pallas_call(
        _head_body,
        grid=(B0 // _BLK,),
        in_specs=[
            pl.BlockSpec((_BLK, D), lambda i: (i, 0)),
            pl.BlockSpec((C, D), lambda i: (0, 0)),
            pl.BlockSpec((C, 1), lambda i: (0, 0)),
        ],
        out_specs=pl.BlockSpec((C, _BLK), lambda i: (0, i)),
        out_shape=jax.ShapeDtypeStruct((C, B), jnp.float32),
    )(hidden_sums, W, bt)


def _tc_head_second(prev, hidden_sums, W, bt):
    nblk0 = B0 // _BLK
    return pl.pallas_call(
        _head_body2,
        grid=(B1 // _BLK,),
        in_specs=[
            pl.BlockSpec(memory_space=pltpu.MemorySpace.HBM),
            pl.BlockSpec((_BLK, D), lambda i: (i, 0)),
            pl.BlockSpec((C, D), lambda i: (0, 0)),
            pl.BlockSpec((C, 1), lambda i: (0, 0)),
        ],
        out_specs=pl.BlockSpec((C, _BLK), lambda i: (0, i + nblk0)),
        out_shape=jax.ShapeDtypeStruct((C, B), jnp.float32),
        input_output_aliases={0: 0},
    )(prev, hidden_sums, W, bt)


def kernel(input_bags, emb_table, W, b):
    flat = input_bags.astype(jnp.int32).reshape(-1)
    bt = b.reshape(C, 1)
    s0 = _sc_bag_sum_chunk(flat, emb_table, 0, B0)
    s1 = _sc_bag_sum_chunk(flat, emb_table, B0, B1)
    o = _tc_head_first(s0, W, bt)
    o = _tc_head_second(o, s1, W, bt)
    return o.T

# --- scband reference (transcript-rebuilt; emitter-appended) ---
"""Pipeline reference for scband-supervised-fast-text-85822036509036 (READ-ONLY COPY).

The authoritative reference and input builder live on the scoring server;
editing this copy changes nothing except your own understanding.
"""

import jax, jax.numpy as jnp
import numpy as np

V = 100000
NUM_CLASSES = 1000
EMBED_DIM = 128
BATCH = 4096
BAG_LEN = 200


def setup_inputs(seed: int = 0) -> dict:
    key = jax.random.key(seed)
    k_idx, k_emb, k_w, k_b = jax.random.split(key, 4)
    input_bags = jax.random.randint(k_idx, (BATCH, BAG_LEN), 0, V, dtype=jnp.int64 if jax.config.jax_enable_x64 else jnp.int32)
    upper = 1.0 / EMBED_DIM
    emb_table = jax.random.uniform(k_emb, (V, EMBED_DIM), dtype=jnp.float32, minval=-upper, maxval=upper)
    # torch default Linear init (kaiming-uniform-ish); module zeroes weight but we use
    # small random values so gradients/outputs are nontrivial while math stays identical
    bound = 1.0 / np.sqrt(EMBED_DIM)
    W = jax.random.uniform(k_w, (NUM_CLASSES, EMBED_DIM), dtype=jnp.float32, minval=-bound, maxval=bound)
    b = jax.random.uniform(k_b, (NUM_CLASSES,), dtype=jnp.float32, minval=-bound, maxval=bound)
    return {"input_bags": input_bags, "emb_table": emb_table, "W": W, "b": b}


def reference(input_bags, emb_table, W, b):
    # nn.Embedding lookup -> gather rows
    embedded = jnp.take(emb_table, input_bags, axis=0)  # (B, L, D)
    # torch.mean(..., dim=1)
    hidden = jnp.mean(embedded, axis=1)  # (B, D)
    # nn.Linear: x @ W.T + b
    logits = hidden @ W.T + b  # (B, num_classes)
    # F.log_softmax(dim=1)
    return jax.nn.log_softmax(logits, axis=1)

if __name__ == "__main__":
    import jax
    _d = setup_inputs()
    print(jax.jit(kernel)(*tuple(_d.values())))

</pallas_src>

<mosaic_0001>
#map = affine_map<(d0, d1) -> (0)>
#map1 = affine_map<(d0, d1) -> (0, 0)>
module attributes {stable_mosaic.version = 14 : i64} {
  func.func @_bag_sum_body(%arg0: i32, %arg1: i32, %arg2: memref<819200xi32, #tpu.memory_space<hbm>>, %arg3: memref<100000x128xf32, #tpu.memory_space<hbm>>, %arg4: memref<3584x128xf32, #tpu.memory_space<hbm>>, %arg5: memref<22400xi32, #tpu.memory_space<vmem>>, %arg6: memref<104x128xf32, #tpu.memory_space<vmem>>, %arg7: memref<96x128xf32, #tpu.memory_space<vmem>>, %arg8: memref<104x128xf32, #tpu.memory_space<vmem>>, %arg9: memref<96x128xf32, #tpu.memory_space<vmem>>, %arg10: memref<104x128xf32, #tpu.memory_space<vmem>>, %arg11: memref<96x128xf32, #tpu.memory_space<vmem>>, %arg12: memref<112x128xf32, #tpu.memory_space<vmem>>, %arg13: memref<!tpu.dma_semaphore, #tpu.memory_space<semaphore_mem>>, %arg14: memref<!tpu.dma_semaphore, #tpu.memory_space<semaphore_mem>>, %arg15: memref<!tpu.dma_semaphore, #tpu.memory_space<semaphore_mem>>, %arg16: memref<!tpu.dma_semaphore, #tpu.memory_space<semaphore_mem>>, %arg17: memref<!tpu.dma_semaphore, #tpu.memory_space<semaphore_mem>>, %arg18: memref<!tpu.dma_semaphore, #tpu.memory_space<semaphore_mem>>) attributes {dimension_semantics = [#tpu.dimension_semantics<core_parallel>, #tpu.dimension_semantics<subcore_parallel>], iteration_bounds = array<i64: 2, 16>, scalar_prefetch = 0 : i64, scratch_operands = 14 : i64, tpu.core_type = #tpu.core_type<sc_vector_subcore>, window_params = [{transform_indices = #map}, {transform_indices = #map1}, {transform_indices = #map1}]} {
    %mul3A = arith.constant 2 : i32
    %mul3A_0 = arith.muli %arg1, %mul3A : i32
    %add3A = arith.addi %mul3A_0, %arg0 : i32
    %mul3A_1 = arith.constant 112 : i32
    %mul3A_2 = arith.muli %add3A, %mul3A_1 : i32
    %add3A_3 = arith.constant 0 : i32
    %add3A_4 = arith.addi %add3A_3, %mul3A_2 : i32
    %mul3A_5 = arith.constant 200 : i32
    %mul3A_6 = arith.muli %add3A_4, %mul3A_5 : i32
    "tpu.region"() ({
      %run_scoped3A = tpu.sem_alloc : memref<!tpu.dma_semaphore, #tpu.memory_space<semaphore_mem>>
      %dma_start3A_127 = tpu.memref_slice %arg2[%mul3A_6] : memref<819200xi32, #tpu.memory_space<hbm>> -> memref<22400xi32, #tpu.memory_space<hbm>>
      %dma_start3A_128 = tpu.memref_slice %arg2[%mul3A_6] : memref<819200xi32, #tpu.memory_space<hbm>> -> memref<22400xi32, #tpu.memory_space<hbm>>
      tpu.enqueue_dma source(%dma_start3A_128 : memref<22400xi32, #tpu.memory_space<hbm>>) target(%arg5 : memref<22400xi32, #tpu.memory_space<vmem>>) target_semaphore(%run_scoped3A : memref<!tpu.dma_semaphore, #tpu.memory_space<semaphore_mem>>)
      %dma_wait3A_129 = tpu.memref_slice %arg2[%mul3A_6] : memref<819200xi32, #tpu.memory_space<hbm>> -> memref<22400xi32, #tpu.memory_space<hbm>>
      %dma_wait3A_130 = tpu.memref_slice %arg2[%mul3A_6] : memref<819200xi32, #tpu.memory_space<hbm>> -> memref<22400xi32, #tpu.memory_space<hbm>>
      tpu.wait_dma2 semaphore(%run_scoped3A : memref<!tpu.dma_semaphore, #tpu.memory_space<semaphore_mem>>) src(%dma_wait3A_130 : memref<22400xi32, #tpu.memory_space<hbm>>) dst(%arg5 : memref<22400xi32, #tpu.memory_space<vmem>>)
      tpu.yield
    }) : () -> ()
    %dma_start3A = arith.constant 0 : i32
    %dma_start3A_7 = tpu.memref_slice %arg5[%dma_start3A] : memref<22400xi32, #tpu.memory_space<vmem>> -> memref<104xi32, #tpu.memory_space<vmem>>
    %dma_start3A_8 = arith.constant 0 : i32
    %dma_start3A_9 = arith.constant 0 : i32
    %dma_start3A_10 = tpu.memref_slice %arg3[%dma_start3A_8, %dma_start3A_9] : memref<100000x128xf32, #tpu.memory_space<hbm>> -> memref<100000x128xf32, #tpu.memory_space<hbm>>
    tpu.enqueue_indirect_dma source(%dma_start3A_10 : memref<100000x128xf32, #tpu.memory_space<hbm>>) target(%arg6 : memref<104x128xf32, #tpu.memory_space<vmem>>) offsets(%dma_start3A_7 : memref<104xi32, #tpu.memory_space<vmem>>) semaphore(%arg13 : memref<!tpu.dma_semaphore, #tpu.memory_space<semaphore_mem>>)
    %dma_start3A_11 = arith.constant 104 : i32
    %dma_start3A_12 = tpu.memref_slice %arg5[%dma_start3A_11] : memref<22400xi32, #tpu.memory_space<vmem>> -> memref<96xi32, #tpu.memory_space<vmem>>
    %dma_start3A_13 = arith.constant 0 : i32
    %dma_start3A_14 = arith.constant 0 : i32
    %dma_start3A_15 = tpu.memref_slice %arg3[%dma_start3A_13, %dma_start3A_14] : memref<100000x128xf32, #tpu.memory_space<hbm>> -> memref<100000x128xf32, #tpu.memory_space<hbm>>
    tpu.enqueue_indirect_dma source(%dma_start3A_15 : memref<100000x128xf32, #tpu.memory_space<hbm>>) target(%arg7 : memref<96x128xf32, #tpu.memory_space<vmem>>) offsets(%dma_start3A_12 : memref<96xi32, #tpu.memory_space<vmem>>) semaphore(%arg14 : memref<!tpu.dma_semaphore, #tpu.memory_space<semaphore_mem>>)
    %dma_start3A_16 = arith.constant 200 : i32
    %dma_start3A_17 = tpu.memref_slice %arg5[%dma_start3A_16] : memref<22400xi32, #tpu.memory_space<vmem>> -> memref<104xi32, #tpu.memory_space<vmem>>
    %dma_start3A_18 = arith.constant 0 : i32
    %dma_start3A_19 = arith.constant 0 : i32
    %dma_start3A_20 = tpu.memref_slice %arg3[%dma_start3A_18, %dma_start3A_19] : memref<100000x128xf32, #tpu.memory_space<hbm>> -> memref<100000x128xf32, #tpu.memory_space<hbm>>
    tpu.enqueue_indirect_dma source(%dma_start3A_20 : memref<100000x128xf32, #tpu.memory_space<hbm>>) target(%arg8 : memref<104x128xf32, #tpu.memory_space<vmem>>) offsets(%dma_start3A_17 : memref<104xi32, #tpu.memory_space<vmem>>) semaphore(%arg15 : memref<!tpu.dma_semaphore, #tpu.memory_space<semaphore_mem>>)
    %dma_start3A_21 = arith.constant 304 : i32
    %dma_start3A_22 = tpu.memref_slice %arg5[%dma_start3A_21] : memref<22400xi32, #tpu.memory_space<vmem>> -> memref<96xi32, #tpu.memory_space<vmem>>
    %dma_start3A_23 = arith.constant 0 : i32
    %dma_start3A_24 = arith.constant 0 : i32
    %dma_start3A_25 = tpu.memref_slice %arg3[%dma_start3A_23, %dma_start3A_24] : memref<100000x128xf32, #tpu.memory_space<hbm>> -> memref<100000x128xf32, #tpu.memory_space<hbm>>
    tpu.enqueue_indirect_dma source(%dma_start3A_25 : memref<100000x128xf32, #tpu.memory_space<hbm>>) target(%arg9 : memref<96x128xf32, #tpu.memory_space<vmem>>) offsets(%dma_start3A_22 : memref<96xi32, #tpu.memory_space<vmem>>) semaphore(%arg16 : memref<!tpu.dma_semaphore, #tpu.memory_space<semaphore_mem>>)
    %dma_start3A_26 = arith.constant 400 : i32
    %dma_start3A_27 = tpu.memref_slice %arg5[%dma_start3A_26] : memref<22400xi32, #tpu.memory_space<vmem>> -> memref<104xi32, #tpu.memory_space<vmem>>
    %dma_start3A_28 = arith.constant 0 : i32
    %dma_start3A_29 = arith.constant 0 : i32
    %dma_start3A_30 = tpu.memref_slice %arg3[%dma_start3A_28, %dma_start3A_29] : memref<100000x128xf32, #tpu.memory_space<hbm>> -> memref<100000x128xf32, #tpu.memory_space<hbm>>
    tpu.enqueue_indirect_dma source(%dma_start3A_30 : memref<100000x128xf32, #tpu.memory_space<hbm>>) target(%arg10 : memref<104x128xf32, #tpu.memory_space<vmem>>) offsets(%dma_start3A_27 : memref<104xi32, #tpu.memory_space<vmem>>) semaphore(%arg17 : memref<!tpu.dma_semaphore, #tpu.memory_space<semaphore_mem>>)
    %dma_start3A_31 = arith.constant 504 : i32
    %dma_start3A_32 = tpu.memref_slice %arg5[%dma_start3A_31] : memref<22400xi32, #tpu.memory_space<vmem>> -> memref<96xi32, #tpu.memory_space<vmem>>
    %dma_start3A_33 = arith.constant 0 : i32
    %dma_start3A_34 = arith.constant 0 : i32
    %dma_start3A_35 = tpu.memref_slice %arg3[%dma_start3A_33, %dma_start3A_34] : memref<100000x128xf32, #tpu.memory_space<hbm>> -> memref<100000x128xf32, #tpu.memory_space<hbm>>
    tpu.enqueue_indirect_dma source(%dma_start3A_35 : memref<100000x128xf32, #tpu.memory_space<hbm>>) target(%arg11 : memref<96x128xf32, #tpu.memory_space<vmem>>) offsets(%dma_start3A_32 : memref<96xi32, #tpu.memory_space<vmem>>) semaphore(%arg18 : memref<!tpu.dma_semaphore, #tpu.memory_space<semaphore_mem>>)
    %scan3A = arith.constant 0 : i32
    %scan3A_36 = arith.constant 0 : i32
    %scan3A_37 = arith.constant 37 : i32
    %scan3A_38 = arith.addi %scan3A_36, %scan3A_37 : i32
    %scan3A_39 = arith.constant 1 : i32
    %scan3A_40 = scf.for %scan3A_127 = %scan3A_36 to %scan3A_38 step %scan3A_39 iter_args(%scan3A_128 = %scan3A) -> (i32)  : i32 {
      %mul3A_129 = arith.constant 3 : i32
      %mul3A_130 = arith.muli %mul3A_129, %scan3A_127 : i32
      %add3A_131 = arith.constant 0 : i32
      %add3A_132 = arith.addi %mul3A_130, %add3A_131 : i32
      %broadcast_in_dim3A_133 = arith.constant 0.000000e+00 : f32
      %broadcast_in_dim3A_134 = vector.broadcast %broadcast_in_dim3A_133 : f32 to vector<16xf32>
      %broadcast_in_dim3A_135 = arith.constant 0.000000e+00 : f32
      %broadcast_in_dim3A_136 = vector.broadcast %broadcast_in_dim3A_135 : f32 to vector<16xf32>
      %broadcast_in_dim3A_137 = arith.constant 0.000000e+00 : f32
      %broadcast_in_dim3A_138 = vector.broadcast %broadcast_in_dim3A_137 : f32 to vector<16xf32>
      %broadcast_in_dim3A_139 = arith.constant 0.000000e+00 : f32
      %broadcast_in_dim3A_140 = vector.broadcast %broadcast_in_dim3A_139 : f32 to vector<16xf32>
      %broadcast_in_dim3A_141 = arith.constant 0.000000e+00 : f32
      %broadcast_in_dim3A_142 = vector.broadcast %broadcast_in_dim3A_141 : f32 to vector<16xf32>
      %broadcast_in_dim3A_143 = arith.constant 0.000000e+00 : f32
      %broadcast_in_dim3A_144 = vector.broadcast %broadcast_in_dim3A_143 : f32 to vector<16xf32>
      %broadcast_in_dim3A_145 = arith.constant 0.000000e+00 : f32
      %broadcast_in_dim3A_146 = vector.broadcast %broadcast_in_dim3A_145 : f32 to vector<16xf32>
      %broadcast_in_dim3A_147 = arith.constant 0.000000e+00 : f32
      %broadcast_in_dim3A_148 = vector.broadcast %broadcast_in_dim3A_147 : f32 to vector<16xf32>
      %mul3A_149 = arith.constant 200 : i32
      %mul3A_150 = arith.muli %add3A_132, %mul3A_149 : i32
      %dma_wait3A_151 = tpu.memref_slice %arg5[%mul3A_150] : memref<22400xi32, #tpu.memory_space<vmem>> -> memref<104xi32, #tpu.memory_space<vmem>>
      %dma_wait3A_152 = arith.constant 0 : i32
      %dma_wait3A_153 = arith.constant 0 : i32
      %dma_wait3A_154 = tpu.memref_slice %arg3[%dma_wait3A_152, %dma_wait3A_153] : memref<100000x128xf32, #tpu.memory_space<hbm>> -> memref<100000x128xf32, #tpu.memory_space<hbm>>
      tpu.wait_indirect_dma semaphore(%arg13 : memref<!tpu.dma_semaphore, #tpu.memory_space<semaphore_mem>>) src(%dma_wait3A_154 : memref<100000x128xf32, #tpu.memory_space<hbm>>) dst(%arg6 : memref<104x128xf32, #tpu.memory_space<vmem>>)
      %scan3A_155 = arith.constant 0 : i32
      %scan3A_156 = arith.constant 26 : i32
      %scan3A_157 = arith.addi %scan3A_155, %scan3A_156 : i32
      %scan3A_158 = arith.constant 1 : i32
      %scan3A_159:8 = scf.for %scan3A_427 = %scan3A_155 to %scan3A_157 step %scan3A_158 iter_args(%scan3A_428 = %broadcast_in_dim3A_134, %scan3A_429 = %broadcast_in_dim3A_136, %scan3A_430 = %broadcast_in_dim3A_138, %scan3A_431 = %broadcast_in_dim3A_140, %scan3A_432 = %broadcast_in_dim3A_142, %scan3A_433 = %broadcast_in_dim3A_144, %scan3A_434 = %broadcast_in_dim3A_146, %scan3A_435 = %broadcast_in_dim3A_148) -> (vector<16xf32>, vector<16xf32>, vector<16xf32>, vector<16xf32>, vector<16xf32>, vector<16xf32>, vector<16xf32>, vector<16xf32>)  : i32 {
        %mul3A_436 = arith.constant 4 : i32
        %mul3A_437 = arith.muli %scan3A_427, %mul3A_436 : i32
        %add3A_438 = arith.constant 0 : i32
        %add3A_439 = arith.addi %mul3A_437, %add3A_438 : i32
        %get3A = arith.index_cast %add3A_439 : i32 to index
        %get3A_440 = arith.constant 0 : index
        %get3A_441 = tpu.vector_load %arg6[%get3A, %get3A_440] {strides = array<i32>} : memref<104x128xf32, #tpu.memory_space<vmem>>, vector<1x16xf32>,
        %get3A_442 = vector.shape_cast %get3A_441 : vector<1x16xf32> to vector<16xf32>
        %add3A_443 = arith.addf %scan3A_428, %get3A_442 : vector<16xf32>
        %add3A_444 = arith.constant 0 : i32
        %add3A_445 = arith.addi %mul3A_437, %add3A_444 : i32
        %get3A_446 = arith.index_cast %add3A_445 : i32 to index
        %get3A_447 = arith.constant 16 : index
        %get3A_448 = tpu.vector_load %arg6[%get3A_446, %get3A_447] {strides = array<i32>} : memref<104x128xf32, #tpu.memory_space<vmem>>, vector<1x16xf32>,
        %get3A_449 = vector.shape_cast %get3A_448 : vector<1x16xf32> to vector<16xf32>
        %add3A_450 = arith.addf %scan3A_429, %get3A_449 : vector<16xf32>
        %add3A_451 = arith.constant 0 : i32
        %add3A_452 = arith.addi %mul3A_437, %add3A_451 : i32
        %get3A_453 = arith.index_cast %add3A_452 : i32 to index
        %get3A_454 = arith.constant 32 : index
        %get3A_455 = tpu.vector_load %arg6[%get3A_453, %get3A_454] {strides = array<i32>} : memref<104x128xf32, #tpu.memory_space<vmem>>, vector<1x16xf32>,
        %get3A_456 = vector.shape_cast %get3A_455 : vector<1x16xf32> to vector<16xf32>
        %add3A_457 = arith.addf %scan3A_430, %get3A_456 : vector<16xf32>
        %add3A_458 = arith.constant 0 : i32
        %add3A_459 = arith.addi %mul3A_437, %add3A_458 : i32
        %get3A_460 = arith.index_cast %add3A_459 : i32 to index
        %get3A_461 = arith.constant 48 : index
        %get3A_462 = tpu.vector_load %arg6[%get3A_460, %get3A_461] {strides = array<i32>} : memref<104x128xf32, #tpu.memory_space<vmem>>, vector<1x16xf32>,
        %get3A_463 = vector.shape_cast %get3A_462 : vector<1x16xf32> to vector<16xf32>
        %add3A_464 = arith.addf %scan3A_431, %get3A_463 : vector<16xf32>
        %add3A_465 = arith.constant 0 : i32
        %add3A_466 = arith.addi %mul3A_437, %add3A_465 : i32
        %get3A_467 = arith.index_cast %add3A_466 : i32 to index
        %get3A_468 = arith.constant 64 : index
        %get3A_469 = tpu.vector_load %arg6[%get3A_467, %get3A_468] {strides = array<i32>} : memref<104x128xf32, #tpu.memory_space<vmem>>, vector<1x16xf32>,
        %get3A_470 = vector.shape_cast %get3A_469 : vector<1x16xf32> to vector<16xf32>
        %add3A_471 = arith.addf %scan3A_432, %get3A_470 : vector<16xf32>
        %add3A_472 = arith.constant 0 : i32
        %add3A_473 = arith.addi %mul3A_437, %add3A_472 : i32
        %get3A_474 = arith.index_cast %add3A_473 : i32 to index
        %get3A_475 = arith.constant 80 : index
        %get3A_476 = tpu.vector_load %arg6[%get3A_474, %get3A_475] {strides = array<i32>} : memref<104x128xf32, #tpu.memory_space<vmem>>, vector<1x16xf32>,
        %get3A_477 = vector.shape_cast %get3A_476 : vector<1x16xf32> to vector<16xf32>
        %add3A_478 = arith.addf %scan3A_433, %get3A_477 : vector<16xf32>
        %add3A_479 = arith.constant 0 : i32
        %add3A_480 = arith.addi %mul3A_437, %add3A_479 : i32
        %get3A_481 = arith.index_cast %add3A_480 : i32 to index
        %get3A_482 = arith.constant 96 : index
        %get3A_483 = tpu.vector_load %arg6[%get3A_481, %get3A_482] {strides = array<i32>} : memref<104x128xf32, #tpu.memory_space<vmem>>, vector<1x16xf32>,
        %get3A_484 = vector.shape_cast %get3A_483 : vector<1x16xf32> to vector<16xf32>
        %add3A_485 = arith.addf %scan3A_434, %get3A_484 : vector<16xf32>
        %add3A_486 = arith.constant 0 : i32
        %add3A_487 = arith.addi %mul3A_437, %add3A_486 : i32
        %get3A_488 = arith.index_cast %add3A_487 : i32 to index
        %get3A_489 = arith.constant 112 : index
        %get3A_490 = tpu.vector_load %arg6[%get3A_488, %get3A_489] {strides = array<i32>} : memref<104x128xf32, #tpu.memory_space<vmem>>, vector<1x16xf32>,
        %get3A_491 = vector.shape_cast %get3A_490 : vector<1x16xf32> to vector<16xf32>
        %add3A_492 = arith.addf %scan3A_435, %get3A_491 : vector<16xf32>
        %add3A_493 = arith.constant 1 : i32
        %add3A_494 = arith.addi %mul3A_437, %add3A_493 : i32
        %get3A_495 = arith.index_cast %add3A_494 : i32 to index
        %get3A_496 = arith.constant 0 : index
        %get3A_497 = tpu.vector_load %arg6[%get3A_495, %get3A_496] {strides = array<i32>} : memref<104x128xf32, #tpu.memory_space<vmem>>, vector<1x16xf32>,
        %get3A_498 = vector.shape_cast %get3A_497 : vector<1x16xf32> to vector<16xf32>
        %add3A_499 = arith.addf %add3A_443, %get3A_498 : vector<16xf32>
        %add3A_500 = arith.constant 1 : i32
        %add3A_501 = arith.addi %mul3A_437, %add3A_500 : i32
        %get3A_502 = arith.index_cast %add3A_501 : i32 to index
        %get3A_503 = arith.constant 16 : index
        %get3A_504 = tpu.vector_load %arg6[%get3A_502, %get3A_503] {strides = array<i32>} : memref<104x128xf32, #tpu.memory_space<vmem>>, vector<1x16xf32>,
        %get3A_505 = vector.shape_cast %get3A_504 : vector<1x16xf32> to vector<16xf32>
        %add3A_506 = arith.addf %add3A_450, %get3A_505 : vector<16xf32>
        %add3A_507 = arith.constant 1 : i32
        %add3A_508 = arith.addi %mul3A_437, %add3A_507 : i32
        %get3A_509 = arith.index_cast %add3A_508 : i32 to index
        %get3A_510 = arith.constant 32 : index
        %get3A_511 = tpu.vector_load %arg6[%get3A_509, %get3A_510] {strides = array<i32>} : memref<104x128xf32, #tpu.memory_space<vmem>>, vector<1x16xf32>,
        %get3A_512 = vector.shape_cast %get3A_511 : vector<1x16xf32> to vector<16xf32>
        %add3A_513 = arith.addf %add3A_457, %get3A_512 : vector<16xf32>
        %add3A_514 = arith.constant 1 : i32
        %add3A_515 = arith.addi %mul3A_437, %add3A_514 : i32
        %get3A_516 = arith.index_cast %add3A_515 : i32 to index
        %get3A_517 = arith.constant 48 : index
        %get3A_518 = tpu.vector_load %arg6[%get3A_516, %get3A_517] {strides = array<i32>} : memref<104x128xf32, #tpu.memory_space<vmem>>, vector<1x16xf32>,
        %get3A_519 = vector.shape_cast %get3A_518 : vector<1x16xf32> to vector<16xf32>
        %add3A_520 = arith.addf %add3A_464, %get3A_519 : vector<16xf32>
        %add3A_521 = arith.constant 1 : i32
        %add3A_522 = arith.addi %mul3A_437, %add3A_521 : i32
        %get3A_523 = arith.index_cast %add3A_522 : i32 to index
        %get3A_524 = arith.constant 64 : index
        %get3A_525 = tpu.vector_load %arg6[%get3A_523, %get3A_524] {strides = array<i32>} : memref<104x128xf32, #tpu.memory_space<vmem>>, vector<1x16xf32>,
        %get3A_526 = vector.shape_cast %get3A_525 : vector<1x16xf32> to vector<16xf32>
        %add3A_527 = arith.addf %add3A_471, %get3A_526 : vector<16xf32>
        %add3A_528 = arith.constant 1 : i32
        %add3A_529 = arith.addi %mul3A_437, %add3A_528 : i32
        %get3A_530 = arith.index_cast %add3A_529 : i32 to index
        %get3A_531 = arith.constant 80 : index
        %get3A_532 = tpu.vector_load %arg6[%get3A_530, %get3A_531] {strides = array<i32>} : memref<104x128xf32, #tpu.memory_space<vmem>>, vector<1x16xf32>,
        %get3A_533 = vector.shape_cast %get3A_532 : vector<1x16xf32> to vector<16xf32>
        %add3A_534 = arith.addf %add3A_478, %get3A_533 : vector<16xf32>
        %add3A_535 = arith.constant 1 : i32
        %add3A_536 = arith.addi %mul3A_437, %add3A_535 : i32
        %get3A_537 = arith.index_cast %add3A_536 : i32 to index
        %get3A_538 = arith.constant 96 : index
        %get3A_539 = tpu.vector_load %arg6[%get3A_537, %get3A_538] {strides = array<i32>} : memref<104x128xf32, #tpu.memory_space<vmem>>, vector<1x16xf32>,
        %get3A_540 = vector.shape_cast %get3A_539 : vector<1x16xf32> to vector<16xf32>
        %add3A_541 = arith.addf %add3A_485, %get3A_540 : vector<16xf32>
        %add3A_542 = arith.constant 1 : i32
        %add3A_543 = arith.addi %mul3A_437, %add3A_542 : i32
        %get3A_544 = arith.index_cast %add3A_543 : i32 to index
        %get3A_545 = arith.constant 112 : index
        %get3A_546 = tpu.vector_load %arg6[%get3A_544, %get3A_545] {strides = array<i32>} : memref<104x128xf32, #tpu.memory_space<vmem>>, vector<1x16xf32>,
        %get3A_547 = vector.shape_cast %get3A_546 : vector<1x16xf32> to vector<16xf32>
        %add3A_548 = arith.addf %add3A_492, %get3A_547 : vector<16xf32>
        %add3A_549 = arith.constant 2 : i32
        %add3A_550 = arith.addi %mul3A_437, %add3A_549 : i32
        %get3A_551 = arith.index_cast %add3A_550 : i32 to index
        %get3A_552 = arith.constant 0 : index
        %get3A_553 = tpu.vector_load %arg6[%get3A_551, %get3A_552] {strides = array<i32>} : memref<104x128xf32, #tpu.memory_space<vmem>>, vector<1x16xf32>,
        %get3A_554 = vector.shape_cast %get3A_553 : vector<1x16xf32> to vector<16xf32>
        %add3A_555 = arith.addf %add3A_499, %get3A_554 : vector<16xf32>
        %add3A_556 = arith.constant 2 : i32
        %add3A_557 = arith.addi %mul3A_437, %add3A_556 : i32
        %get3A_558 = arith.index_cast %add3A_557 : i32 to index
        %get3A_559 = arith.constant 16 : index
        %get3A_560 = tpu.vector_load %arg6[%get3A_558, %get3A_559] {strides = array<i32>} : memref<104x128xf32, #tpu.memory_space<vmem>>, vector<1x16xf32>,
        %get3A_561 = vector.shape_cast %get3A_560 : vector<1x16xf32> to vector<16xf32>
        %add3A_562 = arith.addf %add3A_506, %get3A_561 : vector<16xf32>
        %add3A_563 = arith.constant 2 : i32
        %add3A_564 = arith.addi %mul3A_437, %add3A_563 : i32
        %get3A_565 = arith.index_cast %add3A_564 : i32 to index
        %get3A_566 = arith.constant 32 : index
        %get3A_567 = tpu.vector_load %arg6[%get3A_565, %get3A_566] {strides = array<i32>} : memref<104x128xf32, #tpu.memory_space<vmem>>, vector<1x16xf32>,
        %get3A_568 = vector.shape_cast %get3A_567 : vector<1x16xf32> to vector<16xf32>
        %add3A_569 = arith.addf %add3A_513, %get3A_568 : vector<16xf32>
        %add3A_570 = arith.constant 2 : i32
        %add3A_571 = arith.addi %mul3A_437, %add3A_570 : i32
        %get3A_572 = arith.index_cast %add3A_571 : i32 to index
        %get3A_573 = arith.constant 48 : index
        %get3A_574 = tpu.vector_load %arg6[%get3A_572, %get3A_573] {strides = array<i32>} : memref<104x128xf32, #tpu.memory_space<vmem>>, vector<1x16xf32>,
        %get3A_575 = vector.shape_cast %get3A_574 : vector<1x16xf32> to vector<16xf32>
        %add3A_576 = arith.addf %add3A_520, %get3A_575 : vector<16xf32>
        %add3A_577 = arith.constant 2 : i32
        %add3A_578 = arith.addi %mul3A_437, %add3A_577 : i32
        %get3A_579 = arith.index_cast %add3A_578 : i32 to index
        %get3A_580 = arith.constant 64 : index
        %get3A_581 = tpu.vector_load %arg6[%get3A_579, %get3A_580] {strides = array<i32>} : memref<104x128xf32, #tpu.memory_space<vmem>>, vector<1x16xf32>,
        %get3A_582 = vector.shape_cast %get3A_581 : vector<1x16xf32> to vector<16xf32>
        %add3A_583 = arith.addf %add3A_527, %get3A_582 : vector<16xf32>
        %add3A_584 = arith.constant 2 : i32
        %add3A_585 = arith.addi %mul3A_437, %add3A_584 : i32
        %get3A_586 = arith.index_cast %add3A_585 : i32 to index
        %get3A_587 = arith.constant 80 : index
        %get3A_588 = tpu.vector_load %arg6[%get3A_586, %get3A_587] {strides = array<i32>} : memref<104x128xf32, #tpu.memory_space<vmem>>, vector<1x16xf32>,
        %get3A_589 = vector.shape_cast %get3A_588 : vector<1x16xf32> to vector<16xf32>
        %add3A_590 = arith.addf %add3A_534, %get3A_589 : vector<16xf32>
        %add3A_591 = arith.constant 2 : i32
        %add3A_592 = arith.addi %mul3A_437, %add3A_591 : i32
        %get3A_593 = arith.index_cast %add3A_592 : i32 to index
        %get3A_594 = arith.constant 96 : index
        %get3A_595 = tpu.vector_load %arg6[%get3A_593, %get3A_594] {strides = array<i32>} : memref<104x128xf32, #tpu.memory_space<vmem>>, vector<1x16xf32>,
        %get3A_596 = vector.shape_cast %get3A_595 : vector<1x16xf32> to vector<16xf32>
        %add3A_597 = arith.addf %add3A_541, %get3A_596 : vector<16xf32>
        %add3A_598 = arith.constant 2 : i32
        %add3A_599 = arith.addi %mul3A_437, %add3A_598 : i32
        %get3A_600 = arith.index_cast %add3A_599 : i32 to index
        %get3A_601 = arith.constant 112 : index
        %get3A_602 = tpu.vector_load %arg6[%get3A_600, %get3A_601] {strides = array<i32>} : memref<104x128xf32, #tpu.memory_space<vmem>>, vector<1x16xf32>,
        %get3A_603 = vector.shape_cast %get3A_602 : vector<1x16xf32> to vector<16xf32>
        %add3A_604 = arith.addf %add3A_548, %get3A_603 : vector<16xf32>
        %add3A_605 = arith.constant 3 : i32
        %add3A_606 = arith.addi %mul3A_437, %add3A_605 : i32
        %get3A_607 = arith.index_cast %add3A_606 : i32 to index
        %get3A_608 = arith.constant 0 : index
        %get3A_609 = tpu.vector_load %arg6[%get3A_607, %get3A_608] {strides = array<i32>} : memref<104x128xf32, #tpu.memory_space<vmem>>, vector<1x16xf32>,
        %get3A_610 = vector.shape_cast %get3A_609 : vector<1x16xf32> to vector<16xf32>
        %add3A_611 = arith.addf %add3A_555, %get3A_610 : vector<16xf32>
        %add3A_612 = arith.constant 3 : i32
        %add3A_613 = arith.addi %mul3A_437, %add3A_612 : i32
        %get3A_614 = arith.index_cast %add3A_613 : i32 to index
        %get3A_615 = arith.constant 16 : index
        %get3A_616 = tpu.vector_load %arg6[%get3A_614, %get3A_615] {strides = array<i32>} : memref<104x128xf32, #tpu.memory_space<vmem>>, vector<1x16xf32>,
        %get3A_617 = vector.shape_cast %get3A_616 : vector<1x16xf32> to vector<16xf32>
        %add3A_618 = arith.addf %add3A_562, %get3A_617 : vector<16xf32>
        %add3A_619 = arith.constant 3 : i32
        %add3A_620 = arith.addi %mul3A_437, %add3A_619 : i32
        %get3A_621 = arith.index_cast %add3A_620 : i32 to index
        %get3A_622 = arith.constant 32 : index
        %get3A_623 = tpu.vector_load %arg6[%get3A_621, %get3A_622] {strides = array<i32>} : memref<104x128xf32, #tpu.memory_space<vmem>>, vector<1x16xf32>,
        %get3A_624 = vector.shape_cast %get3A_623 : vector<1x16xf32> to vector<16xf32>
        %add3A_625 = arith.addf %add3A_569, %get3A_624 : vector<16xf32>
        %add3A_626 = arith.constant 3 : i32
        %add3A_627 = arith.addi %mul3A_437, %add3A_626 : i32
        %get3A_628 = arith.index_cast %add3A_627 : i32 to index
        %get3A_629 = arith.constant 48 : index
        %get3A_630 = tpu.vector_load %arg6[%get3A_628, %get3A_629] {strides = array<i32>} : memref<104x128xf32, #tpu.memory_space<vmem>>, vector<1x16xf32>,
        %get3A_631 = vector.shape_cast %get3A_630 : vector<1x16xf32> to vector<16xf32>
        %add3A_632 = arith.addf %add3A_576, %get3A_631 : vector<16xf32>
        %add3A_633 = arith.constant 3 : i32
        %add3A_634 = arith.addi %mul3A_437, %add3A_633 : i32
        %get3A_635 = arith.index_cast %add3A_634 : i32 to index
        %get3A_636 = arith.constant 64 : index
        %get3A_637 = tpu.vector_load %arg6[%get3A_635, %get3A_636] {strides = array<i32>} : memref<104x128xf32, #tpu.memory_space<vmem>>, vector<1x16xf32>,
        %get3A_638 = vector.shape_cast %get3A_637 : vector<1x16xf32> to vector<16xf32>
        %add3A_639 = arith.addf %add3A_583, %get3A_638 : vector<16xf32>
        %add3A_640 = arith.constant 3 : i32
        %add3A_641 = arith.addi %mul3A_437, %add3A_640 : i32
        %get3A_642 = arith.index_cast %add3A_641 : i32 to index
        %get3A_643 = arith.constant 80 : index
        %get3A_644 = tpu.vector_load %arg6[%get3A_642, %get3A_643] {strides = array<i32>} : memref<104x128xf32, #tpu.memory_space<vmem>>, vector<1x16xf32>,
        %get3A_645 = vector.shape_cast %get3A_644 : vector<1x16xf32> to vector<16xf32>
        %add3A_646 = arith.addf %add3A_590, %get3A_645 : vector<16xf32>
        %add3A_647 = arith.constant 3 : i32
        %add3A_648 = arith.addi %mul3A_437, %add3A_647 : i32
        %get3A_649 = arith.index_cast %add3A_648 : i32 to index
        %get3A_650 = arith.constant 96 : index
        %get3A_651 = tpu.vector_load %arg6[%get3A_649, %get3A_650] {strides = array<i32>} : memref<104x128xf32, #tpu.memory_space<vmem>>, vector<1x16xf32>,
        %get3A_652 = vector.shape_cast %get3A_651 : vector<1x16xf32> to vector<16xf32>
        %add3A_653 = arith.addf %add3A_597, %get3A_652 : vector<16xf32>
        %add3A_654 = arith.constant 3 : i32
        %add3A_655 = arith.addi %mul3A_437, %add3A_654 : i32
        %get3A_656 = arith.index_cast %add3A_655 : i32 to index
        %get3A_657 = arith.constant 112 : index
        %get3A_658 = tpu.vector_load %arg6[%get3A_656, %get3A_657] {strides = array<i32>} : memref<104x128xf32, #tpu.memory_space<vmem>>, vector<1x16xf32>,
        %get3A_659 = vector.shape_cast %get3A_658 : vector<1x16xf32> to vector<16xf32>
        %add3A_660 = arith.addf %add3A_604, %get3A_659 : vector<16xf32>
        scf.yield %add3A_611, %add3A_618, %add3A_625, %add3A_632, %add3A_639, %add3A_646, %add3A_653, %add3A_660 : vector<16xf32>, vector<16xf32>, vector<16xf32>, vector<16xf32>, vector<16xf32>, vector<16xf32>, vector<16xf32>, vector<16xf32>
      }
      %scan3A_160 = arith.constant 26 : i32
      %add3A_161 = arith.constant 3 : i32
      %add3A_162 = arith.addi %add3A_132, %add3A_161 : i32
      %lt3A = arith.constant 112 : i32
      %lt3A_163 = arith.cmpi slt, %add3A_162, %lt3A : i32
      %convert_element_type3A = arith.extui %lt3A_163 : i1 to i32
      %cond3A = arith.constant 0 : i32
      %cond3A_164 = arith.cmpi ne, %convert_element_type3A, %cond3A : i32
      scf.if %cond3A_164 {
        %add3A_427 = arith.constant 3 : i32
        %add3A_428 = arith.addi %add3A_132, %add3A_427 : i32
        %mul3A_429 = arith.constant 200 : i32
        %mul3A_430 = arith.muli %add3A_428, %mul3A_429 : i32
        %dma_start3A_431 = tpu.memref_slice %arg5[%mul3A_430] : memref<22400xi32, #tpu.memory_space<vmem>> -> memref<104xi32, #tpu.memory_space<vmem>>
        %dma_start3A_432 = arith.constant 0 : i32
        %dma_start3A_433 = arith.constant 0 : i32
        %dma_start3A_434 = tpu.memref_slice %arg3[%dma_start3A_432, %dma_start3A_433] : memref<100000x128xf32, #tpu.memory_space<hbm>> -> memref<100000x128xf32, #tpu.memory_space<hbm>>
        tpu.enqueue_indirect_dma source(%dma_start3A_434 : memref<100000x128xf32, #tpu.memory_space<hbm>>) target(%arg6 : memref<104x128xf32, #tpu.memory_space<vmem>>) offsets(%dma_start3A_431 : memref<104xi32, #tpu.memory_space<vmem>>) semaphore(%arg13 : memref<!tpu.dma_semaphore, #tpu.memory_space<semaphore_mem>>)
      } else {
      }
      %mul3A_165 = arith.constant 200 : i32
      %mul3A_166 = arith.muli %add3A_132, %mul3A_165 : i32
      %add3A_167 = arith.constant 104 : i32
      %add3A_168 = arith.addi %mul3A_166, %add3A_167 : i32
      %dma_wait3A_169 = tpu.memref_slice %arg5[%add3A_168] : memref<22400xi32, #tpu.memory_space<vmem>> -> memref<96xi32, #tpu.memory_space<vmem>>
      %dma_wait3A_170 = arith.constant 0 : i32
      %dma_wait3A_171 = arith.constant 0 : i32
      %dma_wait3A_172 = tpu.memref_slice %arg3[%dma_wait3A_170, %dma_wait3A_171] : memref<100000x128xf32, #tpu.memory_space<hbm>> -> memref<100000x128xf32, #tpu.memory_space<hbm>>
      tpu.wait_indirect_dma semaphore(%arg14 : memref<!tpu.dma_semaphore, #tpu.memory_space<semaphore_mem>>) src(%dma_wait3A_172 : memref<100000x128xf32, #tpu.memory_space<hbm>>) dst(%arg7 : memref<96x128xf32, #tpu.memory_space<vmem>>)
      %scan3A_173 = arith.constant 0 : i32
      %scan3A_174 = arith.constant 24 : i32
      %scan3A_175 = arith.addi %scan3A_173, %scan3A_174 : i32
      %scan3A_176 = arith.constant 1 : i32
      %scan3A_177:8 = scf.for %scan3A_427 = %scan3A_173 to %scan3A_175 step %scan3A_176 iter_args(%scan3A_428 = %scan3A_159#0, %scan3A_429 = %scan3A_159#1, %scan3A_430 = %scan3A_159#2, %scan3A_431 = %scan3A_159#3, %scan3A_432 = %scan3A_159#4, %scan3A_433 = %scan3A_159#5, %scan3A_434 = %scan3A_159#6, %scan3A_435 = %scan3A_159#7) -> (vector<16xf32>, vector<16xf32>, vector<16xf32>, vector<16xf32>, vector<16xf32>, vector<16xf32>, vector<16xf32>, vector<16xf32>)  : i32 {
        %mul3A_436 = arith.constant 4 : i32
        %mul3A_437 = arith.muli %scan3A_427, %mul3A_436 : i32
        %add3A_438 = arith.constant 0 : i32
        %add3A_439 = arith.addi %mul3A_437, %add3A_438 : i32
        %get3A = arith.index_cast %add3A_439 : i32 to index
        %get3A_440 = arith.constant 0 : index
        %get3A_441 = tpu.vector_load %arg7[%get3A, %get3A_440] {strides = array<i32>} : memref<96x128xf32, #tpu.memory_space<vmem>>, vector<1x16xf32>,
        %get3A_442 = vector.shape_cast %get3A_441 : vector<1x16xf32> to vector<16xf32>
        %add3A_443 = arith.addf %scan3A_428, %get3A_442 : vector<16xf32>
        %add3A_444 = arith.constant 0 : i32
        %add3A_445 = arith.addi %mul3A_437, %add3A_444 : i32
        %get3A_446 = arith.index_cast %add3A_445 : i32 to index
        %get3A_447 = arith.constant 16 : index
        %get3A_448 = tpu.vector_load %arg7[%get3A_446, %get3A_447] {strides = array<i32>} : memref<96x128xf32, #tpu.memory_space<vmem>>, vector<1x16xf32>,
        %get3A_449 = vector.shape_cast %get3A_448 : vector<1x16xf32> to vector<16xf32>
        %add3A_450 = arith.addf %scan3A_429, %get3A_449 : vector<16xf32>
        %add3A_451 = arith.constant 0 : i32
        %add3A_452 = arith.addi %mul3A_437, %add3A_451 : i32
        %get3A_453 = arith.index_cast %add3A_452 : i32 to index
        %get3A_454 = arith.constant 32 : index
        %get3A_455 = tpu.vector_load %arg7[%get3A_453, %get3A_454] {strides = array<i32>} : memref<96x128xf32, #tpu.memory_space<vmem>>, vector<1x16xf32>,
        %get3A_456 = vector.shape_cast %get3A_455 : vector<1x16xf32> to vector<16xf32>
        %add3A_457 = arith.addf %scan3A_430, %get3A_456 : vector<16xf32>
        %add3A_458 = arith.constant 0 : i32
        %add3A_459 = arith.addi %mul3A_437, %add3A_458 : i32
        %get3A_460 = arith.index_cast %add3A_459 : i32 to index
        %get3A_461 = arith.constant 48 : index
        %get3A_462 = tpu.vector_load %arg7[%get3A_460, %get3A_461] {strides = array<i32>} : memref<96x128xf32, #tpu.memory_space<vmem>>, vector<1x16xf32>,
        %get3A_463 = vector.shape_cast %get3A_462 : vector<1x16xf32> to vector<16xf32>
        %add3A_464 = arith.addf %scan3A_431, %get3A_463 : vector<16xf32>
        %add3A_465 = arith.constant 0 : i32
        %add3A_466 = arith.addi %mul3A_437, %add3A_465 : i32
        %get3A_467 = arith.index_cast %add3A_466 : i32 to index
        %get3A_468 = arith.constant 64 : index
        %get3A_469 = tpu.vector_load %arg7[%get3A_467, %get3A_468] {strides = array<i32>} : memref<96x128xf32, #tpu.memory_space<vmem>>, vector<1x16xf32>,
        %get3A_470 = vector.shape_cast %get3A_469 : vector<1x16xf32> to vector<16xf32>
        %add3A_471 = arith.addf %scan3A_432, %get3A_470 : vector<16xf32>
        %add3A_472 = arith.constant 0 : i32
        %add3A_473 = arith.addi %mul3A_437, %add3A_472 : i32
        %get3A_474 = arith.index_cast %add3A_473 : i32 to index
        %get3A_475 = arith.constant 80 : index
        %get3A_476 = tpu.vector_load %arg7[%get3A_474, %get3A_475] {strides = array<i32>} : memref<96x128xf32, #tpu.memory_space<vmem>>, vector<1x16xf32>,
        %get3A_477 = vector.shape_cast %get3A_476 : vector<1x16xf32> to vector<16xf32>
        %add3A_478 = arith.addf %scan3A_433, %get3A_477 : vector<16xf32>
        %add3A_479 = arith.constant 0 : i32
        %add3A_480 = arith.addi %mul3A_437, %add3A_479 : i32
        %get3A_481 = arith.index_cast %add3A_480 : i32 to index
        %get3A_482 = arith.constant 96 : index
        %get3A_483 = tpu.vector_load %arg7[%get3A_481, %get3A_482] {strides = array<i32>} : memref<96x128xf32, #tpu.memory_space<vmem>>, vector<1x16xf32>,
        %get3A_484 = vector.shape_cast %get3A_483 : vector<1x16xf32> to vector<16xf32>
        %add3A_485 = arith.addf %scan3A_434, %get3A_484 : vector<16xf32>
        %add3A_486 = arith.constant 0 : i32
        %add3A_487 = arith.addi %mul3A_437, %add3A_486 : i32
        %get3A_488 = arith.index_cast %add3A_487 : i32 to index
        %get3A_489 = arith.constant 112 : index
        %get3A_490 = tpu.vector_load %arg7[%get3A_488, %get3A_489] {strides = array<i32>} : memref<96x128xf32, #tpu.memory_space<vmem>>, vector<1x16xf32>,
        %get3A_491 = vector.shape_cast %get3A_490 : vector<1x16xf32> to vector<16xf32>
        %add3A_492 = arith.addf %scan3A_435, %get3A_491 : vector<16xf32>
        %add3A_493 = arith.constant 1 : i32
        %add3A_494 = arith.addi %mul3A_437, %add3A_493 : i32
        %get3A_495 = arith.index_cast %add3A_494 : i32 to index
        %get3A_496 = arith.constant 0 : index
        %get3A_497 = tpu.vector_load %arg7[%get3A_495, %get3A_496] {strides = array<i32>} : memref<96x128xf32, #tpu.memory_space<vmem>>, vector<1x16xf32>,
        %get3A_498 = vector.shape_cast %get3A_497 : vector<1x16xf32> to vector<16xf32>
        %add3A_499 = arith.addf %add3A_443, %get3A_498 : vector<16xf32>
        %add3A_500 = arith.constant 1 : i32
        %add3A_501 = arith.addi %mul3A_437, %add3A_500 : i32
        %get3A_502 = arith.index_cast %add3A_501 : i32 to index
        %get3A_503 = arith.constant 16 : index
        %get3A_504 = tpu.vector_load %arg7[%get3A_502, %get3A_503] {strides = array<i32>} : memref<96x128xf32, #tpu.memory_space<vmem>>, vector<1x16xf32>,
        %get3A_505 = vector.shape_cast %get3A_504 : vector<1x16xf32> to vector<16xf32>
        %add3A_506 = arith.addf %add3A_450, %get3A_505 : vector<16xf32>
        %add3A_507 = arith.constant 1 : i32
        %add3A_508 = arith.addi %mul3A_437, %add3A_507 : i32
        %get3A_509 = arith.index_cast %add3A_508 : i32 to index
        %get3A_510 = arith.constant 32 : index
        %get3A_511 = tpu.vector_load %arg7[%get3A_509, %get3A_510] {strides = array<i32>} : memref<96x128xf32, #tpu.memory_space<vmem>>, vector<1x16xf32>,
        %get3A_512 = vector.shape_cast %get3A_511 : vector<1x16xf32> to vector<16xf32>
        %add3A_513 = arith.addf %add3A_457, %get3A_512 : vector<16xf32>
        %add3A_514 = arith.constant 1 : i32
        %add3A_515 = arith.addi %mul3A_437, %add3A_514 : i32
        %get3A_516 = arith.index_cast %add3A_515 : i32 to index
        %get3A_517 = arith.constant 48 : index
        %get3A_518 = tpu.vector_load %arg7[%get3A_516, %get3A_517] {strides = array<i32>} : memref<96x128xf32, #tpu.memory_space<vmem>>, vector<1x16xf32>,
        %get3A_519 = vector.shape_cast %get3A_518 : vector<1x16xf32> to vector<16xf32>
        %add3A_520 = arith.addf %add3A_464, %get3A_519 : vector<16xf32>
        %add3A_521 = arith.constant 1 : i32
        %add3A_522 = arith.addi %mul3A_437, %add3A_521 : i32
        %get3A_523 = arith.index_cast %add3A_522 : i32 to index
        %get3A_524 = arith.constant 64 : index
        %get3A_525 = tpu.vector_load %arg7[%get3A_523, %get3A_524] {strides = array<i32>} : memref<96x128xf32, #tpu.memory_space<vmem>>, vector<1x16xf32>,
        %get3A_526 = vector.shape_cast %get3A_525 : vector<1x16xf32> to vector<16xf32>
        %add3A_527 = arith.addf %add3A_471, %get3A_526 : vector<16xf32>
        %add3A_528 = arith.constant 1 : i32
        %add3A_529 = arith.addi %mul3A_437, %add3A_528 : i32
        %get3A_530 = arith.index_cast %add3A_529 : i32 to index
        %get3A_531 = arith.constant 80 : index
        %get3A_532 = tpu.vector_load %arg7[%get3A_530, %get3A_531] {strides = array<i32>} : memref<96x128xf32, #tpu.memory_space<vmem>>, vector<1x16xf32>,
        %get3A_533 = vector.shape_cast %get3A_532 : vector<1x16xf32> to vector<16xf32>
        %add3A_534 = arith.addf %add3A_478, %get3A_533 : vector<16xf32>
        %add3A_535 = arith.constant 1 : i32
        %add3A_536 = arith.addi %mul3A_437, %add3A_535 : i32
        %get3A_537 = arith.index_cast %add3A_536 : i32 to index
        %get3A_538 = arith.constant 96 : index
        %get3A_539 = tpu.vector_load %arg7[%get3A_537, %get3A_538] {strides = array<i32>} : memref<96x128xf32, #tpu.memory_space<vmem>>, vector<1x16xf32>,
        %get3A_540 = vector.shape_cast %get3A_539 : vector<1x16xf32> to vector<16xf32>
        %add3A_541 = arith.addf %add3A_485, %get3A_540 : vector<16xf32>
        %add3A_542 = arith.constant 1 : i32
        %add3A_543 = arith.addi %mul3A_437, %add3A_542 : i32
        %get3A_544 = arith.index_cast %add3A_543 : i32 to index
        %get3A_545 = arith.constant 112 : index
        %get3A_546 = tpu.vector_load %arg7[%get3A_544, %get3A_545] {strides = array<i32>} : memref<96x128xf32, #tpu.memory_space<vmem>>, vector<1x16xf32>,
        %get3A_547 = vector.shape_cast %get3A_546 : vector<1x16xf32> to vector<16xf32>
        %add3A_548 = arith.addf %add3A_492, %get3A_547 : vector<16xf32>
        %add3A_549 = arith.constant 2 : i32
        %add3A_550 = arith.addi %mul3A_437, %add3A_549 : i32
        %get3A_551 = arith.index_cast %add3A_550 : i32 to index
        %get3A_552 = arith.constant 0 : index
        %get3A_553 = tpu.vector_load %arg7[%get3A_551, %get3A_552] {strides = array<i32>} : memref<96x128xf32, #tpu.memory_space<vmem>>, vector<1x16xf32>,
        %get3A_554 = vector.shape_cast %get3A_553 : vector<1x16xf32> to vector<16xf32>
        %add3A_555 = arith.addf %add3A_499, %get3A_554 : vector<16xf32>
        %add3A_556 = arith.constant 2 : i32
        %add3A_557 = arith.addi %mul3A_437, %add3A_556 : i32
        %get3A_558 = arith.index_cast %add3A_557 : i32 to index
        %get3A_559 = arith.constant 16 : index
        %get3A_560 = tpu.vector_load %arg7[%get3A_558, %get3A_559] {strides = array<i32>} : memref<96x128xf32, #tpu.memory_space<vmem>>, vector<1x16xf32>,
        %get3A_561 = vector.shape_cast %get3A_560 : vector<1x16xf32> to vector<16xf32>
        %add3A_562 = arith.addf %add3A_506, %get3A_561 : vector<16xf32>
        %add3A_563 = arith.constant 2 : i32
        %add3A_564 = arith.addi %mul3A_437, %add3A_563 : i32
        %get3A_565 = arith.index_cast %add3A_564 : i32 to index
        %get3A_566 = arith.constant 32 : index
        %get3A_567 = tpu.vector_load %arg7[%get3A_565, %get3A_566] {strides = array<i32>} : memref<96x128xf32, #tpu.memory_space<vmem>>, vector<1x16xf32>,
        %get3A_568 = vector.shape_cast %get3A_567 : vector<1x16xf32> to vector<16xf32>
        %add3A_569 = arith.addf %add3A_513, %get3A_568 : vector<16xf32>
        %add3A_570 = arith.constant 2 : i32
        %add3A_571 = arith.addi %mul3A_437, %add3A_570 : i32
        %get3A_572 = arith.index_cast %add3A_571 : i32 to index
        %get3A_573 = arith.constant 48 : index
        %get3A_574 = tpu.vector_load %arg7[%get3A_572, %get3A_573] {strides = array<i32>} : memref<96x128xf32, #tpu.memory_space<vmem>>, vector<1x16xf32>,
        %get3A_575 = vector.shape_cast %get3A_574 : vector<1x16xf32> to vector<16xf32>
        %add3A_576 = arith.addf %add3A_520, %get3A_575 : vector<16xf32>
        %add3A_577 = arith.constant 2 : i32
        %add3A_578 = arith.addi %mul3A_437, %add3A_577 : i32
        %get3A_579 = arith.index_cast %add3A_578 : i32 to index
        %get3A_580 = arith.constant 64 : index
        %get3A_581 = tpu.vector_load %arg7[%get3A_579, %get3A_580] {strides = array<i32>} : memref<96x128xf32, #tpu.memory_space<vmem>>, vector<1x16xf32>,
        %get3A_582 = vector.shape_cast %get3A_581 : vector<1x16xf32> to vector<16xf32>
        %add3A_583 = arith.addf %add3A_527, %get3A_582 : vector<16xf32>
        %add3A_584 = arith.constant 2 : i32
        %add3A_585 = arith.addi %mul3A_437, %add3A_584 : i32
        %get3A_586 = arith.index_cast %add3A_585 : i32 to index
        %get3A_587 = arith.constant 80 : index
        %get3A_588 = tpu.vector_load %arg7[%get3A_586, %get3A_587] {strides = array<i32>} : memref<96x128xf32, #tpu.memory_space<vmem>>, vector<1x16xf32>,
        %get3A_589 = vector.shape_cast %get3A_588 : vector<1x16xf32> to vector<16xf32>
        %add3A_590 = arith.addf %add3A_534, %get3A_589 : vector<16xf32>
        %add3A_591 = arith.constant 2 : i32
        %add3A_592 = arith.addi %mul3A_437, %add3A_591 : i32
        %get3A_593 = arith.index_cast %add3A_592 : i32 to index
        %get3A_594 = arith.constant 96 : index
        %get3A_595 = tpu.vector_load %arg7[%get3A_593, %get3A_594] {strides = array<i32>} : memref<96x128xf32, #tpu.memory_space<vmem>>, vector<1x16xf32>,
        %get3A_596 = vector.shape_cast %get3A_595 : vector<1x16xf32> to vector<16xf32>
        %add3A_597 = arith.addf %add3A_541, %get3A_596 : vector<16xf32>
        %add3A_598 = arith.constant 2 : i32
        %add3A_599 = arith.addi %mul3A_437, %add3A_598 : i32
        %get3A_600 = arith.index_cast %add3A_599 : i32 to index
        %get3A_601 = arith.constant 112 : index
        %get3A_602 = tpu.vector_load %arg7[%get3A_600, %get3A_601] {strides = array<i32>} : memref<96x128xf32, #tpu.memory_space<vmem>>, vector<1x16xf32>,
        %get3A_603 = vector.shape_cast %get3A_602 : vector<1x16xf32> to vector<16xf32>
        %add3A_604 = arith.addf %add3A_548, %get3A_603 : vector<16xf32>
        %add3A_605 = arith.constant 3 : i32
        %add3A_606 = arith.addi %mul3A_437, %add3A_605 : i32
        %get3A_607 = arith.index_cast %add3A_606 : i32 to index
        %get3A_608 = arith.constant 0 : index
        %get3A_609 = tpu.vector_load %arg7[%get3A_607, %get3A_608] {strides = array<i32>} : memref<96x128xf32, #tpu.memory_space<vmem>>, vector<1x16xf32>,
        %get3A_610 = vector.shape_cast %get3A_609 : vector<1x16xf32> to vector<16xf32>
        %add3A_611 = arith.addf %add3A_555, %get3A_610 : vector<16xf32>
        %add3A_612 = arith.constant 3 : i32
        %add3A_613 = arith.addi %mul3A_437, %add3A_612 : i32
        %get3A_614 = arith.index_cast %add3A_613 : i32 to index
        %get3A_615 = arith.constant 16 : index
        %get3A_616 = tpu.vector_load %arg7[%get3A_614, %get3A_615] {strides = array<i32>} : memref<96x128xf32, #tpu.memory_space<vmem>>, vector<1x16xf32>,
        %get3A_617 = vector.shape_cast %get3A_616 : vector<1x16xf32> to vector<16xf32>
        %add3A_618 = arith.addf %add3A_562, %get3A_617 : vector<16xf32>
        %add3A_619 = arith.constant 3 : i32
        %add3A_620 = arith.addi %mul3A_437, %add3A_619 : i32
        %get3A_621 = arith.index_cast %add3A_620 : i32 to index
        %get3A_622 = arith.constant 32 : index
        %get3A_623 = tpu.vector_load %arg7[%get3A_621, %get3A_622] {strides = array<i32>} : memref<96x128xf32, #tpu.memory_space<vmem>>, vector<1x16xf32>,
        %get3A_624 = vector.shape_cast %get3A_623 : vector<1x16xf32> to vector<16xf32>
        %add3A_625 = arith.addf %add3A_569, %get3A_624 : vector<16xf32>
        %add3A_626 = arith.constant 3 : i32
        %add3A_627 = arith.addi %mul3A_437, %add3A_626 : i32
        %get3A_628 = arith.index_cast %add3A_627 : i32 to index
        %get3A_629 = arith.constant 48 : index
        %get3A_630 = tpu.vector_load %arg7[%get3A_628, %get3A_629] {strides = array<i32>} : memref<96x128xf32, #tpu.memory_space<vmem>>, vector<1x16xf32>,
        %get3A_631 = vector.shape_cast %get3A_630 : vector<1x16xf32> to vector<16xf32>
        %add3A_632 = arith.addf %add3A_576, %get3A_631 : vector<16xf32>
        %add3A_633 = arith.constant 3 : i32
        %add3A_634 = arith.addi %mul3A_437, %add3A_633 : i32
        %get3A_635 = arith.index_cast %add3A_634 : i32 to index
        %get3A_636 = arith.constant 64 : index
        %get3A_637 = tpu.vector_load %arg7[%get3A_635, %get3A_636] {strides = array<i32>} : memref<96x128xf32, #tpu.memory_space<vmem>>, vector<1x16xf32>,
        %get3A_638 = vector.shape_cast %get3A_637 : vector<1x16xf32> to vector<16xf32>
        %add3A_639 = arith.addf %add3A_583, %get3A_638 : vector<16xf32>
        %add3A_640 = arith.constant 3 : i32
        %add3A_641 = arith.addi %mul3A_437, %add3A_640 : i32
        %get3A_642 = arith.index_cast %add3A_641 : i32 to index
        %get3A_643 = arith.constant 80 : index
        %get3A_644 = tpu.vector_load %arg7[%get3A_642, %get3A_643] {strides = array<i32>} : memref<96x128xf32, #tpu.memory_space<vmem>>, vector<1x16xf32>,
        %get3A_645 = vector.shape_cast %get3A_644 : vector<1x16xf32> to vector<16xf32>
        %add3A_646 = arith.addf %add3A_590, %get3A_645 : vector<16xf32>
        %add3A_647 = arith.constant 3 : i32
        %add3A_648 = arith.addi %mul3A_437, %add3A_647 : i32
        %get3A_649 = arith.index_cast %add3A_648 : i32 to index
        %get3A_650 = arith.constant 96 : index
        %get3A_651 = tpu.vector_load %arg7[%get3A_649, %get3A_650] {strides = array<i32>} : memref<96x128xf32, #tpu.memory_space<vmem>>, vector<1x16xf32>,
        %get3A_652 = vector.shape_cast %get3A_651 : vector<1x16xf32> to vector<16xf32>
        %add3A_653 = arith.addf %add3A_597, %get3A_652 : vector<16xf32>
        %add3A_654 = arith.constant 3 : i32
        %add3A_655 = arith.addi %mul3A_437, %add3A_654 : i32
        %get3A_656 = arith.index_cast %add3A_655 : i32 to index
        %get3A_657 = arith.constant 112 : index
        %get3A_658 = tpu.vector_load %arg7[%get3A_656, %get3A_657] {strides = array<i32>} : memref<96x128xf32, #tpu.memory_space<vmem>>, vector<1x16xf32>,
        %get3A_659 = vector.shape_cast %get3A_658 : vector<1x16xf32> to vector<16xf32>
        %add3A_660 = arith.addf %add3A_604, %get3A_659 : vector<16xf32>
        scf.yield %add3A_611, %add3A_618, %add3A_625, %add3A_632, %add3A_639, %add3A_646, %add3A_653, %add3A_660 : vector<16xf32>, vector<16xf32>, vector<16xf32>, vector<16xf32>, vector<16xf32>, vector<16xf32>, vector<16xf32>, vector<16xf32>
      }
      %scan3A_178 = arith.constant 24 : i32
      %add3A_179 = arith.constant 3 : i32
      %add3A_180 = arith.addi %add3A_132, %add3A_179 : i32
      %lt3A_181 = arith.constant 112 : i32
      %lt3A_182 = arith.cmpi slt, %add3A_180, %lt3A_181 : i32
      %convert_element_type3A_183 = arith.extui %lt3A_182 : i1 to i32
      %cond3A_184 = arith.constant 0 : i32
      %cond3A_185 = arith.cmpi ne, %convert_element_type3A_183, %cond3A_184 : i32
      scf.if %cond3A_185 {
        %add3A_427 = arith.constant 3 : i32
        %add3A_428 = arith.addi %add3A_132, %add3A_427 : i32
        %mul3A_429 = arith.constant 200 : i32
        %mul3A_430 = arith.muli %add3A_428, %mul3A_429 : i32
        %add3A_431 = arith.constant 104 : i32
        %add3A_432 = arith.addi %mul3A_430, %add3A_431 : i32
        %dma_start3A_433 = tpu.memref_slice %arg5[%add3A_432] : memref<22400xi32, #tpu.memory_space<vmem>> -> memref<96xi32, #tpu.memory_space<vmem>>
        %dma_start3A_434 = arith.constant 0 : i32
        %dma_start3A_435 = arith.constant 0 : i32
        %dma_start3A_436 = tpu.memref_slice %arg3[%dma_start3A_434, %dma_start3A_435] : memref<100000x128xf32, #tpu.memory_space<hbm>> -> memref<100000x128xf32, #tpu.memory_space<hbm>>
        tpu.enqueue_indirect_dma source(%dma_start3A_436 : memref<100000x128xf32, #tpu.memory_space<hbm>>) target(%arg7 : memref<96x128xf32, #tpu.memory_space<vmem>>) offsets(%dma_start3A_433 : memref<96xi32, #tpu.memory_space<vmem>>) semaphore(%arg14 : memref<!tpu.dma_semaphore, #tpu.memory_space<semaphore_mem>>)
      } else {
      }
      %swap3A_186 = arith.index_cast %add3A_132 : i32 to index
      %swap3A_187 = arith.constant 0 : index
      %swap3A_188 = tpu.vector_load %arg12[%swap3A_186, %swap3A_187] {strides = array<i32>} : memref<112x128xf32, #tpu.memory_space<vmem>>, vector<1x16xf32>,
      %swap3A_189 = vector.shape_cast %swap3A_188 : vector<1x16xf32> to vector<16xf32>
      %swap3A_190 = vector.shape_cast %scan3A_177#0 : vector<16xf32> to vector<1x16xf32>
      tpu.vector_store %arg12[%swap3A_186, %swap3A_187], %swap3A_190 {strides = array<i32>} : memref<112x128xf32, #tpu.memory_space<vmem>>, vector<1x16xf32>,
      %swap3A_191 = arith.index_cast %add3A_132 : i32 to index
      %swap3A_192 = arith.constant 16 : index
      %swap3A_193 = tpu.vector_load %arg12[%swap3A_191, %swap3A_192] {strides = array<i32>} : memref<112x128xf32, #tpu.memory_space<vmem>>, vector<1x16xf32>,
      %swap3A_194 = vector.shape_cast %swap3A_193 : vector<1x16xf32> to vector<16xf32>
      %swap3A_195 = vector.shape_cast %scan3A_177#1 : vector<16xf32> to vector<1x16xf32>
      tpu.vector_store %arg12[%swap3A_191, %swap3A_192], %swap3A_195 {strides = array<i32>} : memref<112x128xf32, #tpu.memory_space<vmem>>, vector<1x16xf32>,
      %swap3A_196 = arith.index_cast %add3A_132 : i32 to index
      %swap3A_197 = arith.constant 32 : index
      %swap3A_198 = tpu.vector_load %arg12[%swap3A_196, %swap3A_197] {strides = array<i32>} : memref<112x128xf32, #tpu.memory_space<vmem>>, vector<1x16xf32>,
      %swap3A_199 = vector.shape_cast %swap3A_198 : vector<1x16xf32> to vector<16xf32>
      %swap3A_200 = vector.shape_cast %scan3A_177#2 : vector<16xf32> to vector<1x16xf32>
      tpu.vector_store %arg12[%swap3A_196, %swap3A_197], %swap3A_200 {strides = array<i32>} : memref<112x128xf32, #tpu.memory_space<vmem>>, vector<1x16xf32>,
      %swap3A_201 = arith.index_cast %add3A_132 : i32 to index
      %swap3A_202 = arith.constant 48 : index
      %swap3A_203 = tpu.vector_load %arg12[%swap3A_201, %swap3A_202] {strides = array<i32>} : memref<112x128xf32, #tpu.memory_space<vmem>>, vector<1x16xf32>,
      %swap3A_204 = vector.shape_cast %swap3A_203 : vector<1x16xf32> to vector<16xf32>
      %swap3A_205 = vector.shape_cast %scan3A_177#3 : vector<16xf32> to vector<1x16xf32>
      tpu.vector_store %arg12[%swap3A_201, %swap3A_202], %swap3A_205 {strides = array<i32>} : memref<112x128xf32, #tpu.memory_space<vmem>>, vector<1x16xf32>,
      %swap3A_206 = arith.index_cast %add3A_132 : i32 to index
      %swap3A_207 = arith.constant 64 : index
      %swap3A_208 = tpu.vector_load %arg12[%swap3A_206, %swap3A_207] {strides = array<i32>} : memref<112x128xf32, #tpu.memory_space<vmem>>, vector<1x16xf32>,
      %swap3A_209 = vector.shape_cast %swap3A_208 : vector<1x16xf32> to vector<16xf32>
      %swap3A_210 = vector.shape_cast %scan3A_177#4 : vector<16xf32> to vector<1x16xf32>
      tpu.vector_store %arg12[%swap3A_206, %swap3A_207], %swap3A_210 {strides = array<i32>} : memref<112x128xf32, #tpu.memory_space<vmem>>, vector<1x16xf32>,
      %swap3A_211 = arith.index_cast %add3A_132 : i32 to index
      %swap3A_212 = arith.constant 80 : index
      %swap3A_213 = tpu.vector_load %arg12[%swap3A_211, %swap3A_212] {strides = array<i32>} : memref<112x128xf32, #tpu.memory_space<vmem>>, vector<1x16xf32>,
      %swap3A_214 = vector.shape_cast %swap3A_213 : vector<1x16xf32> to vector<16xf32>
      %swap3A_215 = vector.shape_cast %scan3A_177#5 : vector<16xf32> to vector<1x16xf32>
      tpu.vector_store %arg12[%swap3A_211, %swap3A_212], %swap3A_215 {strides = array<i32>} : memref<112x128xf32, #tpu.memory_space<vmem>>, vector<1x16xf32>,
      %swap3A_216 = arith.index_cast %add3A_132 : i32 to index
      %swap3A_217 = arith.constant 96 : index
      %swap3A_218 = tpu.vector_load %arg12[%swap3A_216, %swap3A_217] {strides = array<i32>} : memref<112x128xf32, #tpu.memory_space<vmem>>, vector<1x16xf32>,
      %swap3A_219 = vector.shape_cast %swap3A_218 : vector<1x16xf32> to vector<16xf32>
      %swap3A_220 = vector.shape_cast %scan3A_177#6 : vector<16xf32> to vector<1x16xf32>
      tpu.vector_store %arg12[%swap3A_216, %swap3A_217], %swap3A_220 {strides = array<i32>} : memref<112x128xf32, #tpu.memory_space<vmem>>, vector<1x16xf32>,
      %swap3A_221 = arith.index_cast %add3A_132 : i32 to index
      %swap3A_222 = arith.constant 112 : index
      %swap3A_223 = tpu.vector_load %arg12[%swap3A_221, %swap3A_222] {strides = array<i32>} : memref<112x128xf32, #tpu.memory_space<vmem>>, vector<1x16xf32>,
      %swap3A_224 = vector.shape_cast %swap3A_223 : vector<1x16xf32> to vector<16xf32>
      %swap3A_225 = vector.shape_cast %scan3A_177#7 : vector<16xf32> to vector<1x16xf32>
      tpu.vector_store %arg12[%swap3A_221, %swap3A_222], %swap3A_225 {strides = array<i32>} : memref<112x128xf32, #tpu.memory_space<vmem>>, vector<1x16xf32>,
      %mul3A_226 = arith.constant 3 : i32
      %mul3A_227 = arith.muli %mul3A_226, %scan3A_127 : i32
      %add3A_228 = arith.constant 1 : i32
      %add3A_229 = arith.addi %mul3A_227, %add3A_228 : i32
      %broadcast_in_dim3A_230 = arith.constant 0.000000e+00 : f32
      %broadcast_in_dim3A_231 = vector.broadcast %broadcast_in_dim3A_230 : f32 to vector<16xf32>
      %broadcast_in_dim3A_232 = arith.constant 0.000000e+00 : f32
      %broadcast_in_dim3A_233 = vector.broadcast %broadcast_in_dim3A_232 : f32 to vector<16xf32>
      %broadcast_in_dim3A_234 = arith.constant 0.000000e+00 : f32
      %broadcast_in_dim3A_235 = vector.broadcast %broadcast_in_dim3A_234 : f32 to vector<16xf32>
      %broadcast_in_dim3A_236 = arith.constant 0.000000e+00 : f32
      %broadcast_in_dim3A_237 = vector.broadcast %broadcast_in_dim3A_236 : f32 to vector<16xf32>
      %broadcast_in_dim3A_238 = arith.constant 0.000000e+00 : f32
      %broadcast_in_dim3A_239 = vector.broadcast %broadcast_in_dim3A_238 : f32 to vector<16xf32>
      %broadcast_in_dim3A_240 = arith.constant 0.000000e+00 : f32
      %broadcast_in_dim3A_241 = vector.broadcast %broadcast_in_dim3A_240 : f32 to vector<16xf32>
      %broadcast_in_dim3A_242 = arith.constant 0.000000e+00 : f32
      %broadcast_in_dim3A_243 = vector.broadcast %broadcast_in_dim3A_242 : f32 to vector<16xf32>
      %broadcast_in_dim3A_244 = arith.constant 0.000000e+00 : f32
      %broadcast_in_dim3A_245 = vector.broadcast %broadcast_in_dim3A_244 : f32 to vector<16xf32>
      %mul3A_246 = arith.constant 200 : i32
      %mul3A_247 = arith.muli %add3A_229, %mul3A_246 : i32
      %dma_wait3A_248 = tpu.memref_slice %arg5[%mul3A_247] : memref<22400xi32, #tpu.memory_space<vmem>> -> memref<104xi32, #tpu.memory_space<vmem>>
      %dma_wait3A_249 = arith.constant 0 : i32
      %dma_wait3A_250 = arith.constant 0 : i32
      %dma_wait3A_251 = tpu.memref_slice %arg3[%dma_wait3A_249, %dma_wait3A_250] : memref<100000x128xf32, #tpu.memory_space<hbm>> -> memref<100000x128xf32, #tpu.memory_space<hbm>>
      tpu.wait_indirect_dma semaphore(%arg15 : memref<!tpu.dma_semaphore, #tpu.memory_space<semaphore_mem>>) src(%dma_wait3A_251 : memref<100000x128xf32, #tpu.memory_space<hbm>>) dst(%arg8 : memref<104x128xf32, #tpu.memory_space<vmem>>)
      %scan3A_252 = arith.constant 0 : i32
      %scan3A_253 = arith.constant 26 : i32
      %scan3A_254 = arith.addi %scan3A_252, %scan3A_253 : i32
      %scan3A_255 = arith.constant 1 : i32
      %scan3A_256:8 = scf.for %scan3A_427 = %scan3A_252 to %scan3A_254 step %scan3A_255 iter_args(%scan3A_428 = %broadcast_in_dim3A_231, %scan3A_429 = %broadcast_in_dim3A_233, %scan3A_430 = %broadcast_in_dim3A_235, %scan3A_431 = %broadcast_in_dim3A_237, %scan3A_432 = %broadcast_in_dim3A_239, %scan3A_433 = %broadcast_in_dim3A_241, %scan3A_434 = %broadcast_in_dim3A_243, %scan3A_435 = %broadcast_in_dim3A_245) -> (vector<16xf32>, vector<16xf32>, vector<16xf32>, vector<16xf32>, vector<16xf32>, vector<16xf32>, vector<16xf32>, vector<16xf32>)  : i32 {
        %mul3A_436 = arith.constant 4 : i32
        %mul3A_437 = arith.muli %scan3A_427, %mul3A_436 : i32
        %add3A_438 = arith.constant 0 : i32
        %add3A_439 = arith.addi %mul3A_437, %add3A_438 : i32
        %get3A = arith.index_cast %add3A_439 : i32 to index
        %get3A_440 = arith.constant 0 : index
        %get3A_441 = tpu.vector_load %arg8[%get3A, %get3A_440] {strides = array<i32>} : memref<104x128xf32, #tpu.memory_space<vmem>>, vector<1x16xf32>,
        %get3A_442 = vector.shape_cast %get3A_441 : vector<1x16xf32> to vector<16xf32>
        %add3A_443 = arith.addf %scan3A_428, %get3A_442 : vector<16xf32>
        %add3A_444 = arith.constant 0 : i32
        %add3A_445 = arith.addi %mul3A_437, %add3A_444 : i32
        %get3A_446 = arith.index_cast %add3A_445 : i32 to index
        %get3A_447 = arith.constant 16 : index
        %get3A_448 = tpu.vector_load %arg8[%get3A_446, %get3A_447] {strides = array<i32>} : memref<104x128xf32, #tpu.memory_space<vmem>>, vector<1x16xf32>,
        %get3A_449 = vector.shape_cast %get3A_448 : vector<1x16xf32> to vector<16xf32>
        %add3A_450 = arith.addf %scan3A_429, %get3A_449 : vector<16xf32>
        %add3A_451 = arith.constant 0 : i32
        %add3A_452 = arith.addi %mul3A_437, %add3A_451 : i32
        %get3A_453 = arith.index_cast %add3A_452 : i32 to index
        %get3A_454 = arith.constant 32 : index
        %get3A_455 = tpu.vector_load %arg8[%get3A_453, %get3A_454] {strides = array<i32>} : memref<104x128xf32, #tpu.memory_space<vmem>>, vector<1x16xf32>,
        %get3A_456 = vector.shape_cast %get3A_455 : vector<1x16xf32> to vector<16xf32>
        %add3A_457 = arith.addf %scan3A_430, %get3A_456 : vector<16xf32>
        %add3A_458 = arith.constant 0 : i32
        %add3A_459 = arith.addi %mul3A_437, %add3A_458 : i32
        %get3A_460 = arith.index_cast %add3A_459 : i32 to index
        %get3A_461 = arith.constant 48 : index
        %get3A_462 = tpu.vector_load %arg8[%get3A_460, %get3A_461] {strides = array<i32>} : memref<104x128xf32, #tpu.memory_space<vmem>>, vector<1x16xf32>,
        %get3A_463 = vector.shape_cast %get3A_462 : vector<1x16xf32> to vector<16xf32>
        %add3A_464 = arith.addf %scan3A_431, %get3A_463 : vector<16xf32>
        %add3A_465 = arith.constant 0 : i32
        %add3A_466 = arith.addi %mul3A_437, %add3A_465 : i32
        %get3A_467 = arith.index_cast %add3A_466 : i32 to index
        %get3A_468 = arith.constant 64 : index
        %get3A_469 = tpu.vector_load %arg8[%get3A_467, %get3A_468] {strides = array<i32>} : memref<104x128xf32, #tpu.memory_space<vmem>>, vector<1x16xf32>,
        %get3A_470 = vector.shape_cast %get3A_469 : vector<1x16xf32> to vector<16xf32>
        %add3A_471 = arith.addf %scan3A_432, %get3A_470 : vector<16xf32>
        %add3A_472 = arith.constant 0 : i32
        %add3A_473 = arith.addi %mul3A_437, %add3A_472 : i32
        %get3A_474 = arith.index_cast %add3A_473 : i32 to index
        %get3A_475 = arith.constant 80 : index
        %get3A_476 = tpu.vector_load %arg8[%get3A_474, %get3A_475] {strides = array<i32>} : memref<104x128xf32, #tpu.memory_space<vmem>>, vector<1x16xf32>,
        %get3A_477 = vector.shape_cast %get3A_476 : vector<1x16xf32> to vector<16xf32>
        %add3A_478 = arith.addf %scan3A_433, %get3A_477 : vector<16xf32>
        %add3A_479 = arith.constant 0 : i32
        %add3A_480 = arith.addi %mul3A_437, %add3A_479 : i32
        %get3A_481 = arith.index_cast %add3A_480 : i32 to index
        %get3A_482 = arith.constant 96 : index
        %get3A_483 = tpu.vector_load %arg8[%get3A_481, %get3A_482] {strides = array<i32>} : memref<104x128xf32, #tpu.memory_space<vmem>>, vector<1x16xf32>,
        %get3A_484 = vector.shape_cast %get3A_483 : vector<1x16xf32> to vector<16xf32>
        %add3A_485 = arith.addf %scan3A_434, %get3A_484 : vector<16xf32>
        %add3A_486 = arith.constant 0 : i32
        %add3A_487 = arith.addi %mul3A_437, %add3A_486 : i32
        %get3A_488 = arith.index_cast %add3A_487 : i32 to index
        %get3A_489 = arith.constant 112 : index
        %get3A_490 = tpu.vector_load %arg8[%get3A_488, %get3A_489] {strides = array<i32>} : memref<104x128xf32, #tpu.memory_space<vmem>>, vector<1x16xf32>,
        %get3A_491 = vector.shape_cast %get3A_490 : vector<1x16xf32> to vector<16xf32>
        %add3A_492 = arith.addf %scan3A_435, %get3A_491 : vector<16xf32>
        %add3A_493 = arith.constant 1 : i32
        %add3A_494 = arith.addi %mul3A_437, %add3A_493 : i32
        %get3A_495 = arith.index_cast %add3A_494 : i32 to index
        %get3A_496 = arith.constant 0 : index
        %get3A_497 = tpu.vector_load %arg8[%get3A_495, %get3A_496] {strides = array<i32>} : memref<104x128xf32, #tpu.memory_space<vmem>>, vector<1x16xf32>,
        %get3A_498 = vector.shape_cast %get3A_497 : vector<1x16xf32> to vector<16xf32>
        %add3A_499 = arith.addf %add3A_443, %get3A_498 : vector<16xf32>
        %add3A_500 = arith.constant 1 : i32
        %add3A_501 = arith.addi %mul3A_437, %add3A_500 : i32
        %get3A_502 = arith.index_cast %add3A_501 : i32 to index
        %get3A_503 = arith.constant 16 : index
        %get3A_504 = tpu.vector_load %arg8[%get3A_502, %get3A_503] {strides = array<i32>} : memref<104x128xf32, #tpu.memory_space<vmem>>, vector<1x16xf32>,
        %get3A_505 = vector.shape_cast %get3A_504 : vector<1x16xf32> to vector<16xf32>
        %add3A_506 = arith.addf %add3A_450, %get3A_505 : vector<16xf32>
        %add3A_507 = arith.constant 1 : i32
        %add3A_508 = arith.addi %mul3A_437, %add3A_507 : i32
        %get3A_509 = arith.index_cast %add3A_508 : i32 to index
        %get3A_510 = arith.constant 32 : index
        %get3A_511 = tpu.vector_load %arg8[%get3A_509, %get3A_510] {strides = array<i32>} : memref<104x128xf32, #tpu.memory_space<vmem>>, vector<1x16xf32>,
        %get3A_512 = vector.shape_cast %get3A_511 : vector<1x16xf32> to vector<16xf32>
        %add3A_513 = arith.addf %add3A_457, %get3A_512 : vector<16xf32>
        %add3A_514 = arith.constant 1 : i32
        %add3A_515 = arith.addi %mul3A_437, %add3A_514 : i32
        %get3A_516 = arith.index_cast %add3A_515 : i32 to index
        %get3A_517 = arith.constant 48 : index
        %get3A_518 = tpu.vector_load %arg8[%get3A_516, %get3A_517] {strides = array<i32>} : memref<104x128xf32, #tpu.memory_space<vmem>>, vector<1x16xf32>,
        %get3A_519 = vector.shape_cast %get3A_518 : vector<1x16xf32> to vector<16xf32>
        %add3A_520 = arith.addf %add3A_464, %get3A_519 : vector<16xf32>
        %add3A_521 = arith.constant 1 : i32
        %add3A_522 = arith.addi %mul3A_437, %add3A_521 : i32
        %get3A_523 = arith.index_cast %add3A_522 : i32 to index
        %get3A_524 = arith.constant 64 : index
        %get3A_525 = tpu.vector_load %arg8[%get3A_523, %get3A_524] {strides = array<i32>} : memref<104x128xf32, #tpu.memory_space<vmem>>, vector<1x16xf32>,
        %get3A_526 = vector.shape_cast %get3A_525 : vector<1x16xf32> to vector<16xf32>
        %add3A_527 = arith.addf %add3A_471, %get3A_526 : vector<16xf32>
        %add3A_528 = arith.constant 1 : i32
        %add3A_529 = arith.addi %mul3A_437, %add3A_528 : i32
        %get3A_530 = arith.index_cast %add3A_529 : i32 to index
        %get3A_531 = arith.constant 80 : index
        %get3A_532 = tpu.vector_load %arg8[%get3A_530, %get3A_531] {strides = array<i32>} : memref<104x128xf32, #tpu.memory_space<vmem>>, vector<1x16xf32>,
        %get3A_533 = vector.shape_cast %get3A_532 : vector<1x16xf32> to vector<16xf32>
        %add3A_534 = arith.addf %add3A_478, %get3A_533 : vector<16xf32>
        %add3A_535 = arith.constant 1 : i32
        %add3A_536 = arith.addi %mul3A_437, %add3A_535 : i32
        %get3A_537 = arith.index_cast %add3A_536 : i32 to index
        %get3A_538 = arith.constant 96 : index
        %get3A_539 = tpu.vector_load %arg8[%get3A_537, %get3A_538] {strides = array<i32>} : memref<104x128xf32, #tpu.memory_space<vmem>>, vector<1x16xf32>,
        %get3A_540 = vector.shape_cast %get3A_539 : vector<1x16xf32> to vector<16xf32>
        %add3A_541 = arith.addf %add3A_485, %get3A_540 : vector<16xf32>
        %add3A_542 = arith.constant 1 : i32
        %add3A_543 = arith.addi %mul3A_437, %add3A_542 : i32
        %get3A_544 = arith.index_cast %add3A_543 : i32 to index
        %get3A_545 = arith.constant 112 : index
        %get3A_546 = tpu.vector_load %arg8[%get3A_544, %get3A_545] {strides = array<i32>} : memref<104x128xf32, #tpu.memory_space<vmem>>, vector<1x16xf32>,
        %get3A_547 = vector.shape_cast %get3A_546 : vector<1x16xf32> to vector<16xf32>
        %add3A_548 = arith.addf %add3A_492, %get3A_547 : vector<16xf32>
        %add3A_549 = arith.constant 2 : i32
        %add3A_550 = arith.addi %mul3A_437, %add3A_549 : i32
        %get3A_551 = arith.index_cast %add3A_550 : i32 to index
        %get3A_552 = arith.constant 0 : index
        %get3A_553 = tpu.vector_load %arg8[%get3A_551, %get3A_552] {strides = array<i32>} : memref<104x128xf32, #tpu.memory_space<vmem>>, vector<1x16xf32>,
        %get3A_554 = vector.shape_cast %get3A_553 : vector<1x16xf32> to vector<16xf32>
        %add3A_555 = arith.addf %add3A_499, %get3A_554 : vector<16xf32>
        %add3A_556 = arith.constant 2 : i32
        %add3A_557 = arith.addi %mul3A_437, %add3A_556 : i32
        %get3A_558 = arith.index_cast %add3A_557 : i32 to index
        %get3A_559 = arith.constant 16 : index
        %get3A_560 = tpu.vector_load %arg8[%get3A_558, %get3A_559] {strides = array<i32>} : memref<104x128xf32, #tpu.memory_space<vmem>>, vector<1x16xf32>,
        %get3A_561 = vector.shape_cast %get3A_560 : vector<1x16xf32> to vector<16xf32>
        %add3A_562 = arith.addf %add3A_506, %get3A_561 : vector<16xf32>
        %add3A_563 = arith.constant 2 : i32
        %add3A_564 = arith.addi %mul3A_437, %add3A_563 : i32
        %get3A_565 = arith.index_cast %add3A_564 : i32 to index
        %get3A_566 = arith.constant 32 : index
        %get3A_567 = tpu.vector_load %arg8[%get3A_565, %get3A_566] {strides = array<i32>} : memref<104x128xf32, #tpu.memory_space<vmem>>, vector<1x16xf32>,
        %get3A_568 = vector.shape_cast %get3A_567 : vector<1x16xf32> to vector<16xf32>
        %add3A_569 = arith.addf %add3A_513, %get3A_568 : vector<16xf32>
        %add3A_570 = arith.constant 2 : i32
        %add3A_571 = arith.addi %mul3A_437, %add3A_570 : i32
        %get3A_572 = arith.index_cast %add3A_571 : i32 to index
        %get3A_573 = arith.constant 48 : index
        %get3A_574 = tpu.vector_load %arg8[%get3A_572, %get3A_573] {strides = array<i32>} : memref<104x128xf32, #tpu.memory_space<vmem>>, vector<1x16xf32>,
        %get3A_575 = vector.shape_cast %get3A_574 : vector<1x16xf32> to vector<16xf32>
        %add3A_576 = arith.addf %add3A_520, %get3A_575 : vector<16xf32>
        %add3A_577 = arith.constant 2 : i32
        %add3A_578 = arith.addi %mul3A_437, %add3A_577 : i32
        %get3A_579 = arith.index_cast %add3A_578 : i32 to index
        %get3A_580 = arith.constant 64 : index
        %get3A_581 = tpu.vector_load %arg8[%get3A_579, %get3A_580] {strides = array<i32>} : memref<104x128xf32, #tpu.memory_space<vmem>>, vector<1x16xf32>,
        %get3A_582 = vector.shape_cast %get3A_581 : vector<1x16xf32> to vector<16xf32>
        %add3A_583 = arith.addf %add3A_527, %get3A_582 : vector<16xf32>
        %add3A_584 = arith.constant 2 : i32
        %add3A_585 = arith.addi %mul3A_437, %add3A_584 : i32
        %get3A_586 = arith.index_cast %add3A_585 : i32 to index
        %get3A_587 = arith.constant 80 : index
        %get3A_588 = tpu.vector_load %arg8[%get3A_586, %get3A_587] {strides = array<i32>} : memref<104x128xf32, #tpu.memory_space<vmem>>, vector<1x16xf32>,
        %get3A_589 = vector.shape_cast %get3A_588 : vector<1x16xf32> to vector<16xf32>
        %add3A_590 = arith.addf %add3A_534, %get3A_589 : vector<16xf32>
        %add3A_591 = arith.constant 2 : i32
        %add3A_592 = arith.addi %mul3A_437, %add3A_591 : i32
        %get3A_593 = arith.index_cast %add3A_592 : i32 to index
        %get3A_594 = arith.constant 96 : index
        %get3A_595 = tpu.vector_load %arg8[%get3A_593, %get3A_594] {strides = array<i32>} : memref<104x128xf32, #tpu.memory_space<vmem>>, vector<1x16xf32>,
        %get3A_596 = vector.shape_cast %get3A_595 : vector<1x16xf32> to vector<16xf32>
        %add3A_597 = arith.addf %add3A_541, %get3A_596 : vector<16xf32>
        %add3A_598 = arith.constant 2 : i32
        %add3A_599 = arith.addi %mul3A_437, %add3A_598 : i32
        %get3A_600 = arith.index_cast %add3A_599 : i32 to index
        %get3A_601 = arith.constant 112 : index
        %get3A_602 = tpu.vector_load %arg8[%get3A_600, %get3A_601] {strides = array<i32>} : memref<104x128xf32, #tpu.memory_space<vmem>>, vector<1x16xf32>,
        %get3A_603 = vector.shape_cast %get3A_602 : vector<1x16xf32> to vector<16xf32>
        %add3A_604 = arith.addf %add3A_548, %get3A_603 : vector<16xf32>
        %add3A_605 = arith.constant 3 : i32
        %add3A_606 = arith.addi %mul3A_437, %add3A_605 : i32
        %get3A_607 = arith.index_cast %add3A_606 : i32 to index
        %get3A_608 = arith.constant 0 : index
        %get3A_609 = tpu.vector_load %arg8[%get3A_607, %get3A_608] {strides = array<i32>} : memref<104x128xf32, #tpu.memory_space<vmem>>, vector<1x16xf32>,
        %get3A_610 = vector.shape_cast %get3A_609 : vector<1x16xf32> to vector<16xf32>
        %add3A_611 = arith.addf %add3A_555, %get3A_610 : vector<16xf32>
        %add3A_612 = arith.constant 3 : i32
        %add3A_613 = arith.addi %mul3A_437, %add3A_612 : i32
        %get3A_614 = arith.index_cast %add3A_613 : i32 to index
        %get3A_615 = arith.constant 16 : index
        %get3A_616 = tpu.vector_load %arg8[%get3A_614, %get3A_615] {strides = array<i32>} : memref<104x128xf32, #tpu.memory_space<vmem>>, vector<1x16xf32>,
        %get3A_617 = vector.shape_cast %get3A_616 : vector<1x16xf32> to vector<16xf32>
        %add3A_618 = arith.addf %add3A_562, %get3A_617 : vector<16xf32>
        %add3A_619 = arith.constant 3 : i32
        %add3A_620 = arith.addi %mul3A_437, %add3A_619 : i32
        %get3A_621 = arith.index_cast %add3A_620 : i32 to index
        %get3A_622 = arith.constant 32 : index
        %get3A_623 = tpu.vector_load %arg8[%get3A_621, %get3A_622] {strides = array<i32>} : memref<104x128xf32, #tpu.memory_space<vmem>>, vector<1x16xf32>,
        %get3A_624 = vector.shape_cast %get3A_623 : vector<1x16xf32> to vector<16xf32>
        %add3A_625 = arith.addf %add3A_569, %get3A_624 : vector<16xf32>
        %add3A_626 = arith.constant 3 : i32
        %add3A_627 = arith.addi %mul3A_437, %add3A_626 : i32
        %get3A_628 = arith.index_cast %add3A_627 : i32 to index
        %get3A_629 = arith.constant 48 : index
        %get3A_630 = tpu.vector_load %arg8[%get3A_628, %get3A_629] {strides = array<i32>} : memref<104x128xf32, #tpu.memory_space<vmem>>, vector<1x16xf32>,
        %get3A_631 = vector.shape_cast %get3A_630 : vector<1x16xf32> to vector<16xf32>
        %add3A_632 = arith.addf %add3A_576, %get3A_631 : vector<16xf32>
        %add3A_633 = arith.constant 3 : i32
        %add3A_634 = arith.addi %mul3A_437, %add3A_633 : i32
        %get3A_635 = arith.index_cast %add3A_634 : i32 to index
        %get3A_636 = arith.constant 64 : index
        %get3A_637 = tpu.vector_load %arg8[%get3A_635, %get3A_636] {strides = array<i32>} : memref<104x128xf32, #tpu.memory_space<vmem>>, vector<1x16xf32>,
        %get3A_638 = vector.shape_cast %get3A_637 : vector<1x16xf32> to vector<16xf32>
        %add3A_639 = arith.addf %add3A_583, %get3A_638 : vector<16xf32>
        %add3A_640 = arith.constant 3 : i32
        %add3A_641 = arith.addi %mul3A_437, %add3A_640 : i32
        %get3A_642 = arith.index_cast %add3A_641 : i32 to index
        %get3A_643 = arith.constant 80 : index
        %get3A_644 = tpu.vector_load %arg8[%get3A_642, %get3A_643] {strides = array<i32>} : memref<104x128xf32, #tpu.memory_space<vmem>>, vector<1x16xf32>,
        %get3A_645 = vector.shape_cast %get3A_644 : vector<1x16xf32> to vector<16xf32>
        %add3A_646 = arith.addf %add3A_590, %get3A_645 : vector<16xf32>
        %add3A_647 = arith.constant 3 : i32
        %add3A_648 = arith.addi %mul3A_437, %add3A_647 : i32
        %get3A_649 = arith.index_cast %add3A_648 : i32 to index
        %get3A_650 = arith.constant 96 : index
        %get3A_651 = tpu.vector_load %arg8[%get3A_649, %get3A_650] {strides = array<i32>} : memref<104x128xf32, #tpu.memory_space<vmem>>, vector<1x16xf32>,
        %get3A_652 = vector.shape_cast %get3A_651 : vector<1x16xf32> to vector<16xf32>
        %add3A_653 = arith.addf %add3A_597, %get3A_652 : vector<16xf32>
        %add3A_654 = arith.constant 3 : i32
        %add3A_655 = arith.addi %mul3A_437, %add3A_654 : i32
        %get3A_656 = arith.index_cast %add3A_655 : i32 to index
        %get3A_657 = arith.constant 112 : index
        %get3A_658 = tpu.vector_load %arg8[%get3A_656, %get3A_657] {strides = array<i32>} : memref<104x128xf32, #tpu.memory_space<vmem>>, vector<1x16xf32>,
        %get3A_659 = vector.shape_cast %get3A_658 : vector<1x16xf32> to vector<16xf32>
        %add3A_660 = arith.addf %add3A_604, %get3A_659 : vector<16xf32>
        scf.yield %add3A_611, %add3A_618, %add3A_625, %add3A_632, %add3A_639, %add3A_646, %add3A_653, %add3A_660 : vector<16xf32>, vector<16xf32>, vector<16xf32>, vector<16xf32>, vector<16xf32>, vector<16xf32>, vector<16xf32>, vector<16xf32>
      }
      %scan3A_257 = arith.constant 26 : i32
      %add3A_258 = arith.constant 3 : i32
      %add3A_259 = arith.addi %add3A_229, %add3A_258 : i32
      %lt3A_260 = arith.constant 112 : i32
      %lt3A_261 = arith.cmpi slt, %add3A_259, %lt3A_260 : i32
      %convert_element_type3A_262 = arith.extui %lt3A_261 : i1 to i32
      %cond3A_263 = arith.constant 0 : i32
      %cond3A_264 = arith.cmpi ne, %convert_element_type3A_262, %cond3A_263 : i32
      scf.if %cond3A_264 {
        %add3A_427 = arith.constant 3 : i32
        %add3A_428 = arith.addi %add3A_229, %add3A_427 : i32
        %mul3A_429 = arith.constant 200 : i32
        %mul3A_430 = arith.muli %add3A_428, %mul3A_429 : i32
        %dma_start3A_431 = tpu.memref_slice %arg5[%mul3A_430] : memref<22400xi32, #tpu.memory_space<vmem>> -> memref<104xi32, #tpu.memory_space<vmem>>
        %dma_start3A_432 = arith.constant 0 : i32
        %dma_start3A_433 = arith.constant 0 : i32
        %dma_start3A_434 = tpu.memref_slice %arg3[%dma_start3A_432, %dma_start3A_433] : memref<100000x128xf32, #tpu.memory_space<hbm>> -> memref<100000x128xf32, #tpu.memory_space<hbm>>
        tpu.enqueue_indirect_dma source(%dma_start3A_434 : memref<100000x128xf32, #tpu.memory_space<hbm>>) target(%arg8 : memref<104x128xf32, #tpu.memory_space<vmem>>) offsets(%dma_start3A_431 : memref<104xi32, #tpu.memory_space<vmem>>) semaphore(%arg15 : memref<!tpu.dma_semaphore, #tpu.memory_space<semaphore_mem>>)
      } else {
      }
      %mul3A_265 = arith.constant 200 : i32
      %mul3A_266 = arith.muli %add3A_229, %mul3A_265 : i32
      %add3A_267 = arith.constant 104 : i32
      %add3A_268 = arith.addi %mul3A_266, %add3A_267 : i32
      %dma_wait3A_269 = tpu.memref_slice %arg5[%add3A_268] : memref<22400xi32, #tpu.memory_space<vmem>> -> memref<96xi32, #tpu.memory_space<vmem>>
      %dma_wait3A_270 = arith.constant 0 : i32
      %dma_wait3A_271 = arith.constant 0 : i32
      %dma_wait3A_272 = tpu.memref_slice %arg3[%dma_wait3A_270, %dma_wait3A_271] : memref<100000x128xf32, #tpu.memory_space<hbm>> -> memref<100000x128xf32, #tpu.memory_space<hbm>>
      tpu.wait_indirect_dma semaphore(%arg16 : memref<!tpu.dma_semaphore, #tpu.memory_space<semaphore_mem>>) src(%dma_wait3A_272 : memref<100000x128xf32, #tpu.memory_space<hbm>>) dst(%arg9 : memref<96x128xf32, #tpu.memory_space<vmem>>)
      %scan3A_273 = arith.constant 0 : i32
      %scan3A_274 = arith.constant 24 : i32
      %scan3A_275 = arith.addi %scan3A_273, %scan3A_274 : i32
      %scan3A_276 = arith.constant 1 : i32
      %scan3A_277:8 = scf.for %scan3A_427 = %scan3A_273 to %scan3A_275 step %scan3A_276 iter_args(%scan3A_428 = %scan3A_256#0, %scan3A_429 = %scan3A_256#1, %scan3A_430 = %scan3A_256#2, %scan3A_431 = %scan3A_256#3, %scan3A_432 = %scan3A_256#4, %scan3A_433 = %scan3A_256#5, %scan3A_434 = %scan3A_256#6, %scan3A_435 = %scan3A_256#7) -> (vector<16xf32>, vector<16xf32>, vector<16xf32>, vector<16xf32>, vector<16xf32>, vector<16xf32>, vector<16xf32>, vector<16xf32>)  : i32 {
        %mul3A_436 = arith.constant 4 : i32
        %mul3A_437 = arith.muli %scan3A_427, %mul3A_436 : i32
        %add3A_438 = arith.constant 0 : i32
        %add3A_439 = arith.addi %mul3A_437, %add3A_438 : i32
        %get3A = arith.index_cast %add3A_439 : i32 to index
        %get3A_440 = arith.constant 0 : index
        %get3A_441 = tpu.vector_load %arg9[%get3A, %get3A_440] {strides = array<i32>} : memref<96x128xf32, #tpu.memory_space<vmem>>, vector<1x16xf32>,
        %get3A_442 = vector.shape_cast %get3A_441 : vector<1x16xf32> to vector<16xf32>
        %add3A_443 = arith.addf %scan3A_428, %get3A_442 : vector<16xf32>
        %add3A_444 = arith.constant 0 : i32
        %add3A_445 = arith.addi %mul3A_437, %add3A_444 : i32
        %get3A_446 = arith.index_cast %add3A_445 : i32 to index
        %get3A_447 = arith.constant 16 : index
        %get3A_448 = tpu.vector_load %arg9[%get3A_446, %get3A_447] {strides = array<i32>} : memref<96x128xf32, #tpu.memory_space<vmem>>, vector<1x16xf32>,
        %get3A_449 = vector.shape_cast %get3A_448 : vector<1x16xf32> to vector<16xf32>
        %add3A_450 = arith.addf %scan3A_429, %get3A_449 : vector<16xf32>
        %add3A_451 = arith.constant 0 : i32
        %add3A_452 = arith.addi %mul3A_437, %add3A_451 : i32
        %get3A_453 = arith.index_cast %add3A_452 : i32 to index
        %get3A_454 = arith.constant 32 : index
        %get3A_455 = tpu.vector_load %arg9[%get3A_453, %get3A_454] {strides = array<i32>} : memref<96x128xf32, #tpu.memory_space<vmem>>, vector<1x16xf32>,
        %get3A_456 = vector.shape_cast %get3A_455 : vector<1x16xf32> to vector<16xf32>
        %add3A_457 = arith.addf %scan3A_430, %get3A_456 : vector<16xf32>
        %add3A_458 = arith.constant 0 : i32
        %add3A_459 = arith.addi %mul3A_437, %add3A_458 : i32
        %get3A_460 = arith.index_cast %add3A_459 : i32 to index
        %get3A_461 = arith.constant 48 : index
        %get3A_462 = tpu.vector_load %arg9[%get3A_460, %get3A_461] {strides = array<i32>} : memref<96x128xf32, #tpu.memory_space<vmem>>, vector<1x16xf32>,
        %get3A_463 = vector.shape_cast %get3A_462 : vector<1x16xf32> to vector<16xf32>
        %add3A_464 = arith.addf %scan3A_431, %get3A_463 : vector<16xf32>
        %add3A_465 = arith.constant 0 : i32
        %add3A_466 = arith.addi %mul3A_437, %add3A_465 : i32
        %get3A_467 = arith.index_cast %add3A_466 : i32 to index
        %get3A_468 = arith.constant 64 : index
        %get3A_469 = tpu.vector_load %arg9[%get3A_467, %get3A_468] {strides = array<i32>} : memref<96x128xf32, #tpu.memory_space<vmem>>, vector<1x16xf32>,
        %get3A_470 = vector.shape_cast %get3A_469 : vector<1x16xf32> to vector<16xf32>
        %add3A_471 = arith.addf %scan3A_432, %get3A_470 : vector<16xf32>
        %add3A_472 = arith.constant 0 : i32
        %add3A_473 = arith.addi %mul3A_437, %add3A_472 : i32
        %get3A_474 = arith.index_cast %add3A_473 : i32 to index
        %get3A_475 = arith.constant 80 : index
        %get3A_476 = tpu.vector_load %arg9[%get3A_474, %get3A_475] {strides = array<i32>} : memref<96x128xf32, #tpu.memory_space<vmem>>, vector<1x16xf32>,
        %get3A_477 = vector.shape_cast %get3A_476 : vector<1x16xf32> to vector<16xf32>
        %add3A_478 = arith.addf %scan3A_433, %get3A_477 : vector<16xf32>
        %add3A_479 = arith.constant 0 : i32
        %add3A_480 = arith.addi %mul3A_437, %add3A_479 : i32
        %get3A_481 = arith.index_cast %add3A_480 : i32 to index
        %get3A_482 = arith.constant 96 : index
        %get3A_483 = tpu.vector_load %arg9[%get3A_481, %get3A_482] {strides = array<i32>} : memref<96x128xf32, #tpu.memory_space<vmem>>, vector<1x16xf32>,
        %get3A_484 = vector.shape_cast %get3A_483 : vector<1x16xf32> to vector<16xf32>
        %add3A_485 = arith.addf %scan3A_434, %get3A_484 : vector<16xf32>
        %add3A_486 = arith.constant 0 : i32
        %add3A_487 = arith.addi %mul3A_437, %add3A_486 : i32
        %get3A_488 = arith.index_cast %add3A_487 : i32 to index
        %get3A_489 = arith.constant 112 : index
        %get3A_490 = tpu.vector_load %arg9[%get3A_488, %get3A_489] {strides = array<i32>} : memref<96x128xf32, #tpu.memory_space<vmem>>, vector<1x16xf32>,
        %get3A_491 = vector.shape_cast %get3A_490 : vector<1x16xf32> to vector<16xf32>
        %add3A_492 = arith.addf %scan3A_435, %get3A_491 : vector<16xf32>
        %add3A_493 = arith.constant 1 : i32
        %add3A_494 = arith.addi %mul3A_437, %add3A_493 : i32
        %get3A_495 = arith.index_cast %add3A_494 : i32 to index
        %get3A_496 = arith.constant 0 : index
        %get3A_497 = tpu.vector_load %arg9[%get3A_495, %get3A_496] {strides = array<i32>} : memref<96x128xf32, #tpu.memory_space<vmem>>, vector<1x16xf32>,
        %get3A_498 = vector.shape_cast %get3A_497 : vector<1x16xf32> to vector<16xf32>
        %add3A_499 = arith.addf %add3A_443, %get3A_498 : vector<16xf32>
        %add3A_500 = arith.constant 1 : i32
        %add3A_501 = arith.addi %mul3A_437, %add3A_500 : i32
        %get3A_502 = arith.index_cast %add3A_501 : i32 to index
        %get3A_503 = arith.constant 16 : index
        %get3A_504 = tpu.vector_load %arg9[%get3A_502, %get3A_503] {strides = array<i32>} : memref<96x128xf32, #tpu.memory_space<vmem>>, vector<1x16xf32>,
        %get3A_505 = vector.shape_cast %get3A_504 : vector<1x16xf32> to vector<16xf32>
        %add3A_506 = arith.addf %add3A_450, %get3A_505 : vector<16xf32>
        %add3A_507 = arith.constant 1 : i32
        %add3A_508 = arith.addi %mul3A_437, %add3A_507 : i32
        %get3A_509 = arith.index_cast %add3A_508 : i32 to index
        %get3A_510 = arith.constant 32 : index
        %get3A_511 = tpu.vector_load %arg9[%get3A_509, %get3A_510] {strides = array<i32>} : memref<96x128xf32, #tpu.memory_space<vmem>>, vector<1x16xf32>,
        %get3A_512 = vector.shape_cast %get3A_511 : vector<1x16xf32> to vector<16xf32>
        %add3A_513 = arith.addf %add3A_457, %get3A_512 : vector<16xf32>
        %add3A_514 = arith.constant 1 : i32
        %add3A_515 = arith.addi %mul3A_437, %add3A_514 : i32
        %get3A_516 = arith.index_cast %add3A_515 : i32 to index
        %get3A_517 = arith.constant 48 : index
        %get3A_518 = tpu.vector_load %arg9[%get3A_516, %get3A_517] {strides = array<i32>} : memref<96x128xf32, #tpu.memory_space<vmem>>, vector<1x16xf32>,
        %get3A_519 = vector.shape_cast %get3A_518 : vector<1x16xf32> to vector<16xf32>
        %add3A_520 = arith.addf %add3A_464, %get3A_519 : vector<16xf32>
        %add3A_521 = arith.constant 1 : i32
        %add3A_522 = arith.addi %mul3A_437, %add3A_521 : i32
        %get3A_523 = arith.index_cast %add3A_522 : i32 to index
        %get3A_524 = arith.constant 64 : index
        %get3A_525 = tpu.vector_load %arg9[%get3A_523, %get3A_524] {strides = array<i32>} : memref<96x128xf32, #tpu.memory_space<vmem>>, vector<1x16xf32>,
        %get3A_526 = vector.shape_cast %get3A_525 : vector<1x16xf32> to vector<16xf32>
        %add3A_527 = arith.addf %add3A_471, %get3A_526 : vector<16xf32>
        %add3A_528 = arith.constant 1 : i32
        %add3A_529 = arith.addi %mul3A_437, %add3A_528 : i32
        %get3A_530 = arith.index_cast %add3A_529 : i32 to index
        %get3A_531 = arith.constant 80 : index
        %get3A_532 = tpu.vector_load %arg9[%get3A_530, %get3A_531] {strides = array<i32>} : memref<96x128xf32, #tpu.memory_space<vmem>>, vector<1x16xf32>,
        %get3A_533 = vector.shape_cast %get3A_532 : vector<1x16xf32> to vector<16xf32>
        %add3A_534 = arith.addf %add3A_478, %get3A_533 : vector<16xf32>
        %add3A_535 = arith.constant 1 : i32
        %add3A_536 = arith.addi %mul3A_437, %add3A_535 : i32
        %get3A_537 = arith.index_cast %add3A_536 : i32 to index
        %get3A_538 = arith.constant 96 : index
        %get3A_539 = tpu.vector_load %arg9[%get3A_537, %get3A_538] {strides = array<i32>} : memref<96x128xf32, #tpu.memory_space<vmem>>, vector<1x16xf32>,
        %get3A_540 = vector.shape_cast %get3A_539 : vector<1x16xf32> to vector<16xf32>
        %add3A_541 = arith.addf %add3A_485, %get3A_540 : vector<16xf32>
        %add3A_542 = arith.constant 1 : i32
        %add3A_543 = arith.addi %mul3A_437, %add3A_542 : i32
        %get3A_544 = arith.index_cast %add3A_543 : i32 to index
        %get3A_545 = arith.constant 112 : index
        %get3A_546 = tpu.vector_load %arg9[%get3A_544, %get3A_545] {strides = array<i32>} : memref<96x128xf32, #tpu.memory_space<vmem>>, vector<1x16xf32>,
        %get3A_547 = vector.shape_cast %get3A_546 : vector<1x16xf32> to vector<16xf32>
        %add3A_548 = arith.addf %add3A_492, %get3A_547 : vector<16xf32>
        %add3A_549 = arith.constant 2 : i32
        %add3A_550 = arith.addi %mul3A_437, %add3A_549 : i32
        %get3A_551 = arith.index_cast %add3A_550 : i32 to index
        %get3A_552 = arith.constant 0 : index
        %get3A_553 = tpu.vector_load %arg9[%get3A_551, %get3A_552] {strides = array<i32>} : memref<96x128xf32, #tpu.memory_space<vmem>>, vector<1x16xf32>,
        %get3A_554 = vector.shape_cast %get3A_553 : vector<1x16xf32> to vector<16xf32>
        %add3A_555 = arith.addf %add3A_499, %get3A_554 : vector<16xf32>
        %add3A_556 = arith.constant 2 : i32
        %add3A_557 = arith.addi %mul3A_437, %add3A_556 : i32
        %get3A_558 = arith.index_cast %add3A_557 : i32 to index
        %get3A_559 = arith.constant 16 : index
        %get3A_560 = tpu.vector_load %arg9[%get3A_558, %get3A_559] {strides = array<i32>} : memref<96x128xf32, #tpu.memory_space<vmem>>, vector<1x16xf32>,
        %get3A_561 = vector.shape_cast %get3A_560 : vector<1x16xf32> to vector<16xf32>
        %add3A_562 = arith.addf %add3A_506, %get3A_561 : vector<16xf32>
        %add3A_563 = arith.constant 2 : i32
        %add3A_564 = arith.addi %mul3A_437, %add3A_563 : i32
        %get3A_565 = arith.index_cast %add3A_564 : i32 to index
        %get3A_566 = arith.constant 32 : index
        %get3A_567 = tpu.vector_load %arg9[%get3A_565, %get3A_566] {strides = array<i32>} : memref<96x128xf32, #tpu.memory_space<vmem>>, vector<1x16xf32>,
        %get3A_568 = vector.shape_cast %get3A_567 : vector<1x16xf32> to vector<16xf32>
        %add3A_569 = arith.addf %add3A_513, %get3A_568 : vector<16xf32>
        %add3A_570 = arith.constant 2 : i32
        %add3A_571 = arith.addi %mul3A_437, %add3A_570 : i32
        %get3A_572 = arith.index_cast %add3A_571 : i32 to index
        %get3A_573 = arith.constant 48 : index
        %get3A_574 = tpu.vector_load %arg9[%get3A_572, %get3A_573] {strides = array<i32>} : memref<96x128xf32, #tpu.memory_space<vmem>>, vector<1x16xf32>,
        %get3A_575 = vector.shape_cast %get3A_574 : vector<1x16xf32> to vector<16xf32>
        %add3A_576 = arith.addf %add3A_520, %get3A_575 : vector<16xf32>
        %add3A_577 = arith.constant 2 : i32
        %add3A_578 = arith.addi %mul3A_437, %add3A_577 : i32
        %get3A_579 = arith.index_cast %add3A_578 : i32 to index
        %get3A_580 = arith.constant 64 : index
        %get3A_581 = tpu.vector_load %arg9[%get3A_579, %get3A_580] {strides = array<i32>} : memref<96x128xf32, #tpu.memory_space<vmem>>, vector<1x16xf32>,
        %get3A_582 = vector.shape_cast %get3A_581 : vector<1x16xf32> to vector<16xf32>
        %add3A_583 = arith.addf %add3A_527, %get3A_582 : vector<16xf32>
        %add3A_584 = arith.constant 2 : i32
        %add3A_585 = arith.addi %mul3A_437, %add3A_584 : i32
        %get3A_586 = arith.index_cast %add3A_585 : i32 to index
        %get3A_587 = arith.constant 80 : index
        %get3A_588 = tpu.vector_load %arg9[%get3A_586, %get3A_587] {strides = array<i32>} : memref<96x128xf32, #tpu.memory_space<vmem>>, vector<1x16xf32>,
        %get3A_589 = vector.shape_cast %get3A_588 : vector<1x16xf32> to vector<16xf32>
        %add3A_590 = arith.addf %add3A_534, %get3A_589 : vector<16xf32>
        %add3A_591 = arith.constant 2 : i32
        %add3A_592 = arith.addi %mul3A_437, %add3A_591 : i32
        %get3A_593 = arith.index_cast %add3A_592 : i32 to index
        %get3A_594 = arith.constant 96 : index
        %get3A_595 = tpu.vector_load %arg9[%get3A_593, %get3A_594] {strides = array<i32>} : memref<96x128xf32, #tpu.memory_space<vmem>>, vector<1x16xf32>,
        %get3A_596 = vector.shape_cast %get3A_595 : vector<1x16xf32> to vector<16xf32>
        %add3A_597 = arith.addf %add3A_541, %get3A_596 : vector<16xf32>
        %add3A_598 = arith.constant 2 : i32
        %add3A_599 = arith.addi %mul3A_437, %add3A_598 : i32
        %get3A_600 = arith.index_cast %add3A_599 : i32 to index
        %get3A_601 = arith.constant 112 : index
        %get3A_602 = tpu.vector_load %arg9[%get3A_600, %get3A_601] {strides = array<i32>} : memref<96x128xf32, #tpu.memory_space<vmem>>, vector<1x16xf32>,
        %get3A_603 = vector.shape_cast %get3A_602 : vector<1x16xf32> to vector<16xf32>
        %add3A_604 = arith.addf %add3A_548, %get3A_603 : vector<16xf32>
        %add3A_605 = arith.constant 3 : i32
        %add3A_606 = arith.addi %mul3A_437, %add3A_605 : i32
        %get3A_607 = arith.index_cast %add3A_606 : i32 to index
        %get3A_608 = arith.constant 0 : index
        %get3A_609 = tpu.vector_load %arg9[%get3A_607, %get3A_608] {strides = array<i32>} : memref<96x128xf32, #tpu.memory_space<vmem>>, vector<1x16xf32>,
        %get3A_610 = vector.shape_cast %get3A_609 : vector<1x16xf32> to vector<16xf32>
        %add3A_611 = arith.addf %add3A_555, %get3A_610 : vector<16xf32>
        %add3A_612 = arith.constant 3 : i32
        %add3A_613 = arith.addi %mul3A_437, %add3A_612 : i32
        %get3A_614 = arith.index_cast %add3A_613 : i32 to index
        %get3A_615 = arith.constant 16 : index
        %get3A_616 = tpu.vector_load %arg9[%get3A_614, %get3A_615] {strides = array<i32>} : memref<96x128xf32, #tpu.memory_space<vmem>>, vector<1x16xf32>,
        %get3A_617 = vector.shape_cast %get3A_616 : vector<1x16xf32> to vector<16xf32>
        %add3A_618 = arith.addf %add3A_562, %get3A_617 : vector<16xf32>
        %add3A_619 = arith.constant 3 : i32
        %add3A_620 = arith.addi %mul3A_437, %add3A_619 : i32
        %get3A_621 = arith.index_cast %add3A_620 : i32 to index
        %get3A_622 = arith.constant 32 : index
        %get3A_623 = tpu.vector_load %arg9[%get3A_621, %get3A_622] {strides = array<i32>} : memref<96x128xf32, #tpu.memory_space<vmem>>, vector<1x16xf32>,
        %get3A_624 = vector.shape_cast %get3A_623 : vector<1x16xf32> to vector<16xf32>
        %add3A_625 = arith.addf %add3A_569, %get3A_624 : vector<16xf32>
        %add3A_626 = arith.constant 3 : i32
        %add3A_627 = arith.addi %mul3A_437, %add3A_626 : i32
        %get3A_628 = arith.index_cast %add3A_627 : i32 to index
        %get3A_629 = arith.constant 48 : index
        %get3A_630 = tpu.vector_load %arg9[%get3A_628, %get3A_629] {strides = array<i32>} : memref<96x128xf32, #tpu.memory_space<vmem>>, vector<1x16xf32>,
        %get3A_631 = vector.shape_cast %get3A_630 : vector<1x16xf32> to vector<16xf32>
        %add3A_632 = arith.addf %add3A_576, %get3A_631 : vector<16xf32>
        %add3A_633 = arith.constant 3 : i32
        %add3A_634 = arith.addi %mul3A_437, %add3A_633 : i32
        %get3A_635 = arith.index_cast %add3A_634 : i32 to index
        %get3A_636 = arith.constant 64 : index
        %get3A_637 = tpu.vector_load %arg9[%get3A_635, %get3A_636] {strides = array<i32>} : memref<96x128xf32, #tpu.memory_space<vmem>>, vector<1x16xf32>,
        %get3A_638 = vector.shape_cast %get3A_637 : vector<1x16xf32> to vector<16xf32>
        %add3A_639 = arith.addf %add3A_583, %get3A_638 : vector<16xf32>
        %add3A_640 = arith.constant 3 : i32
        %add3A_641 = arith.addi %mul3A_437, %add3A_640 : i32
        %get3A_642 = arith.index_cast %add3A_641 : i32 to index
        %get3A_643 = arith.constant 80 : index
        %get3A_644 = tpu.vector_load %arg9[%get3A_642, %get3A_643] {strides = array<i32>} : memref<96x128xf32, #tpu.memory_space<vmem>>, vector<1x16xf32>,
        %get3A_645 = vector.shape_cast %get3A_644 : vector<1x16xf32> to vector<16xf32>
        %add3A_646 = arith.addf %add3A_590, %get3A_645 : vector<16xf32>
        %add3A_647 = arith.constant 3 : i32
        %add3A_648 = arith.addi %mul3A_437, %add3A_647 : i32
        %get3A_649 = arith.index_cast %add3A_648 : i32 to index
        %get3A_650 = arith.constant 96 : index
        %get3A_651 = tpu.vector_load %arg9[%get3A_649, %get3A_650] {strides = array<i32>} : memref<96x128xf32, #tpu.memory_space<vmem>>, vector<1x16xf32>,
        %get3A_652 = vector.shape_cast %get3A_651 : vector<1x16xf32> to vector<16xf32>
        %add3A_653 = arith.addf %add3A_597, %get3A_652 : vector<16xf32>
        %add3A_654 = arith.constant 3 : i32
        %add3A_655 = arith.addi %mul3A_437, %add3A_654 : i32
        %get3A_656 = arith.index_cast %add3A_655 : i32 to index
        %get3A_657 = arith.constant 112 : index
        %get3A_658 = tpu.vector_load %arg9[%get3A_656, %get3A_657] {strides = array<i32>} : memref<96x128xf32, #tpu.memory_space<vmem>>, vector<1x16xf32>,
        %get3A_659 = vector.shape_cast %get3A_658 : vector<1x16xf32> to vector<16xf32>
        %add3A_660 = arith.addf %add3A_604, %get3A_659 : vector<16xf32>
        scf.yield %add3A_611, %add3A_618, %add3A_625, %add3A_632, %add3A_639, %add3A_646, %add3A_653, %add3A_660 : vector<16xf32>, vector<16xf32>, vector<16xf32>, vector<16xf32>, vector<16xf32>, vector<16xf32>, vector<16xf32>, vector<16xf32>
      }
      %scan3A_278 = arith.constant 24 : i32
      %add3A_279 = arith.constant 3 : i32
      %add3A_280 = arith.addi %add3A_229, %add3A_279 : i32
      %lt3A_281 = arith.constant 112 : i32
      %lt3A_282 = arith.cmpi slt, %add3A_280, %lt3A_281 : i32
      %convert_element_type3A_283 = arith.extui %lt3A_282 : i1 to i32
      %cond3A_284 = arith.constant 0 : i32
      %cond3A_285 = arith.cmpi ne, %convert_element_type3A_283, %cond3A_284 : i32
      scf.if %cond3A_285 {
        %add3A_427 = arith.constant 3 : i32
        %add3A_428 = arith.addi %add3A_229, %add3A_427 : i32
        %mul3A_429 = arith.constant 200 : i32
        %mul3A_430 = arith.muli %add3A_428, %mul3A_429 : i32
        %add3A_431 = arith.constant 104 : i32
        %add3A_432 = arith.addi %mul3A_430, %add3A_431 : i32
        %dma_start3A_433 = tpu.memref_slice %arg5[%add3A_432] : memref<22400xi32, #tpu.memory_space<vmem>> -> memref<96xi32, #tpu.memory_space<vmem>>
        %dma_start3A_434 = arith.constant 0 : i32
        %dma_start3A_435 = arith.constant 0 : i32
        %dma_start3A_436 = tpu.memref_slice %arg3[%dma_start3A_434, %dma_start3A_435] : memref<100000x128xf32, #tpu.memory_space<hbm>> -> memref<100000x128xf32, #tpu.memory_space<hbm>>
        tpu.enqueue_indirect_dma source(%dma_start3A_436 : memref<100000x128xf32, #tpu.memory_space<hbm>>) target(%arg9 : memref<96x128xf32, #tpu.memory_space<vmem>>) offsets(%dma_start3A_433 : memref<96xi32, #tpu.memory_space<vmem>>) semaphore(%arg16 : memref<!tpu.dma_semaphore, #tpu.memory_space<semaphore_mem>>)
      } else {
      }
      %swap3A_286 = arith.index_cast %add3A_229 : i32 to index
      %swap3A_287 = arith.constant 0 : index
      %swap3A_288 = tpu.vector_load %arg12[%swap3A_286, %swap3A_287] {strides = array<i32>} : memref<112x128xf32, #tpu.memory_space<vmem>>, vector<1x16xf32>,
      %swap3A_289 = vector.shape_cast %swap3A_288 : vector<1x16xf32> to vector<16xf32>
      %swap3A_290 = vector.shape_cast %scan3A_277#0 : vector<16xf32> to vector<1x16xf32>
      tpu.vector_store %arg12[%swap3A_286, %swap3A_287], %swap3A_290 {strides = array<i32>} : memref<112x128xf32, #tpu.memory_space<vmem>>, vector<1x16xf32>,
      %swap3A_291 = arith.index_cast %add3A_229 : i32 to index
      %swap3A_292 = arith.constant 16 : index
      %swap3A_293 = tpu.vector_load %arg12[%swap3A_291, %swap3A_292] {strides = array<i32>} : memref<112x128xf32, #tpu.memory_space<vmem>>, vector<1x16xf32>,
      %swap3A_294 = vector.shape_cast %swap3A_293 : vector<1x16xf32> to vector<16xf32>
      %swap3A_295 = vector.shape_cast %scan3A_277#1 : vector<16xf32> to vector<1x16xf32>
      tpu.vector_store %arg12[%swap3A_291, %swap3A_292], %swap3A_295 {strides = array<i32>} : memref<112x128xf32, #tpu.memory_space<vmem>>, vector<1x16xf32>,
      %swap3A_296 = arith.index_cast %add3A_229 : i32 to index
      %swap3A_297 = arith.constant 32 : index
      %swap3A_298 = tpu.vector_load %arg12[%swap3A_296, %swap3A_297] {strides = array<i32>} : memref<112x128xf32, #tpu.memory_space<vmem>>, vector<1x16xf32>,
      %swap3A_299 = vector.shape_cast %swap3A_298 : vector<1x16xf32> to vector<16xf32>
      %swap3A_300 = vector.shape_cast %scan3A_277#2 : vector<16xf32> to vector<1x16xf32>
      tpu.vector_store %arg12[%swap3A_296, %swap3A_297], %swap3A_300 {strides = array<i32>} : memref<112x128xf32, #tpu.memory_space<vmem>>, vector<1x16xf32>,
      %swap3A_301 = arith.index_cast %add3A_229 : i32 to index
      %swap3A_302 = arith.constant 48 : index
      %swap3A_303 = tpu.vector_load %arg12[%swap3A_301, %swap3A_302] {strides = array<i32>} : memref<112x128xf32, #tpu.memory_space<vmem>>, vector<1x16xf32>,
      %swap3A_304 = vector.shape_cast %swap3A_303 : vector<1x16xf32> to vector<16xf32>
      %swap3A_305 = vector.shape_cast %scan3A_277#3 : vector<16xf32> to vector<1x16xf32>
      tpu.vector_store %arg12[%swap3A_301, %swap3A_302], %swap3A_305 {strides = array<i32>} : memref<112x128xf32, #tpu.memory_space<vmem>>, vector<1x16xf32>,
      %swap3A_306 = arith.index_cast %add3A_229 : i32 to index
      %swap3A_307 = arith.constant 64 : index
      %swap3A_308 = tpu.vector_load %arg12[%swap3A_306, %swap3A_307] {strides = array<i32>} : memref<112x128xf32, #tpu.memory_space<vmem>>, vector<1x16xf32>,
      %swap3A_309 = vector.shape_cast %swap3A_308 : vector<1x16xf32> to vector<16xf32>
      %swap3A_310 = vector.shape_cast %scan3A_277#4 : vector<16xf32> to vector<1x16xf32>
      tpu.vector_store %arg12[%swap3A_306, %swap3A_307], %swap3A_310 {strides = array<i32>} : memref<112x128xf32, #tpu.memory_space<vmem>>, vector<1x16xf32>,
      %swap3A_311 = arith.index_cast %add3A_229 : i32 to index
      %swap3A_312 = arith.constant 80 : index
      %swap3A_313 = tpu.vector_load %arg12[%swap3A_311, %swap3A_312] {strides = array<i32>} : memref<112x128xf32, #tpu.memory_space<vmem>>, vector<1x16xf32>,
      %swap3A_314 = vector.shape_cast %swap3A_313 : vector<1x16xf32> to vector<16xf32>
      %swap3A_315 = vector.shape_cast %scan3A_277#5 : vector<16xf32> to vector<1x16xf32>
      tpu.vector_store %arg12[%swap3A_311, %swap3A_312], %swap3A_315 {strides = array<i32>} : memref<112x128xf32, #tpu.memory_space<vmem>>, vector<1x16xf32>,
      %swap3A_316 = arith.index_cast %add3A_229 : i32 to index
      %swap3A_317 = arith.constant 96 : index
      %swap3A_318 = tpu.vector_load %arg12[%swap3A_316, %swap3A_317] {strides = array<i32>} : memref<112x128xf32, #tpu.memory_space<vmem>>, vector<1x16xf32>,
      %swap3A_319 = vector.shape_cast %swap3A_318 : vector<1x16xf32> to vector<16xf32>
      %swap3A_320 = vector.shape_cast %scan3A_277#6 : vector<16xf32> to vector<1x16xf32>
      tpu.vector_store %arg12[%swap3A_316, %swap3A_317], %swap3A_320 {strides = array<i32>} : memref<112x128xf32, #tpu.memory_space<vmem>>, vector<1x16xf32>,
      %swap3A_321 = arith.index_cast %add3A_229 : i32 to index
      %swap3A_322 = arith.constant 112 : index
      %swap3A_323 = tpu.vector_load %arg12[%swap3A_321, %swap3A_322] {strides = array<i32>} : memref<112x128xf32, #tpu.memory_space<vmem>>, vector<1x16xf32>,
      %swap3A_324 = vector.shape_cast %swap3A_323 : vector<1x16xf32> to vector<16xf32>
      %swap3A_325 = vector.shape_cast %scan3A_277#7 : vector<16xf32> to vector<1x16xf32>
      tpu.vector_store %arg12[%swap3A_321, %swap3A_322], %swap3A_325 {strides = array<i32>} : memref<112x128xf32, #tpu.memory_space<vmem>>, vector<1x16xf32>,
      %mul3A_326 = arith.constant 3 : i32
      %mul3A_327 = arith.muli %mul3A_326, %scan3A_127 : i32
      %add3A_328 = arith.constant 2 : i32
      %add3A_329 = arith.addi %mul3A_327, %add3A_328 : i32
      %broadcast_in_dim3A_330 = arith.constant 0.000000e+00 : f32
      %broadcast_in_dim3A_331 = vector.broadcast %broadcast_in_dim3A_330 : f32 to vector<16xf32>
      %broadcast_in_dim3A_332 = arith.constant 0.000000e+00 : f32
      %broadcast_in_dim3A_333 = vector.broadcast %broadcast_in_dim3A_332 : f32 to vector<16xf32>
      %broadcast_in_dim3A_334 = arith.constant 0.000000e+00 : f32
      %broadcast_in_dim3A_335 = vector.broadcast %broadcast_in_dim3A_334 : f32 to vector<16xf32>
      %broadcast_in_dim3A_336 = arith.constant 0.000000e+00 : f32
      %broadcast_in_dim3A_337 = vector.broadcast %broadcast_in_dim3A_336 : f32 to vector<16xf32>
      %broadcast_in_dim3A_338 = arith.constant 0.000000e+00 : f32
      %broadcast_in_dim3A_339 = vector.broadcast %broadcast_in_dim3A_338 : f32 to vector<16xf32>
      %broadcast_in_dim3A_340 = arith.constant 0.000000e+00 : f32
      %broadcast_in_dim3A_341 = vector.broadcast %broadcast_in_dim3A_340 : f32 to vector<16xf32>
      %broadcast_in_dim3A_342 = arith.constant 0.000000e+00 : f32
      %broadcast_in_dim3A_343 = vector.broadcast %broadcast_in_dim3A_342 : f32 to vector<16xf32>
      %broadcast_in_dim3A_344 = arith.constant 0.000000e+00 : f32
      %broadcast_in_dim3A_345 = vector.broadcast %broadcast_in_dim3A_344 : f32 to vector<16xf32>
      %mul3A_346 = arith.constant 200 : i32
      %mul3A_347 = arith.muli %add3A_329, %mul3A_346 : i32
      %dma_wait3A_348 = tpu.memref_slice %arg5[%mul3A_347] : memref<22400xi32, #tpu.memory_space<vmem>> -> memref<104xi32, #tpu.memory_space<vmem>>
      %dma_wait3A_349 = arith.constant 0 : i32
      %dma_wait3A_350 = arith.constant 0 : i32
      %dma_wait3A_351 = tpu.memref_slice %arg3[%dma_wait3A_349, %dma_wait3A_350] : memref<100000x128xf32, #tpu.memory_space<hbm>> -> memref<100000x128xf32, #tpu.memory_space<hbm>>
      tpu.wait_indirect_dma semaphore(%arg17 : memref<!tpu.dma_semaphore, #tpu.memory_space<semaphore_mem>>) src(%dma_wait3A_351 : memref<100000x128xf32, #tpu.memory_space<hbm>>) dst(%arg10 : memref<104x128xf32, #tpu.memory_space<vmem>>)
      %scan3A_352 = arith.constant 0 : i32
      %scan3A_353 = arith.constant 26 : i32
      %scan3A_354 = arith.addi %scan3A_352, %scan3A_353 : i32
      %scan3A_355 = arith.constant 1 : i32
      %scan3A_356:8 = scf.for %scan3A_427 = %scan3A_352 to %scan3A_354 step %scan3A_355 iter_args(%scan3A_428 = %broadcast_in_dim3A_331, %scan3A_429 = %broadcast_in_dim3A_333, %scan3A_430 = %broadcast_in_dim3A_335, %scan3A_431 = %broadcast_in_dim3A_337, %scan3A_432 = %broadcast_in_dim3A_339, %scan3A_433 = %broadcast_in_dim3A_341, %scan3A_434 = %broadcast_in_dim3A_343, %scan3A_435 = %broadcast_in_dim3A_345) -> (vector<16xf32>, vector<16xf32>, vector<16xf32>, vector<16xf32>, vector<16xf32>, vector<16xf32>, vector<16xf32>, vector<16xf32>)  : i32 {
        %mul3A_436 = arith.constant 4 : i32
        %mul3A_437 = arith.muli %scan3A_427, %mul3A_436 : i32
        %add3A_438 = arith.constant 0 : i32
        %add3A_439 = arith.addi %mul3A_437, %add3A_438 : i32
        %get3A = arith.index_cast %add3A_439 : i32 to index
        %get3A_440 = arith.constant 0 : index
        %get3A_441 = tpu.vector_load %arg10[%get3A, %get3A_440] {strides = array<i32>} : memref<104x128xf32, #tpu.memory_space<vmem>>, vector<1x16xf32>,
        %get3A_442 = vector.shape_cast %get3A_441 : vector<1x16xf32> to vector<16xf32>
        %add3A_443 = arith.addf %scan3A_428, %get3A_442 : vector<16xf32>
        %add3A_444 = arith.constant 0 : i32
        %add3A_445 = arith.addi %mul3A_437, %add3A_444 : i32
        %get3A_446 = arith.index_cast %add3A_445 : i32 to index
        %get3A_447 = arith.constant 16 : index
        %get3A_448 = tpu.vector_load %arg10[%get3A_446, %get3A_447] {strides = array<i32>} : memref<104x128xf32, #tpu.memory_space<vmem>>, vector<1x16xf32>,
        %get3A_449 = vector.shape_cast %get3A_448 : vector<1x16xf32> to vector<16xf32>
        %add3A_450 = arith.addf %scan3A_429, %get3A_449 : vector<16xf32>
        %add3A_451 = arith.constant 0 : i32
        %add3A_452 = arith.addi %mul3A_437, %add3A_451 : i32
        %get3A_453 = arith.index_cast %add3A_452 : i32 to index
        %get3A_454 = arith.constant 32 : index
        %get3A_455 = tpu.vector_load %arg10[%get3A_453, %get3A_454] {strides = array<i32>} : memref<104x128xf32, #tpu.memory_space<vmem>>, vector<1x16xf32>,
        %get3A_456 = vector.shape_cast %get3A_455 : vector<1x16xf32> to vector<16xf32>
        %add3A_457 = arith.addf %scan3A_430, %get3A_456 : vector<16xf32>
        %add3A_458 = arith.constant 0 : i32
        %add3A_459 = arith.addi %mul3A_437, %add3A_458 : i32
        %get3A_460 = arith.index_cast %add3A_459 : i32 to index
        %get3A_461 = arith.constant 48 : index
        %get3A_462 = tpu.vector_load %arg10[%get3A_460, %get3A_461] {strides = array<i32>} : memref<104x128xf32, #tpu.memory_space<vmem>>, vector<1x16xf32>,
        %get3A_463 = vector.shape_cast %get3A_462 : vector<1x16xf32> to vector<16xf32>
        %add3A_464 = arith.addf %scan3A_431, %get3A_463 : vector<16xf32>
        %add3A_465 = arith.constant 0 : i32
        %add3A_466 = arith.addi %mul3A_437, %add3A_465 : i32
        %get3A_467 = arith.index_cast %add3A_466 : i32 to index
        %get3A_468 = arith.constant 64 : index
        %get3A_469 = tpu.vector_load %arg10[%get3A_467, %get3A_468] {strides = array<i32>} : memref<104x128xf32, #tpu.memory_space<vmem>>, vector<1x16xf32>,
        %get3A_470 = vector.shape_cast %get3A_469 : vector<1x16xf32> to vector<16xf32>
        %add3A_471 = arith.addf %scan3A_432, %get3A_470 : vector<16xf32>
        %add3A_472 = arith.constant 0 : i32
        %add3A_473 = arith.addi %mul3A_437, %add3A_472 : i32
        %get3A_474 = arith.index_cast %add3A_473 : i32 to index
        %get3A_475 = arith.constant 80 : index
        %get3A_476 = tpu.vector_load %arg10[%get3A_474, %get3A_475] {strides = array<i32>} : memref<104x128xf32, #tpu.memory_space<vmem>>, vector<1x16xf32>,
        %get3A_477 = vector.shape_cast %get3A_476 : vector<1x16xf32> to vector<16xf32>
        %add3A_478 = arith.addf %scan3A_433, %get3A_477 : vector<16xf32>
        %add3A_479 = arith.constant 0 : i32
        %add3A_480 = arith.addi %mul3A_437, %add3A_479 : i32
        %get3A_481 = arith.index_cast %add3A_480 : i32 to index
        %get3A_482 = arith.constant 96 : index
        %get3A_483 = tpu.vector_load %arg10[%get3A_481, %get3A_482] {strides = array<i32>} : memref<104x128xf32, #tpu.memory_space<vmem>>, vector<1x16xf32>,
        %get3A_484 = vector.shape_cast %get3A_483 : vector<1x16xf32> to vector<16xf32>
        %add3A_485 = arith.addf %scan3A_434, %get3A_484 : vector<16xf32>
        %add3A_486 = arith.constant 0 : i32
        %add3A_487 = arith.addi %mul3A_437, %add3A_486 : i32
        %get3A_488 = arith.index_cast %add3A_487 : i32 to index
        %get3A_489 = arith.constant 112 : index
        %get3A_490 = tpu.vector_load %arg10[%get3A_488, %get3A_489] {strides = array<i32>} : memref<104x128xf32, #tpu.memory_space<vmem>>, vector<1x16xf32>,
        %get3A_491 = vector.shape_cast %get3A_490 : vector<1x16xf32> to vector<16xf32>
        %add3A_492 = arith.addf %scan3A_435, %get3A_491 : vector<16xf32>
        %add3A_493 = arith.constant 1 : i32
        %add3A_494 = arith.addi %mul3A_437, %add3A_493 : i32
        %get3A_495 = arith.index_cast %add3A_494 : i32 to index
        %get3A_496 = arith.constant 0 : index
        %get3A_497 = tpu.vector_load %arg10[%get3A_495, %get3A_496] {strides = array<i32>} : memref<104x128xf32, #tpu.memory_space<vmem>>, vector<1x16xf32>,
        %get3A_498 = vector.shape_cast %get3A_497 : vector<1x16xf32> to vector<16xf32>
        %add3A_499 = arith.addf %add3A_443, %get3A_498 : vector<16xf32>
        %add3A_500 = arith.constant 1 : i32
        %add3A_501 = arith.addi %mul3A_437, %add3A_500 : i32
        %get3A_502 = arith.index_cast %add3A_501 : i32 to index
        %get3A_503 = arith.constant 16 : index
        %get3A_504 = tpu.vector_load %arg10[%get3A_502, %get3A_503] {strides = array<i32>} : memref<104x128xf32, #tpu.memory_space<vmem>>, vector<1x16xf32>,
        %get3A_505 = vector.shape_cast %get3A_504 : vector<1x16xf32> to vector<16xf32>
        %add3A_506 = arith.addf %add3A_450, %get3A_505 : vector<16xf32>
        %add3A_507 = arith.constant 1 : i32
        %add3A_508 = arith.addi %mul3A_437, %add3A_507 : i32
        %get3A_509 = arith.index_cast %add3A_508 : i32 to index
        %get3A_510 = arith.constant 32 : index
        %get3A_511 = tpu.vector_load %arg10[%get3A_509, %get3A_510] {strides = array<i32>} : memref<104x128xf32, #tpu.memory_space<vmem>>, vector<1x16xf32>,
        %get3A_512 = vector.shape_cast %get3A_511 : vector<1x16xf32> to vector<16xf32>
        %add3A_513 = arith.addf %add3A_457, %get3A_512 : vector<16xf32>
        %add3A_514 = arith.constant 1 : i32
        %add3A_515 = arith.addi %mul3A_437, %add3A_514 : i32
        %get3A_516 = arith.index_cast %add3A_515 : i32 to index
        %get3A_517 = arith.constant 48 : index
        %get3A_518 = tpu.vector_load %arg10[%get3A_516, %get3A_517] {strides = array<i32>} : memref<104x128xf32, #tpu.memory_space<vmem>>, vector<1x16xf32>,
        %get3A_519 = vector.shape_cast %get3A_518 : vector<1x16xf32> to vector<16xf32>
        %add3A_520 = arith.addf %add3A_464, %get3A_519 : vector<16xf32>
        %add3A_521 = arith.constant 1 : i32
        %add3A_522 = arith.addi %mul3A_437, %add3A_521 : i32
        %get3A_523 = arith.index_cast %add3A_522 : i32 to index
        %get3A_524 = arith.constant 64 : index
        %get3A_525 = tpu.vector_load %arg10[%get3A_523, %get3A_524] {strides = array<i32>} : memref<104x128xf32, #tpu.memory_space<vmem>>, vector<1x16xf32>,
        %get3A_526 = vector.shape_cast %get3A_525 : vector<1x16xf32> to vector<16xf32>
        %add3A_527 = arith.addf %add3A_471, %get3A_526 : vector<16xf32>
        %add3A_528 = arith.constant 1 : i32
        %add3A_529 = arith.addi %mul3A_437, %add3A_528 : i32
        %get3A_530 = arith.index_cast %add3A_529 : i32 to index
        %get3A_531 = arith.constant 80 : index
        %get3A_532 = tpu.vector_load %arg10[%get3A_530, %get3A_531] {strides = array<i32>} : memref<104x128xf32, #tpu.memory_space<vmem>>, vector<1x16xf32>,
        %get3A_533 = vector.shape_cast %get3A_532 : vector<1x16xf32> to vector<16xf32>
        %add3A_534 = arith.addf %add3A_478, %get3A_533 : vector<16xf32>
        %add3A_535 = arith.constant 1 : i32
        %add3A_536 = arith.addi %mul3A_437, %add3A_535 : i32
        %get3A_537 = arith.index_cast %add3A_536 : i32 to index
        %get3A_538 = arith.constant 96 : index
        %get3A_539 = tpu.vector_load %arg10[%get3A_537, %get3A_538] {strides = array<i32>} : memref<104x128xf32, #tpu.memory_space<vmem>>, vector<1x16xf32>,
        %get3A_540 = vector.shape_cast %get3A_539 : vector<1x16xf32> to vector<16xf32>
        %add3A_541 = arith.addf %add3A_485, %get3A_540 : vector<16xf32>
        %add3A_542 = arith.constant 1 : i32
        %add3A_543 = arith.addi %mul3A_437, %add3A_542 : i32
        %get3A_544 = arith.index_cast %add3A_543 : i32 to index
        %get3A_545 = arith.constant 112 : index
        %get3A_546 = tpu.vector_load %arg10[%get3A_544, %get3A_545] {strides = array<i32>} : memref<104x128xf32, #tpu.memory_space<vmem>>, vector<1x16xf32>,
        %get3A_547 = vector.shape_cast %get3A_546 : vector<1x16xf32> to vector<16xf32>
        %add3A_548 = arith.addf %add3A_492, %get3A_547 : vector<16xf32>
        %add3A_549 = arith.constant 2 : i32
        %add3A_550 = arith.addi %mul3A_437, %add3A_549 : i32
        %get3A_551 = arith.index_cast %add3A_550 : i32 to index
        %get3A_552 = arith.constant 0 : index
        %get3A_553 = tpu.vector_load %arg10[%get3A_551, %get3A_552] {strides = array<i32>} : memref<104x128xf32, #tpu.memory_space<vmem>>, vector<1x16xf32>,
        %get3A_554 = vector.shape_cast %get3A_553 : vector<1x16xf32> to vector<16xf32>
        %add3A_555 = arith.addf %add3A_499, %get3A_554 : vector<16xf32>
        %add3A_556 = arith.constant 2 : i32
        %add3A_557 = arith.addi %mul3A_437, %add3A_556 : i32
        %get3A_558 = arith.index_cast %add3A_557 : i32 to index
        %get3A_559 = arith.constant 16 : index
        %get3A_560 = tpu.vector_load %arg10[%get3A_558, %get3A_559] {strides = array<i32>} : memref<104x128xf32, #tpu.memory_space<vmem>>, vector<1x16xf32>,
        %get3A_561 = vector.shape_cast %get3A_560 : vector<1x16xf32> to vector<16xf32>
        %add3A_562 = arith.addf %add3A_506, %get3A_561 : vector<16xf32>
        %add3A_563 = arith.constant 2 : i32
        %add3A_564 = arith.addi %mul3A_437, %add3A_563 : i32
        %get3A_565 = arith.index_cast %add3A_564 : i32 to index
        %get3A_566 = arith.constant 32 : index
        %get3A_567 = tpu.vector_load %arg10[%get3A_565, %get3A_566] {strides = array<i32>} : memref<104x128xf32, #tpu.memory_space<vmem>>, vector<1x16xf32>,
        %get3A_568 = vector.shape_cast %get3A_567 : vector<1x16xf32> to vector<16xf32>
        %add3A_569 = arith.addf %add3A_513, %get3A_568 : vector<16xf32>
        %add3A_570 = arith.constant 2 : i32
        %add3A_571 = arith.addi %mul3A_437, %add3A_570 : i32
        %get3A_572 = arith.index_cast %add3A_571 : i32 to index
        %get3A_573 = arith.constant 48 : index
        %get3A_574 = tpu.vector_load %arg10[%get3A_572, %get3A_573] {strides = array<i32>} : memref<104x128xf32, #tpu.memory_space<vmem>>, vector<1x16xf32>,
        %get3A_575 = vector.shape_cast %get3A_574 : vector<1x16xf32> to vector<16xf32>
        %add3A_576 = arith.addf %add3A_520, %get3A_575 : vector<16xf32>
        %add3A_577 = arith.constant 2 : i32
        %add3A_578 = arith.addi %mul3A_437, %add3A_577 : i32
        %get3A_579 = arith.index_cast %add3A_578 : i32 to index
        %get3A_580 = arith.constant 64 : index
        %get3A_581 = tpu.vector_load %arg10[%get3A_579, %get3A_580] {strides = array<i32>} : memref<104x128xf32, #tpu.memory_space<vmem>>, vector<1x16xf32>,
        %get3A_582 = vector.shape_cast %get3A_581 : vector<1x16xf32> to vector<16xf32>
        %add3A_583 = arith.addf %add3A_527, %get3A_582 : vector<16xf32>
        %add3A_584 = arith.constant 2 : i32
        %add3A_585 = arith.addi %mul3A_437, %add3A_584 : i32
        %get3A_586 = arith.index_cast %add3A_585 : i32 to index
        %get3A_587 = arith.constant 80 : index
        %get3A_588 = tpu.vector_load %arg10[%get3A_586, %get3A_587] {strides = array<i32>} : memref<104x128xf32, #tpu.memory_space<vmem>>, vector<1x16xf32>,
        %get3A_589 = vector.shape_cast %get3A_588 : vector<1x16xf32> to vector<16xf32>
        %add3A_590 = arith.addf %add3A_534, %get3A_589 : vector<16xf32>
        %add3A_591 = arith.constant 2 : i32
        %add3A_592 = arith.addi %mul3A_437, %add3A_591 : i32
        %get3A_593 = arith.index_cast %add3A_592 : i32 to index
        %get3A_594 = arith.constant 96 : index
        %get3A_595 = tpu.vector_load %arg10[%get3A_593, %get3A_594] {strides = array<i32>} : memref<104x128xf32, #tpu.memory_space<vmem>>, vector<1x16xf32>,
        %get3A_596 = vector.shape_cast %get3A_595 : vector<1x16xf32> to vector<16xf32>
        %add3A_597 = arith.addf %add3A_541, %get3A_596 : vector<16xf32>
        %add3A_598 = arith.constant 2 : i32
        %add3A_599 = arith.addi %mul3A_437, %add3A_598 : i32
        %get3A_600 = arith.index_cast %add3A_599 : i32 to index
        %get3A_601 = arith.constant 112 : index
        %get3A_602 = tpu.vector_load %arg10[%get3A_600, %get3A_601] {strides = array<i32>} : memref<104x128xf32, #tpu.memory_space<vmem>>, vector<1x16xf32>,
        %get3A_603 = vector.shape_cast %get3A_602 : vector<1x16xf32> to vector<16xf32>
        %add3A_604 = arith.addf %add3A_548, %get3A_603 : vector<16xf32>
        %add3A_605 = arith.constant 3 : i32
        %add3A_606 = arith.addi %mul3A_437, %add3A_605 : i32
        %get3A_607 = arith.index_cast %add3A_606 : i32 to index
        %get3A_608 = arith.constant 0 : index
        %get3A_609 = tpu.vector_load %arg10[%get3A_607, %get3A_608] {strides = array<i32>} : memref<104x128xf32, #tpu.memory_space<vmem>>, vector<1x16xf32>,
        %get3A_610 = vector.shape_cast %get3A_609 : vector<1x16xf32> to vector<16xf32>
        %add3A_611 = arith.addf %add3A_555, %get3A_610 : vector<16xf32>
        %add3A_612 = arith.constant 3 : i32
        %add3A_613 = arith.addi %mul3A_437, %add3A_612 : i32
        %get3A_614 = arith.index_cast %add3A_613 : i32 to index
        %get3A_615 = arith.constant 16 : index
        %get3A_616 = tpu.vector_load %arg10[%get3A_614, %get3A_615] {strides = array<i32>} : memref<104x128xf32, #tpu.memory_space<vmem>>, vector<1x16xf32>,
        %get3A_617 = vector.shape_cast %get3A_616 : vector<1x16xf32> to vector<16xf32>
        %add3A_618 = arith.addf %add3A_562, %get3A_617 : vector<16xf32>
        %add3A_619 = arith.constant 3 : i32
        %add3A_620 = arith.addi %mul3A_437, %add3A_619 : i32
        %get3A_621 = arith.index_cast %add3A_620 : i32 to index
        %get3A_622 = arith.constant 32 : index
        %get3A_623 = tpu.vector_load %arg10[%get3A_621, %get3A_622] {strides = array<i32>} : memref<104x128xf32, #tpu.memory_space<vmem>>, vector<1x16xf32>,
        %get3A_624 = vector.shape_cast %get3A_623 : vector<1x16xf32> to vector<16xf32>
        %add3A_625 = arith.addf %add3A_569, %get3A_624 : vector<16xf32>
        %add3A_626 = arith.constant 3 : i32
        %add3A_627 = arith.addi %mul3A_437, %add3A_626 : i32
        %get3A_628 = arith.index_cast %add3A_627 : i32 to index
        %get3A_629 = arith.constant 48 : index
        %get3A_630 = tpu.vector_load %arg10[%get3A_628, %get3A_629] {strides = array<i32>} : memref<104x128xf32, #tpu.memory_space<vmem>>, vector<1x16xf32>,
        %get3A_631 = vector.shape_cast %get3A_630 : vector<1x16xf32> to vector<16xf32>
        %add3A_632 = arith.addf %add3A_576, %get3A_631 : vector<16xf32>
        %add3A_633 = arith.constant 3 : i32
        %add3A_634 = arith.addi %mul3A_437, %add3A_633 : i32
        %get3A_635 = arith.index_cast %add3A_634 : i32 to index
        %get3A_636 = arith.constant 64 : index
        %get3A_637 = tpu.vector_load %arg10[%get3A_635, %get3A_636] {strides = array<i32>} : memref<104x128xf32, #tpu.memory_space<vmem>>, vector<1x16xf32>,
        %get3A_638 = vector.shape_cast %get3A_637 : vector<1x16xf32> to vector<16xf32>
        %add3A_639 = arith.addf %add3A_583, %get3A_638 : vector<16xf32>
        %add3A_640 = arith.constant 3 : i32
        %add3A_641 = arith.addi %mul3A_437, %add3A_640 : i32
        %get3A_642 = arith.index_cast %add3A_641 : i32 to index
        %get3A_643 = arith.constant 80 : index
        %get3A_644 = tpu.vector_load %arg10[%get3A_642, %get3A_643] {strides = array<i32>} : memref<104x128xf32, #tpu.memory_space<vmem>>, vector<1x16xf32>,
        %get3A_645 = vector.shape_cast %get3A_644 : vector<1x16xf32> to vector<16xf32>
        %add3A_646 = arith.addf %add3A_590, %get3A_645 : vector<16xf32>
        %add3A_647 = arith.constant 3 : i32
        %add3A_648 = arith.addi %mul3A_437, %add3A_647 : i32
        %get3A_649 = arith.index_cast %add3A_648 : i32 to index
        %get3A_650 = arith.constant 96 : index
        %get3A_651 = tpu.vector_load %arg10[%get3A_649, %get3A_650] {strides = array<i32>} : memref<104x128xf32, #tpu.memory_space<vmem>>, vector<1x16xf32>,
        %get3A_652 = vector.shape_cast %get3A_651 : vector<1x16xf32> to vector<16xf32>
        %add3A_653 = arith.addf %add3A_597, %get3A_652 : vector<16xf32>
        %add3A_654 = arith.constant 3 : i32
        %add3A_655 = arith.addi %mul3A_437, %add3A_654 : i32
        %get3A_656 = arith.index_cast %add3A_655 : i32 to index
        %get3A_657 = arith.constant 112 : index
        %get3A_658 = tpu.vector_load %arg10[%get3A_656, %get3A_657] {strides = array<i32>} : memref<104x128xf32, #tpu.memory_space<vmem>>, vector<1x16xf32>,
        %get3A_659 = vector.shape_cast %get3A_658 : vector<1x16xf32> to vector<16xf32>
        %add3A_660 = arith.addf %add3A_604, %get3A_659 : vector<16xf32>
        scf.yield %add3A_611, %add3A_618, %add3A_625, %add3A_632, %add3A_639, %add3A_646, %add3A_653, %add3A_660 : vector<16xf32>, vector<16xf32>, vector<16xf32>, vector<16xf32>, vector<16xf32>, vector<16xf32>, vector<16xf32>, vector<16xf32>
      }
      %scan3A_357 = arith.constant 26 : i32
      %add3A_358 = arith.constant 3 : i32
      %add3A_359 = arith.addi %add3A_329, %add3A_358 : i32
      %lt3A_360 = arith.constant 112 : i32
      %lt3A_361 = arith.cmpi slt, %add3A_359, %lt3A_360 : i32
      %convert_element_type3A_362 = arith.extui %lt3A_361 : i1 to i32
      %cond3A_363 = arith.constant 0 : i32
      %cond3A_364 = arith.cmpi ne, %convert_element_type3A_362, %cond3A_363 : i32
      scf.if %cond3A_364 {
        %add3A_427 = arith.constant 3 : i32
        %add3A_428 = arith.addi %add3A_329, %add3A_427 : i32
        %mul3A_429 = arith.constant 200 : i32
        %mul3A_430 = arith.muli %add3A_428, %mul3A_429 : i32
        %dma_start3A_431 = tpu.memref_slice %arg5[%mul3A_430] : memref<22400xi32, #tpu.memory_space<vmem>> -> memref<104xi32, #tpu.memory_space<vmem>>
        %dma_start3A_432 = arith.constant 0 : i32
        %dma_start3A_433 = arith.constant 0 : i32
        %dma_start3A_434 = tpu.memref_slice %arg3[%dma_start3A_432, %dma_start3A_433] : memref<100000x128xf32, #tpu.memory_space<hbm>> -> memref<100000x128xf32, #tpu.memory_space<hbm>>
        tpu.enqueue_indirect_dma source(%dma_start3A_434 : memref<100000x128xf32, #tpu.memory_space<hbm>>) target(%arg10 : memref<104x128xf32, #tpu.memory_space<vmem>>) offsets(%dma_start3A_431 : memref<104xi32, #tpu.memory_space<vmem>>) semaphore(%arg17 : memref<!tpu.dma_semaphore, #tpu.memory_space<semaphore_mem>>)
      } else {
      }
      %mul3A_365 = arith.constant 200 : i32
      %mul3A_366 = arith.muli %add3A_329, %mul3A_365 : i32
      %add3A_367 = arith.constant 104 : i32
      %add3A_368 = arith.addi %mul3A_366, %add3A_367 : i32
      %dma_wait3A_369 = tpu.memref_slice %arg5[%add3A_368] : memref<22400xi32, #tpu.memory_space<vmem>> -> memref<96xi32, #tpu.memory_space<vmem>>
      %dma_wait3A_370 = arith.constant 0 : i32
      %dma_wait3A_371 = arith.constant 0 : i32
      %dma_wait3A_372 = tpu.memref_slice %arg3[%dma_wait3A_370, %dma_wait3A_371] : memref<100000x128xf32, #tpu.memory_space<hbm>> -> memref<100000x128xf32, #tpu.memory_space<hbm>>
      tpu.wait_indirect_dma semaphore(%arg18 : memref<!tpu.dma_semaphore, #tpu.memory_space<semaphore_mem>>) src(%dma_wait3A_372 : memref<100000x128xf32, #tpu.memory_space<hbm>>) dst(%arg11 : memref<96x128xf32, #tpu.memory_space<vmem>>)
      %scan3A_373 = arith.constant 0 : i32
      %scan3A_374 = arith.constant 24 : i32
      %scan3A_375 = arith.addi %scan3A_373, %scan3A_374 : i32
      %scan3A_376 = arith.constant 1 : i32
      %scan3A_377:8 = scf.for %scan3A_427 = %scan3A_373 to %scan3A_375 step %scan3A_376 iter_args(%scan3A_428 = %scan3A_356#0, %scan3A_429 = %scan3A_356#1, %scan3A_430 = %scan3A_356#2, %scan3A_431 = %scan3A_356#3, %scan3A_432 = %scan3A_356#4, %scan3A_433 = %scan3A_356#5, %scan3A_434 = %scan3A_356#6, %scan3A_435 = %scan3A_356#7) -> (vector<16xf32>, vector<16xf32>, vector<16xf32>, vector<16xf32>, vector<16xf32>, vector<16xf32>, vector<16xf32>, vector<16xf32>)  : i32 {
        %mul3A_436 = arith.constant 4 : i32
        %mul3A_437 = arith.muli %scan3A_427, %mul3A_436 : i32
        %add3A_438 = arith.constant 0 : i32
        %add3A_439 = arith.addi %mul3A_437, %add3A_438 : i32
        %get3A = arith.index_cast %add3A_439 : i32 to index
        %get3A_440 = arith.constant 0 : index
        %get3A_441 = tpu.vector_load %arg11[%get3A, %get3A_440] {strides = array<i32>} : memref<96x128xf32, #tpu.memory_space<vmem>>, vector<1x16xf32>,
        %get3A_442 = vector.shape_cast %get3A_441 : vector<1x16xf32> to vector<16xf32>
        %add3A_443 = arith.addf %scan3A_428, %get3A_442 : vector<16xf32>
        %add3A_444 = arith.constant 0 : i32
        %add3A_445 = arith.addi %mul3A_437, %add3A_444 : i32
        %get3A_446 = arith.index_cast %add3A_445 : i32 to index
        %get3A_447 = arith.constant 16 : index
        %get3A_448 = tpu.vector_load %arg11[%get3A_446, %get3A_447] {strides = array<i32>} : memref<96x128xf32, #tpu.memory_space<vmem>>, vector<1x16xf32>,
        %get3A_449 = vector.shape_cast %get3A_448 : vector<1x16xf32> to vector<16xf32>
        %add3A_450 = arith.addf %scan3A_429, %get3A_449 : vector<16xf32>
        %add3A_451 = arith.constant 0 : i32
        %add3A_452 = arith.addi %mul3A_437, %add3A_451 : i32
        %get3A_453 = arith.index_cast %add3A_452 : i32 to index
        %get3A_454 = arith.constant 32 : index
        %get3A_455 = tpu.vector_load %arg11[%get3A_453, %get3A_454] {strides = array<i32>} : memref<96x128xf32, #tpu.memory_space<vmem>>, vector<1x16xf32>,
        %get3A_456 = vector.shape_cast %get3A_455 : vector<1x16xf32> to vector<16xf32>
        %add3A_457 = arith.addf %scan3A_430, %get3A_456 : vector<16xf32>
        %add3A_458 = arith.constant 0 : i32
        %add3A_459 = arith.addi %mul3A_437, %add3A_458 : i32
        %get3A_460 = arith.index_cast %add3A_459 : i32 to index
        %get3A_461 = arith.constant 48 : index
        %get3A_462 = tpu.vector_load %arg11[%get3A_460, %get3A_461] {strides = array<i32>} : memref<96x128xf32, #tpu.memory_space<vmem>>, vector<1x16xf32>,
        %get3A_463 = vector.shape_cast %get3A_462 : vector<1x16xf32> to vector<16xf32>
        %add3A_464 = arith.addf %scan3A_431, %get3A_463 : vector<16xf32>
        %add3A_465 = arith.constant 0 : i32
        %add3A_466 = arith.addi %mul3A_437, %add3A_465 : i32
        %get3A_467 = arith.index_cast %add3A_466 : i32 to index
        %get3A_468 = arith.constant 64 : index
        %get3A_469 = tpu.vector_load %arg11[%get3A_467, %get3A_468] {strides = array<i32>} : memref<96x128xf32, #tpu.memory_space<vmem>>, vector<1x16xf32>,
        %get3A_470 = vector.shape_cast %get3A_469 : vector<1x16xf32> to vector<16xf32>
        %add3A_471 = arith.addf %scan3A_432, %get3A_470 : vector<16xf32>
        %add3A_472 = arith.constant 0 : i32
        %add3A_473 = arith.addi %mul3A_437, %add3A_472 : i32
        %get3A_474 = arith.index_cast %add3A_473 : i32 to index
        %get3A_475 = arith.constant 80 : index
        %get3A_476 = tpu.vector_load %arg11[%get3A_474, %get3A_475] {strides = array<i32>} : memref<96x128xf32, #tpu.memory_space<vmem>>, vector<1x16xf32>,
        %get3A_477 = vector.shape_cast %get3A_476 : vector<1x16xf32> to vector<16xf32>
        %add3A_478 = arith.addf %scan3A_433, %get3A_477 : vector<16xf32>
        %add3A_479 = arith.constant 0 : i32
        %add3A_480 = arith.addi %mul3A_437, %add3A_479 : i32
        %get3A_481 = arith.index_cast %add3A_480 : i32 to index
        %get3A_482 = arith.constant 96 : index
        %get3A_483 = tpu.vector_load %arg11[%get3A_481, %get3A_482] {strides = array<i32>} : memref<96x128xf32, #tpu.memory_space<vmem>>, vector<1x16xf32>,
        %get3A_484 = vector.shape_cast %get3A_483 : vector<1x16xf32> to vector<16xf32>
        %add3A_485 = arith.addf %scan3A_434, %get3A_484 : vector<16xf32>
        %add3A_486 = arith.constant 0 : i32
        %add3A_487 = arith.addi %mul3A_437, %add3A_486 : i32
        %get3A_488 = arith.index_cast %add3A_487 : i32 to index
        %get3A_489 = arith.constant 112 : index
        %get3A_490 = tpu.vector_load %arg11[%get3A_488, %get3A_489] {strides = array<i32>} : memref<96x128xf32, #tpu.memory_space<vmem>>, vector<1x16xf32>,
        %get3A_491 = vector.shape_cast %get3A_490 : vector<1x16xf32> to vector<16xf32>
        %add3A_492 = arith.addf %scan3A_435, %get3A_491 : vector<16xf32>
        %add3A_493 = arith.constant 1 : i32
        %add3A_494 = arith.addi %mul3A_437, %add3A_493 : i32
        %get3A_495 = arith.index_cast %add3A_494 : i32 to index
        %get3A_496 = arith.constant 0 : index
        %get3A_497 = tpu.vector_load %arg11[%get3A_495, %get3A_496] {strides = array<i32>} : memref<96x128xf32, #tpu.memory_space<vmem>>, vector<1x16xf32>,
        %get3A_498 = vector.shape_cast %get3A_497 : vector<1x16xf32> to vector<16xf32>
        %add3A_499 = arith.addf %add3A_443, %get3A_498 : vector<16xf32>
        %add3A_500 = arith.constant 1 : i32
        %add3A_501 = arith.addi %mul3A_437, %add3A_500 : i32
        %get3A_502 = arith.index_cast %add3A_501 : i32 to index
        %get3A_503 = arith.constant 16 : index
        %get3A_504 = tpu.vector_load %arg11[%get3A_502, %get3A_503] {strides = array<i32>} : memref<96x128xf32, #tpu.memory_space<vmem>>, vector<1x16xf32>,
        %get3A_505 = vector.shape_cast %get3A_504 : vector<1x16xf32> to vector<16xf32>
        %add3A_506 = arith.addf %add3A_450, %get3A_505 : vector<16xf32>
        %add3A_507 = arith.constant 1 : i32
        %add3A_508 = arith.addi %mul3A_437, %add3A_507 : i32
        %get3A_509 = arith.index_cast %add3A_508 : i32 to index
        %get3A_510 = arith.constant 32 : index
        %get3A_511 = tpu.vector_load %arg11[%get3A_509, %get3A_510] {strides = array<i32>} : memref<96x128xf32, #tpu.memory_space<vmem>>, vector<1x16xf32>,
        %get3A_512 = vector.shape_cast %get3A_511 : vector<1x16xf32> to vector<16xf32>
        %add3A_513 = arith.addf %add3A_457, %get3A_512 : vector<16xf32>
        %add3A_514 = arith.constant 1 : i32
        %add3A_515 = arith.addi %mul3A_437, %add3A_514 : i32
        %get3A_516 = arith.index_cast %add3A_515 : i32 to index
        %get3A_517 = arith.constant 48 : index
        %get3A_518 = tpu.vector_load %arg11[%get3A_516, %get3A_517] {strides = array<i32>} : memref<96x128xf32, #tpu.memory_space<vmem>>, vector<1x16xf32>,
        %get3A_519 = vector.shape_cast %get3A_518 : vector<1x16xf32> to vector<16xf32>
        %add3A_520 = arith.addf %add3A_464, %get3A_519 : vector<16xf32>
        %add3A_521 = arith.constant 1 : i32
        %add3A_522 = arith.addi %mul3A_437, %add3A_521 : i32
        %get3A_523 = arith.index_cast %add3A_522 : i32 to index
        %get3A_524 = arith.constant 64 : index
        %get3A_525 = tpu.vector_load %arg11[%get3A_523, %get3A_524] {strides = array<i32>} : memref<96x128xf32, #tpu.memory_space<vmem>>, vector<1x16xf32>,
        %get3A_526 = vector.shape_cast %get3A_525 : vector<1x16xf32> to vector<16xf32>
        %add3A_527 = arith.addf %add3A_471, %get3A_526 : vector<16xf32>
        %add3A_528 = arith.constant 1 : i32
        %add3A_529 = arith.addi %mul3A_437, %add3A_528 : i32
        %get3A_530 = arith.index_cast %add3A_529 : i32 to index
        %get3A_531 = arith.constant 80 : index
        %get3A_532 = tpu.vector_load %arg11[%get3A_530, %get3A_531] {strides = array<i32>} : memref<96x128xf32, #tpu.memory_space<vmem>>, vector<1x16xf32>,
        %get3A_533 = vector.shape_cast %get3A_532 : vector<1x16xf32> to vector<16xf32>
        %add3A_534 = arith.addf %add3A_478, %get3A_533 : vector<16xf32>
        %add3A_535 = arith.constant 1 : i32
        %add3A_536 = arith.addi %mul3A_437, %add3A_535 : i32
        %get3A_537 = arith.index_cast %add3A_536 : i32 to index
        %get3A_538 = arith.constant 96 : index
        %get3A_539 = tpu.vector_load %arg11[%get3A_537, %get3A_538] {strides = array<i32>} : memref<96x128xf32, #tpu.memory_space<vmem>>, vector<1x16xf32>,
        %get3A_540 = vector.shape_cast %get3A_539 : vector<1x16xf32> to vector<16xf32>
        %add3A_541 = arith.addf %add3A_485, %get3A_540 : vector<16xf32>
        %add3A_542 = arith.constant 1 : i32
        %add3A_543 = arith.addi %mul3A_437, %add3A_542 : i32
        %get3A_544 = arith.index_cast %add3A_543 : i32 to index
        %get3A_545 = arith.constant 112 : index
        %get3A_546 = tpu.vector_load %arg11[%get3A_544, %get3A_545] {strides = array<i32>} : memref<96x128xf32, #tpu.memory_space<vmem>>, vector<1x16xf32>,
        %get3A_547 = vector.shape_cast %get3A_546 : vector<1x16xf32> to vector<16xf32>
        %add3A_548 = arith.addf %add3A_492, %get3A_547 : vector<16xf32>
        %add3A_549 = arith.constant 2 : i32
        %add3A_550 = arith.addi %mul3A_437, %add3A_549 : i32
        %get3A_551 = arith.index_cast %add3A_550 : i32 to index
        %get3A_552 = arith.constant 0 : index
        %get3A_553 = tpu.vector_load %arg11[%get3A_551, %get3A_552] {strides = array<i32>} : memref<96x128xf32, #tpu.memory_space<vmem>>, vector<1x16xf32>,
        %get3A_554 = vector.shape_cast %get3A_553 : vector<1x16xf32> to vector<16xf32>
        %add3A_555 = arith.addf %add3A_499, %get3A_554 : vector<16xf32>
        %add3A_556 = arith.constant 2 : i32
        %add3A_557 = arith.addi %mul3A_437, %add3A_556 : i32
        %get3A_558 = arith.index_cast %add3A_557 : i32 to index
        %get3A_559 = arith.constant 16 : index
        %get3A_560 = tpu.vector_load %arg11[%get3A_558, %get3A_559] {strides = array<i32>} : memref<96x128xf32, #tpu.memory_space<vmem>>, vector<1x16xf32>,
        %get3A_561 = vector.shape_cast %get3A_560 : vector<1x16xf32> to vector<16xf32>
        %add3A_562 = arith.addf %add3A_506, %get3A_561 : vector<16xf32>
        %add3A_563 = arith.constant 2 : i32
        %add3A_564 = arith.addi %mul3A_437, %add3A_563 : i32
        %get3A_565 = arith.index_cast %add3A_564 : i32 to index
        %get3A_566 = arith.constant 32 : index
        %get3A_567 = tpu.vector_load %arg11[%get3A_565, %get3A_566] {strides = array<i32>} : memref<96x128xf32, #tpu.memory_space<vmem>>, vector<1x16xf32>,
        %get3A_568 = vector.shape_cast %get3A_567 : vector<1x16xf32> to vector<16xf32>
        %add3A_569 = arith.addf %add3A_513, %get3A_568 : vector<16xf32>
        %add3A_570 = arith.constant 2 : i32
        %add3A_571 = arith.addi %mul3A_437, %add3A_570 : i32
        %get3A_572 = arith.index_cast %add3A_571 : i32 to index
        %get3A_573 = arith.constant 48 : index
        %get3A_574 = tpu.vector_load %arg11[%get3A_572, %get3A_573] {strides = array<i32>} : memref<96x128xf32, #tpu.memory_space<vmem>>, vector<1x16xf32>,
        %get3A_575 = vector.shape_cast %get3A_574 : vector<1x16xf32> to vector<16xf32>
        %add3A_576 = arith.addf %add3A_520, %get3A_575 : vector<16xf32>
        %add3A_577 = arith.constant 2 : i32
        %add3A_578 = arith.addi %mul3A_437, %add3A_577 : i32
        %get3A_579 = arith.index_cast %add3A_578 : i32 to index
        %get3A_580 = arith.constant 64 : index
        %get3A_581 = tpu.vector_load %arg11[%get3A_579, %get3A_580] {strides = array<i32>} : memref<96x128xf32, #tpu.memory_space<vmem>>, vector<1x16xf32>,
        %get3A_582 = vector.shape_cast %get3A_581 : vector<1x16xf32> to vector<16xf32>
        %add3A_583 = arith.addf %add3A_527, %get3A_582 : vector<16xf32>
        %add3A_584 = arith.constant 2 : i32
        %add3A_585 = arith.addi %mul3A_437, %add3A_584 : i32
        %get3A_586 = arith.index_cast %add3A_585 : i32 to index
        %get3A_587 = arith.constant 80 : index
        %get3A_588 = tpu.vector_load %arg11[%get3A_586, %get3A_587] {strides = array<i32>} : memref<96x128xf32, #tpu.memory_space<vmem>>, vector<1x16xf32>,
        %get3A_589 = vector.shape_cast %get3A_588 : vector<1x16xf32> to vector<16xf32>
        %add3A_590 = arith.addf %add3A_534, %get3A_589 : vector<16xf32>
        %add3A_591 = arith.constant 2 : i32
        %add3A_592 = arith.addi %mul3A_437, %add3A_591 : i32
        %get3A_593 = arith.index_cast %add3A_592 : i32 to index
        %get3A_594 = arith.constant 96 : index
        %get3A_595 = tpu.vector_load %arg11[%get3A_593, %get3A_594] {strides = array<i32>} : memref<96x128xf32, #tpu.memory_space<vmem>>, vector<1x16xf32>,
        %get3A_596 = vector.shape_cast %get3A_595 : vector<1x16xf32> to vector<16xf32>
        %add3A_597 = arith.addf %add3A_541, %get3A_596 : vector<16xf32>
        %add3A_598 = arith.constant 2 : i32
        %add3A_599 = arith.addi %mul3A_437, %add3A_598 : i32
        %get3A_600 = arith.index_cast %add3A_599 : i32 to index
        %get3A_601 = arith.constant 112 : index
        %get3A_602 = tpu.vector_load %arg11[%get3A_600, %get3A_601] {strides = array<i32>} : memref<96x128xf32, #tpu.memory_space<vmem>>, vector<1x16xf32>,
        %get3A_603 = vector.shape_cast %get3A_602 : vector<1x16xf32> to vector<16xf32>
        %add3A_604 = arith.addf %add3A_548, %get3A_603 : vector<16xf32>
        %add3A_605 = arith.constant 3 : i32
        %add3A_606 = arith.addi %mul3A_437, %add3A_605 : i32
        %get3A_607 = arith.index_cast %add3A_606 : i32 to index
        %get3A_608 = arith.constant 0 : index
        %get3A_609 = tpu.vector_load %arg11[%get3A_607, %get3A_608] {strides = array<i32>} : memref<96x128xf32, #tpu.memory_space<vmem>>, vector<1x16xf32>,
        %get3A_610 = vector.shape_cast %get3A_609 : vector<1x16xf32> to vector<16xf32>
        %add3A_611 = arith.addf %add3A_555, %get3A_610 : vector<16xf32>
        %add3A_612 = arith.constant 3 : i32
        %add3A_613 = arith.addi %mul3A_437, %add3A_612 : i32
        %get3A_614 = arith.index_cast %add3A_613 : i32 to index
        %get3A_615 = arith.constant 16 : index
        %get3A_616 = tpu.vector_load %arg11[%get3A_614, %get3A_615] {strides = array<i32>} : memref<96x128xf32, #tpu.memory_space<vmem>>, vector<1x16xf32>,
        %get3A_617 = vector.shape_cast %get3A_616 : vector<1x16xf32> to vector<16xf32>
        %add3A_618 = arith.addf %add3A_562, %get3A_617 : vector<16xf32>
        %add3A_619 = arith.constant 3 : i32
        %add3A_620 = arith.addi %mul3A_437, %add3A_619 : i32
        %get3A_621 = arith.index_cast %add3A_620 : i32 to index
        %get3A_622 = arith.constant 32 : index
        %get3A_623 = tpu.vector_load %arg11[%get3A_621, %get3A_622] {strides = array<i32>} : memref<96x128xf32, #tpu.memory_space<vmem>>, vector<1x16xf32>,
        %get3A_624 = vector.shape_cast %get3A_623 : vector<1x16xf32> to vector<16xf32>
        %add3A_625 = arith.addf %add3A_569, %get3A_624 : vector<16xf32>
        %add3A_626 = arith.constant 3 : i32
        %add3A_627 = arith.addi %mul3A_437, %add3A_626 : i32
        %get3A_628 = arith.index_cast %add3A_627 : i32 to index
        %get3A_629 = arith.constant 48 : index
        %get3A_630 = tpu.vector_load %arg11[%get3A_628, %get3A_629] {strides = array<i32>} : memref<96x128xf32, #tpu.memory_space<vmem>>, vector<1x16xf32>,
        %get3A_631 = vector.shape_cast %get3A_630 : vector<1x16xf32> to vector<16xf32>
        %add3A_632 = arith.addf %add3A_576, %get3A_631 : vector<16xf32>
        %add3A_633 = arith.constant 3 : i32
        %add3A_634 = arith.addi %mul3A_437, %add3A_633 : i32
        %get3A_635 = arith.index_cast %add3A_634 : i32 to index
        %get3A_636 = arith.constant 64 : index
        %get3A_637 = tpu.vector_load %arg11[%get3A_635, %get3A_636] {strides = array<i32>} : memref<96x128xf32, #tpu.memory_space<vmem>>, vector<1x16xf32>,
        %get3A_638 = vector.shape_cast %get3A_637 : vector<1x16xf32> to vector<16xf32>
        %add3A_639 = arith.addf %add3A_583, %get3A_638 : vector<16xf32>
        %add3A_640 = arith.constant 3 : i32
        %add3A_641 = arith.addi %mul3A_437, %add3A_640 : i32
        %get3A_642 = arith.index_cast %add3A_641 : i32 to index
        %get3A_643 = arith.constant 80 : index
        %get3A_644 = tpu.vector_load %arg11[%get3A_642, %get3A_643] {strides = array<i32>} : memref<96x128xf32, #tpu.memory_space<vmem>>, vector<1x16xf32>,
        %get3A_645 = vector.shape_cast %get3A_644 : vector<1x16xf32> to vector<16xf32>
        %add3A_646 = arith.addf %add3A_590, %get3A_645 : vector<16xf32>
        %add3A_647 = arith.constant 3 : i32
        %add3A_648 = arith.addi %mul3A_437, %add3A_647 : i32
        %get3A_649 = arith.index_cast %add3A_648 : i32 to index
        %get3A_650 = arith.constant 96 : index
        %get3A_651 = tpu.vector_load %arg11[%get3A_649, %get3A_650] {strides = array<i32>} : memref<96x128xf32, #tpu.memory_space<vmem>>, vector<1x16xf32>,
        %get3A_652 = vector.shape_cast %get3A_651 : vector<1x16xf32> to vector<16xf32>
        %add3A_653 = arith.addf %add3A_597, %get3A_652 : vector<16xf32>
        %add3A_654 = arith.constant 3 : i32
        %add3A_655 = arith.addi %mul3A_437, %add3A_654 : i32
        %get3A_656 = arith.index_cast %add3A_655 : i32 to index
        %get3A_657 = arith.constant 112 : index
        %get3A_658 = tpu.vector_load %arg11[%get3A_656, %get3A_657] {strides = array<i32>} : memref<96x128xf32, #tpu.memory_space<vmem>>, vector<1x16xf32>,
        %get3A_659 = vector.shape_cast %get3A_658 : vector<1x16xf32> to vector<16xf32>
        %add3A_660 = arith.addf %add3A_604, %get3A_659 : vector<16xf32>
        scf.yield %add3A_611, %add3A_618, %add3A_625, %add3A_632, %add3A_639, %add3A_646, %add3A_653, %add3A_660 : vector<16xf32>, vector<16xf32>, vector<16xf32>, vector<16xf32>, vector<16xf32>, vector<16xf32>, vector<16xf32>, vector<16xf32>
      }
      %scan3A_378 = arith.constant 24 : i32
      %add3A_379 = arith.constant 3 : i32
      %add3A_380 = arith.addi %add3A_329, %add3A_379 : i32
      %lt3A_381 = arith.constant 112 : i32
      %lt3A_382 = arith.cmpi slt, %add3A_380, %lt3A_381 : i32
      %convert_element_type3A_383 = arith.extui %lt3A_382 : i1 to i32
      %cond3A_384 = arith.constant 0 : i32
      %cond3A_385 = arith.cmpi ne, %convert_element_type3A_383, %cond3A_384 : i32
      scf.if %cond3A_385 {
        %add3A_427 = arith.constant 3 : i32
        %add3A_428 = arith.addi %add3A_329, %add3A_427 : i32
        %mul3A_429 = arith.constant 200 : i32
        %mul3A_430 = arith.muli %add3A_428, %mul3A_429 : i32
        %add3A_431 = arith.constant 104 : i32
        %add3A_432 = arith.addi %mul3A_430, %add3A_431 : i32
        %dma_start3A_433 = tpu.memref_slice %arg5[%add3A_432] : memref<22400xi32, #tpu.memory_space<vmem>> -> memref<96xi32, #tpu.memory_space<vmem>>
        %dma_start3A_434 = arith.constant 0 : i32
        %dma_start3A_435 = arith.constant 0 : i32
        %dma_start3A_436 = tpu.memref_slice %arg3[%dma_start3A_434, %dma_start3A_435] : memref<100000x128xf32, #tpu.memory_space<hbm>> -> memref<100000x128xf32, #tpu.memory_space<hbm>>
        tpu.enqueue_indirect_dma source(%dma_start3A_436 : memref<100000x128xf32, #tpu.memory_space<hbm>>) target(%arg11 : memref<96x128xf32, #tpu.memory_space<vmem>>) offsets(%dma_start3A_433 : memref<96xi32, #tpu.memory_space<vmem>>) semaphore(%arg18 : memref<!tpu.dma_semaphore, #tpu.memory_space<semaphore_mem>>)
      } else {
      }
      %swap3A_386 = arith.index_cast %add3A_329 : i32 to index
      %swap3A_387 = arith.constant 0 : index
      %swap3A_388 = tpu.vector_load %arg12[%swap3A_386, %swap3A_387] {strides = array<i32>} : memref<112x128xf32, #tpu.memory_space<vmem>>, vector<1x16xf32>,
      %swap3A_389 = vector.shape_cast %swap3A_388 : vector<1x16xf32> to vector<16xf32>
      %swap3A_390 = vector.shape_cast %scan3A_377#0 : vector<16xf32> to vector<1x16xf32>
      tpu.vector_store %arg12[%swap3A_386, %swap3A_387], %swap3A_390 {strides = array<i32>} : memref<112x128xf32, #tpu.memory_space<vmem>>, vector<1x16xf32>,
      %swap3A_391 = arith.index_cast %add3A_329 : i32 to index
      %swap3A_392 = arith.constant 16 : index
      %swap3A_393 = tpu.vector_load %arg12[%swap3A_391, %swap3A_392] {strides = array<i32>} : memref<112x128xf32, #tpu.memory_space<vmem>>, vector<1x16xf32>,
      %swap3A_394 = vector.shape_cast %swap3A_393 : vector<1x16xf32> to vector<16xf32>
      %swap3A_395 = vector.shape_cast %scan3A_377#1 : vector<16xf32> to vector<1x16xf32>
      tpu.vector_store %arg12[%swap3A_391, %swap3A_392], %swap3A_395 {strides = array<i32>} : memref<112x128xf32, #tpu.memory_space<vmem>>, vector<1x16xf32>,
      %swap3A_396 = arith.index_cast %add3A_329 : i32 to index
      %swap3A_397 = arith.constant 32 : index
      %swap3A_398 = tpu.vector_load %arg12[%swap3A_396, %swap3A_397] {strides = array<i32>} : memref<112x128xf32, #tpu.memory_space<vmem>>, vector<1x16xf32>,
      %swap3A_399 = vector.shape_cast %swap3A_398 : vector<1x16xf32> to vector<16xf32>
      %swap3A_400 = vector.shape_cast %scan3A_377#2 : vector<16xf32> to vector<1x16xf32>
      tpu.vector_store %arg12[%swap3A_396, %swap3A_397], %swap3A_400 {strides = array<i32>} : memref<112x128xf32, #tpu.memory_space<vmem>>, vector<1x16xf32>,
      %swap3A_401 = arith.index_cast %add3A_329 : i32 to index
      %swap3A_402 = arith.constant 48 : index
      %swap3A_403 = tpu.vector_load %arg12[%swap3A_401, %swap3A_402] {strides = array<i32>} : memref<112x128xf32, #tpu.memory_space<vmem>>, vector<1x16xf32>,
      %swap3A_404 = vector.shape_cast %swap3A_403 : vector<1x16xf32> to vector<16xf32>
      %swap3A_405 = vector.shape_cast %scan3A_377#3 : vector<16xf32> to vector<1x16xf32>
      tpu.vector_store %arg12[%swap3A_401, %swap3A_402], %swap3A_405 {strides = array<i32>} : memref<112x128xf32, #tpu.memory_space<vmem>>, vector<1x16xf32>,
      %swap3A_406 = arith.index_cast %add3A_329 : i32 to index
      %swap3A_407 = arith.constant 64 : index
      %swap3A_408 = tpu.vector_load %arg12[%swap3A_406, %swap3A_407] {strides = array<i32>} : memref<112x128xf32, #tpu.memory_space<vmem>>, vector<1x16xf32>,
      %swap3A_409 = vector.shape_cast %swap3A_408 : vector<1x16xf32> to vector<16xf32>
      %swap3A_410 = vector.shape_cast %scan3A_377#4 : vector<16xf32> to vector<1x16xf32>
      tpu.vector_store %arg12[%swap3A_406, %swap3A_407], %swap3A_410 {strides = array<i32>} : memref<112x128xf32, #tpu.memory_space<vmem>>, vector<1x16xf32>,
      %swap3A_411 = arith.index_cast %add3A_329 : i32 to index
      %swap3A_412 = arith.constant 80 : index
      %swap3A_413 = tpu.vector_load %arg12[%swap3A_411, %swap3A_412] {strides = array<i32>} : memref<112x128xf32, #tpu.memory_space<vmem>>, vector<1x16xf32>,
      %swap3A_414 = vector.shape_cast %swap3A_413 : vector<1x16xf32> to vector<16xf32>
      %swap3A_415 = vector.shape_cast %scan3A_377#5 : vector<16xf32> to vector<1x16xf32>
      tpu.vector_store %arg12[%swap3A_411, %swap3A_412], %swap3A_415 {strides = array<i32>} : memref<112x128xf32, #tpu.memory_space<vmem>>, vector<1x16xf32>,
      %swap3A_416 = arith.index_cast %add3A_329 : i32 to index
      %swap3A_417 = arith.constant 96 : index
      %swap3A_418 = tpu.vector_load %arg12[%swap3A_416, %swap3A_417] {strides = array<i32>} : memref<112x128xf32, #tpu.memory_space<vmem>>, vector<1x16xf32>,
      %swap3A_419 = vector.shape_cast %swap3A_418 : vector<1x16xf32> to vector<16xf32>
      %swap3A_420 = vector.shape_cast %scan3A_377#6 : vector<16xf32> to vector<1x16xf32>
      tpu.vector_store %arg12[%swap3A_416, %swap3A_417], %swap3A_420 {strides = array<i32>} : memref<112x128xf32, #tpu.memory_space<vmem>>, vector<1x16xf32>,
      %swap3A_421 = arith.index_cast %add3A_329 : i32 to index
      %swap3A_422 = arith.constant 112 : index
      %swap3A_423 = tpu.vector_load %arg12[%swap3A_421, %swap3A_422] {strides = array<i32>} : memref<112x128xf32, #tpu.memory_space<vmem>>, vector<1x16xf32>,
      %swap3A_424 = vector.shape_cast %swap3A_423 : vector<1x16xf32> to vector<16xf32>
      %swap3A_425 = vector.shape_cast %scan3A_377#7 : vector<16xf32> to vector<1x16xf32>
      tpu.vector_store %arg12[%swap3A_421, %swap3A_422], %swap3A_425 {strides = array<i32>} : memref<112x128xf32, #tpu.memory_space<vmem>>, vector<1x16xf32>,
      %scan3A_426 = arith.constant 0 : i32
      scf.yield %scan3A_426 : i32
    }
    %scan3A_41 = arith.constant 37 : i32
    %broadcast_in_dim3A = arith.constant 0.000000e+00 : f32
    %broadcast_in_dim3A_42 = vector.broadcast %broadcast_in_dim3A : f32 to vector<16xf32>
    %broadcast_in_dim3A_43 = arith.constant 0.000000e+00 : f32
    %broadcast_in_dim3A_44 = vector.broadcast %broadcast_in_dim3A_43 : f32 to vector<16xf32>
    %broadcast_in_dim3A_45 = arith.constant 0.000000e+00 : f32
    %broadcast_in_dim3A_46 = vector.broadcast %broadcast_in_dim3A_45 : f32 to vector<16xf32>
    %broadcast_in_dim3A_47 = arith.constant 0.000000e+00 : f32
    %broadcast_in_dim3A_48 = vector.broadcast %broadcast_in_dim3A_47 : f32 to vector<16xf32>
    %broadcast_in_dim3A_49 = arith.constant 0.000000e+00 : f32
    %broadcast_in_dim3A_50 = vector.broadcast %broadcast_in_dim3A_49 : f32 to vector<16xf32>
    %broadcast_in_dim3A_51 = arith.constant 0.000000e+00 : f32
    %broadcast_in_dim3A_52 = vector.broadcast %broadcast_in_dim3A_51 : f32 to vector<16xf32>
    %broadcast_in_dim3A_53 = arith.constant 0.000000e+00 : f32
    %broadcast_in_dim3A_54 = vector.broadcast %broadcast_in_dim3A_53 : f32 to vector<16xf32>
    %broadcast_in_dim3A_55 = arith.constant 0.000000e+00 : f32
    %broadcast_in_dim3A_56 = vector.broadcast %broadcast_in_dim3A_55 : f32 to vector<16xf32>
    %dma_wait3A = arith.constant 22200 : i32
    %dma_wait3A_57 = tpu.memref_slice %arg5[%dma_wait3A] : memref<22400xi32, #tpu.memory_space<vmem>> -> memref<104xi32, #tpu.memory_space<vmem>>
    %dma_wait3A_58 = arith.constant 0 : i32
    %dma_wait3A_59 = arith.constant 0 : i32
    %dma_wait3A_60 = tpu.memref_slice %arg3[%dma_wait3A_58, %dma_wait3A_59] : memref<100000x128xf32, #tpu.memory_space<hbm>> -> memref<100000x128xf32, #tpu.memory_space<hbm>>
    tpu.wait_indirect_dma semaphore(%arg13 : memref<!tpu.dma_semaphore, #tpu.memory_space<semaphore_mem>>) src(%dma_wait3A_60 : memref<100000x128xf32, #tpu.memory_space<hbm>>) dst(%arg6 : memref<104x128xf32, #tpu.memory_space<vmem>>)
    %scan3A_61 = arith.constant 0 : i32
    %scan3A_62 = arith.constant 26 : i32
    %scan3A_63 = arith.addi %scan3A_61, %scan3A_62 : i32
    %scan3A_64 = arith.constant 1 : i32
    %scan3A_65:8 = scf.for %scan3A_127 = %scan3A_61 to %scan3A_63 step %scan3A_64 iter_args(%scan3A_128 = %broadcast_in_dim3A_42, %scan3A_129 = %broadcast_in_dim3A_44, %scan3A_130 = %broadcast_in_dim3A_46, %scan3A_131 = %broadcast_in_dim3A_48, %scan3A_132 = %broadcast_in_dim3A_50, %scan3A_133 = %broadcast_in_dim3A_52, %scan3A_134 = %broadcast_in_dim3A_54, %scan3A_135 = %broadcast_in_dim3A_56) -> (vector<16xf32>, vector<16xf32>, vector<16xf32>, vector<16xf32>, vector<16xf32>, vector<16xf32>, vector<16xf32>, vector<16xf32>)  : i32 {
      %mul3A_136 = arith.constant 4 : i32
      %mul3A_137 = arith.muli %scan3A_127, %mul3A_136 : i32
      %add3A_138 = arith.constant 0 : i32
      %add3A_139 = arith.addi %mul3A_137, %add3A_138 : i32
      %get3A = arith.index_cast %add3A_139 : i32 to index
      %get3A_140 = arith.constant 0 : index
      %get3A_141 = tpu.vector_load %arg6[%get3A, %get3A_140] {strides = array<i32>} : memref<104x128xf32, #tpu.memory_space<vmem>>, vector<1x16xf32>,
      %get3A_142 = vector.shape_cast %get3A_141 : vector<1x16xf32> to vector<16xf32>
      %add3A_143 = arith.addf %scan3A_128, %get3A_142 : vector<16xf32>
      %add3A_144 = arith.constant 0 : i32
      %add3A_145 = arith.addi %mul3A_137, %add3A_144 : i32
      %get3A_146 = arith.index_cast %add3A_145 : i32 to index
      %get3A_147 = arith.constant 16 : index
      %get3A_148 = tpu.vector_load %arg6[%get3A_146, %get3A_147] {strides = array<i32>} : memref<104x128xf32, #tpu.memory_space<vmem>>, vector<1x16xf32>,
      %get3A_149 = vector.shape_cast %get3A_148 : vector<1x16xf32> to vector<16xf32>
      %add3A_150 = arith.addf %scan3A_129, %get3A_149 : vector<16xf32>
      %add3A_151 = arith.constant 0 : i32
      %add3A_152 = arith.addi %mul3A_137, %add3A_151 : i32
      %get3A_153 = arith.index_cast %add3A_152 : i32 to index
      %get3A_154 = arith.constant 32 : index
      %get3A_155 = tpu.vector_load %arg6[%get3A_153, %get3A_154] {strides = array<i32>} : memref<104x128xf32, #tpu.memory_space<vmem>>, vector<1x16xf32>,
      %get3A_156 = vector.shape_cast %get3A_155 : vector<1x16xf32> to vector<16xf32>
      %add3A_157 = arith.addf %scan3A_130, %get3A_156 : vector<16xf32>
      %add3A_158 = arith.constant 0 : i32
      %add3A_159 = arith.addi %mul3A_137, %add3A_158 : i32
      %get3A_160 = arith.index_cast %add3A_159 : i32 to index
      %get3A_161 = arith.constant 48 : index
      %get3A_162 = tpu.vector_load %arg6[%get3A_160, %get3A_161] {strides = array<i32>} : memref<104x128xf32, #tpu.memory_space<vmem>>, vector<1x16xf32>,
      %get3A_163 = vector.shape_cast %get3A_162 : vector<1x16xf32> to vector<16xf32>
      %add3A_164 = arith.addf %scan3A_131, %get3A_163 : vector<16xf32>
      %add3A_165 = arith.constant 0 : i32
      %add3A_166 = arith.addi %mul3A_137, %add3A_165 : i32
      %get3A_167 = arith.index_cast %add3A_166 : i32 to index
      %get3A_168 = arith.constant 64 : index
      %get3A_169 = tpu.vector_load %arg6[%get3A_167, %get3A_168] {strides = array<i32>} : memref<104x128xf32, #tpu.memory_space<vmem>>, vector<1x16xf32>,
      %get3A_170 = vector.shape_cast %get3A_169 : vector<1x16xf32> to vector<16xf32>
      %add3A_171 = arith.addf %scan3A_132, %get3A_170 : vector<16xf32>
      %add3A_172 = arith.constant 0 : i32
      %add3A_173 = arith.addi %mul3A_137, %add3A_172 : i32
      %get3A_174 = arith.index_cast %add3A_173 : i32 to index
      %get3A_175 = arith.constant 80 : index
      %get3A_176 = tpu.vector_load %arg6[%get3A_174, %get3A_175] {strides = array<i32>} : memref<104x128xf32, #tpu.memory_space<vmem>>, vector<1x16xf32>,
      %get3A_177 = vector.shape_cast %get3A_176 : vector<1x16xf32> to vector<16xf32>
      %add3A_178 = arith.addf %scan3A_133, %get3A_177 : vector<16xf32>
      %add3A_179 = arith.constant 0 : i32
      %add3A_180 = arith.addi %mul3A_137, %add3A_179 : i32
      %get3A_181 = arith.index_cast %add3A_180 : i32 to index
      %get3A_182 = arith.constant 96 : index
      %get3A_183 = tpu.vector_load %arg6[%get3A_181, %get3A_182] {strides = array<i32>} : memref<104x128xf32, #tpu.memory_space<vmem>>, vector<1x16xf32>,
      %get3A_184 = vector.shape_cast %get3A_183 : vector<1x16xf32> to vector<16xf32>
      %add3A_185 = arith.addf %scan3A_134, %get3A_184 : vector<16xf32>
      %add3A_186 = arith.constant 0 : i32
      %add3A_187 = arith.addi %mul3A_137, %add3A_186 : i32
      %get3A_188 = arith.index_cast %add3A_187 : i32 to index
      %get3A_189 = arith.constant 112 : index
      %get3A_190 = tpu.vector_load %arg6[%get3A_188, %get3A_189] {strides = array<i32>} : memref<104x128xf32, #tpu.memory_space<vmem>>, vector<1x16xf32>,
      %get3A_191 = vector.shape_cast %get3A_190 : vector<1x16xf32> to vector<16xf32>
      %add3A_192 = arith.addf %scan3A_135, %get3A_191 : vector<16xf32>
      %add3A_193 = arith.constant 1 : i32
      %add3A_194 = arith.addi %mul3A_137, %add3A_193 : i32
      %get3A_195 = arith.index_cast %add3A_194 : i32 to index
      %get3A_196 = arith.constant 0 : index
      %get3A_197 = tpu.vector_load %arg6[%get3A_195, %get3A_196] {strides = array<i32>} : memref<104x128xf32, #tpu.memory_space<vmem>>, vector<1x16xf32>,
      %get3A_198 = vector.shape_cast %get3A_197 : vector<1x16xf32> to vector<16xf32>
      %add3A_199 = arith.addf %add3A_143, %get3A_198 : vector<16xf32>
      %add3A_200 = arith.constant 1 : i32
      %add3A_201 = arith.addi %mul3A_137, %add3A_200 : i32
      %get3A_202 = arith.index_cast %add3A_201 : i32 to index
      %get3A_203 = arith.constant 16 : index
      %get3A_204 = tpu.vector_load %arg6[%get3A_202, %get3A_203] {strides = array<i32>} : memref<104x128xf32, #tpu.memory_space<vmem>>, vector<1x16xf32>,
      %get3A_205 = vector.shape_cast %get3A_204 : vector<1x16xf32> to vector<16xf32>
      %add3A_206 = arith.addf %add3A_150, %get3A_205 : vector<16xf32>
      %add3A_207 = arith.constant 1 : i32
      %add3A_208 = arith.addi %mul3A_137, %add3A_207 : i32
      %get3A_209 = arith.index_cast %add3A_208 : i32 to index
      %get3A_210 = arith.constant 32 : index
      %get3A_211 = tpu.vector_load %arg6[%get3A_209, %get3A_210] {strides = array<i32>} : memref<104x128xf32, #tpu.memory_space<vmem>>, vector<1x16xf32>,
      %get3A_212 = vector.shape_cast %get3A_211 : vector<1x16xf32> to vector<16xf32>
      %add3A_213 = arith.addf %add3A_157, %get3A_212 : vector<16xf32>
      %add3A_214 = arith.constant 1 : i32
      %add3A_215 = arith.addi %mul3A_137, %add3A_214 : i32
      %get3A_216 = arith.index_cast %add3A_215 : i32 to index
      %get3A_217 = arith.constant 48 : index
      %get3A_218 = tpu.vector_load %arg6[%get3A_216, %get3A_217] {strides = array<i32>} : memref<104x128xf32, #tpu.memory_space<vmem>>, vector<1x16xf32>,
      %get3A_219 = vector.shape_cast %get3A_218 : vector<1x16xf32> to vector<16xf32>
      %add3A_220 = arith.addf %add3A_164, %get3A_219 : vector<16xf32>
      %add3A_221 = arith.constant 1 : i32
      %add3A_222 = arith.addi %mul3A_137, %add3A_221 : i32
      %get3A_223 = arith.index_cast %add3A_222 : i32 to index
      %get3A_224 = arith.constant 64 : index
      %get3A_225 = tpu.vector_load %arg6[%get3A_223, %get3A_224] {strides = array<i32>} : memref<104x128xf32, #tpu.memory_space<vmem>>, vector<1x16xf32>,
      %get3A_226 = vector.shape_cast %get3A_225 : vector<1x16xf32> to vector<16xf32>
      %add3A_227 = arith.addf %add3A_171, %get3A_226 : vector<16xf32>
      %add3A_228 = arith.constant 1 : i32
      %add3A_229 = arith.addi %mul3A_137, %add3A_228 : i32
      %get3A_230 = arith.index_cast %add3A_229 : i32 to index
      %get3A_231 = arith.constant 80 : index
      %get3A_232 = tpu.vector_load %arg6[%get3A_230, %get3A_231] {strides = array<i32>} : memref<104x128xf32, #tpu.memory_space<vmem>>, vector<1x16xf32>,
      %get3A_233 = vector.shape_cast %get3A_232 : vector<1x16xf32> to vector<16xf32>
      %add3A_234 = arith.addf %add3A_178, %get3A_233 : vector<16xf32>
      %add3A_235 = arith.constant 1 : i32
      %add3A_236 = arith.addi %mul3A_137, %add3A_235 : i32
      %get3A_237 = arith.index_cast %add3A_236 : i32 to index
      %get3A_238 = arith.constant 96 : index
      %get3A_239 = tpu.vector_load %arg6[%get3A_237, %get3A_238] {strides = array<i32>} : memref<104x128xf32, #tpu.memory_space<vmem>>, vector<1x16xf32>,
      %get3A_240 = vector.shape_cast %get3A_239 : vector<1x16xf32> to vector<16xf32>
      %add3A_241 = arith.addf %add3A_185, %get3A_240 : vector<16xf32>
      %add3A_242 = arith.constant 1 : i32
      %add3A_243 = arith.addi %mul3A_137, %add3A_242 : i32
      %get3A_244 = arith.index_cast %add3A_243 : i32 to index
      %get3A_245 = arith.constant 112 : index
      %get3A_246 = tpu.vector_load %arg6[%get3A_244, %get3A_245] {strides = array<i32>} : memref<104x128xf32, #tpu.memory_space<vmem>>, vector<1x16xf32>,
      %get3A_247 = vector.shape_cast %get3A_246 : vector<1x16xf32> to vector<16xf32>
      %add3A_248 = arith.addf %add3A_192, %get3A_247 : vector<16xf32>
      %add3A_249 = arith.constant 2 : i32
      %add3A_250 = arith.addi %mul3A_137, %add3A_249 : i32
      %get3A_251 = arith.index_cast %add3A_250 : i32 to index
      %get3A_252 = arith.constant 0 : index
      %get3A_253 = tpu.vector_load %arg6[%get3A_251, %get3A_252] {strides = array<i32>} : memref<104x128xf32, #tpu.memory_space<vmem>>, vector<1x16xf32>,
      %get3A_254 = vector.shape_cast %get3A_253 : vector<1x16xf32> to vector<16xf32>
      %add3A_255 = arith.addf %add3A_199, %get3A_254 : vector<16xf32>
      %add3A_256 = arith.constant 2 : i32
      %add3A_257 = arith.addi %mul3A_137, %add3A_256 : i32
      %get3A_258 = arith.index_cast %add3A_257 : i32 to index
      %get3A_259 = arith.constant 16 : index
      %get3A_260 = tpu.vector_load %arg6[%get3A_258, %get3A_259] {strides = array<i32>} : memref<104x128xf32, #tpu.memory_space<vmem>>, vector<1x16xf32>,
      %get3A_261 = vector.shape_cast %get3A_260 : vector<1x16xf32> to vector<16xf32>
      %add3A_262 = arith.addf %add3A_206, %get3A_261 : vector<16xf32>
      %add3A_263 = arith.constant 2 : i32
      %add3A_264 = arith.addi %mul3A_137, %add3A_263 : i32
      %get3A_265 = arith.index_cast %add3A_264 : i32 to index
      %get3A_266 = arith.constant 32 : index
      %get3A_267 = tpu.vector_load %arg6[%get3A_265, %get3A_266] {strides = array<i32>} : memref<104x128xf32, #tpu.memory_space<vmem>>, vector<1x16xf32>,
      %get3A_268 = vector.shape_cast %get3A_267 : vector<1x16xf32> to vector<16xf32>
      %add3A_269 = arith.addf %add3A_213, %get3A_268 : vector<16xf32>
      %add3A_270 = arith.constant 2 : i32
      %add3A_271 = arith.addi %mul3A_137, %add3A_270 : i32
      %get3A_272 = arith.index_cast %add3A_271 : i32 to index
      %get3A_273 = arith.constant 48 : index
      %get3A_274 = tpu.vector_load %arg6[%get3A_272, %get3A_273] {strides = array<i32>} : memref<104x128xf32, #tpu.memory_space<vmem>>, vector<1x16xf32>,
      %get3A_275 = vector.shape_cast %get3A_274 : vector<1x16xf32> to vector<16xf32>
      %add3A_276 = arith.addf %add3A_220, %get3A_275 : vector<16xf32>
      %add3A_277 = arith.constant 2 : i32
      %add3A_278 = arith.addi %mul3A_137, %add3A_277 : i32
      %get3A_279 = arith.index_cast %add3A_278 : i32 to index
      %get3A_280 = arith.constant 64 : index
      %get3A_281 = tpu.vector_load %arg6[%get3A_279, %get3A_280] {strides = array<i32>} : memref<104x128xf32, #tpu.memory_space<vmem>>, vector<1x16xf32>,
      %get3A_282 = vector.shape_cast %get3A_281 : vector<1x16xf32> to vector<16xf32>
      %add3A_283 = arith.addf %add3A_227, %get3A_282 : vector<16xf32>
      %add3A_284 = arith.constant 2 : i32
      %add3A_285 = arith.addi %mul3A_137, %add3A_284 : i32
      %get3A_286 = arith.index_cast %add3A_285 : i32 to index
      %get3A_287 = arith.constant 80 : index
      %get3A_288 = tpu.vector_load %arg6[%get3A_286, %get3A_287] {strides = array<i32>} : memref<104x128xf32, #tpu.memory_space<vmem>>, vector<1x16xf32>,
      %get3A_289 = vector.shape_cast %get3A_288 : vector<1x16xf32> to vector<16xf32>
      %add3A_290 = arith.addf %add3A_234, %get3A_289 : vector<16xf32>
      %add3A_291 = arith.constant 2 : i32
      %add3A_292 = arith.addi %mul3A_137, %add3A_291 : i32
      %get3A_293 = arith.index_cast %add3A_292 : i32 to index
      %get3A_294 = arith.constant 96 : index
      %get3A_295 = tpu.vector_load %arg6[%get3A_293, %get3A_294] {strides = array<i32>} : memref<104x128xf32, #tpu.memory_space<vmem>>, vector<1x16xf32>,
      %get3A_296 = vector.shape_cast %get3A_295 : vector<1x16xf32> to vector<16xf32>
      %add3A_297 = arith.addf %add3A_241, %get3A_296 : vector<16xf32>
      %add3A_298 = arith.constant 2 : i32
      %add3A_299 = arith.addi %mul3A_137, %add3A_298 : i32
      %get3A_300 = arith.index_cast %add3A_299 : i32 to index
      %get3A_301 = arith.constant 112 : index
      %get3A_302 = tpu.vector_load %arg6[%get3A_300, %get3A_301] {strides = array<i32>} : memref<104x128xf32, #tpu.memory_space<vmem>>, vector<1x16xf32>,
      %get3A_303 = vector.shape_cast %get3A_302 : vector<1x16xf32> to vector<16xf32>
      %add3A_304 = arith.addf %add3A_248, %get3A_303 : vector<16xf32>
      %add3A_305 = arith.constant 3 : i32
      %add3A_306 = arith.addi %mul3A_137, %add3A_305 : i32
      %get3A_307 = arith.index_cast %add3A_306 : i32 to index
      %get3A_308 = arith.constant 0 : index
      %get3A_309 = tpu.vector_load %arg6[%get3A_307, %get3A_308] {strides = array<i32>} : memref<104x128xf32, #tpu.memory_space<vmem>>, vector<1x16xf32>,
      %get3A_310 = vector.shape_cast %get3A_309 : vector<1x16xf32> to vector<16xf32>
      %add3A_311 = arith.addf %add3A_255, %get3A_310 : vector<16xf32>
      %add3A_312 = arith.constant 3 : i32
      %add3A_313 = arith.addi %mul3A_137, %add3A_312 : i32
      %get3A_314 = arith.index_cast %add3A_313 : i32 to index
      %get3A_315 = arith.constant 16 : index
      %get3A_316 = tpu.vector_load %arg6[%get3A_314, %get3A_315] {strides = array<i32>} : memref<104x128xf32, #tpu.memory_space<vmem>>, vector<1x16xf32>,
      %get3A_317 = vector.shape_cast %get3A_316 : vector<1x16xf32> to vector<16xf32>
      %add3A_318 = arith.addf %add3A_262, %get3A_317 : vector<16xf32>
      %add3A_319 = arith.constant 3 : i32
      %add3A_320 = arith.addi %mul3A_137, %add3A_319 : i32
      %get3A_321 = arith.index_cast %add3A_320 : i32 to index
      %get3A_322 = arith.constant 32 : index
      %get3A_323 = tpu.vector_load %arg6[%get3A_321, %get3A_322] {strides = array<i32>} : memref<104x128xf32, #tpu.memory_space<vmem>>, vector<1x16xf32>,
      %get3A_324 = vector.shape_cast %get3A_323 : vector<1x16xf32> to vector<16xf32>
      %add3A_325 = arith.addf %add3A_269, %get3A_324 : vector<16xf32>
      %add3A_326 = arith.constant 3 : i32
      %add3A_327 = arith.addi %mul3A_137, %add3A_326 : i32
      %get3A_328 = arith.index_cast %add3A_327 : i32 to index
      %get3A_329 = arith.constant 48 : index
      %get3A_330 = tpu.vector_load %arg6[%get3A_328, %get3A_329] {strides = array<i32>} : memref<104x128xf32, #tpu.memory_space<vmem>>, vector<1x16xf32>,
      %get3A_331 = vector.shape_cast %get3A_330 : vector<1x16xf32> to vector<16xf32>
      %add3A_332 = arith.addf %add3A_276, %get3A_331 : vector<16xf32>
      %add3A_333 = arith.constant 3 : i32
      %add3A_334 = arith.addi %mul3A_137, %add3A_333 : i32
      %get3A_335 = arith.index_cast %add3A_334 : i32 to index
      %get3A_336 = arith.constant 64 : index
      %get3A_337 = tpu.vector_load %arg6[%get3A_335, %get3A_336] {strides = array<i32>} : memref<104x128xf32, #tpu.memory_space<vmem>>, vector<1x16xf32>,
      %get3A_338 = vector.shape_cast %get3A_337 : vector<1x16xf32> to vector<16xf32>
      %add3A_339 = arith.addf %add3A_283, %get3A_338 : vector<16xf32>
      %add3A_340 = arith.constant 3 : i32
      %add3A_341 = arith.addi %mul3A_137, %add3A_340 : i32
      %get3A_342 = arith.index_cast %add3A_341 : i32 to index
      %get3A_343 = arith.constant 80 : index
      %get3A_344 = tpu.vector_load %arg6[%get3A_342, %get3A_343] {strides = array<i32>} : memref<104x128xf32, #tpu.memory_space<vmem>>, vector<1x16xf32>,
      %get3A_345 = vector.shape_cast %get3A_344 : vector<1x16xf32> to vector<16xf32>
      %add3A_346 = arith.addf %add3A_290, %get3A_345 : vector<16xf32>
      %add3A_347 = arith.constant 3 : i32
      %add3A_348 = arith.addi %mul3A_137, %add3A_347 : i32
      %get3A_349 = arith.index_cast %add3A_348 : i32 to index
      %get3A_350 = arith.constant 96 : index
      %get3A_351 = tpu.vector_load %arg6[%get3A_349, %get3A_350] {strides = array<i32>} : memref<104x128xf32, #tpu.memory_space<vmem>>, vector<1x16xf32>,
      %get3A_352 = vector.shape_cast %get3A_351 : vector<1x16xf32> to vector<16xf32>
      %add3A_353 = arith.addf %add3A_297, %get3A_352 : vector<16xf32>
      %add3A_354 = arith.constant 3 : i32
      %add3A_355 = arith.addi %mul3A_137, %add3A_354 : i32
      %get3A_356 = arith.index_cast %add3A_355 : i32 to index
      %get3A_357 = arith.constant 112 : index
      %get3A_358 = tpu.vector_load %arg6[%get3A_356, %get3A_357] {strides = array<i32>} : memref<104x128xf32, #tpu.memory_space<vmem>>, vector<1x16xf32>,
      %get3A_359 = vector.shape_cast %get3A_358 : vector<1x16xf32> to vector<16xf32>
      %add3A_360 = arith.addf %add3A_304, %get3A_359 : vector<16xf32>
      scf.yield %add3A_311, %add3A_318, %add3A_325, %add3A_332, %add3A_339, %add3A_346, %add3A_353, %add3A_360 : vector<16xf32>, vector<16xf32>, vector<16xf32>, vector<16xf32>, vector<16xf32>, vector<16xf32>, vector<16xf32>, vector<16xf32>
    }
    %scan3A_66 = arith.constant 26 : i32
    %dma_wait3A_67 = arith.constant 22304 : i32
    %dma_wait3A_68 = tpu.memref_slice %arg5[%dma_wait3A_67] : memref<22400xi32, #tpu.memory_space<vmem>> -> memref<96xi32, #tpu.memory_space<vmem>>
    %dma_wait3A_69 = arith.constant 0 : i32
    %dma_wait3A_70 = arith.constant 0 : i32
    %dma_wait3A_71 = tpu.memref_slice %arg3[%dma_wait3A_69, %dma_wait3A_70] : memref<100000x128xf32, #tpu.memory_space<hbm>> -> memref<100000x128xf32, #tpu.memory_space<hbm>>
    tpu.wait_indirect_dma semaphore(%arg14 : memref<!tpu.dma_semaphore, #tpu.memory_space<semaphore_mem>>) src(%dma_wait3A_71 : memref<100000x128xf32, #tpu.memory_space<hbm>>) dst(%arg7 : memref<96x128xf32, #tpu.memory_space<vmem>>)
    %scan3A_72 = arith.constant 0 : i32
    %scan3A_73 = arith.constant 24 : i32
    %scan3A_74 = arith.addi %scan3A_72, %scan3A_73 : i32
    %scan3A_75 = arith.constant 1 : i32
    %scan3A_76:8 = scf.for %scan3A_127 = %scan3A_72 to %scan3A_74 step %scan3A_75 iter_args(%scan3A_128 = %scan3A_65#0, %scan3A_129 = %scan3A_65#1, %scan3A_130 = %scan3A_65#2, %scan3A_131 = %scan3A_65#3, %scan3A_132 = %scan3A_65#4, %scan3A_133 = %scan3A_65#5, %scan3A_134 = %scan3A_65#6, %scan3A_135 = %scan3A_65#7) -> (vector<16xf32>, vector<16xf32>, vector<16xf32>, vector<16xf32>, vector<16xf32>, vector<16xf32>, vector<16xf32>, vector<16xf32>)  : i32 {
      %mul3A_136 = arith.constant 4 : i32
      %mul3A_137 = arith.muli %scan3A_127, %mul3A_136 : i32
      %add3A_138 = arith.constant 0 : i32
      %add3A_139 = arith.addi %mul3A_137, %add3A_138 : i32
      %get3A = arith.index_cast %add3A_139 : i32 to index
      %get3A_140 = arith.constant 0 : index
      %get3A_141 = tpu.vector_load %arg7[%get3A, %get3A_140] {strides = array<i32>} : memref<96x128xf32, #tpu.memory_space<vmem>>, vector<1x16xf32>,
      %get3A_142 = vector.shape_cast %get3A_141 : vector<1x16xf32> to vector<16xf32>
      %add3A_143 = arith.addf %scan3A_128, %get3A_142 : vector<16xf32>
      %add3A_144 = arith.constant 0 : i32
      %add3A_145 = arith.addi %mul3A_137, %add3A_144 : i32
      %get3A_146 = arith.index_cast %add3A_145 : i32 to index
      %get3A_147 = arith.constant 16 : index
      %get3A_148 = tpu.vector_load %arg7[%get3A_146, %get3A_147] {strides = array<i32>} : memref<96x128xf32, #tpu.memory_space<vmem>>, vector<1x16xf32>,
      %get3A_149 = vector.shape_cast %get3A_148 : vector<1x16xf32> to vector<16xf32>
      %add3A_150 = arith.addf %scan3A_129, %get3A_149 : vector<16xf32>
      %add3A_151 = arith.constant 0 : i32
      %add3A_152 = arith.addi %mul3A_137, %add3A_151 : i32
      %get3A_153 = arith.index_cast %add3A_152 : i32 to index
      %get3A_154 = arith.constant 32 : index
      %get3A_155 = tpu.vector_load %arg7[%get3A_153, %get3A_154] {strides = array<i32>} : memref<96x128xf32, #tpu.memory_space<vmem>>, vector<1x16xf32>,
      %get3A_156 = vector.shape_cast %get3A_155 : vector<1x16xf32> to vector<16xf32>
      %add3A_157 = arith.addf %scan3A_130, %get3A_156 : vector<16xf32>
      %add3A_158 = arith.constant 0 : i32
      %add3A_159 = arith.addi %mul3A_137, %add3A_158 : i32
      %get3A_160 = arith.index_cast %add3A_159 : i32 to index
      %get3A_161 = arith.constant 48 : index
      %get3A_162 = tpu.vector_load %arg7[%get3A_160, %get3A_161] {strides = array<i32>} : memref<96x128xf32, #tpu.memory_space<vmem>>, vector<1x16xf32>,
      %get3A_163 = vector.shape_cast %get3A_162 : vector<1x16xf32> to vector<16xf32>
      %add3A_164 = arith.addf %scan3A_131, %get3A_163 : vector<16xf32>
      %add3A_165 = arith.constant 0 : i32
      %add3A_166 = arith.addi %mul3A_137, %add3A_165 : i32
      %get3A_167 = arith.index_cast %add3A_166 : i32 to index
      %get3A_168 = arith.constant 64 : index
      %get3A_169 = tpu.vector_load %arg7[%get3A_167, %get3A_168] {strides = array<i32>} : memref<96x128xf32, #tpu.memory_space<vmem>>, vector<1x16xf32>,
      %get3A_170 = vector.shape_cast %get3A_169 : vector<1x16xf32> to vector<16xf32>
      %add3A_171 = arith.addf %scan3A_132, %get3A_170 : vector<16xf32>
      %add3A_172 = arith.constant 0 : i32
      %add3A_173 = arith.addi %mul3A_137, %add3A_172 : i32
      %get3A_174 = arith.index_cast %add3A_173 : i32 to index
      %get3A_175 = arith.constant 80 : index
      %get3A_176 = tpu.vector_load %arg7[%get3A_174, %get3A_175] {strides = array<i32>} : memref<96x128xf32, #tpu.memory_space<vmem>>, vector<1x16xf32>,
      %get3A_177 = vector.shape_cast %get3A_176 : vector<1x16xf32> to vector<16xf32>
      %add3A_178 = arith.addf %scan3A_133, %get3A_177 : vector<16xf32>
      %add3A_179 = arith.constant 0 : i32
      %add3A_180 = arith.addi %mul3A_137, %add3A_179 : i32
      %get3A_181 = arith.index_cast %add3A_180 : i32 to index
      %get3A_182 = arith.constant 96 : index
      %get3A_183 = tpu.vector_load %arg7[%get3A_181, %get3A_182] {strides = array<i32>} : memref<96x128xf32, #tpu.memory_space<vmem>>, vector<1x16xf32>,
      %get3A_184 = vector.shape_cast %get3A_183 : vector<1x16xf32> to vector<16xf32>
      %add3A_185 = arith.addf %scan3A_134, %get3A_184 : vector<16xf32>
      %add3A_186 = arith.constant 0 : i32
      %add3A_187 = arith.addi %mul3A_137, %add3A_186 : i32
      %get3A_188 = arith.index_cast %add3A_187 : i32 to index
      %get3A_189 = arith.constant 112 : index
      %get3A_190 = tpu.vector_load %arg7[%get3A_188, %get3A_189] {strides = array<i32>} : memref<96x128xf32, #tpu.memory_space<vmem>>, vector<1x16xf32>,
      %get3A_191 = vector.shape_cast %get3A_190 : vector<1x16xf32> to vector<16xf32>
      %add3A_192 = arith.addf %scan3A_135, %get3A_191 : vector<16xf32>
      %add3A_193 = arith.constant 1 : i32
      %add3A_194 = arith.addi %mul3A_137, %add3A_193 : i32
      %get3A_195 = arith.index_cast %add3A_194 : i32 to index
      %get3A_196 = arith.constant 0 : index
      %get3A_197 = tpu.vector_load %arg7[%get3A_195, %get3A_196] {strides = array<i32>} : memref<96x128xf32, #tpu.memory_space<vmem>>, vector<1x16xf32>,
      %get3A_198 = vector.shape_cast %get3A_197 : vector<1x16xf32> to vector<16xf32>
      %add3A_199 = arith.addf %add3A_143, %get3A_198 : vector<16xf32>
      %add3A_200 = arith.constant 1 : i32
      %add3A_201 = arith.addi %mul3A_137, %add3A_200 : i32
      %get3A_202 = arith.index_cast %add3A_201 : i32 to index
      %get3A_203 = arith.constant 16 : index
      %get3A_204 = tpu.vector_load %arg7[%get3A_202, %get3A_203] {strides = array<i32>} : memref<96x128xf32, #tpu.memory_space<vmem>>, vector<1x16xf32>,
      %get3A_205 = vector.shape_cast %get3A_204 : vector<1x16xf32> to vector<16xf32>
      %add3A_206 = arith.addf %add3A_150, %get3A_205 : vector<16xf32>
      %add3A_207 = arith.constant 1 : i32
      %add3A_208 = arith.addi %mul3A_137, %add3A_207 : i32
      %get3A_209 = arith.index_cast %add3A_208 : i32 to index
      %get3A_210 = arith.constant 32 : index
      %get3A_211 = tpu.vector_load %arg7[%get3A_209, %get3A_210] {strides = array<i32>} : memref<96x128xf32, #tpu.memory_space<vmem>>, vector<1x16xf32>,
      %get3A_212 = vector.shape_cast %get3A_211 : vector<1x16xf32> to vector<16xf32>
      %add3A_213 = arith.addf %add3A_157, %get3A_212 : vector<16xf32>
      %add3A_214 = arith.constant 1 : i32
      %add3A_215 = arith.addi %mul3A_137, %add3A_214 : i32
      %get3A_216 = arith.index_cast %add3A_215 : i32 to index
      %get3A_217 = arith.constant 48 : index
      %get3A_218 = tpu.vector_load %arg7[%get3A_216, %get3A_217] {strides = array<i32>} : memref<96x128xf32, #tpu.memory_space<vmem>>, vector<1x16xf32>,
      %get3A_219 = vector.shape_cast %get3A_218 : vector<1x16xf32> to vector<16xf32>
      %add3A_220 = arith.addf %add3A_164, %get3A_219 : vector<16xf32>
      %add3A_221 = arith.constant 1 : i32
      %add3A_222 = arith.addi %mul3A_137, %add3A_221 : i32
      %get3A_223 = arith.index_cast %add3A_222 : i32 to index
      %get3A_224 = arith.constant 64 : index
      %get3A_225 = tpu.vector_load %arg7[%get3A_223, %get3A_224] {strides = array<i32>} : memref<96x128xf32, #tpu.memory_space<vmem>>, vector<1x16xf32>,
      %get3A_226 = vector.shape_cast %get3A_225 : vector<1x16xf32> to vector<16xf32>
      %add3A_227 = arith.addf %add3A_171, %get3A_226 : vector<16xf32>
      %add3A_228 = arith.constant 1 : i32
      %add3A_229 = arith.addi %mul3A_137, %add3A_228 : i32
      %get3A_230 = arith.index_cast %add3A_229 : i32 to index
      %get3A_231 = arith.constant 80 : index
      %get3A_232 = tpu.vector_load %arg7[%get3A_230, %get3A_231] {strides = array<i32>} : memref<96x128xf32, #tpu.memory_space<vmem>>, vector<1x16xf32>,
      %get3A_233 = vector.shape_cast %get3A_232 : vector<1x16xf32> to vector<16xf32>
      %add3A_234 = arith.addf %add3A_178, %get3A_233 : vector<16xf32>
      %add3A_235 = arith.constant 1 : i32
      %add3A_236 = arith.addi %mul3A_137, %add3A_235 : i32
      %get3A_237 = arith.index_cast %add3A_236 : i32 to index
      %get3A_238 = arith.constant 96 : index
      %get3A_239 = tpu.vector_load %arg7[%get3A_237, %get3A_238] {strides = array<i32>} : memref<96x128xf32, #tpu.memory_space<vmem>>, vector<1x16xf32>,
      %get3A_240 = vector.shape_cast %get3A_239 : vector<1x16xf32> to vector<16xf32>
      %add3A_241 = arith.addf %add3A_185, %get3A_240 : vector<16xf32>
      %add3A_242 = arith.constant 1 : i32
      %add3A_243 = arith.addi %mul3A_137, %add3A_242 : i32
      %get3A_244 = arith.index_cast %add3A_243 : i32 to index
      %get3A_245 = arith.constant 112 : index
      %get3A_246 = tpu.vector_load %arg7[%get3A_244, %get3A_245] {strides = array<i32>} : memref<96x128xf32, #tpu.memory_space<vmem>>, vector<1x16xf32>,
      %get3A_247 = vector.shape_cast %get3A_246 : vector<1x16xf32> to vector<16xf32>
      %add3A_248 = arith.addf %add3A_192, %get3A_247 : vector<16xf32>
      %add3A_249 = arith.constant 2 : i32
      %add3A_250 = arith.addi %mul3A_137, %add3A_249 : i32
      %get3A_251 = arith.index_cast %add3A_250 : i32 to index
      %get3A_252 = arith.constant 0 : index
      %get3A_253 = tpu.vector_load %arg7[%get3A_251, %get3A_252] {strides = array<i32>} : memref<96x128xf32, #tpu.memory_space<vmem>>, vector<1x16xf32>,
      %get3A_254 = vector.shape_cast %get3A_253 : vector<1x16xf32> to vector<16xf32>
      %add3A_255 = arith.addf %add3A_199, %get3A_254 : vector<16xf32>
      %add3A_256 = arith.constant 2 : i32
      %add3A_257 = arith.addi %mul3A_137, %add3A_256 : i32
      %get3A_258 = arith.index_cast %add3A_257 : i32 to index
      %get3A_259 = arith.constant 16 : index
      %get3A_260 = tpu.vector_load %arg7[%get3A_258, %get3A_259] {strides = array<i32>} : memref<96x128xf32, #tpu.memory_space<vmem>>, vector<1x16xf32>,
      %get3A_261 = vector.shape_cast %get3A_260 : vector<1x16xf32> to vector<16xf32>
      %add3A_262 = arith.addf %add3A_206, %get3A_261 : vector<16xf32>
      %add3A_263 = arith.constant 2 : i32
      %add3A_264 = arith.addi %mul3A_137, %add3A_263 : i32
      %get3A_265 = arith.index_cast %add3A_264 : i32 to index
      %get3A_266 = arith.constant 32 : index
      %get3A_267 = tpu.vector_load %arg7[%get3A_265, %get3A_266] {strides = array<i32>} : memref<96x128xf32, #tpu.memory_space<vmem>>, vector<1x16xf32>,
      %get3A_268 = vector.shape_cast %get3A_267 : vector<1x16xf32> to vector<16xf32>
      %add3A_269 = arith.addf %add3A_213, %get3A_268 : vector<16xf32>
      %add3A_270 = arith.constant 2 : i32
      %add3A_271 = arith.addi %mul3A_137, %add3A_270 : i32
      %get3A_272 = arith.index_cast %add3A_271 : i32 to index
      %get3A_273 = arith.constant 48 : index
      %get3A_274 = tpu.vector_load %arg7[%get3A_272, %get3A_273] {strides = array<i32>} : memref<96x128xf32, #tpu.memory_space<vmem>>, vector<1x16xf32>,
      %get3A_275 = vector.shape_cast %get3A_274 : vector<1x16xf32> to vector<16xf32>
      %add3A_276 = arith.addf %add3A_220, %get3A_275 : vector<16xf32>
      %add3A_277 = arith.constant 2 : i32
      %add3A_278 = arith.addi %mul3A_137, %add3A_277 : i32
      %get3A_279 = arith.index_cast %add3A_278 : i32 to index
      %get3A_280 = arith.constant 64 : index
      %get3A_281 = tpu.vector_load %arg7[%get3A_279, %get3A_280] {strides = array<i32>} : memref<96x128xf32, #tpu.memory_space<vmem>>, vector<1x16xf32>,
      %get3A_282 = vector.shape_cast %get3A_281 : vector<1x16xf32> to vector<16xf32>
      %add3A_283 = arith.addf %add3A_227, %get3A_282 : vector<16xf32>
      %add3A_284 = arith.constant 2 : i32
      %add3A_285 = arith.addi %mul3A_137, %add3A_284 : i32
      %get3A_286 = arith.index_cast %add3A_285 : i32 to index
      %get3A_287 = arith.constant 80 : index
      %get3A_288 = tpu.vector_load %arg7[%get3A_286, %get3A_287] {strides = array<i32>} : memref<96x128xf32, #tpu.memory_space<vmem>>, vector<1x16xf32>,
      %get3A_289 = vector.shape_cast %get3A_288 : vector<1x16xf32> to vector<16xf32>
      %add3A_290 = arith.addf %add3A_234, %get3A_289 : vector<16xf32>
      %add3A_291 = arith.constant 2 : i32
      %add3A_292 = arith.addi %mul3A_137, %add3A_291 : i32
      %get3A_293 = arith.index_cast %add3A_292 : i32 to index
      %get3A_294 = arith.constant 96 : index
      %get3A_295 = tpu.vector_load %arg7[%get3A_293, %get3A_294] {strides = array<i32>} : memref<96x128xf32, #tpu.memory_space<vmem>>, vector<1x16xf32>,
      %get3A_296 = vector.shape_cast %get3A_295 : vector<1x16xf32> to vector<16xf32>
      %add3A_297 = arith.addf %add3A_241, %get3A_296 : vector<16xf32>
      %add3A_298 = arith.constant 2 : i32
      %add3A_299 = arith.addi %mul3A_137, %add3A_298 : i32
      %get3A_300 = arith.index_cast %add3A_299 : i32 to index
      %get3A_301 = arith.constant 112 : index
      %get3A_302 = tpu.vector_load %arg7[%get3A_300, %get3A_301] {strides = array<i32>} : memref<96x128xf32, #tpu.memory_space<vmem>>, vector<1x16xf32>,
      %get3A_303 = vector.shape_cast %get3A_302 : vector<1x16xf32> to vector<16xf32>
      %add3A_304 = arith.addf %add3A_248, %get3A_303 : vector<16xf32>
      %add3A_305 = arith.constant 3 : i32
      %add3A_306 = arith.addi %mul3A_137, %add3A_305 : i32
      %get3A_307 = arith.index_cast %add3A_306 : i32 to index
      %get3A_308 = arith.constant 0 : index
      %get3A_309 = tpu.vector_load %arg7[%get3A_307, %get3A_308] {strides = array<i32>} : memref<96x128xf32, #tpu.memory_space<vmem>>, vector<1x16xf32>,
      %get3A_310 = vector.shape_cast %get3A_309 : vector<1x16xf32> to vector<16xf32>
      %add3A_311 = arith.addf %add3A_255, %get3A_310 : vector<16xf32>
      %add3A_312 = arith.constant 3 : i32
      %add3A_313 = arith.addi %mul3A_137, %add3A_312 : i32
      %get3A_314 = arith.index_cast %add3A_313 : i32 to index
      %get3A_315 = arith.constant 16 : index
      %get3A_316 = tpu.vector_load %arg7[%get3A_314, %get3A_315] {strides = array<i32>} : memref<96x128xf32, #tpu.memory_space<vmem>>, vector<1x16xf32>,
      %get3A_317 = vector.shape_cast %get3A_316 : vector<1x16xf32> to vector<16xf32>
      %add3A_318 = arith.addf %add3A_262, %get3A_317 : vector<16xf32>
      %add3A_319 = arith.constant 3 : i32
      %add3A_320 = arith.addi %mul3A_137, %add3A_319 : i32
      %get3A_321 = arith.index_cast %add3A_320 : i32 to index
      %get3A_322 = arith.constant 32 : index
      %get3A_323 = tpu.vector_load %arg7[%get3A_321, %get3A_322] {strides = array<i32>} : memref<96x128xf32, #tpu.memory_space<vmem>>, vector<1x16xf32>,
      %get3A_324 = vector.shape_cast %get3A_323 : vector<1x16xf32> to vector<16xf32>
      %add3A_325 = arith.addf %add3A_269, %get3A_324 : vector<16xf32>
      %add3A_326 = arith.constant 3 : i32
      %add3A_327 = arith.addi %mul3A_137, %add3A_326 : i32
      %get3A_328 = arith.index_cast %add3A_327 : i32 to index
      %get3A_329 = arith.constant 48 : index
      %get3A_330 = tpu.vector_load %arg7[%get3A_328, %get3A_329] {strides = array<i32>} : memref<96x128xf32, #tpu.memory_space<vmem>>, vector<1x16xf32>,
      %get3A_331 = vector.shape_cast %get3A_330 : vector<1x16xf32> to vector<16xf32>
      %add3A_332 = arith.addf %add3A_276, %get3A_331 : vector<16xf32>
      %add3A_333 = arith.constant 3 : i32
      %add3A_334 = arith.addi %mul3A_137, %add3A_333 : i32
      %get3A_335 = arith.index_cast %add3A_334 : i32 to index
      %get3A_336 = arith.constant 64 : index
      %get3A_337 = tpu.vector_load %arg7[%get3A_335, %get3A_336] {strides = array<i32>} : memref<96x128xf32, #tpu.memory_space<vmem>>, vector<1x16xf32>,
      %get3A_338 = vector.shape_cast %get3A_337 : vector<1x16xf32> to vector<16xf32>
      %add3A_339 = arith.addf %add3A_283, %get3A_338 : vector<16xf32>
      %add3A_340 = arith.constant 3 : i32
      %add3A_341 = arith.addi %mul3A_137, %add3A_340 : i32
      %get3A_342 = arith.index_cast %add3A_341 : i32 to index
      %get3A_343 = arith.constant 80 : index
      %get3A_344 = tpu.vector_load %arg7[%get3A_342, %get3A_343] {strides = array<i32>} : memref<96x128xf32, #tpu.memory_space<vmem>>, vector<1x16xf32>,
      %get3A_345 = vector.shape_cast %get3A_344 : vector<1x16xf32> to vector<16xf32>
      %add3A_346 = arith.addf %add3A_290, %get3A_345 : vector<16xf32>
      %add3A_347 = arith.constant 3 : i32
      %add3A_348 = arith.addi %mul3A_137, %add3A_347 : i32
      %get3A_349 = arith.index_cast %add3A_348 : i32 to index
      %get3A_350 = arith.constant 96 : index
      %get3A_351 = tpu.vector_load %arg7[%get3A_349, %get3A_350] {strides = array<i32>} : memref<96x128xf32, #tpu.memory_space<vmem>>, vector<1x16xf32>,
      %get3A_352 = vector.shape_cast %get3A_351 : vector<1x16xf32> to vector<16xf32>
      %add3A_353 = arith.addf %add3A_297, %get3A_352 : vector<16xf32>
      %add3A_354 = arith.constant 3 : i32
      %add3A_355 = arith.addi %mul3A_137, %add3A_354 : i32
      %get3A_356 = arith.index_cast %add3A_355 : i32 to index
      %get3A_357 = arith.constant 112 : index
      %get3A_358 = tpu.vector_load %arg7[%get3A_356, %get3A_357] {strides = array<i32>} : memref<96x128xf32, #tpu.memory_space<vmem>>, vector<1x16xf32>,
      %get3A_359 = vector.shape_cast %get3A_358 : vector<1x16xf32> to vector<16xf32>
      %add3A_360 = arith.addf %add3A_304, %get3A_359 : vector<16xf32>
      scf.yield %add3A_311, %add3A_318, %add3A_325, %add3A_332, %add3A_339, %add3A_346, %add3A_353, %add3A_360 : vector<16xf32>, vector<16xf32>, vector<16xf32>, vector<16xf32>, vector<16xf32>, vector<16xf32>, vector<16xf32>, vector<16xf32>
    }
    %scan3A_77 = arith.constant 24 : i32
    %swap3A = arith.constant 111 : i32
    %swap3A_78 = arith.index_cast %swap3A : i32 to index
    %swap3A_79 = arith.constant 0 : index
    %swap3A_80 = tpu.vector_load %arg12[%swap3A_78, %swap3A_79] {strides = array<i32>} : memref<112x128xf32, #tpu.memory_space<vmem>>, vector<1x16xf32>,
    %swap3A_81 = vector.shape_cast %swap3A_80 : vector<1x16xf32> to vector<16xf32>
    %swap3A_82 = vector.shape_cast %scan3A_76#0 : vector<16xf32> to vector<1x16xf32>
    tpu.vector_store %arg12[%swap3A_78, %swap3A_79], %swap3A_82 {strides = array<i32>} : memref<112x128xf32, #tpu.memory_space<vmem>>, vector<1x16xf32>,
    %swap3A_83 = arith.constant 111 : i32
    %swap3A_84 = arith.index_cast %swap3A_83 : i32 to index
    %swap3A_85 = arith.constant 16 : index
    %swap3A_86 = tpu.vector_load %arg12[%swap3A_84, %swap3A_85] {strides = array<i32>} : memref<112x128xf32, #tpu.memory_space<vmem>>, vector<1x16xf32>,
    %swap3A_87 = vector.shape_cast %swap3A_86 : vector<1x16xf32> to vector<16xf32>
    %swap3A_88 = vector.shape_cast %scan3A_76#1 : vector<16xf32> to vector<1x16xf32>
    tpu.vector_store %arg12[%swap3A_84, %swap3A_85], %swap3A_88 {strides = array<i32>} : memref<112x128xf32, #tpu.memory_space<vmem>>, vector<1x16xf32>,
    %swap3A_89 = arith.constant 111 : i32
    %swap3A_90 = arith.index_cast %swap3A_89 : i32 to index
    %swap3A_91 = arith.constant 32 : index
    %swap3A_92 = tpu.vector_load %arg12[%swap3A_90, %swap3A_91] {strides = array<i32>} : memref<112x128xf32, #tpu.memory_space<vmem>>, vector<1x16xf32>,
    %swap3A_93 = vector.shape_cast %swap3A_92 : vector<1x16xf32> to vector<16xf32>
    %swap3A_94 = vector.shape_cast %scan3A_76#2 : vector<16xf32> to vector<1x16xf32>
    tpu.vector_store %arg12[%swap3A_90, %swap3A_91], %swap3A_94 {strides = array<i32>} : memref<112x128xf32, #tpu.memory_space<vmem>>, vector<1x16xf32>,
    %swap3A_95 = arith.constant 111 : i32
    %swap3A_96 = arith.index_cast %swap3A_95 : i32 to index
    %swap3A_97 = arith.constant 48 : index
    %swap3A_98 = tpu.vector_load %arg12[%swap3A_96, %swap3A_97] {strides = array<i32>} : memref<112x128xf32, #tpu.memory_space<vmem>>, vector<1x16xf32>,
    %swap3A_99 = vector.shape_cast %swap3A_98 : vector<1x16xf32> to vector<16xf32>
    %swap3A_100 = vector.shape_cast %scan3A_76#3 : vector<16xf32> to vector<1x16xf32>
    tpu.vector_store %arg12[%swap3A_96, %swap3A_97], %swap3A_100 {strides = array<i32>} : memref<112x128xf32, #tpu.memory_space<vmem>>, vector<1x16xf32>,
    %swap3A_101 = arith.constant 111 : i32
    %swap3A_102 = arith.index_cast %swap3A_101 : i32 to index
    %swap3A_103 = arith.constant 64 : index
    %swap3A_104 = tpu.vector_load %arg12[%swap3A_102, %swap3A_103] {strides = array<i32>} : memref<112x128xf32, #tpu.memory_space<vmem>>, vector<1x16xf32>,
    %swap3A_105 = vector.shape_cast %swap3A_104 : vector<1x16xf32> to vector<16xf32>
    %swap3A_106 = vector.shape_cast %scan3A_76#4 : vector<16xf32> to vector<1x16xf32>
    tpu.vector_store %arg12[%swap3A_102, %swap3A_103], %swap3A_106 {strides = array<i32>} : memref<112x128xf32, #tpu.memory_space<vmem>>, vector<1x16xf32>,
    %swap3A_107 = arith.constant 111 : i32
    %swap3A_108 = arith.index_cast %swap3A_107 : i32 to index
    %swap3A_109 = arith.constant 80 : index
    %swap3A_110 = tpu.vector_load %arg12[%swap3A_108, %swap3A_109] {strides = array<i32>} : memref<112x128xf32, #tpu.memory_space<vmem>>, vector<1x16xf32>,
    %swap3A_111 = vector.shape_cast %swap3A_110 : vector<1x16xf32> to vector<16xf32>
    %swap3A_112 = vector.shape_cast %scan3A_76#5 : vector<16xf32> to vector<1x16xf32>
    tpu.vector_store %arg12[%swap3A_108, %swap3A_109], %swap3A_112 {strides = array<i32>} : memref<112x128xf32, #tpu.memory_space<vmem>>, vector<1x16xf32>,
    %swap3A_113 = arith.constant 111 : i32
    %swap3A_114 = arith.index_cast %swap3A_113 : i32 to index
    %swap3A_115 = arith.constant 96 : index
    %swap3A_116 = tpu.vector_load %arg12[%swap3A_114, %swap3A_115] {strides = array<i32>} : memref<112x128xf32, #tpu.memory_space<vmem>>, vector<1x16xf32>,
    %swap3A_117 = vector.shape_cast %swap3A_116 : vector<1x16xf32> to vector<16xf32>
    %swap3A_118 = vector.shape_cast %scan3A_76#6 : vector<16xf32> to vector<1x16xf32>
    tpu.vector_store %arg12[%swap3A_114, %swap3A_115], %swap3A_118 {strides = array<i32>} : memref<112x128xf32, #tpu.memory_space<vmem>>, vector<1x16xf32>,
    %swap3A_119 = arith.constant 111 : i32
    %swap3A_120 = arith.index_cast %swap3A_119 : i32 to index
    %swap3A_121 = arith.constant 112 : index
    %swap3A_122 = tpu.vector_load %arg12[%swap3A_120, %swap3A_121] {strides = array<i32>} : memref<112x128xf32, #tpu.memory_space<vmem>>, vector<1x16xf32>,
    %swap3A_123 = vector.shape_cast %swap3A_122 : vector<1x16xf32> to vector<16xf32>
    %swap3A_124 = vector.shape_cast %scan3A_76#7 : vector<16xf32> to vector<1x16xf32>
    tpu.vector_store %arg12[%swap3A_120, %swap3A_121], %swap3A_124 {strides = array<i32>} : memref<112x128xf32, #tpu.memory_space<vmem>>, vector<1x16xf32>,
    %mul3A_125 = arith.constant 112 : i32
    %mul3A_126 = arith.muli %add3A, %mul3A_125 : i32
    "tpu.region"() ({
      %run_scoped3A = tpu.sem_alloc : memref<!tpu.dma_semaphore, #tpu.memory_space<semaphore_mem>>
      %dma_start3A_127 = arith.constant 0 : i32
      %dma_start3A_128 = tpu.memref_slice %arg4[%mul3A_126, %dma_start3A_127] : memref<3584x128xf32, #tpu.memory_space<hbm>> -> memref<112x128xf32, #tpu.memory_space<hbm>>
      %dma_start3A_129 = arith.constant 0 : i32
      %dma_start3A_130 = tpu.memref_slice %arg4[%mul3A_126, %dma_start3A_129] : memref<3584x128xf32, #tpu.memory_space<hbm>> -> memref<112x128xf32, #tpu.memory_space<hbm>>
      tpu.enqueue_dma source(%arg12 : memref<112x128xf32, #tpu.memory_space<vmem>>) target(%dma_start3A_130 : memref<112x128xf32, #tpu.memory_space<hbm>>) target_semaphore(%run_scoped3A : memref<!tpu.dma_semaphore, #tpu.memory_space<semaphore_mem>>)
      %dma_wait3A_131 = arith.constant 0 : i32
      %dma_wait3A_132 = tpu.memref_slice %arg4[%mul3A_126, %dma_wait3A_131] : memref<3584x128xf32, #tpu.memory_space<hbm>> -> memref<112x128xf32, #tpu.memory_space<hbm>>
      %dma_wait3A_133 = arith.constant 0 : i32
      %dma_wait3A_134 = tpu.memref_slice %arg4[%mul3A_126, %dma_wait3A_133] : memref<3584x128xf32, #tpu.memory_space<hbm>> -> memref<112x128xf32, #tpu.memory_space<hbm>>
      tpu.wait_dma2 semaphore(%run_scoped3A : memref<!tpu.dma_semaphore, #tpu.memory_space<semaphore_mem>>) src(%arg12 : memref<112x128xf32, #tpu.memory_space<vmem>>) dst(%dma_wait3A_134 : memref<112x128xf32, #tpu.memory_space<hbm>>)
      tpu.yield
    }) : () -> ()
    return
  }
}

#map = affine_map<(d0, d1) -> (0)>
#map1 = affine_map<(d0, d1) -> (0, 0)>
module attributes {stable_mosaic.version = 14 : i64} {
  func.func @_bag_sum_body(%arg0: i32, %arg1: i32, %arg2: memref<819200xi32, #tpu.memory_space<hbm>>, %arg3: memref<100000x128xf32, #tpu.memory_space<hbm>>, %arg4: memref<512x128xf32, #tpu.memory_space<hbm>>, %arg5: memref<3200xi32, #tpu.memory_space<vmem>>, %arg6: memref<104x128xf32, #tpu.memory_space<vmem>>, %arg7: memref<96x128xf32, #tpu.memory_space<vmem>>, %arg8: memref<104x128xf32, #tpu.memory_space<vmem>>, %arg9: memref<96x128xf32, #tpu.memory_space<vmem>>, %arg10: memref<104x128xf32, #tpu.memory_space<vmem>>, %arg11: memref<96x128xf32, #tpu.memory_space<vmem>>, %arg12: memref<16x128xf32, #tpu.memory_space<vmem>>, %arg13: memref<!tpu.dma_semaphore, #tpu.memory_space<semaphore_mem>>, %arg14: memref<!tpu.dma_semaphore, #tpu.memory_space<semaphore_mem>>, %arg15: memref<!tpu.dma_semaphore, #tpu.memory_space<semaphore_mem>>, %arg16: memref<!tpu.dma_semaphore, #tpu.memory_space<semaphore_mem>>, %arg17: memref<!tpu.dma_semaphore, #tpu.memory_space<semaphore_mem>>, %arg18: memref<!tpu.dma_semaphore, #tpu.memory_space<semaphore_mem>>) attributes {dimension_semantics = [#tpu.dimension_semantics<core_parallel>, #tpu.dimension_semantics<subcore_parallel>], iteration_bounds = array<i64: 2, 16>, scalar_prefetch = 0 : i64, scratch_operands = 14 : i64, tpu.core_type = #tpu.core_type<sc_vector_subcore>, window_params = [{transform_indices = #map}, {transform_indices = #map1}, {transform_indices = #map1}]} {
    %mul3A = arith.constant 2 : i32
    %mul3A_0 = arith.muli %arg1, %mul3A : i32
    %add3A = arith.addi %mul3A_0, %arg0 : i32
    %mul3A_1 = arith.constant 16 : i32
    %mul3A_2 = arith.muli %add3A, %mul3A_1 : i32
    %add3A_3 = arith.constant 3584 : i32
    %add3A_4 = arith.addi %add3A_3, %mul3A_2 : i32
    %mul3A_5 = arith.constant 200 : i32
    %mul3A_6 = arith.muli %add3A_4, %mul3A_5 : i32
    "tpu.region"() ({
      %run_scoped3A = tpu.sem_alloc : memref<!tpu.dma_semaphore, #tpu.memory_space<semaphore_mem>>
      %dma_start3A_127 = tpu.memref_slice %arg2[%mul3A_6] : memref<819200xi32, #tpu.memory_space<hbm>> -> memref<3200xi32, #tpu.memory_space<hbm>>
      %dma_start3A_128 = tpu.memref_slice %arg2[%mul3A_6] : memref<819200xi32, #tpu.memory_space<hbm>> -> memref<3200xi32, #tpu.memory_space<hbm>>
      tpu.enqueue_dma source(%dma_start3A_128 : memref<3200xi32, #tpu.memory_space<hbm>>) target(%arg5 : memref<3200xi32, #tpu.memory_space<vmem>>) target_semaphore(%run_scoped3A : memref<!tpu.dma_semaphore, #tpu.memory_space<semaphore_mem>>)
      %dma_wait3A_129 = tpu.memref_slice %arg2[%mul3A_6] : memref<819200xi32, #tpu.memory_space<hbm>> -> memref<3200xi32, #tpu.memory_space<hbm>>
      %dma_wait3A_130 = tpu.memref_slice %arg2[%mul3A_6] : memref<819200xi32, #tpu.memory_space<hbm>> -> memref<3200xi32, #tpu.memory_space<hbm>>
      tpu.wait_dma2 semaphore(%run_scoped3A : memref<!tpu.dma_semaphore, #tpu.memory_space<semaphore_mem>>) src(%dma_wait3A_130 : memref<3200xi32, #tpu.memory_space<hbm>>) dst(%arg5 : memref<3200xi32, #tpu.memory_space<vmem>>)
      tpu.yield
    }) : () -> ()
    %dma_start3A = arith.constant 0 : i32
    %dma_start3A_7 = tpu.memref_slice %arg5[%dma_start3A] : memref<3200xi32, #tpu.memory_space<vmem>> -> memref<104xi32, #tpu.memory_space<vmem>>
    %dma_start3A_8 = arith.constant 0 : i32
    %dma_start3A_9 = arith.constant 0 : i32
    %dma_start3A_10 = tpu.memref_slice %arg3[%dma_start3A_8, %dma_start3A_9] : memref<100000x128xf32, #tpu.memory_space<hbm>> -> memref<100000x128xf32, #tpu.memory_space<hbm>>
    tpu.enqueue_indirect_dma source(%dma_start3A_10 : memref<100000x128xf32, #tpu.memory_space<hbm>>) target(%arg6 : memref<104x128xf32, #tpu.memory_space<vmem>>) offsets(%dma_start3A_7 : memref<104xi32, #tpu.memory_space<vmem>>) semaphore(%arg13 : memref<!tpu.dma_semaphore, #tpu.memory_space<semaphore_mem>>)
    %dma_start3A_11 = arith.constant 104 : i32
    %dma_start3A_12 = tpu.memref_slice %arg5[%dma_start3A_11] : memref<3200xi32, #tpu.memory_space<vmem>> -> memref<96xi32, #tpu.memory_space<vmem>>
    %dma_start3A_13 = arith.constant 0 : i32
    %dma_start3A_14 = arith.constant 0 : i32
    %dma_start3A_15 = tpu.memref_slice %arg3[%dma_start3A_13, %dma_start3A_14] : memref<100000x128xf32, #tpu.memory_space<hbm>> -> memref<100000x128xf32, #tpu.memory_space<hbm>>
    tpu.enqueue_indirect_dma source(%dma_start3A_15 : memref<100000x128xf32, #tpu.memory_space<hbm>>) target(%arg7 : memref<96x128xf32, #tpu.memory_space<vmem>>) offsets(%dma_start3A_12 : memref<96xi32, #tpu.memory_space<vmem>>) semaphore(%arg14 : memref<!tpu.dma_semaphore, #tpu.memory_space<semaphore_mem>>)
    %dma_start3A_16 = arith.constant 200 : i32
    %dma_start3A_17 = tpu.memref_slice %arg5[%dma_start3A_16] : memref<3200xi32, #tpu.memory_space<vmem>> -> memref<104xi32, #tpu.memory_space<vmem>>
    %dma_start3A_18 = arith.constant 0 : i32
    %dma_start3A_19 = arith.constant 0 : i32
    %dma_start3A_20 = tpu.memref_slice %arg3[%dma_start3A_18, %dma_start3A_19] : memref<100000x128xf32, #tpu.memory_space<hbm>> -> memref<100000x128xf32, #tpu.memory_space<hbm>>
    tpu.enqueue_indirect_dma source(%dma_start3A_20 : memref<100000x128xf32, #tpu.memory_space<hbm>>) target(%arg8 : memref<104x128xf32, #tpu.memory_space<vmem>>) offsets(%dma_start3A_17 : memref<104xi32, #tpu.memory_space<vmem>>) semaphore(%arg15 : memref<!tpu.dma_semaphore, #tpu.memory_space<semaphore_mem>>)
    %dma_start3A_21 = arith.constant 304 : i32
    %dma_start3A_22 = tpu.memref_slice %arg5[%dma_start3A_21] : memref<3200xi32, #tpu.memory_space<vmem>> -> memref<96xi32, #tpu.memory_space<vmem>>
    %dma_start3A_23 = arith.constant 0 : i32
    %dma_start3A_24 = arith.constant 0 : i32
    %dma_start3A_25 = tpu.memref_slice %arg3[%dma_start3A_23, %dma_start3A_24] : memref<100000x128xf32, #tpu.memory_space<hbm>> -> memref<100000x128xf32, #tpu.memory_space<hbm>>
    tpu.enqueue_indirect_dma source(%dma_start3A_25 : memref<100000x128xf32, #tpu.memory_space<hbm>>) target(%arg9 : memref<96x128xf32, #tpu.memory_space<vmem>>) offsets(%dma_start3A_22 : memref<96xi32, #tpu.memory_space<vmem>>) semaphore(%arg16 : memref<!tpu.dma_semaphore, #tpu.memory_space<semaphore_mem>>)
    %dma_start3A_26 = arith.constant 400 : i32
    %dma_start3A_27 = tpu.memref_slice %arg5[%dma_start3A_26] : memref<3200xi32, #tpu.memory_space<vmem>> -> memref<104xi32, #tpu.memory_space<vmem>>
    %dma_start3A_28 = arith.constant 0 : i32
    %dma_start3A_29 = arith.constant 0 : i32
    %dma_start3A_30 = tpu.memref_slice %arg3[%dma_start3A_28, %dma_start3A_29] : memref<100000x128xf32, #tpu.memory_space<hbm>> -> memref<100000x128xf32, #tpu.memory_space<hbm>>
    tpu.enqueue_indirect_dma source(%dma_start3A_30 : memref<100000x128xf32, #tpu.memory_space<hbm>>) target(%arg10 : memref<104x128xf32, #tpu.memory_space<vmem>>) offsets(%dma_start3A_27 : memref<104xi32, #tpu.memory_space<vmem>>) semaphore(%arg17 : memref<!tpu.dma_semaphore, #tpu.memory_space<semaphore_mem>>)
    %dma_start3A_31 = arith.constant 504 : i32
    %dma_start3A_32 = tpu.memref_slice %arg5[%dma_start3A_31] : memref<3200xi32, #tpu.memory_space<vmem>> -> memref<96xi32, #tpu.memory_space<vmem>>
    %dma_start3A_33 = arith.constant 0 : i32
    %dma_start3A_34 = arith.constant 0 : i32
    %dma_start3A_35 = tpu.memref_slice %arg3[%dma_start3A_33, %dma_start3A_34] : memref<100000x128xf32, #tpu.memory_space<hbm>> -> memref<100000x128xf32, #tpu.memory_space<hbm>>
    tpu.enqueue_indirect_dma source(%dma_start3A_35 : memref<100000x128xf32, #tpu.memory_space<hbm>>) target(%arg11 : memref<96x128xf32, #tpu.memory_space<vmem>>) offsets(%dma_start3A_32 : memref<96xi32, #tpu.memory_space<vmem>>) semaphore(%arg18 : memref<!tpu.dma_semaphore, #tpu.memory_space<semaphore_mem>>)
    %scan3A = arith.constant 0 : i32
    %scan3A_36 = arith.constant 0 : i32
    %scan3A_37 = arith.constant 5 : i32
    %scan3A_38 = arith.addi %scan3A_36, %scan3A_37 : i32
    %scan3A_39 = arith.constant 1 : i32
    %scan3A_40 = scf.for %scan3A_127 = %scan3A_36 to %scan3A_38 step %scan3A_39 iter_args(%scan3A_128 = %scan3A) -> (i32)  : i32 {
      %mul3A_129 = arith.constant 3 : i32
      %mul3A_130 = arith.muli %mul3A_129, %scan3A_127 : i32
      %add3A_131 = arith.constant 0 : i32
      %add3A_132 = arith.addi %mul3A_130, %add3A_131 : i32
      %broadcast_in_dim3A_133 = arith.constant 0.000000e+00 : f32
      %broadcast_in_dim3A_134 = vector.broadcast %broadcast_in_dim3A_133 : f32 to vector<16xf32>
      %broadcast_in_dim3A_135 = arith.constant 0.000000e+00 : f32
      %broadcast_in_dim3A_136 = vector.broadcast %broadcast_in_dim3A_135 : f32 to vector<16xf32>
      %broadcast_in_dim3A_137 = arith.constant 0.000000e+00 : f32
      %broadcast_in_dim3A_138 = vector.broadcast %broadcast_in_dim3A_137 : f32 to vector<16xf32>
      %broadcast_in_dim3A_139 = arith.constant 0.000000e+00 : f32
      %broadcast_in_dim3A_140 = vector.broadcast %broadcast_in_dim3A_139 : f32 to vector<16xf32>
      %broadcast_in_dim3A_141 = arith.constant 0.000000e+00 : f32
      %broadcast_in_dim3A_142 = vector.broadcast %broadcast_in_dim3A_141 : f32 to vector<16xf32>
      %broadcast_in_dim3A_143 = arith.constant 0.000000e+00 : f32
      %broadcast_in_dim3A_144 = vector.broadcast %broadcast_in_dim3A_143 : f32 to vector<16xf32>
      %broadcast_in_dim3A_145 = arith.constant 0.000000e+00 : f32
      %broadcast_in_dim3A_146 = vector.broadcast %broadcast_in_dim3A_145 : f32 to vector<16xf32>
      %broadcast_in_dim3A_147 = arith.constant 0.000000e+00 : f32
      %broadcast_in_dim3A_148 = vector.broadcast %broadcast_in_dim3A_147 : f32 to vector<16xf32>
      %mul3A_149 = arith.constant 200 : i32
      %mul3A_150 = arith.muli %add3A_132, %mul3A_149 : i32
      %dma_wait3A_151 = tpu.memref_slice %arg5[%mul3A_150] : memref<3200xi32, #tpu.memory_space<vmem>> -> memref<104xi32, #tpu.memory_space<vmem>>
      %dma_wait3A_152 = arith.constant 0 : i32
      %dma_wait3A_153 = arith.constant 0 : i32
      %dma_wait3A_154 = tpu.memref_slice %arg3[%dma_wait3A_152, %dma_wait3A_153] : memref<100000x128xf32, #tpu.memory_space<hbm>> -> memref<100000x128xf32, #tpu.memory_space<hbm>>
      tpu.wait_indirect_dma semaphore(%arg13 : memref<!tpu.dma_semaphore, #tpu.memory_space<semaphore_mem>>) src(%dma_wait3A_154 : memref<100000x128xf32, #tpu.memory_space<hbm>>) dst(%arg6 : memref<104x128xf32, #tpu.memory_space<vmem>>)
      %scan3A_155 = arith.constant 0 : i32
      %scan3A_156 = arith.constant 26 : i32
      %scan3A_157 = arith.addi %scan3A_155, %scan3A_156 : i32
      %scan3A_158 = arith.constant 1 : i32
      %scan3A_159:8 = scf.for %scan3A_427 = %scan3A_155 to %scan3A_157 step %scan3A_158 iter_args(%scan3A_428 = %broadcast_in_dim3A_134, %scan3A_429 = %broadcast_in_dim3A_136, %scan3A_430 = %broadcast_in_dim3A_138, %scan3A_431 = %broadcast_in_dim3A_140, %scan3A_432 = %broadcast_in_dim3A_142, %scan3A_433 = %broadcast_in_dim3A_144, %scan3A_434 = %broadcast_in_dim3A_146, %scan3A_435 = %broadcast_in_dim3A_148) -> (vector<16xf32>, vector<16xf32>, vector<16xf32>, vector<16xf32>, vector<16xf32>, vector<16xf32>, vector<16xf32>, vector<16xf32>)  : i32 {
        %mul3A_436 = arith.constant 4 : i32
        %mul3A_437 = arith.muli %scan3A_427, %mul3A_436 : i32
        %add3A_438 = arith.constant 0 : i32
        %add3A_439 = arith.addi %mul3A_437, %add3A_438 : i32
        %get3A = arith.index_cast %add3A_439 : i32 to index
        %get3A_440 = arith.constant 0 : index
        %get3A_441 = tpu.vector_load %arg6[%get3A, %get3A_440] {strides = array<i32>} : memref<104x128xf32, #tpu.memory_space<vmem>>, vector<1x16xf32>,
        %get3A_442 = vector.shape_cast %get3A_441 : vector<1x16xf32> to vector<16xf32>
        %add3A_443 = arith.addf %scan3A_428, %get3A_442 : vector<16xf32>
        %add3A_444 = arith.constant 0 : i32
        %add3A_445 = arith.addi %mul3A_437, %add3A_444 : i32
        %get3A_446 = arith.index_cast %add3A_445 : i32 to index
        %get3A_447 = arith.constant 16 : index
        %get3A_448 = tpu.vector_load %arg6[%get3A_446, %get3A_447] {strides = array<i32>} : memref<104x128xf32, #tpu.memory_space<vmem>>, vector<1x16xf32>,
        %get3A_449 = vector.shape_cast %get3A_448 : vector<1x16xf32> to vector<16xf32>
        %add3A_450 = arith.addf %scan3A_429, %get3A_449 : vector<16xf32>
        %add3A_451 = arith.constant 0 : i32
        %add3A_452 = arith.addi %mul3A_437, %add3A_451 : i32
        %get3A_453 = arith.index_cast %add3A_452 : i32 to index
        %get3A_454 = arith.constant 32 : index
        %get3A_455 = tpu.vector_load %arg6[%get3A_453, %get3A_454] {strides = array<i32>} : memref<104x128xf32, #tpu.memory_space<vmem>>, vector<1x16xf32>,
        %get3A_456 = vector.shape_cast %get3A_455 : vector<1x16xf32> to vector<16xf32>
        %add3A_457 = arith.addf %scan3A_430, %get3A_456 : vector<16xf32>
        %add3A_458 = arith.constant 0 : i32
        %add3A_459 = arith.addi %mul3A_437, %add3A_458 : i32
        %get3A_460 = arith.index_cast %add3A_459 : i32 to index
        %get3A_461 = arith.constant 48 : index
        %get3A_462 = tpu.vector_load %arg6[%get3A_460, %get3A_461] {strides = array<i32>} : memref<104x128xf32, #tpu.memory_space<vmem>>, vector<1x16xf32>,
        %get3A_463 = vector.shape_cast %get3A_462 : vector<1x16xf32> to vector<16xf32>
        %add3A_464 = arith.addf %scan3A_431, %get3A_463 : vector<16xf32>
        %add3A_465 = arith.constant 0 : i32
        %add3A_466 = arith.addi %mul3A_437, %add3A_465 : i32
        %get3A_467 = arith.index_cast %add3A_466 : i32 to index
        %get3A_468 = arith.constant 64 : index
        %get3A_469 = tpu.vector_load %arg6[%get3A_467, %get3A_468] {strides = array<i32>} : memref<104x128xf32, #tpu.memory_space<vmem>>, vector<1x16xf32>,
        %get3A_470 = vector.shape_cast %get3A_469 : vector<1x16xf32> to vector<16xf32>
        %add3A_471 = arith.addf %scan3A_432, %get3A_470 : vector<16xf32>
        %add3A_472 = arith.constant 0 : i32
        %add3A_473 = arith.addi %mul3A_437, %add3A_472 : i32
        %get3A_474 = arith.index_cast %add3A_473 : i32 to index
        %get3A_475 = arith.constant 80 : index
        %get3A_476 = tpu.vector_load %arg6[%get3A_474, %get3A_475] {strides = array<i32>} : memref<104x128xf32, #tpu.memory_space<vmem>>, vector<1x16xf32>,
        %get3A_477 = vector.shape_cast %get3A_476 : vector<1x16xf32> to vector<16xf32>
        %add3A_478 = arith.addf %scan3A_433, %get3A_477 : vector<16xf32>
        %add3A_479 = arith.constant 0 : i32
        %add3A_480 = arith.addi %mul3A_437, %add3A_479 : i32
        %get3A_481 = arith.index_cast %add3A_480 : i32 to index
        %get3A_482 = arith.constant 96 : index
        %get3A_483 = tpu.vector_load %arg6[%get3A_481, %get3A_482] {strides = array<i32>} : memref<104x128xf32, #tpu.memory_space<vmem>>, vector<1x16xf32>,
        %get3A_484 = vector.shape_cast %get3A_483 : vector<1x16xf32> to vector<16xf32>
        %add3A_485 = arith.addf %scan3A_434, %get3A_484 : vector<16xf32>
        %add3A_486 = arith.constant 0 : i32
        %add3A_487 = arith.addi %mul3A_437, %add3A_486 : i32
        %get3A_488 = arith.index_cast %add3A_487 : i32 to index
        %get3A_489 = arith.constant 112 : index
        %get3A_490 = tpu.vector_load %arg6[%get3A_488, %get3A_489] {strides = array<i32>} : memref<104x128xf32, #tpu.memory_space<vmem>>, vector<1x16xf32>,
        %get3A_491 = vector.shape_cast %get3A_490 : vector<1x16xf32> to vector<16xf32>
        %add3A_492 = arith.addf %scan3A_435, %get3A_491 : vector<16xf32>
        %add3A_493 = arith.constant 1 : i32
        %add3A_494 = arith.addi %mul3A_437, %add3A_493 : i32
        %get3A_495 = arith.index_cast %add3A_494 : i32 to index
        %get3A_496 = arith.constant 0 : index
        %get3A_497 = tpu.vector_load %arg6[%get3A_495, %get3A_496] {strides = array<i32>} : memref<104x128xf32, #tpu.memory_space<vmem>>, vector<1x16xf32>,
        %get3A_498 = vector.shape_cast %get3A_497 : vector<1x16xf32> to vector<16xf32>
        %add3A_499 = arith.addf %add3A_443, %get3A_498 : vector<16xf32>
        %add3A_500 = arith.constant 1 : i32
        %add3A_501 = arith.addi %mul3A_437, %add3A_500 : i32
        %get3A_502 = arith.index_cast %add3A_501 : i32 to index
        %get3A_503 = arith.constant 16 : index
        %get3A_504 = tpu.vector_load %arg6[%get3A_502, %get3A_503] {strides = array<i32>} : memref<104x128xf32, #tpu.memory_space<vmem>>, vector<1x16xf32>,
        %get3A_505 = vector.shape_cast %get3A_504 : vector<1x16xf32> to vector<16xf32>
        %add3A_506 = arith.addf %add3A_450, %get3A_505 : vector<16xf32>
        %add3A_507 = arith.constant 1 : i32
        %add3A_508 = arith.addi %mul3A_437, %add3A_507 : i32
        %get3A_509 = arith.index_cast %add3A_508 : i32 to index
        %get3A_510 = arith.constant 32 : index
        %get3A_511 = tpu.vector_load %arg6[%get3A_509, %get3A_510] {strides = array<i32>} : memref<104x128xf32, #tpu.memory_space<vmem>>, vector<1x16xf32>,
        %get3A_512 = vector.shape_cast %get3A_511 : vector<1x16xf32> to vector<16xf32>
        %add3A_513 = arith.addf %add3A_457, %get3A_512 : vector<16xf32>
        %add3A_514 = arith.constant 1 : i32
        %add3A_515 = arith.addi %mul3A_437, %add3A_514 : i32
        %get3A_516 = arith.index_cast %add3A_515 : i32 to index
        %get3A_517 = arith.constant 48 : index
        %get3A_518 = tpu.vector_load %arg6[%get3A_516, %get3A_517] {strides = array<i32>} : memref<104x128xf32, #tpu.memory_space<vmem>>, vector<1x16xf32>,
        %get3A_519 = vector.shape_cast %get3A_518 : vector<1x16xf32> to vector<16xf32>
        %add3A_520 = arith.addf %add3A_464, %get3A_519 : vector<16xf32>
        %add3A_521 = arith.constant 1 : i32
        %add3A_522 = arith.addi %mul3A_437, %add3A_521 : i32
        %get3A_523 = arith.index_cast %add3A_522 : i32 to index
        %get3A_524 = arith.constant 64 : index
        %get3A_525 = tpu.vector_load %arg6[%get3A_523, %get3A_524] {strides = array<i32>} : memref<104x128xf32, #tpu.memory_space<vmem>>, vector<1x16xf32>,
        %get3A_526 = vector.shape_cast %get3A_525 : vector<1x16xf32> to vector<16xf32>
        %add3A_527 = arith.addf %add3A_471, %get3A_526 : vector<16xf32>
        %add3A_528 = arith.constant 1 : i32
        %add3A_529 = arith.addi %mul3A_437, %add3A_528 : i32
        %get3A_530 = arith.index_cast %add3A_529 : i32 to index
        %get3A_531 = arith.constant 80 : index
        %get3A_532 = tpu.vector_load %arg6[%get3A_530, %get3A_531] {strides = array<i32>} : memref<104x128xf32, #tpu.memory_space<vmem>>, vector<1x16xf32>,
        %get3A_533 = vector.shape_cast %get3A_532 : vector<1x16xf32> to vector<16xf32>
        %add3A_534 = arith.addf %add3A_478, %get3A_533 : vector<16xf32>
        %add3A_535 = arith.constant 1 : i32
        %add3A_536 = arith.addi %mul3A_437, %add3A_535 : i32
        %get3A_537 = arith.index_cast %add3A_536 : i32 to index
        %get3A_538 = arith.constant 96 : index
        %get3A_539 = tpu.vector_load %arg6[%get3A_537, %get3A_538] {strides = array<i32>} : memref<104x128xf32, #tpu.memory_space<vmem>>, vector<1x16xf32>,
        %get3A_540 = vector.shape_cast %get3A_539 : vector<1x16xf32> to vector<16xf32>
        %add3A_541 = arith.addf %add3A_485, %get3A_540 : vector<16xf32>
        %add3A_542 = arith.constant 1 : i32
        %add3A_543 = arith.addi %mul3A_437, %add3A_542 : i32
        %get3A_544 = arith.index_cast %add3A_543 : i32 to index
        %get3A_545 = arith.constant 112 : index
        %get3A_546 = tpu.vector_load %arg6[%get3A_544, %get3A_545] {strides = array<i32>} : memref<104x128xf32, #tpu.memory_space<vmem>>, vector<1x16xf32>,
        %get3A_547 = vector.shape_cast %get3A_546 : vector<1x16xf32> to vector<16xf32>
        %add3A_548 = arith.addf %add3A_492, %get3A_547 : vector<16xf32>
        %add3A_549 = arith.constant 2 : i32
        %add3A_550 = arith.addi %mul3A_437, %add3A_549 : i32
        %get3A_551 = arith.index_cast %add3A_550 : i32 to index
        %get3A_552 = arith.constant 0 : index
        %get3A_553 = tpu.vector_load %arg6[%get3A_551, %get3A_552] {strides = array<i32>} : memref<104x128xf32, #tpu.memory_space<vmem>>, vector<1x16xf32>,
        %get3A_554 = vector.shape_cast %get3A_553 : vector<1x16xf32> to vector<16xf32>
        %add3A_555 = arith.addf %add3A_499, %get3A_554 : vector<16xf32>
        %add3A_556 = arith.constant 2 : i32
        %add3A_557 = arith.addi %mul3A_437, %add3A_556 : i32
        %get3A_558 = arith.index_cast %add3A_557 : i32 to index
        %get3A_559 = arith.constant 16 : index
        %get3A_560 = tpu.vector_load %arg6[%get3A_558, %get3A_559] {strides = array<i32>} : memref<104x128xf32, #tpu.memory_space<vmem>>, vector<1x16xf32>,
        %get3A_561 = vector.shape_cast %get3A_560 : vector<1x16xf32> to vector<16xf32>
        %add3A_562 = arith.addf %add3A_506, %get3A_561 : vector<16xf32>
        %add3A_563 = arith.constant 2 : i32
        %add3A_564 = arith.addi %mul3A_437, %add3A_563 : i32
        %get3A_565 = arith.index_cast %add3A_564 : i32 to index
        %get3A_566 = arith.constant 32 : index
        %get3A_567 = tpu.vector_load %arg6[%get3A_565, %get3A_566] {strides = array<i32>} : memref<104x128xf32, #tpu.memory_space<vmem>>, vector<1x16xf32>,
        %get3A_568 = vector.shape_cast %get3A_567 : vector<1x16xf32> to vector<16xf32>
        %add3A_569 = arith.addf %add3A_513, %get3A_568 : vector<16xf32>
        %add3A_570 = arith.constant 2 : i32
        %add3A_571 = arith.addi %mul3A_437, %add3A_570 : i32
        %get3A_572 = arith.index_cast %add3A_571 : i32 to index
        %get3A_573 = arith.constant 48 : index
        %get3A_574 = tpu.vector_load %arg6[%get3A_572, %get3A_573] {strides = array<i32>} : memref<104x128xf32, #tpu.memory_space<vmem>>, vector<1x16xf32>,
        %get3A_575 = vector.shape_cast %get3A_574 : vector<1x16xf32> to vector<16xf32>
        %add3A_576 = arith.addf %add3A_520, %get3A_575 : vector<16xf32>
        %add3A_577 = arith.constant 2 : i32
        %add3A_578 = arith.addi %mul3A_437, %add3A_577 : i32
        %get3A_579 = arith.index_cast %add3A_578 : i32 to index
        %get3A_580 = arith.constant 64 : index
        %get3A_581 = tpu.vector_load %arg6[%get3A_579, %get3A_580] {strides = array<i32>} : memref<104x128xf32, #tpu.memory_space<vmem>>, vector<1x16xf32>,
        %get3A_582 = vector.shape_cast %get3A_581 : vector<1x16xf32> to vector<16xf32>
        %add3A_583 = arith.addf %add3A_527, %get3A_582 : vector<16xf32>
        %add3A_584 = arith.constant 2 : i32
        %add3A_585 = arith.addi %mul3A_437, %add3A_584 : i32
        %get3A_586 = arith.index_cast %add3A_585 : i32 to index
        %get3A_587 = arith.constant 80 : index
        %get3A_588 = tpu.vector_load %arg6[%get3A_586, %get3A_587] {strides = array<i32>} : memref<104x128xf32, #tpu.memory_space<vmem>>, vector<1x16xf32>,
        %get3A_589 = vector.shape_cast %get3A_588 : vector<1x16xf32> to vector<16xf32>
        %add3A_590 = arith.addf %add3A_534, %get3A_589 : vector<16xf32>
        %add3A_591 = arith.constant 2 : i32
        %add3A_592 = arith.addi %mul3A_437, %add3A_591 : i32
        %get3A_593 = arith.index_cast %add3A_592 : i32 to index
        %get3A_594 = arith.constant 96 : index
        %get3A_595 = tpu.vector_load %arg6[%get3A_593, %get3A_594] {strides = array<i32>} : memref<104x128xf32, #tpu.memory_space<vmem>>, vector<1x16xf32>,
        %get3A_596 = vector.shape_cast %get3A_595 : vector<1x16xf32> to vector<16xf32>
        %add3A_597 = arith.addf %add3A_541, %get3A_596 : vector<16xf32>
        %add3A_598 = arith.constant 2 : i32
        %add3A_599 = arith.addi %mul3A_437, %add3A_598 : i32
        %get3A_600 = arith.index_cast %add3A_599 : i32 to index
        %get3A_601 = arith.constant 112 : index
        %get3A_602 = tpu.vector_load %arg6[%get3A_600, %get3A_601] {strides = array<i32>} : memref<104x128xf32, #tpu.memory_space<vmem>>, vector<1x16xf32>,
        %get3A_603 = vector.shape_cast %get3A_602 : vector<1x16xf32> to vector<16xf32>
        %add3A_604 = arith.addf %add3A_548, %get3A_603 : vector<16xf32>
        %add3A_605 = arith.constant 3 : i32
        %add3A_606 = arith.addi %mul3A_437, %add3A_605 : i32
        %get3A_607 = arith.index_cast %add3A_606 : i32 to index
        %get3A_608 = arith.constant 0 : index
        %get3A_609 = tpu.vector_load %arg6[%get3A_607, %get3A_608] {strides = array<i32>} : memref<104x128xf32, #tpu.memory_space<vmem>>, vector<1x16xf32>,
        %get3A_610 = vector.shape_cast %get3A_609 : vector<1x16xf32> to vector<16xf32>
        %add3A_611 = arith.addf %add3A_555, %get3A_610 : vector<16xf32>
        %add3A_612 = arith.constant 3 : i32
        %add3A_613 = arith.addi %mul3A_437, %add3A_612 : i32
        %get3A_614 = arith.index_cast %add3A_613 : i32 to index
        %get3A_615 = arith.constant 16 : index
        %get3A_616 = tpu.vector_load %arg6[%get3A_614, %get3A_615] {strides = array<i32>} : memref<104x128xf32, #tpu.memory_space<vmem>>, vector<1x16xf32>,
        %get3A_617 = vector.shape_cast %get3A_616 : vector<1x16xf32> to vector<16xf32>
        %add3A_618 = arith.addf %add3A_562, %get3A_617 : vector<16xf32>
        %add3A_619 = arith.constant 3 : i32
        %add3A_620 = arith.addi %mul3A_437, %add3A_619 : i32
        %get3A_621 = arith.index_cast %add3A_620 : i32 to index
        %get3A_622 = arith.constant 32 : index
        %get3A_623 = tpu.vector_load %arg6[%get3A_621, %get3A_622] {strides = array<i32>} : memref<104x128xf32, #tpu.memory_space<vmem>>, vector<1x16xf32>,
        %get3A_624 = vector.shape_cast %get3A_623 : vector<1x16xf32> to vector<16xf32>
        %add3A_625 = arith.addf %add3A_569, %get3A_624 : vector<16xf32>
        %add3A_626 = arith.constant 3 : i32
        %add3A_627 = arith.addi %mul3A_437, %add3A_626 : i32
        %get3A_628 = arith.index_cast %add3A_627 : i32 to index
        %get3A_629 = arith.constant 48 : index
        %get3A_630 = tpu.vector_load %arg6[%get3A_628, %get3A_629] {strides = array<i32>} : memref<104x128xf32, #tpu.memory_space<vmem>>, vector<1x16xf32>,
        %get3A_631 = vector.shape_cast %get3A_630 : vector<1x16xf32> to vector<16xf32>
        %add3A_632 = arith.addf %add3A_576, %get3A_631 : vector<16xf32>
        %add3A_633 = arith.constant 3 : i32
        %add3A_634 = arith.addi %mul3A_437, %add3A_633 : i32
        %get3A_635 = arith.index_cast %add3A_634 : i32 to index
        %get3A_636 = arith.constant 64 : index
        %get3A_637 = tpu.vector_load %arg6[%get3A_635, %get3A_636] {strides = array<i32>} : memref<104x128xf32, #tpu.memory_space<vmem>>, vector<1x16xf32>,
        %get3A_638 = vector.shape_cast %get3A_637 : vector<1x16xf32> to vector<16xf32>
        %add3A_639 = arith.addf %add3A_583, %get3A_638 : vector<16xf32>
        %add3A_640 = arith.constant 3 : i32
        %add3A_641 = arith.addi %mul3A_437, %add3A_640 : i32
        %get3A_642 = arith.index_cast %add3A_641 : i32 to index
        %get3A_643 = arith.constant 80 : index
        %get3A_644 = tpu.vector_load %arg6[%get3A_642, %get3A_643] {strides = array<i32>} : memref<104x128xf32, #tpu.memory_space<vmem>>, vector<1x16xf32>,
        %get3A_645 = vector.shape_cast %get3A_644 : vector<1x16xf32> to vector<16xf32>
        %add3A_646 = arith.addf %add3A_590, %get3A_645 : vector<16xf32>
        %add3A_647 = arith.constant 3 : i32
        %add3A_648 = arith.addi %mul3A_437, %add3A_647 : i32
        %get3A_649 = arith.index_cast %add3A_648 : i32 to index
        %get3A_650 = arith.constant 96 : index
        %get3A_651 = tpu.vector_load %arg6[%get3A_649, %get3A_650] {strides = array<i32>} : memref<104x128xf32, #tpu.memory_space<vmem>>, vector<1x16xf32>,
        %get3A_652 = vector.shape_cast %get3A_651 : vector<1x16xf32> to vector<16xf32>
        %add3A_653 = arith.addf %add3A_597, %get3A_652 : vector<16xf32>
        %add3A_654 = arith.constant 3 : i32
        %add3A_655 = arith.addi %mul3A_437, %add3A_654 : i32
        %get3A_656 = arith.index_cast %add3A_655 : i32 to index
        %get3A_657 = arith.constant 112 : index
        %get3A_658 = tpu.vector_load %arg6[%get3A_656, %get3A_657] {strides = array<i32>} : memref<104x128xf32, #tpu.memory_space<vmem>>, vector<1x16xf32>,
        %get3A_659 = vector.shape_cast %get3A_658 : vector<1x16xf32> to vector<16xf32>
        %add3A_660 = arith.addf %add3A_604, %get3A_659 : vector<16xf32>
        scf.yield %add3A_611, %add3A_618, %add3A_625, %add3A_632, %add3A_639, %add3A_646, %add3A_653, %add3A_660 : vector<16xf32>, vector<16xf32>, vector<16xf32>, vector<16xf32>, vector<16xf32>, vector<16xf32>, vector<16xf32>, vector<16xf32>
      }
      %scan3A_160 = arith.constant 26 : i32
      %add3A_161 = arith.constant 3 : i32
      %add3A_162 = arith.addi %add3A_132, %add3A_161 : i32
      %lt3A = arith.constant 16 : i32
      %lt3A_163 = arith.cmpi slt, %add3A_162, %lt3A : i32
      %convert_element_type3A = arith.extui %lt3A_163 : i1 to i32
      %cond3A = arith.constant 0 : i32
      %cond3A_164 = arith.cmpi ne, %convert_element_type3A, %cond3A : i32
      scf.if %cond3A_164 {
        %add3A_427 = arith.constant 3 : i32
        %add3A_428 = arith.addi %add3A_132, %add3A_427 : i32
        %mul3A_429 = arith.constant 200 : i32
        %mul3A_430 = arith.muli %add3A_428, %mul3A_429 : i32
        %dma_start3A_431 = tpu.memref_slice %arg5[%mul3A_430] : memref<3200xi32, #tpu.memory_space<vmem>> -> memref<104xi32, #tpu.memory_space<vmem>>
        %dma_start3A_432 = arith.constant 0 : i32
        %dma_start3A_433 = arith.constant 0 : i32
        %dma_start3A_434 = tpu.memref_slice %arg3[%dma_start3A_432, %dma_start3A_433] : memref<100000x128xf32, #tpu.memory_space<hbm>> -> memref<100000x128xf32, #tpu.memory_space<hbm>>
        tpu.enqueue_indirect_dma source(%dma_start3A_434 : memref<100000x128xf32, #tpu.memory_space<hbm>>) target(%arg6 : memref<104x128xf32, #tpu.memory_space<vmem>>) offsets(%dma_start3A_431 : memref<104xi32, #tpu.memory_space<vmem>>) semaphore(%arg13 : memref<!tpu.dma_semaphore, #tpu.memory_space<semaphore_mem>>)
      } else {
      }
      %mul3A_165 = arith.constant 200 : i32
      %mul3A_166 = arith.muli %add3A_132, %mul3A_165 : i32
      %add3A_167 = arith.constant 104 : i32
      %add3A_168 = arith.addi %mul3A_166, %add3A_167 : i32
      %dma_wait3A_169 = tpu.memref_slice %arg5[%add3A_168] : memref<3200xi32, #tpu.memory_space<vmem>> -> memref<96xi32, #tpu.memory_space<vmem>>
      %dma_wait3A_170 = arith.constant 0 : i32
      %dma_wait3A_171 = arith.constant 0 : i32
      %dma_wait3A_172 = tpu.memref_slice %arg3[%dma_wait3A_170, %dma_wait3A_171] : memref<100000x128xf32, #tpu.memory_space<hbm>> -> memref<100000x128xf32, #tpu.memory_space<hbm>>
      tpu.wait_indirect_dma semaphore(%arg14 : memref<!tpu.dma_semaphore, #tpu.memory_space<semaphore_mem>>) src(%dma_wait3A_172 : memref<100000x128xf32, #tpu.memory_space<hbm>>) dst(%arg7 : memref<96x128xf32, #tpu.memory_space<vmem>>)
      %scan3A_173 = arith.constant 0 : i32
      %scan3A_174 = arith.constant 24 : i32
      %scan3A_175 = arith.addi %scan3A_173, %scan3A_174 : i32
      %scan3A_176 = arith.constant 1 : i32
      %scan3A_177:8 = scf.for %scan3A_427 = %scan3A_173 to %scan3A_175 step %scan3A_176 iter_args(%scan3A_428 = %scan3A_159#0, %scan3A_429 = %scan3A_159#1, %scan3A_430 = %scan3A_159#2, %scan3A_431 = %scan3A_159#3, %scan3A_432 = %scan3A_159#4, %scan3A_433 = %scan3A_159#5, %scan3A_434 = %scan3A_159#6, %scan3A_435 = %scan3A_159#7) -> (vector<16xf32>, vector<16xf32>, vector<16xf32>, vector<16xf32>, vector<16xf32>, vector<16xf32>, vector<16xf32>, vector<16xf32>)  : i32 {
        %mul3A_436 = arith.constant 4 : i32
        %mul3A_437 = arith.muli %scan3A_427, %mul3A_436 : i32
        %add3A_438 = arith.constant 0 : i32
        %add3A_439 = arith.addi %mul3A_437, %add3A_438 : i32
        %get3A = arith.index_cast %add3A_439 : i32 to index
        %get3A_440 = arith.constant 0 : index
        %get3A_441 = tpu.vector_load %arg7[%get3A, %get3A_440] {strides = array<i32>} : memref<96x128xf32, #tpu.memory_space<vmem>>, vector<1x16xf32>,
        %get3A_442 = vector.shape_cast %get3A_441 : vector<1x16xf32> to vector<16xf32>
        %add3A_443 = arith.addf %scan3A_428, %get3A_442 : vector<16xf32>
        %add3A_444 = arith.constant 0 : i32
        %add3A_445 = arith.addi %mul3A_437, %add3A_444 : i32
        %get3A_446 = arith.index_cast %add3A_445 : i32 to index
        %get3A_447 = arith.constant 16 : index
        %get3A_448 = tpu.vector_load %arg7[%get3A_446, %get3A_447] {strides = array<i32>} : memref<96x128xf32, #tpu.memory_space<vmem>>, vector<1x16xf32>,
        %get3A_449 = vector.shape_cast %get3A_448 : vector<1x16xf32> to vector<16xf32>
        %add3A_450 = arith.addf %scan3A_429, %get3A_449 : vector<16xf32>
        %add3A_451 = arith.constant 0 : i32
        %add3A_452 = arith.addi %mul3A_437, %add3A_451 : i32
        %get3A_453 = arith.index_cast %add3A_452 : i32 to index
        %get3A_454 = arith.constant 32 : index
        %get3A_455 = tpu.vector_load %arg7[%get3A_453, %get3A_454] {strides = array<i32>} : memref<96x128xf32, #tpu.memory_space<vmem>>, vector<1x16xf32>,
        %get3A_456 = vector.shape_cast %get3A_455 : vector<1x16xf32> to vector<16xf32>
        %add3A_457 = arith.addf %scan3A_430, %get3A_456 : vector<16xf32>
        %add3A_458 = arith.constant 0 : i32
        %add3A_459 = arith.addi %mul3A_437, %add3A_458 : i32
        %get3A_460 = arith.index_cast %add3A_459 : i32 to index
        %get3A_461 = arith.constant 48 : index
        %get3A_462 = tpu.vector_load %arg7[%get3A_460, %get3A_461] {strides = array<i32>} : memref<96x128xf32, #tpu.memory_space<vmem>>, vector<1x16xf32>,
        %get3A_463 = vector.shape_cast %get3A_462 : vector<1x16xf32> to vector<16xf32>
        %add3A_464 = arith.addf %scan3A_431, %get3A_463 : vector<16xf32>
        %add3A_465 = arith.constant 0 : i32
        %add3A_466 = arith.addi %mul3A_437, %add3A_465 : i32
        %get3A_467 = arith.index_cast %add3A_466 : i32 to index
        %get3A_468 = arith.constant 64 : index
        %get3A_469 = tpu.vector_load %arg7[%get3A_467, %get3A_468] {strides = array<i32>} : memref<96x128xf32, #tpu.memory_space<vmem>>, vector<1x16xf32>,
        %get3A_470 = vector.shape_cast %get3A_469 : vector<1x16xf32> to vector<16xf32>
        %add3A_471 = arith.addf %scan3A_432, %get3A_470 : vector<16xf32>
        %add3A_472 = arith.constant 0 : i32
        %add3A_473 = arith.addi %mul3A_437, %add3A_472 : i32
        %get3A_474 = arith.index_cast %add3A_473 : i32 to index
        %get3A_475 = arith.constant 80 : index
        %get3A_476 = tpu.vector_load %arg7[%get3A_474, %get3A_475] {strides = array<i32>} : memref<96x128xf32, #tpu.memory_space<vmem>>, vector<1x16xf32>,
        %get3A_477 = vector.shape_cast %get3A_476 : vector<1x16xf32> to vector<16xf32>
        %add3A_478 = arith.addf %scan3A_433, %get3A_477 : vector<16xf32>
        %add3A_479 = arith.constant 0 : i32
        %add3A_480 = arith.addi %mul3A_437, %add3A_479 : i32
        %get3A_481 = arith.index_cast %add3A_480 : i32 to index
        %get3A_482 = arith.constant 96 : index
        %get3A_483 = tpu.vector_load %arg7[%get3A_481, %get3A_482] {strides = array<i32>} : memref<96x128xf32, #tpu.memory_space<vmem>>, vector<1x16xf32>,
        %get3A_484 = vector.shape_cast %get3A_483 : vector<1x16xf32> to vector<16xf32>
        %add3A_485 = arith.addf %scan3A_434, %get3A_484 : vector<16xf32>
        %add3A_486 = arith.constant 0 : i32
        %add3A_487 = arith.addi %mul3A_437, %add3A_486 : i32
        %get3A_488 = arith.index_cast %add3A_487 : i32 to index
        %get3A_489 = arith.constant 112 : index
        %get3A_490 = tpu.vector_load %arg7[%get3A_488, %get3A_489] {strides = array<i32>} : memref<96x128xf32, #tpu.memory_space<vmem>>, vector<1x16xf32>,
        %get3A_491 = vector.shape_cast %get3A_490 : vector<1x16xf32> to vector<16xf32>
        %add3A_492 = arith.addf %scan3A_435, %get3A_491 : vector<16xf32>
        %add3A_493 = arith.constant 1 : i32
        %add3A_494 = arith.addi %mul3A_437, %add3A_493 : i32
        %get3A_495 = arith.index_cast %add3A_494 : i32 to index
        %get3A_496 = arith.constant 0 : index
        %get3A_497 = tpu.vector_load %arg7[%get3A_495, %get3A_496] {strides = array<i32>} : memref<96x128xf32, #tpu.memory_space<vmem>>, vector<1x16xf32>,
        %get3A_498 = vector.shape_cast %get3A_497 : vector<1x16xf32> to vector<16xf32>
        %add3A_499 = arith.addf %add3A_443, %get3A_498 : vector<16xf32>
        %add3A_500 = arith.constant 1 : i32
        %add3A_501 = arith.addi %mul3A_437, %add3A_500 : i32
        %get3A_502 = arith.index_cast %add3A_501 : i32 to index
        %get3A_503 = arith.constant 16 : index
        %get3A_504 = tpu.vector_load %arg7[%get3A_502, %get3A_503] {strides = array<i32>} : memref<96x128xf32, #tpu.memory_space<vmem>>, vector<1x16xf32>,
        %get3A_505 = vector.shape_cast %get3A_504 : vector<1x16xf32> to vector<16xf32>
        %add3A_506 = arith.addf %add3A_450, %get3A_505 : vector<16xf32>
        %add3A_507 = arith.constant 1 : i32
        %add3A_508 = arith.addi %mul3A_437, %add3A_507 : i32
        %get3A_509 = arith.index_cast %add3A_508 : i32 to index
        %get3A_510 = arith.constant 32 : index
        %get3A_511 = tpu.vector_load %arg7[%get3A_509, %get3A_510] {strides = array<i32>} : memref<96x128xf32, #tpu.memory_space<vmem>>, vector<1x16xf32>,
        %get3A_512 = vector.shape_cast %get3A_511 : vector<1x16xf32> to vector<16xf32>
        %add3A_513 = arith.addf %add3A_457, %get3A_512 : vector<16xf32>
        %add3A_514 = arith.constant 1 : i32
        %add3A_515 = arith.addi %mul3A_437, %add3A_514 : i32
        %get3A_516 = arith.index_cast %add3A_515 : i32 to index
        %get3A_517 = arith.constant 48 : index
        %get3A_518 = tpu.vector_load %arg7[%get3A_516, %get3A_517] {strides = array<i32>} : memref<96x128xf32, #tpu.memory_space<vmem>>, vector<1x16xf32>,
        %get3A_519 = vector.shape_cast %get3A_518 : vector<1x16xf32> to vector<16xf32>
        %add3A_520 = arith.addf %add3A_464, %get3A_519 : vector<16xf32>
        %add3A_521 = arith.constant 1 : i32
        %add3A_522 = arith.addi %mul3A_437, %add3A_521 : i32
        %get3A_523 = arith.index_cast %add3A_522 : i32 to index
        %get3A_524 = arith.constant 64 : index
        %get3A_525 = tpu.vector_load %arg7[%get3A_523, %get3A_524] {strides = array<i32>} : memref<96x128xf32, #tpu.memory_space<vmem>>, vector<1x16xf32>,
        %get3A_526 = vector.shape_cast %get3A_525 : vector<1x16xf32> to vector<16xf32>
        %add3A_527 = arith.addf %add3A_471, %get3A_526 : vector<16xf32>
        %add3A_528 = arith.constant 1 : i32
        %add3A_529 = arith.addi %mul3A_437, %add3A_528 : i32
        %get3A_530 = arith.index_cast %add3A_529 : i32 to index
        %get3A_531 = arith.constant 80 : index
        %get3A_532 = tpu.vector_load %arg7[%get3A_530, %get3A_531] {strides = array<i32>} : memref<96x128xf32, #tpu.memory_space<vmem>>, vector<1x16xf32>,
        %get3A_533 = vector.shape_cast %get3A_532 : vector<1x16xf32> to vector<16xf32>
        %add3A_534 = arith.addf %add3A_478, %get3A_533 : vector<16xf32>
        %add3A_535 = arith.constant 1 : i32
        %add3A_536 = arith.addi %mul3A_437, %add3A_535 : i32
        %get3A_537 = arith.index_cast %add3A_536 : i32 to index
        %get3A_538 = arith.constant 96 : index
        %get3A_539 = tpu.vector_load %arg7[%get3A_537, %get3A_538] {strides = array<i32>} : memref<96x128xf32, #tpu.memory_space<vmem>>, vector<1x16xf32>,
        %get3A_540 = vector.shape_cast %get3A_539 : vector<1x16xf32> to vector<16xf32>
        %add3A_541 = arith.addf %add3A_485, %get3A_540 : vector<16xf32>
        %add3A_542 = arith.constant 1 : i32
        %add3A_543 = arith.addi %mul3A_437, %add3A_542 : i32
        %get3A_544 = arith.index_cast %add3A_543 : i32 to index
        %get3A_545 = arith.constant 112 : index
        %get3A_546 = tpu.vector_load %arg7[%get3A_544, %get3A_545] {strides = array<i32>} : memref<96x128xf32, #tpu.memory_space<vmem>>, vector<1x16xf32>,
        %get3A_547 = vector.shape_cast %get3A_546 : vector<1x16xf32> to vector<16xf32>
        %add3A_548 = arith.addf %add3A_492, %get3A_547 : vector<16xf32>
        %add3A_549 = arith.constant 2 : i32
        %add3A_550 = arith.addi %mul3A_437, %add3A_549 : i32
        %get3A_551 = arith.index_cast %add3A_550 : i32 to index
        %get3A_552 = arith.constant 0 : index
        %get3A_553 = tpu.vector_load %arg7[%get3A_551, %get3A_552] {strides = array<i32>} : memref<96x128xf32, #tpu.memory_space<vmem>>, vector<1x16xf32>,
        %get3A_554 = vector.shape_cast %get3A_553 : vector<1x16xf32> to vector<16xf32>
        %add3A_555 = arith.addf %add3A_499, %get3A_554 : vector<16xf32>
        %add3A_556 = arith.constant 2 : i32
        %add3A_557 = arith.addi %mul3A_437, %add3A_556 : i32
        %get3A_558 = arith.index_cast %add3A_557 : i32 to index
        %get3A_559 = arith.constant 16 : index
        %get3A_560 = tpu.vector_load %arg7[%get3A_558, %get3A_559] {strides = array<i32>} : memref<96x128xf32, #tpu.memory_space<vmem>>, vector<1x16xf32>,
        %get3A_561 = vector.shape_cast %get3A_560 : vector<1x16xf32> to vector<16xf32>
        %add3A_562 = arith.addf %add3A_506, %get3A_561 : vector<16xf32>
        %add3A_563 = arith.constant 2 : i32
        %add3A_564 = arith.addi %mul3A_437, %add3A_563 : i32
        %get3A_565 = arith.index_cast %add3A_564 : i32 to index
        %get3A_566 = arith.constant 32 : index
        %get3A_567 = tpu.vector_load %arg7[%get3A_565, %get3A_566] {strides = array<i32>} : memref<96x128xf32, #tpu.memory_space<vmem>>, vector<1x16xf32>,
        %get3A_568 = vector.shape_cast %get3A_567 : vector<1x16xf32> to vector<16xf32>
        %add3A_569 = arith.addf %add3A_513, %get3A_568 : vector<16xf32>
        %add3A_570 = arith.constant 2 : i32
        %add3A_571 = arith.addi %mul3A_437, %add3A_570 : i32
        %get3A_572 = arith.index_cast %add3A_571 : i32 to index
        %get3A_573 = arith.constant 48 : index
        %get3A_574 = tpu.vector_load %arg7[%get3A_572, %get3A_573] {strides = array<i32>} : memref<96x128xf32, #tpu.memory_space<vmem>>, vector<1x16xf32>,
        %get3A_575 = vector.shape_cast %get3A_574 : vector<1x16xf32> to vector<16xf32>
        %add3A_576 = arith.addf %add3A_520, %get3A_575 : vector<16xf32>
        %add3A_577 = arith.constant 2 : i32
        %add3A_578 = arith.addi %mul3A_437, %add3A_577 : i32
        %get3A_579 = arith.index_cast %add3A_578 : i32 to index
        %get3A_580 = arith.constant 64 : index
        %get3A_581 = tpu.vector_load %arg7[%get3A_579, %get3A_580] {strides = array<i32>} : memref<96x128xf32, #tpu.memory_space<vmem>>, vector<1x16xf32>,
        %get3A_582 = vector.shape_cast %get3A_581 : vector<1x16xf32> to vector<16xf32>
        %add3A_583 = arith.addf %add3A_527, %get3A_582 : vector<16xf32>
        %add3A_584 = arith.constant 2 : i32
        %add3A_585 = arith.addi %mul3A_437, %add3A_584 : i32
        %get3A_586 = arith.index_cast %add3A_585 : i32 to index
        %get3A_587 = arith.constant 80 : index
        %get3A_588 = tpu.vector_load %arg7[%get3A_586, %get3A_587] {strides = array<i32>} : memref<96x128xf32, #tpu.memory_space<vmem>>, vector<1x16xf32>,
        %get3A_589 = vector.shape_cast %get3A_588 : vector<1x16xf32> to vector<16xf32>
        %add3A_590 = arith.addf %add3A_534, %get3A_589 : vector<16xf32>
        %add3A_591 = arith.constant 2 : i32
        %add3A_592 = arith.addi %mul3A_437, %add3A_591 : i32
        %get3A_593 = arith.index_cast %add3A_592 : i32 to index
        %get3A_594 = arith.constant 96 : index
        %get3A_595 = tpu.vector_load %arg7[%get3A_593, %get3A_594] {strides = array<i32>} : memref<96x128xf32, #tpu.memory_space<vmem>>, vector<1x16xf32>,
        %get3A_596 = vector.shape_cast %get3A_595 : vector<1x16xf32> to vector<16xf32>
        %add3A_597 = arith.addf %add3A_541, %get3A_596 : vector<16xf32>
        %add3A_598 = arith.constant 2 : i32
        %add3A_599 = arith.addi %mul3A_437, %add3A_598 : i32
        %get3A_600 = arith.index_cast %add3A_599 : i32 to index
        %get3A_601 = arith.constant 112 : index
        %get3A_602 = tpu.vector_load %arg7[%get3A_600, %get3A_601] {strides = array<i32>} : memref<96x128xf32, #tpu.memory_space<vmem>>, vector<1x16xf32>,
        %get3A_603 = vector.shape_cast %get3A_602 : vector<1x16xf32> to vector<16xf32>
        %add3A_604 = arith.addf %add3A_548, %get3A_603 : vector<16xf32>
        %add3A_605 = arith.constant 3 : i32
        %add3A_606 = arith.addi %mul3A_437, %add3A_605 : i32
        %get3A_607 = arith.index_cast %add3A_606 : i32 to index
        %get3A_608 = arith.constant 0 : index
        %get3A_609 = tpu.vector_load %arg7[%get3A_607, %get3A_608] {strides = array<i32>} : memref<96x128xf32, #tpu.memory_space<vmem>>, vector<1x16xf32>,
        %get3A_610 = vector.shape_cast %get3A_609 : vector<1x16xf32> to vector<16xf32>
        %add3A_611 = arith.addf %add3A_555, %get3A_610 : vector<16xf32>
        %add3A_612 = arith.constant 3 : i32
        %add3A_613 = arith.addi %mul3A_437, %add3A_612 : i32
        %get3A_614 = arith.index_cast %add3A_613 : i32 to index
        %get3A_615 = arith.constant 16 : index
        %get3A_616 = tpu.vector_load %arg7[%get3A_614, %get3A_615] {strides = array<i32>} : memref<96x128xf32, #tpu.memory_space<vmem>>, vector<1x16xf32>,
        %get3A_617 = vector.shape_cast %get3A_616 : vector<1x16xf32> to vector<16xf32>
        %add3A_618 = arith.addf %add3A_562, %get3A_617 : vector<16xf32>
        %add3A_619 = arith.constant 3 : i32
        %add3A_620 = arith.addi %mul3A_437, %add3A_619 : i32
        %get3A_621 = arith.index_cast %add3A_620 : i32 to index
        %get3A_622 = arith.constant 32 : index
        %get3A_623 = tpu.vector_load %arg7[%get3A_621, %get3A_622] {strides = array<i32>} : memref<96x128xf32, #tpu.memory_space<vmem>>, vector<1x16xf32>,
        %get3A_624 = vector.shape_cast %get3A_623 : vector<1x16xf32> to vector<16xf32>
        %add3A_625 = arith.addf %add3A_569, %get3A_624 : vector<16xf32>
        %add3A_626 = arith.constant 3 : i32
        %add3A_627 = arith.addi %mul3A_437, %add3A_626 : i32
        %get3A_628 = arith.index_cast %add3A_627 : i32 to index
        %get3A_629 = arith.constant 48 : index
        %get3A_630 = tpu.vector_load %arg7[%get3A_628, %get3A_629] {strides = array<i32>} : memref<96x128xf32, #tpu.memory_space<vmem>>, vector<1x16xf32>,
        %get3A_631 = vector.shape_cast %get3A_630 : vector<1x16xf32> to vector<16xf32>
        %add3A_632 = arith.addf %add3A_576, %get3A_631 : vector<16xf32>
        %add3A_633 = arith.constant 3 : i32
        %add3A_634 = arith.addi %mul3A_437, %add3A_633 : i32
        %get3A_635 = arith.index_cast %add3A_634 : i32 to index
        %get3A_636 = arith.constant 64 : index
        %get3A_637 = tpu.vector_load %arg7[%get3A_635, %get3A_636] {strides = array<i32>} : memref<96x128xf32, #tpu.memory_space<vmem>>, vector<1x16xf32>,
        %get3A_638 = vector.shape_cast %get3A_637 : vector<1x16xf32> to vector<16xf32>
        %add3A_639 = arith.addf %add3A_583, %get3A_638 : vector<16xf32>
        %add3A_640 = arith.constant 3 : i32
        %add3A_641 = arith.addi %mul3A_437, %add3A_640 : i32
        %get3A_642 = arith.index_cast %add3A_641 : i32 to index
        %get3A_643 = arith.constant 80 : index
        %get3A_644 = tpu.vector_load %arg7[%get3A_642, %get3A_643] {strides = array<i32>} : memref<96x128xf32, #tpu.memory_space<vmem>>, vector<1x16xf32>,
        %get3A_645 = vector.shape_cast %get3A_644 : vector<1x16xf32> to vector<16xf32>
        %add3A_646 = arith.addf %add3A_590, %get3A_645 : vector<16xf32>
        %add3A_647 = arith.constant 3 : i32
        %add3A_648 = arith.addi %mul3A_437, %add3A_647 : i32
        %get3A_649 = arith.index_cast %add3A_648 : i32 to index
        %get3A_650 = arith.constant 96 : index
        %get3A_651 = tpu.vector_load %arg7[%get3A_649, %get3A_650] {strides = array<i32>} : memref<96x128xf32, #tpu.memory_space<vmem>>, vector<1x16xf32>,
        %get3A_652 = vector.shape_cast %get3A_651 : vector<1x16xf32> to vector<16xf32>
        %add3A_653 = arith.addf %add3A_597, %get3A_652 : vector<16xf32>
        %add3A_654 = arith.constant 3 : i32
        %add3A_655 = arith.addi %mul3A_437, %add3A_654 : i32
        %get3A_656 = arith.index_cast %add3A_655 : i32 to index
        %get3A_657 = arith.constant 112 : index
        %get3A_658 = tpu.vector_load %arg7[%get3A_656, %get3A_657] {strides = array<i32>} : memref<96x128xf32, #tpu.memory_space<vmem>>, vector<1x16xf32>,
        %get3A_659 = vector.shape_cast %get3A_658 : vector<1x16xf32> to vector<16xf32>
        %add3A_660 = arith.addf %add3A_604, %get3A_659 : vector<16xf32>
        scf.yield %add3A_611, %add3A_618, %add3A_625, %add3A_632, %add3A_639, %add3A_646, %add3A_653, %add3A_660 : vector<16xf32>, vector<16xf32>, vector<16xf32>, vector<16xf32>, vector<16xf32>, vector<16xf32>, vector<16xf32>, vector<16xf32>
      }
      %scan3A_178 = arith.constant 24 : i32
      %add3A_179 = arith.constant 3 : i32
      %add3A_180 = arith.addi %add3A_132, %add3A_179 : i32
      %lt3A_181 = arith.constant 16 : i32
      %lt3A_182 = arith.cmpi slt, %add3A_180, %lt3A_181 : i32
      %convert_element_type3A_183 = arith.extui %lt3A_182 : i1 to i32
      %cond3A_184 = arith.constant 0 : i32
      %cond3A_185 = arith.cmpi ne, %convert_element_type3A_183, %cond3A_184 : i32
      scf.if %cond3A_185 {
        %add3A_427 = arith.constant 3 : i32
        %add3A_428 = arith.addi %add3A_132, %add3A_427 : i32
        %mul3A_429 = arith.constant 200 : i32
        %mul3A_430 = arith.muli %add3A_428, %mul3A_429 : i32
        %add3A_431 = arith.constant 104 : i32
        %add3A_432 = arith.addi %mul3A_430, %add3A_431 : i32
        %dma_start3A_433 = tpu.memref_slice %arg5[%add3A_432] : memref<3200xi32, #tpu.memory_space<vmem>> -> memref<96xi32, #tpu.memory_space<vmem>>
        %dma_start3A_434 = arith.constant 0 : i32
        %dma_start3A_435 = arith.constant 0 : i32
        %dma_start3A_436 = tpu.memref_slice %arg3[%dma_start3A_434, %dma_start3A_435] : memref<100000x128xf32, #tpu.memory_space<hbm>> -> memref<100000x128xf32, #tpu.memory_space<hbm>>
        tpu.enqueue_indirect_dma source(%dma_start3A_436 : memref<100000x128xf32, #tpu.memory_space<hbm>>) target(%arg7 : memref<96x128xf32, #tpu.memory_space<vmem>>) offsets(%dma_start3A_433 : memref<96xi32, #tpu.memory_space<vmem>>) semaphore(%arg14 : memref<!tpu.dma_semaphore, #tpu.memory_space<semaphore_mem>>)
      } else {
      }
      %swap3A_186 = arith.index_cast %add3A_132 : i32 to index
      %swap3A_187 = arith.constant 0 : index
      %swap3A_188 = tpu.vector_load %arg12[%swap3A_186, %swap3A_187] {strides = array<i32>} : memref<16x128xf32, #tpu.memory_space<vmem>>, vector<1x16xf32>,
      %swap3A_189 = vector.shape_cast %swap3A_188 : vector<1x16xf32> to vector<16xf32>
      %swap3A_190 = vector.shape_cast %scan3A_177#0 : vector<16xf32> to vector<1x16xf32>
      tpu.vector_store %arg12[%swap3A_186, %swap3A_187], %swap3A_190 {strides = array<i32>} : memref<16x128xf32, #tpu.memory_space<vmem>>, vector<1x16xf32>,
      %swap3A_191 = arith.index_cast %add3A_132 : i32 to index
      %swap3A_192 = arith.constant 16 : index
      %swap3A_193 = tpu.vector_load %arg12[%swap3A_191, %swap3A_192] {strides = array<i32>} : memref<16x128xf32, #tpu.memory_space<vmem>>, vector<1x16xf32>,
      %swap3A_194 = vector.shape_cast %swap3A_193 : vector<1x16xf32> to vector<16xf32>
      %swap3A_195 = vector.shape_cast %scan3A_177#1 : vector<16xf32> to vector<1x16xf32>
      tpu.vector_store %arg12[%swap3A_191, %swap3A_192], %swap3A_195 {strides = array<i32>} : memref<16x128xf32, #tpu.memory_space<vmem>>, vector<1x16xf32>,
      %swap3A_196 = arith.index_cast %add3A_132 : i32 to index
      %swap3A_197 = arith.constant 32 : index
      %swap3A_198 = tpu.vector_load %arg12[%swap3A_196, %swap3A_197] {strides = array<i32>} : memref<16x128xf32, #tpu.memory_space<vmem>>, vector<1x16xf32>,
      %swap3A_199 = vector.shape_cast %swap3A_198 : vector<1x16xf32> to vector<16xf32>
      %swap3A_200 = vector.shape_cast %scan3A_177#2 : vector<16xf32> to vector<1x16xf32>
      tpu.vector_store %arg12[%swap3A_196, %swap3A_197], %swap3A_200 {strides = array<i32>} : memref<16x128xf32, #tpu.memory_space<vmem>>, vector<1x16xf32>,
      %swap3A_201 = arith.index_cast %add3A_132 : i32 to index
      %swap3A_202 = arith.constant 48 : index
      %swap3A_203 = tpu.vector_load %arg12[%swap3A_201, %swap3A_202] {strides = array<i32>} : memref<16x128xf32, #tpu.memory_space<vmem>>, vector<1x16xf32>,
      %swap3A_204 = vector.shape_cast %swap3A_203 : vector<1x16xf32> to vector<16xf32>
      %swap3A_205 = vector.shape_cast %scan3A_177#3 : vector<16xf32> to vector<1x16xf32>
      tpu.vector_store %arg12[%swap3A_201, %swap3A_202], %swap3A_205 {strides = array<i32>} : memref<16x128xf32, #tpu.memory_space<vmem>>, vector<1x16xf32>,
      %swap3A_206 = arith.index_cast %add3A_132 : i32 to index
      %swap3A_207 = arith.constant 64 : index
      %swap3A_208 = tpu.vector_load %arg12[%swap3A_206, %swap3A_207] {strides = array<i32>} : memref<16x128xf32, #tpu.memory_space<vmem>>, vector<1x16xf32>,
      %swap3A_209 = vector.shape_cast %swap3A_208 : vector<1x16xf32> to vector<16xf32>
      %swap3A_210 = vector.shape_cast %scan3A_177#4 : vector<16xf32> to vector<1x16xf32>
      tpu.vector_store %arg12[%swap3A_206, %swap3A_207], %swap3A_210 {strides = array<i32>} : memref<16x128xf32, #tpu.memory_space<vmem>>, vector<1x16xf32>,
      %swap3A_211 = arith.index_cast %add3A_132 : i32 to index
      %swap3A_212 = arith.constant 80 : index
      %swap3A_213 = tpu.vector_load %arg12[%swap3A_211, %swap3A_212] {strides = array<i32>} : memref<16x128xf32, #tpu.memory_space<vmem>>, vector<1x16xf32>,
      %swap3A_214 = vector.shape_cast %swap3A_213 : vector<1x16xf32> to vector<16xf32>
      %swap3A_215 = vector.shape_cast %scan3A_177#5 : vector<16xf32> to vector<1x16xf32>
      tpu.vector_store %arg12[%swap3A_211, %swap3A_212], %swap3A_215 {strides = array<i32>} : memref<16x128xf32, #tpu.memory_space<vmem>>, vector<1x16xf32>,
      %swap3A_216 = arith.index_cast %add3A_132 : i32 to index
      %swap3A_217 = arith.constant 96 : index
      %swap3A_218 = tpu.vector_load %arg12[%swap3A_216, %swap3A_217] {strides = array<i32>} : memref<16x128xf32, #tpu.memory_space<vmem>>, vector<1x16xf32>,
      %swap3A_219 = vector.shape_cast %swap3A_218 : vector<1x16xf32> to vector<16xf32>
      %swap3A_220 = vector.shape_cast %scan3A_177#6 : vector<16xf32> to vector<1x16xf32>
      tpu.vector_store %arg12[%swap3A_216, %swap3A_217], %swap3A_220 {strides = array<i32>} : memref<16x128xf32, #tpu.memory_space<vmem>>, vector<1x16xf32>,
      %swap3A_221 = arith.index_cast %add3A_132 : i32 to index
      %swap3A_222 = arith.constant 112 : index
      %swap3A_223 = tpu.vector_load %arg12[%swap3A_221, %swap3A_222] {strides = array<i32>} : memref<16x128xf32, #tpu.memory_space<vmem>>, vector<1x16xf32>,
      %swap3A_224 = vector.shape_cast %swap3A_223 : vector<1x16xf32> to vector<16xf32>
      %swap3A_225 = vector.shape_cast %scan3A_177#7 : vector<16xf32> to vector<1x16xf32>
      tpu.vector_store %arg12[%swap3A_221, %swap3A_222], %swap3A_225 {strides = array<i32>} : memref<16x128xf32, #tpu.memory_space<vmem>>, vector<1x16xf32>,
      %mul3A_226 = arith.constant 3 : i32
      %mul3A_227 = arith.muli %mul3A_226, %scan3A_127 : i32
      %add3A_228 = arith.constant 1 : i32
      %add3A_229 = arith.addi %mul3A_227, %add3A_228 : i32
      %broadcast_in_dim3A_230 = arith.constant 0.000000e+00 : f32
      %broadcast_in_dim3A_231 = vector.broadcast %broadcast_in_dim3A_230 : f32 to vector<16xf32>
      %broadcast_in_dim3A_232 = arith.constant 0.000000e+00 : f32
      %broadcast_in_dim3A_233 = vector.broadcast %broadcast_in_dim3A_232 : f32 to vector<16xf32>
      %broadcast_in_dim3A_234 = arith.constant 0.000000e+00 : f32
      %broadcast_in_dim3A_235 = vector.broadcast %broadcast_in_dim3A_234 : f32 to vector<16xf32>
      %broadcast_in_dim3A_236 = arith.constant 0.000000e+00 : f32
      %broadcast_in_dim3A_237 = vector.broadcast %broadcast_in_dim3A_236 : f32 to vector<16xf32>
      %broadcast_in_dim3A_238 = arith.constant 0.000000e+00 : f32
      %broadcast_in_dim3A_239 = vector.broadcast %broadcast_in_dim3A_238 : f32 to vector<16xf32>
      %broadcast_in_dim3A_240 = arith.constant 0.000000e+00 : f32
      %broadcast_in_dim3A_241 = vector.broadcast %broadcast_in_dim3A_240 : f32 to vector<16xf32>
      %broadcast_in_dim3A_242 = arith.constant 0.000000e+00 : f32
      %broadcast_in_dim3A_243 = vector.broadcast %broadcast_in_dim3A_242 : f32 to vector<16xf32>
      %broadcast_in_dim3A_244 = arith.constant 0.000000e+00 : f32
      %broadcast_in_dim3A_245 = vector.broadcast %broadcast_in_dim3A_244 : f32 to vector<16xf32>
      %mul3A_246 = arith.constant 200 : i32
      %mul3A_247 = arith.muli %add3A_229, %mul3A_246 : i32
      %dma_wait3A_248 = tpu.memref_slice %arg5[%mul3A_247] : memref<3200xi32, #tpu.memory_space<vmem>> -> memref<104xi32, #tpu.memory_space<vmem>>
      %dma_wait3A_249 = arith.constant 0 : i32
      %dma_wait3A_250 = arith.constant 0 : i32
      %dma_wait3A_251 = tpu.memref_slice %arg3[%dma_wait3A_249, %dma_wait3A_250] : memref<100000x128xf32, #tpu.memory_space<hbm>> -> memref<100000x128xf32, #tpu.memory_space<hbm>>
      tpu.wait_indirect_dma semaphore(%arg15 : memref<!tpu.dma_semaphore, #tpu.memory_space<semaphore_mem>>) src(%dma_wait3A_251 : memref<100000x128xf32, #tpu.memory_space<hbm>>) dst(%arg8 : memref<104x128xf32, #tpu.memory_space<vmem>>)
      %scan3A_252 = arith.constant 0 : i32
      %scan3A_253 = arith.constant 26 : i32
      %scan3A_254 = arith.addi %scan3A_252, %scan3A_253 : i32
      %scan3A_255 = arith.constant 1 : i32
      %scan3A_256:8 = scf.for %scan3A_427 = %scan3A_252 to %scan3A_254 step %scan3A_255 iter_args(%scan3A_428 = %broadcast_in_dim3A_231, %scan3A_429 = %broadcast_in_dim3A_233, %scan3A_430 = %broadcast_in_dim3A_235, %scan3A_431 = %broadcast_in_dim3A_237, %scan3A_432 = %broadcast_in_dim3A_239, %scan3A_433 = %broadcast_in_dim3A_241, %scan3A_434 = %broadcast_in_dim3A_243, %scan3A_435 = %broadcast_in_dim3A_245) -> (vector<16xf32>, vector<16xf32>, vector<16xf32>, vector<16xf32>, vector<16xf32>, vector<16xf32>, vector<16xf32>, vector<16xf32>)  : i32 {
        %mul3A_436 = arith.constant 4 : i32
        %mul3A_437 = arith.muli %scan3A_427, %mul3A_436 : i32
        %add3A_438 = arith.constant 0 : i32
        %add3A_439 = arith.addi %mul3A_437, %add3A_438 : i32
        %get3A = arith.index_cast %add3A_439 : i32 to index
        %get3A_440 = arith.constant 0 : index
        %get3A_441 = tpu.vector_load %arg8[%get3A, %get3A_440] {strides = array<i32>} : memref<104x128xf32, #tpu.memory_space<vmem>>, vector<1x16xf32>,
        %get3A_442 = vector.shape_cast %get3A_441 : vector<1x16xf32> to vector<16xf32>
        %add3A_443 = arith.addf %scan3A_428, %get3A_442 : vector<16xf32>
        %add3A_444 = arith.constant 0 : i32
        %add3A_445 = arith.addi %mul3A_437, %add3A_444 : i32
        %get3A_446 = arith.index_cast %add3A_445 : i32 to index
        %get3A_447 = arith.constant 16 : index
        %get3A_448 = tpu.vector_load %arg8[%get3A_446, %get3A_447] {strides = array<i32>} : memref<104x128xf32, #tpu.memory_space<vmem>>, vector<1x16xf32>,
        %get3A_449 = vector.shape_cast %get3A_448 : vector<1x16xf32> to vector<16xf32>
        %add3A_450 = arith.addf %scan3A_429, %get3A_449 : vector<16xf32>
        %add3A_451 = arith.constant 0 : i32
        %add3A_452 = arith.addi %mul3A_437, %add3A_451 : i32
        %get3A_453 = arith.index_cast %add3A_452 : i32 to index
        %get3A_454 = arith.constant 32 : index
        %get3A_455 = tpu.vector_load %arg8[%get3A_453, %get3A_454] {strides = array<i32>} : memref<104x128xf32, #tpu.memory_space<vmem>>, vector<1x16xf32>,
        %get3A_456 = vector.shape_cast %get3A_455 : vector<1x16xf32> to vector<16xf32>
        %add3A_457 = arith.addf %scan3A_430, %get3A_456 : vector<16xf32>
        %add3A_458 = arith.constant 0 : i32
        %add3A_459 = arith.addi %mul3A_437, %add3A_458 : i32
        %get3A_460 = arith.index_cast %add3A_459 : i32 to index
        %get3A_461 = arith.constant 48 : index
        %get3A_462 = tpu.vector_load %arg8[%get3A_460, %get3A_461] {strides = array<i32>} : memref<104x128xf32, #tpu.memory_space<vmem>>, vector<1x16xf32>,
        %get3A_463 = vector.shape_cast %get3A_462 : vector<1x16xf32> to vector<16xf32>
        %add3A_464 = arith.addf %scan3A_431, %get3A_463 : vector<16xf32>
        %add3A_465 = arith.constant 0 : i32
        %add3A_466 = arith.addi %mul3A_437, %add3A_465 : i32
        %get3A_467 = arith.index_cast %add3A_466 : i32 to index
        %get3A_468 = arith.constant 64 : index
        %get3A_469 = tpu.vector_load %arg8[%get3A_467, %get3A_468] {strides = array<i32>} : memref<104x128xf32, #tpu.memory_space<vmem>>, vector<1x16xf32>,
        %get3A_470 = vector.shape_cast %get3A_469 : vector<1x16xf32> to vector<16xf32>
        %add3A_471 = arith.addf %scan3A_432, %get3A_470 : vector<16xf32>
        %add3A_472 = arith.constant 0 : i32
        %add3A_473 = arith.addi %mul3A_437, %add3A_472 : i32
        %get3A_474 = arith.index_cast %add3A_473 : i32 to index
        %get3A_475 = arith.constant 80 : index
        %get3A_476 = tpu.vector_load %arg8[%get3A_474, %get3A_475] {strides = array<i32>} : memref<104x128xf32, #tpu.memory_space<vmem>>, vector<1x16xf32>,
        %get3A_477 = vector.shape_cast %get3A_476 : vector<1x16xf32> to vector<16xf32>
        %add3A_478 = arith.addf %scan3A_433, %get3A_477 : vector<16xf32>
        %add3A_479 = arith.constant 0 : i32
        %add3A_480 = arith.addi %mul3A_437, %add3A_479 : i32
        %get3A_481 = arith.index_cast %add3A_480 : i32 to index
        %get3A_482 = arith.constant 96 : index
        %get3A_483 = tpu.vector_load %arg8[%get3A_481, %get3A_482] {strides = array<i32>} : memref<104x128xf32, #tpu.memory_space<vmem>>, vector<1x16xf32>,
        %get3A_484 = vector.shape_cast %get3A_483 : vector<1x16xf32> to vector<16xf32>
        %add3A_485 = arith.addf %scan3A_434, %get3A_484 : vector<16xf32>
        %add3A_486 = arith.constant 0 : i32
        %add3A_487 = arith.addi %mul3A_437, %add3A_486 : i32
        %get3A_488 = arith.index_cast %add3A_487 : i32 to index
        %get3A_489 = arith.constant 112 : index
        %get3A_490 = tpu.vector_load %arg8[%get3A_488, %get3A_489] {strides = array<i32>} : memref<104x128xf32, #tpu.memory_space<vmem>>, vector<1x16xf32>,
        %get3A_491 = vector.shape_cast %get3A_490 : vector<1x16xf32> to vector<16xf32>
        %add3A_492 = arith.addf %scan3A_435, %get3A_491 : vector<16xf32>
        %add3A_493 = arith.constant 1 : i32
        %add3A_494 = arith.addi %mul3A_437, %add3A_493 : i32
        %get3A_495 = arith.index_cast %add3A_494 : i32 to index
        %get3A_496 = arith.constant 0 : index
        %get3A_497 = tpu.vector_load %arg8[%get3A_495, %get3A_496] {strides = array<i32>} : memref<104x128xf32, #tpu.memory_space<vmem>>, vector<1x16xf32>,
        %get3A_498 = vector.shape_cast %get3A_497 : vector<1x16xf32> to vector<16xf32>
        %add3A_499 = arith.addf %add3A_443, %get3A_498 : vector<16xf32>
        %add3A_500 = arith.constant 1 : i32
        %add3A_501 = arith.addi %mul3A_437, %add3A_500 : i32
        %get3A_502 = arith.index_cast %add3A_501 : i32 to index
        %get3A_503 = arith.constant 16 : index
        %get3A_504 = tpu.vector_load %arg8[%get3A_502, %get3A_503] {strides = array<i32>} : memref<104x128xf32, #tpu.memory_space<vmem>>, vector<1x16xf32>,
        %get3A_505 = vector.shape_cast %get3A_504 : vector<1x16xf32> to vector<16xf32>
        %add3A_506 = arith.addf %add3A_450, %get3A_505 : vector<16xf32>
        %add3A_507 = arith.constant 1 : i32
        %add3A_508 = arith.addi %mul3A_437, %add3A_507 : i32
        %get3A_509 = arith.index_cast %add3A_508 : i32 to index
        %get3A_510 = arith.constant 32 : index
        %get3A_511 = tpu.vector_load %arg8[%get3A_509, %get3A_510] {strides = array<i32>} : memref<104x128xf32, #tpu.memory_space<vmem>>, vector<1x16xf32>,
        %get3A_512 = vector.shape_cast %get3A_511 : vector<1x16xf32> to vector<16xf32>
        %add3A_513 = arith.addf %add3A_457, %get3A_512 : vector<16xf32>
        %add3A_514 = arith.constant 1 : i32
        %add3A_515 = arith.addi %mul3A_437, %add3A_514 : i32
        %get3A_516 = arith.index_cast %add3A_515 : i32 to index
        %get3A_517 = arith.constant 48 : index
        %get3A_518 = tpu.vector_load %arg8[%get3A_516, %get3A_517] {strides = array<i32>} : memref<104x128xf32, #tpu.memory_space<vmem>>, vector<1x16xf32>,
        %get3A_519 = vector.shape_cast %get3A_518 : vector<1x16xf32> to vector<16xf32>
        %add3A_520 = arith.addf %add3A_464, %get3A_519 : vector<16xf32>
        %add3A_521 = arith.constant 1 : i32
        %add3A_522 = arith.addi %mul3A_437, %add3A_521 : i32
        %get3A_523 = arith.index_cast %add3A_522 : i32 to index
        %get3A_524 = arith.constant 64 : index
        %get3A_525 = tpu.vector_load %arg8[%get3A_523, %get3A_524] {strides = array<i32>} : memref<104x128xf32, #tpu.memory_space<vmem>>, vector<1x16xf32>,
        %get3A_526 = vector.shape_cast %get3A_525 : vector<1x16xf32> to vector<16xf32>
        %add3A_527 = arith.addf %add3A_471, %get3A_526 : vector<16xf32>
        %add3A_528 = arith.constant 1 : i32
        %add3A_529 = arith.addi %mul3A_437, %add3A_528 : i32
        %get3A_530 = arith.index_cast %add3A_529 : i32 to index
        %get3A_531 = arith.constant 80 : index
        %get3A_532 = tpu.vector_load %arg8[%get3A_530, %get3A_531] {strides = array<i32>} : memref<104x128xf32, #tpu.memory_space<vmem>>, vector<1x16xf32>,
        %get3A_533 = vector.shape_cast %get3A_532 : vector<1x16xf32> to vector<16xf32>
        %add3A_534 = arith.addf %add3A_478, %get3A_533 : vector<16xf32>
        %add3A_535 = arith.constant 1 : i32
        %add3A_536 = arith.addi %mul3A_437, %add3A_535 : i32
        %get3A_537 = arith.index_cast %add3A_536 : i32 to index
        %get3A_538 = arith.constant 96 : index
        %get3A_539 = tpu.vector_load %arg8[%get3A_537, %get3A_538] {strides = array<i32>} : memref<104x128xf32, #tpu.memory_space<vmem>>, vector<1x16xf32>,
        %get3A_540 = vector.shape_cast %get3A_539 : vector<1x16xf32> to vector<16xf32>
        %add3A_541 = arith.addf %add3A_485, %get3A_540 : vector<16xf32>
        %add3A_542 = arith.constant 1 : i32
        %add3A_543 = arith.addi %mul3A_437, %add3A_542 : i32
        %get3A_544 = arith.index_cast %add3A_543 : i32 to index
        %get3A_545 = arith.constant 112 : index
        %get3A_546 = tpu.vector_load %arg8[%get3A_544, %get3A_545] {strides = array<i32>} : memref<104x128xf32, #tpu.memory_space<vmem>>, vector<1x16xf32>,
        %get3A_547 = vector.shape_cast %get3A_546 : vector<1x16xf32> to vector<16xf32>
        %add3A_548 = arith.addf %add3A_492, %get3A_547 : vector<16xf32>
        %add3A_549 = arith.constant 2 : i32
        %add3A_550 = arith.addi %mul3A_437, %add3A_549 : i32
        %get3A_551 = arith.index_cast %add3A_550 : i32 to index
        %get3A_552 = arith.constant 0 : index
        %get3A_553 = tpu.vector_load %arg8[%get3A_551, %get3A_552] {strides = array<i32>} : memref<104x128xf32, #tpu.memory_space<vmem>>, vector<1x16xf32>,
        %get3A_554 = vector.shape_cast %get3A_553 : vector<1x16xf32> to vector<16xf32>
        %add3A_555 = arith.addf %add3A_499, %get3A_554 : vector<16xf32>
        %add3A_556 = arith.constant 2 : i32
        %add3A_557 = arith.addi %mul3A_437, %add3A_556 : i32
        %get3A_558 = arith.index_cast %add3A_557 : i32 to index
        %get3A_559 = arith.constant 16 : index
        %get3A_560 = tpu.vector_load %arg8[%get3A_558, %get3A_559] {strides = array<i32>} : memref<104x128xf32, #tpu.memory_space<vmem>>, vector<1x16xf32>,
        %get3A_561 = vector.shape_cast %get3A_560 : vector<1x16xf32> to vector<16xf32>
        %add3A_562 = arith.addf %add3A_506, %get3A_561 : vector<16xf32>
        %add3A_563 = arith.constant 2 : i32
        %add3A_564 = arith.addi %mul3A_437, %add3A_563 : i32
        %get3A_565 = arith.index_cast %add3A_564 : i32 to index
        %get3A_566 = arith.constant 32 : index
        %get3A_567 = tpu.vector_load %arg8[%get3A_565, %get3A_566] {strides = array<i32>} : memref<104x128xf32, #tpu.memory_space<vmem>>, vector<1x16xf32>,
        %get3A_568 = vector.shape_cast %get3A_567 : vector<1x16xf32> to vector<16xf32>
        %add3A_569 = arith.addf %add3A_513, %get3A_568 : vector<16xf32>
        %add3A_570 = arith.constant 2 : i32
        %add3A_571 = arith.addi %mul3A_437, %add3A_570 : i32
        %get3A_572 = arith.index_cast %add3A_571 : i32 to index
        %get3A_573 = arith.constant 48 : index
        %get3A_574 = tpu.vector_load %arg8[%get3A_572, %get3A_573] {strides = array<i32>} : memref<104x128xf32, #tpu.memory_space<vmem>>, vector<1x16xf32>,
        %get3A_575 = vector.shape_cast %get3A_574 : vector<1x16xf32> to vector<16xf32>
        %add3A_576 = arith.addf %add3A_520, %get3A_575 : vector<16xf32>
        %add3A_577 = arith.constant 2 : i32
        %add3A_578 = arith.addi %mul3A_437, %add3A_577 : i32
        %get3A_579 = arith.index_cast %add3A_578 : i32 to index
        %get3A_580 = arith.constant 64 : index
        %get3A_581 = tpu.vector_load %arg8[%get3A_579, %get3A_580] {strides = array<i32>} : memref<104x128xf32, #tpu.memory_space<vmem>>, vector<1x16xf32>,
        %get3A_582 = vector.shape_cast %get3A_581 : vector<1x16xf32> to vector<16xf32>
        %add3A_583 = arith.addf %add3A_527, %get3A_582 : vector<16xf32>
        %add3A_584 = arith.constant 2 : i32
        %add3A_585 = arith.addi %mul3A_437, %add3A_584 : i32
        %get3A_586 = arith.index_cast %add3A_585 : i32 to index
        %get3A_587 = arith.constant 80 : index
        %get3A_588 = tpu.vector_load %arg8[%get3A_586, %get3A_587] {strides = array<i32>} : memref<104x128xf32, #tpu.memory_space<vmem>>, vector<1x16xf32>,
        %get3A_589 = vector.shape_cast %get3A_588 : vector<1x16xf32> to vector<16xf32>
        %add3A_590 = arith.addf %add3A_534, %get3A_589 : vector<16xf32>
        %add3A_591 = arith.constant 2 : i32
        %add3A_592 = arith.addi %mul3A_437, %add3A_591 : i32
        %get3A_593 = arith.index_cast %add3A_592 : i32 to index
        %get3A_594 = arith.constant 96 : index
        %get3A_595 = tpu.vector_load %arg8[%get3A_593, %get3A_594] {strides = array<i32>} : memref<104x128xf32, #tpu.memory_space<vmem>>, vector<1x16xf32>,
        %get3A_596 = vector.shape_cast %get3A_595 : vector<1x16xf32> to vector<16xf32>
        %add3A_597 = arith.addf %add3A_541, %get3A_596 : vector<16xf32>
        %add3A_598 = arith.constant 2 : i32
        %add3A_599 = arith.addi %mul3A_437, %add3A_598 : i32
        %get3A_600 = arith.index_cast %add3A_599 : i32 to index
        %get3A_601 = arith.constant 112 : index
        %get3A_602 = tpu.vector_load %arg8[%get3A_600, %get3A_601] {strides = array<i32>} : memref<104x128xf32, #tpu.memory_space<vmem>>, vector<1x16xf32>,
        %get3A_603 = vector.shape_cast %get3A_602 : vector<1x16xf32> to vector<16xf32>
        %add3A_604 = arith.addf %add3A_548, %get3A_603 : vector<16xf32>
        %add3A_605 = arith.constant 3 : i32
        %add3A_606 = arith.addi %mul3A_437, %add3A_605 : i32
        %get3A_607 = arith.index_cast %add3A_606 : i32 to index
        %get3A_608 = arith.constant 0 : index
        %get3A_609 = tpu.vector_load %arg8[%get3A_607, %get3A_608] {strides = array<i32>} : memref<104x128xf32, #tpu.memory_space<vmem>>, vector<1x16xf32>,
        %get3A_610 = vector.shape_cast %get3A_609 : vector<1x16xf32> to vector<16xf32>
        %add3A_611 = arith.addf %add3A_555, %get3A_610 : vector<16xf32>
        %add3A_612 = arith.constant 3 : i32
        %add3A_613 = arith.addi %mul3A_437, %add3A_612 : i32
        %get3A_614 = arith.index_cast %add3A_613 : i32 to index
        %get3A_615 = arith.constant 16 : index
        %get3A_616 = tpu.vector_load %arg8[%get3A_614, %get3A_615] {strides = array<i32>} : memref<104x128xf32, #tpu.memory_space<vmem>>, vector<1x16xf32>,
        %get3A_617 = vector.shape_cast %get3A_616 : vector<1x16xf32> to vector<16xf32>
        %add3A_618 = arith.addf %add3A_562, %get3A_617 : vector<16xf32>
        %add3A_619 = arith.constant 3 : i32
        %add3A_620 = arith.addi %mul3A_437, %add3A_619 : i32
        %get3A_621 = arith.index_cast %add3A_620 : i32 to index
        %get3A_622 = arith.constant 32 : index
        %get3A_623 = tpu.vector_load %arg8[%get3A_621, %get3A_622] {strides = array<i32>} : memref<104x128xf32, #tpu.memory_space<vmem>>, vector<1x16xf32>,
        %get3A_624 = vector.shape_cast %get3A_623 : vector<1x16xf32> to vector<16xf32>
        %add3A_625 = arith.addf %add3A_569, %get3A_624 : vector<16xf32>
        %add3A_626 = arith.constant 3 : i32
        %add3A_627 = arith.addi %mul3A_437, %add3A_626 : i32
        %get3A_628 = arith.index_cast %add3A_627 : i32 to index
        %get3A_629 = arith.constant 48 : index
        %get3A_630 = tpu.vector_load %arg8[%get3A_628, %get3A_629] {strides = array<i32>} : memref<104x128xf32, #tpu.memory_space<vmem>>, vector<1x16xf32>,
        %get3A_631 = vector.shape_cast %get3A_630 : vector<1x16xf32> to vector<16xf32>
        %add3A_632 = arith.addf %add3A_576, %get3A_631 : vector<16xf32>
        %add3A_633 = arith.constant 3 : i32
        %add3A_634 = arith.addi %mul3A_437, %add3A_633 : i32
        %get3A_635 = arith.index_cast %add3A_634 : i32 to index
        %get3A_636 = arith.constant 64 : index
        %get3A_637 = tpu.vector_load %arg8[%get3A_635, %get3A_636] {strides = array<i32>} : memref<104x128xf32, #tpu.memory_space<vmem>>, vector<1x16xf32>,
        %get3A_638 = vector.shape_cast %get3A_637 : vector<1x16xf32> to vector<16xf32>
        %add3A_639 = arith.addf %add3A_583, %get3A_638 : vector<16xf32>
        %add3A_640 = arith.constant 3 : i32
        %add3A_641 = arith.addi %mul3A_437, %add3A_640 : i32
        %get3A_642 = arith.index_cast %add3A_641 : i32 to index
        %get3A_643 = arith.constant 80 : index
        %get3A_644 = tpu.vector_load %arg8[%get3A_642, %get3A_643] {strides = array<i32>} : memref<104x128xf32, #tpu.memory_space<vmem>>, vector<1x16xf32>,
        %get3A_645 = vector.shape_cast %get3A_644 : vector<1x16xf32> to vector<16xf32>
        %add3A_646 = arith.addf %add3A_590, %get3A_645 : vector<16xf32>
        %add3A_647 = arith.constant 3 : i32
        %add3A_648 = arith.addi %mul3A_437, %add3A_647 : i32
        %get3A_649 = arith.index_cast %add3A_648 : i32 to index
        %get3A_650 = arith.constant 96 : index
        %get3A_651 = tpu.vector_load %arg8[%get3A_649, %get3A_650] {strides = array<i32>} : memref<104x128xf32, #tpu.memory_space<vmem>>, vector<1x16xf32>,
        %get3A_652 = vector.shape_cast %get3A_651 : vector<1x16xf32> to vector<16xf32>
        %add3A_653 = arith.addf %add3A_597, %get3A_652 : vector<16xf32>
        %add3A_654 = arith.constant 3 : i32
        %add3A_655 = arith.addi %mul3A_437, %add3A_654 : i32
        %get3A_656 = arith.index_cast %add3A_655 : i32 to index
        %get3A_657 = arith.constant 112 : index
        %get3A_658 = tpu.vector_load %arg8[%get3A_656, %get3A_657] {strides = array<i32>} : memref<104x128xf32, #tpu.memory_space<vmem>>, vector<1x16xf32>,
        %get3A_659 = vector.shape_cast %get3A_658 : vector<1x16xf32> to vector<16xf32>
        %add3A_660 = arith.addf %add3A_604, %get3A_659 : vector<16xf32>
        scf.yield %add3A_611, %add3A_618, %add3A_625, %add3A_632, %add3A_639, %add3A_646, %add3A_653, %add3A_660 : vector<16xf32>, vector<16xf32>, vector<16xf32>, vector<16xf32>, vector<16xf32>, vector<16xf32>, vector<16xf32>, vector<16xf32>
      }
      %scan3A_257 = arith.constant 26 : i32
      %add3A_258 = arith.constant 3 : i32
      %add3A_259 = arith.addi %add3A_229, %add3A_258 : i32
      %lt3A_260 = arith.constant 16 : i32
      %lt3A_261 = arith.cmpi slt, %add3A_259, %lt3A_260 : i32
      %convert_element_type3A_262 = arith.extui %lt3A_261 : i1 to i32
      %cond3A_263 = arith.constant 0 : i32
      %cond3A_264 = arith.cmpi ne, %convert_element_type3A_262, %cond3A_263 : i32
      scf.if %cond3A_264 {
        %add3A_427 = arith.constant 3 : i32
        %add3A_428 = arith.addi %add3A_229, %add3A_427 : i32
        %mul3A_429 = arith.constant 200 : i32
        %mul3A_430 = arith.muli %add3A_428, %mul3A_429 : i32
        %dma_start3A_431 = tpu.memref_slice %arg5[%mul3A_430] : memref<3200xi32, #tpu.memory_space<vmem>> -> memref<104xi32, #tpu.memory_space<vmem>>
        %dma_start3A_432 = arith.constant 0 : i32
        %dma_start3A_433 = arith.constant 0 : i32
        %dma_start3A_434 = tpu.memref_slice %arg3[%dma_start3A_432, %dma_start3A_433] : memref<100000x128xf32, #tpu.memory_space<hbm>> -> memref<100000x128xf32, #tpu.memory_space<hbm>>
        tpu.enqueue_indirect_dma source(%dma_start3A_434 : memref<100000x128xf32, #tpu.memory_space<hbm>>) target(%arg8 : memref<104x128xf32, #tpu.memory_space<vmem>>) offsets(%dma_start3A_431 : memref<104xi32, #tpu.memory_space<vmem>>) semaphore(%arg15 : memref<!tpu.dma_semaphore, #tpu.memory_space<semaphore_mem>>)
      } else {
      }
      %mul3A_265 = arith.constant 200 : i32
      %mul3A_266 = arith.muli %add3A_229, %mul3A_265 : i32
      %add3A_267 = arith.constant 104 : i32
      %add3A_268 = arith.addi %mul3A_266, %add3A_267 : i32
      %dma_wait3A_269 = tpu.memref_slice %arg5[%add3A_268] : memref<3200xi32, #tpu.memory_space<vmem>> -> memref<96xi32, #tpu.memory_space<vmem>>
      %dma_wait3A_270 = arith.constant 0 : i32
      %dma_wait3A_271 = arith.constant 0 : i32
      %dma_wait3A_272 = tpu.memref_slice %arg3[%dma_wait3A_270, %dma_wait3A_271] : memref<100000x128xf32, #tpu.memory_space<hbm>> -> memref<100000x128xf32, #tpu.memory_space<hbm>>
      tpu.wait_indirect_dma semaphore(%arg16 : memref<!tpu.dma_semaphore, #tpu.memory_space<semaphore_mem>>) src(%dma_wait3A_272 : memref<100000x128xf32, #tpu.memory_space<hbm>>) dst(%arg9 : memref<96x128xf32, #tpu.memory_space<vmem>>)
      %scan3A_273 = arith.constant 0 : i32
      %scan3A_274 = arith.constant 24 : i32
      %scan3A_275 = arith.addi %scan3A_273, %scan3A_274 : i32
      %scan3A_276 = arith.constant 1 : i32
      %scan3A_277:8 = scf.for %scan3A_427 = %scan3A_273 to %scan3A_275 step %scan3A_276 iter_args(%scan3A_428 = %scan3A_256#0, %scan3A_429 = %scan3A_256#1, %scan3A_430 = %scan3A_256#2, %scan3A_431 = %scan3A_256#3, %scan3A_432 = %scan3A_256#4, %scan3A_433 = %scan3A_256#5, %scan3A_434 = %scan3A_256#6, %scan3A_435 = %scan3A_256#7) -> (vector<16xf32>, vector<16xf32>, vector<16xf32>, vector<16xf32>, vector<16xf32>, vector<16xf32>, vector<16xf32>, vector<16xf32>)  : i32 {
        %mul3A_436 = arith.constant 4 : i32
        %mul3A_437 = arith.muli %scan3A_427, %mul3A_436 : i32
        %add3A_438 = arith.constant 0 : i32
        %add3A_439 = arith.addi %mul3A_437, %add3A_438 : i32
        %get3A = arith.index_cast %add3A_439 : i32 to index
        %get3A_440 = arith.constant 0 : index
        %get3A_441 = tpu.vector_load %arg9[%get3A, %get3A_440] {strides = array<i32>} : memref<96x128xf32, #tpu.memory_space<vmem>>, vector<1x16xf32>,
        %get3A_442 = vector.shape_cast %get3A_441 : vector<1x16xf32> to vector<16xf32>
        %add3A_443 = arith.addf %scan3A_428, %get3A_442 : vector<16xf32>
        %add3A_444 = arith.constant 0 : i32
        %add3A_445 = arith.addi %mul3A_437, %add3A_444 : i32
        %get3A_446 = arith.index_cast %add3A_445 : i32 to index
        %get3A_447 = arith.constant 16 : index
        %get3A_448 = tpu.vector_load %arg9[%get3A_446, %get3A_447] {strides = array<i32>} : memref<96x128xf32, #tpu.memory_space<vmem>>, vector<1x16xf32>,
        %get3A_449 = vector.shape_cast %get3A_448 : vector<1x16xf32> to vector<16xf32>
        %add3A_450 = arith.addf %scan3A_429, %get3A_449 : vector<16xf32>
        %add3A_451 = arith.constant 0 : i32
        %add3A_452 = arith.addi %mul3A_437, %add3A_451 : i32
        %get3A_453 = arith.index_cast %add3A_452 : i32 to index
        %get3A_454 = arith.constant 32 : index
        %get3A_455 = tpu.vector_load %arg9[%get3A_453, %get3A_454] {strides = array<i32>} : memref<96x128xf32, #tpu.memory_space<vmem>>, vector<1x16xf32>,
        %get3A_456 = vector.shape_cast %get3A_455 : vector<1x16xf32> to vector<16xf32>
        %add3A_457 = arith.addf %scan3A_430, %get3A_456 : vector<16xf32>
        %add3A_458 = arith.constant 0 : i32
        %add3A_459 = arith.addi %mul3A_437, %add3A_458 : i32
        %get3A_460 = arith.index_cast %add3A_459 : i32 to index
        %get3A_461 = arith.constant 48 : index
        %get3A_462 = tpu.vector_load %arg9[%get3A_460, %get3A_461] {strides = array<i32>} : memref<96x128xf32, #tpu.memory_space<vmem>>, vector<1x16xf32>,
        %get3A_463 = vector.shape_cast %get3A_462 : vector<1x16xf32> to vector<16xf32>
        %add3A_464 = arith.addf %scan3A_431, %get3A_463 : vector<16xf32>
        %add3A_465 = arith.constant 0 : i32
        %add3A_466 = arith.addi %mul3A_437, %add3A_465 : i32
        %get3A_467 = arith.index_cast %add3A_466 : i32 to index
        %get3A_468 = arith.constant 64 : index
        %get3A_469 = tpu.vector_load %arg9[%get3A_467, %get3A_468] {strides = array<i32>} : memref<96x128xf32, #tpu.memory_space<vmem>>, vector<1x16xf32>,
        %get3A_470 = vector.shape_cast %get3A_469 : vector<1x16xf32> to vector<16xf32>
        %add3A_471 = arith.addf %scan3A_432, %get3A_470 : vector<16xf32>
        %add3A_472 = arith.constant 0 : i32
        %add3A_473 = arith.addi %mul3A_437, %add3A_472 : i32
        %get3A_474 = arith.index_cast %add3A_473 : i32 to index
        %get3A_475 = arith.constant 80 : index
        %get3A_476 = tpu.vector_load %arg9[%get3A_474, %get3A_475] {strides = array<i32>} : memref<96x128xf32, #tpu.memory_space<vmem>>, vector<1x16xf32>,
        %get3A_477 = vector.shape_cast %get3A_476 : vector<1x16xf32> to vector<16xf32>
        %add3A_478 = arith.addf %scan3A_433, %get3A_477 : vector<16xf32>
        %add3A_479 = arith.constant 0 : i32
        %add3A_480 = arith.addi %mul3A_437, %add3A_479 : i32
        %get3A_481 = arith.index_cast %add3A_480 : i32 to index
        %get3A_482 = arith.constant 96 : index
        %get3A_483 = tpu.vector_load %arg9[%get3A_481, %get3A_482] {strides = array<i32>} : memref<96x128xf32, #tpu.memory_space<vmem>>, vector<1x16xf32>,
        %get3A_484 = vector.shape_cast %get3A_483 : vector<1x16xf32> to vector<16xf32>
        %add3A_485 = arith.addf %scan3A_434, %get3A_484 : vector<16xf32>
        %add3A_486 = arith.constant 0 : i32
        %add3A_487 = arith.addi %mul3A_437, %add3A_486 : i32
        %get3A_488 = arith.index_cast %add3A_487 : i32 to index
        %get3A_489 = arith.constant 112 : index
        %get3A_490 = tpu.vector_load %arg9[%get3A_488, %get3A_489] {strides = array<i32>} : memref<96x128xf32, #tpu.memory_space<vmem>>, vector<1x16xf32>,
        %get3A_491 = vector.shape_cast %get3A_490 : vector<1x16xf32> to vector<16xf32>
        %add3A_492 = arith.addf %scan3A_435, %get3A_491 : vector<16xf32>
        %add3A_493 = arith.constant 1 : i32
        %add3A_494 = arith.addi %mul3A_437, %add3A_493 : i32
        %get3A_495 = arith.index_cast %add3A_494 : i32 to index
        %get3A_496 = arith.constant 0 : index
        %get3A_497 = tpu.vector_load %arg9[%get3A_495, %get3A_496] {strides = array<i32>} : memref<96x128xf32, #tpu.memory_space<vmem>>, vector<1x16xf32>,
        %get3A_498 = vector.shape_cast %get3A_497 : vector<1x16xf32> to vector<16xf32>
        %add3A_499 = arith.addf %add3A_443, %get3A_498 : vector<16xf32>
        %add3A_500 = arith.constant 1 : i32
        %add3A_501 = arith.addi %mul3A_437, %add3A_500 : i32
        %get3A_502 = arith.index_cast %add3A_501 : i32 to index
        %get3A_503 = arith.constant 16 : index
        %get3A_504 = tpu.vector_load %arg9[%get3A_502, %get3A_503] {strides = array<i32>} : memref<96x128xf32, #tpu.memory_space<vmem>>, vector<1x16xf32>,
        %get3A_505 = vector.shape_cast %get3A_504 : vector<1x16xf32> to vector<16xf32>
        %add3A_506 = arith.addf %add3A_450, %get3A_505 : vector<16xf32>
        %add3A_507 = arith.constant 1 : i32
        %add3A_508 = arith.addi %mul3A_437, %add3A_507 : i32
        %get3A_509 = arith.index_cast %add3A_508 : i32 to index
        %get3A_510 = arith.constant 32 : index
        %get3A_511 = tpu.vector_load %arg9[%get3A_509, %get3A_510] {strides = array<i32>} : memref<96x128xf32, #tpu.memory_space<vmem>>, vector<1x16xf32>,
        %get3A_512 = vector.shape_cast %get3A_511 : vector<1x16xf32> to vector<16xf32>
        %add3A_513 = arith.addf %add3A_457, %get3A_512 : vector<16xf32>
        %add3A_514 = arith.constant 1 : i32
        %add3A_515 = arith.addi %mul3A_437, %add3A_514 : i32
        %get3A_516 = arith.index_cast %add3A_515 : i32 to index
        %get3A_517 = arith.constant 48 : index
        %get3A_518 = tpu.vector_load %arg9[%get3A_516, %get3A_517] {strides = array<i32>} : memref<96x128xf32, #tpu.memory_space<vmem>>, vector<1x16xf32>,
        %get3A_519 = vector.shape_cast %get3A_518 : vector<1x16xf32> to vector<16xf32>
        %add3A_520 = arith.addf %add3A_464, %get3A_519 : vector<16xf32>
        %add3A_521 = arith.constant 1 : i32
        %add3A_522 = arith.addi %mul3A_437, %add3A_521 : i32
        %get3A_523 = arith.index_cast %add3A_522 : i32 to index
        %get3A_524 = arith.constant 64 : index
        %get3A_525 = tpu.vector_load %arg9[%get3A_523, %get3A_524] {strides = array<i32>} : memref<96x128xf32, #tpu.memory_space<vmem>>, vector<1x16xf32>,
        %get3A_526 = vector.shape_cast %get3A_525 : vector<1x16xf32> to vector<16xf32>
        %add3A_527 = arith.addf %add3A_471, %get3A_526 : vector<16xf32>
        %add3A_528 = arith.constant 1 : i32
        %add3A_529 = arith.addi %mul3A_437, %add3A_528 : i32
        %get3A_530 = arith.index_cast %add3A_529 : i32 to index
        %get3A_531 = arith.constant 80 : index
        %get3A_532 = tpu.vector_load %arg9[%get3A_530, %get3A_531] {strides = array<i32>} : memref<96x128xf32, #tpu.memory_space<vmem>>, vector<1x16xf32>,
        %get3A_533 = vector.shape_cast %get3A_532 : vector<1x16xf32> to vector<16xf32>
        %add3A_534 = arith.addf %add3A_478, %get3A_533 : vector<16xf32>
        %add3A_535 = arith.constant 1 : i32
        %add3A_536 = arith.addi %mul3A_437, %add3A_535 : i32
        %get3A_537 = arith.index_cast %add3A_536 : i32 to index
        %get3A_538 = arith.constant 96 : index
        %get3A_539 = tpu.vector_load %arg9[%get3A_537, %get3A_538] {strides = array<i32>} : memref<96x128xf32, #tpu.memory_space<vmem>>, vector<1x16xf32>,
        %get3A_540 = vector.shape_cast %get3A_539 : vector<1x16xf32> to vector<16xf32>
        %add3A_541 = arith.addf %add3A_485, %get3A_540 : vector<16xf32>
        %add3A_542 = arith.constant 1 : i32
        %add3A_543 = arith.addi %mul3A_437, %add3A_542 : i32
        %get3A_544 = arith.index_cast %add3A_543 : i32 to index
        %get3A_545 = arith.constant 112 : index
        %get3A_546 = tpu.vector_load %arg9[%get3A_544, %get3A_545] {strides = array<i32>} : memref<96x128xf32, #tpu.memory_space<vmem>>, vector<1x16xf32>,
        %get3A_547 = vector.shape_cast %get3A_546 : vector<1x16xf32> to vector<16xf32>
        %add3A_548 = arith.addf %add3A_492, %get3A_547 : vector<16xf32>
        %add3A_549 = arith.constant 2 : i32
        %add3A_550 = arith.addi %mul3A_437, %add3A_549 : i32
        %get3A_551 = arith.index_cast %add3A_550 : i32 to index
        %get3A_552 = arith.constant 0 : index
        %get3A_553 = tpu.vector_load %arg9[%get3A_551, %get3A_552] {strides = array<i32>} : memref<96x128xf32, #tpu.memory_space<vmem>>, vector<1x16xf32>,
        %get3A_554 = vector.shape_cast %get3A_553 : vector<1x16xf32> to vector<16xf32>
        %add3A_555 = arith.addf %add3A_499, %get3A_554 : vector<16xf32>
        %add3A_556 = arith.constant 2 : i32
        %add3A_557 = arith.addi %mul3A_437, %add3A_556 : i32
        %get3A_558 = arith.index_cast %add3A_557 : i32 to index
        %get3A_559 = arith.constant 16 : index
        %get3A_560 = tpu.vector_load %arg9[%get3A_558, %get3A_559] {strides = array<i32>} : memref<96x128xf32, #tpu.memory_space<vmem>>, vector<1x16xf32>,
        %get3A_561 = vector.shape_cast %get3A_560 : vector<1x16xf32> to vector<16xf32>
        %add3A_562 = arith.addf %add3A_506, %get3A_561 : vector<16xf32>
        %add3A_563 = arith.constant 2 : i32
        %add3A_564 = arith.addi %mul3A_437, %add3A_563 : i32
        %get3A_565 = arith.index_cast %add3A_564 : i32 to index
        %get3A_566 = arith.constant 32 : index
        %get3A_567 = tpu.vector_load %arg9[%get3A_565, %get3A_566] {strides = array<i32>} : memref<96x128xf32, #tpu.memory_space<vmem>>, vector<1x16xf32>,
        %get3A_568 = vector.shape_cast %get3A_567 : vector<1x16xf32> to vector<16xf32>
        %add3A_569 = arith.addf %add3A_513, %get3A_568 : vector<16xf32>
        %add3A_570 = arith.constant 2 : i32
        %add3A_571 = arith.addi %mul3A_437, %add3A_570 : i32
        %get3A_572 = arith.index_cast %add3A_571 : i32 to index
        %get3A_573 = arith.constant 48 : index
        %get3A_574 = tpu.vector_load %arg9[%get3A_572, %get3A_573] {strides = array<i32>} : memref<96x128xf32, #tpu.memory_space<vmem>>, vector<1x16xf32>,
        %get3A_575 = vector.shape_cast %get3A_574 : vector<1x16xf32> to vector<16xf32>
        %add3A_576 = arith.addf %add3A_520, %get3A_575 : vector<16xf32>
        %add3A_577 = arith.constant 2 : i32
        %add3A_578 = arith.addi %mul3A_437, %add3A_577 : i32
        %get3A_579 = arith.index_cast %add3A_578 : i32 to index
        %get3A_580 = arith.constant 64 : index
        %get3A_581 = tpu.vector_load %arg9[%get3A_579, %get3A_580] {strides = array<i32>} : memref<96x128xf32, #tpu.memory_space<vmem>>, vector<1x16xf32>,
        %get3A_582 = vector.shape_cast %get3A_581 : vector<1x16xf32> to vector<16xf32>
        %add3A_583 = arith.addf %add3A_527, %get3A_582 : vector<16xf32>
        %add3A_584 = arith.constant 2 : i32
        %add3A_585 = arith.addi %mul3A_437, %add3A_584 : i32
        %get3A_586 = arith.index_cast %add3A_585 : i32 to index
        %get3A_587 = arith.constant 80 : index
        %get3A_588 = tpu.vector_load %arg9[%get3A_586, %get3A_587] {strides = array<i32>} : memref<96x128xf32, #tpu.memory_space<vmem>>, vector<1x16xf32>,
        %get3A_589 = vector.shape_cast %get3A_588 : vector<1x16xf32> to vector<16xf32>
        %add3A_590 = arith.addf %add3A_534, %get3A_589 : vector<16xf32>
        %add3A_591 = arith.constant 2 : i32
        %add3A_592 = arith.addi %mul3A_437, %add3A_591 : i32
        %get3A_593 = arith.index_cast %add3A_592 : i32 to index
        %get3A_594 = arith.constant 96 : index
        %get3A_595 = tpu.vector_load %arg9[%get3A_593, %get3A_594] {strides = array<i32>} : memref<96x128xf32, #tpu.memory_space<vmem>>, vector<1x16xf32>,
        %get3A_596 = vector.shape_cast %get3A_595 : vector<1x16xf32> to vector<16xf32>
        %add3A_597 = arith.addf %add3A_541, %get3A_596 : vector<16xf32>
        %add3A_598 = arith.constant 2 : i32
        %add3A_599 = arith.addi %mul3A_437, %add3A_598 : i32
        %get3A_600 = arith.index_cast %add3A_599 : i32 to index
        %get3A_601 = arith.constant 112 : index
        %get3A_602 = tpu.vector_load %arg9[%get3A_600, %get3A_601] {strides = array<i32>} : memref<96x128xf32, #tpu.memory_space<vmem>>, vector<1x16xf32>,
        %get3A_603 = vector.shape_cast %get3A_602 : vector<1x16xf32> to vector<16xf32>
        %add3A_604 = arith.addf %add3A_548, %get3A_603 : vector<16xf32>
        %add3A_605 = arith.constant 3 : i32
        %add3A_606 = arith.addi %mul3A_437, %add3A_605 : i32
        %get3A_607 = arith.index_cast %add3A_606 : i32 to index
        %get3A_608 = arith.constant 0 : index
        %get3A_609 = tpu.vector_load %arg9[%get3A_607, %get3A_608] {strides = array<i32>} : memref<96x128xf32, #tpu.memory_space<vmem>>, vector<1x16xf32>,
        %get3A_610 = vector.shape_cast %get3A_609 : vector<1x16xf32> to vector<16xf32>
        %add3A_611 = arith.addf %add3A_555, %get3A_610 : vector<16xf32>
        %add3A_612 = arith.constant 3 : i32
        %add3A_613 = arith.addi %mul3A_437, %add3A_612 : i32
        %get3A_614 = arith.index_cast %add3A_613 : i32 to index
        %get3A_615 = arith.constant 16 : index
        %get3A_616 = tpu.vector_load %arg9[%get3A_614, %get3A_615] {strides = array<i32>} : memref<96x128xf32, #tpu.memory_space<vmem>>, vector<1x16xf32>,
        %get3A_617 = vector.shape_cast %get3A_616 : vector<1x16xf32> to vector<16xf32>
        %add3A_618 = arith.addf %add3A_562, %get3A_617 : vector<16xf32>
        %add3A_619 = arith.constant 3 : i32
        %add3A_620 = arith.addi %mul3A_437, %add3A_619 : i32
        %get3A_621 = arith.index_cast %add3A_620 : i32 to index
        %get3A_622 = arith.constant 32 : index
        %get3A_623 = tpu.vector_load %arg9[%get3A_621, %get3A_622] {strides = array<i32>} : memref<96x128xf32, #tpu.memory_space<vmem>>, vector<1x16xf32>,
        %get3A_624 = vector.shape_cast %get3A_623 : vector<1x16xf32> to vector<16xf32>
        %add3A_625 = arith.addf %add3A_569, %get3A_624 : vector<16xf32>
        %add3A_626 = arith.constant 3 : i32
        %add3A_627 = arith.addi %mul3A_437, %add3A_626 : i32
        %get3A_628 = arith.index_cast %add3A_627 : i32 to index
        %get3A_629 = arith.constant 48 : index
        %get3A_630 = tpu.vector_load %arg9[%get3A_628, %get3A_629] {strides = array<i32>} : memref<96x128xf32, #tpu.memory_space<vmem>>, vector<1x16xf32>,
        %get3A_631 = vector.shape_cast %get3A_630 : vector<1x16xf32> to vector<16xf32>
        %add3A_632 = arith.addf %add3A_576, %get3A_631 : vector<16xf32>
        %add3A_633 = arith.constant 3 : i32
        %add3A_634 = arith.addi %mul3A_437, %add3A_633 : i32
        %get3A_635 = arith.index_cast %add3A_634 : i32 to index
        %get3A_636 = arith.constant 64 : index
        %get3A_637 = tpu.vector_load %arg9[%get3A_635, %get3A_636] {strides = array<i32>} : memref<96x128xf32, #tpu.memory_space<vmem>>, vector<1x16xf32>,
        %get3A_638 = vector.shape_cast %get3A_637 : vector<1x16xf32> to vector<16xf32>
        %add3A_639 = arith.addf %add3A_583, %get3A_638 : vector<16xf32>
        %add3A_640 = arith.constant 3 : i32
        %add3A_641 = arith.addi %mul3A_437, %add3A_640 : i32
        %get3A_642 = arith.index_cast %add3A_641 : i32 to index
        %get3A_643 = arith.constant 80 : index
        %get3A_644 = tpu.vector_load %arg9[%get3A_642, %get3A_643] {strides = array<i32>} : memref<96x128xf32, #tpu.memory_space<vmem>>, vector<1x16xf32>,
        %get3A_645 = vector.shape_cast %get3A_644 : vector<1x16xf32> to vector<16xf32>
        %add3A_646 = arith.addf %add3A_590, %get3A_645 : vector<16xf32>
        %add3A_647 = arith.constant 3 : i32
        %add3A_648 = arith.addi %mul3A_437, %add3A_647 : i32
        %get3A_649 = arith.index_cast %add3A_648 : i32 to index
        %get3A_650 = arith.constant 96 : index
        %get3A_651 = tpu.vector_load %arg9[%get3A_649, %get3A_650] {strides = array<i32>} : memref<96x128xf32, #tpu.memory_space<vmem>>, vector<1x16xf32>,
        %get3A_652 = vector.shape_cast %get3A_651 : vector<1x16xf32> to vector<16xf32>
        %add3A_653 = arith.addf %add3A_597, %get3A_652 : vector<16xf32>
        %add3A_654 = arith.constant 3 : i32
        %add3A_655 = arith.addi %mul3A_437, %add3A_654 : i32
        %get3A_656 = arith.index_cast %add3A_655 : i32 to index
        %get3A_657 = arith.constant 112 : index
        %get3A_658 = tpu.vector_load %arg9[%get3A_656, %get3A_657] {strides = array<i32>} : memref<96x128xf32, #tpu.memory_space<vmem>>, vector<1x16xf32>,
        %get3A_659 = vector.shape_cast %get3A_658 : vector<1x16xf32> to vector<16xf32>
        %add3A_660 = arith.addf %add3A_604, %get3A_659 : vector<16xf32>
        scf.yield %add3A_611, %add3A_618, %add3A_625, %add3A_632, %add3A_639, %add3A_646, %add3A_653, %add3A_660 : vector<16xf32>, vector<16xf32>, vector<16xf32>, vector<16xf32>, vector<16xf32>, vector<16xf32>, vector<16xf32>, vector<16xf32>
      }
      %scan3A_278 = arith.constant 24 : i32
      %add3A_279 = arith.constant 3 : i32
      %add3A_280 = arith.addi %add3A_229, %add3A_279 : i32
      %lt3A_281 = arith.constant 16 : i32
      %lt3A_282 = arith.cmpi slt, %add3A_280, %lt3A_281 : i32
      %convert_element_type3A_283 = arith.extui %lt3A_282 : i1 to i32
      %cond3A_284 = arith.constant 0 : i32
      %cond3A_285 = arith.cmpi ne, %convert_element_type3A_283, %cond3A_284 : i32
      scf.if %cond3A_285 {
        %add3A_427 = arith.constant 3 : i32
        %add3A_428 = arith.addi %add3A_229, %add3A_427 : i32
        %mul3A_429 = arith.constant 200 : i32
        %mul3A_430 = arith.muli %add3A_428, %mul3A_429 : i32
        %add3A_431 = arith.constant 104 : i32
        %add3A_432 = arith.addi %mul3A_430, %add3A_431 : i32
        %dma_start3A_433 = tpu.memref_slice %arg5[%add3A_432] : memref<3200xi32, #tpu.memory_space<vmem>> -> memref<96xi32, #tpu.memory_space<vmem>>
        %dma_start3A_434 = arith.constant 0 : i32
        %dma_start3A_435 = arith.constant 0 : i32
        %dma_start3A_436 = tpu.memref_slice %arg3[%dma_start3A_434, %dma_start3A_435] : memref<100000x128xf32, #tpu.memory_space<hbm>> -> memref<100000x128xf32, #tpu.memory_space<hbm>>
        tpu.enqueue_indirect_dma source(%dma_start3A_436 : memref<100000x128xf32, #tpu.memory_space<hbm>>) target(%arg9 : memref<96x128xf32, #tpu.memory_space<vmem>>) offsets(%dma_start3A_433 : memref<96xi32, #tpu.memory_space<vmem>>) semaphore(%arg16 : memref<!tpu.dma_semaphore, #tpu.memory_space<semaphore_mem>>)
      } else {
      }
      %swap3A_286 = arith.index_cast %add3A_229 : i32 to index
      %swap3A_287 = arith.constant 0 : index
      %swap3A_288 = tpu.vector_load %arg12[%swap3A_286, %swap3A_287] {strides = array<i32>} : memref<16x128xf32, #tpu.memory_space<vmem>>, vector<1x16xf32>,
      %swap3A_289 = vector.shape_cast %swap3A_288 : vector<1x16xf32> to vector<16xf32>
      %swap3A_290 = vector.shape_cast %scan3A_277#0 : vector<16xf32> to vector<1x16xf32>
      tpu.vector_store %arg12[%swap3A_286, %swap3A_287], %swap3A_290 {strides = array<i32>} : memref<16x128xf32, #tpu.memory_space<vmem>>, vector<1x16xf32>,
      %swap3A_291 = arith.index_cast %add3A_229 : i32 to index
      %swap3A_292 = arith.constant 16 : index
      %swap3A_293 = tpu.vector_load %arg12[%swap3A_291, %swap3A_292] {strides = array<i32>} : memref<16x128xf32, #tpu.memory_space<vmem>>, vector<1x16xf32>,
      %swap3A_294 = vector.shape_cast %swap3A_293 : vector<1x16xf32> to vector<16xf32>
      %swap3A_295 = vector.shape_cast %scan3A_277#1 : vector<16xf32> to vector<1x16xf32>
      tpu.vector_store %arg12[%swap3A_291, %swap3A_292], %swap3A_295 {strides = array<i32>} : memref<16x128xf32, #tpu.memory_space<vmem>>, vector<1x16xf32>,
      %swap3A_296 = arith.index_cast %add3A_229 : i32 to index
      %swap3A_297 = arith.constant 32 : index
      %swap3A_298 = tpu.vector_load %arg12[%swap3A_296, %swap3A_297] {strides = array<i32>} : memref<16x128xf32, #tpu.memory_space<vmem>>, vector<1x16xf32>,
      %swap3A_299 = vector.shape_cast %swap3A_298 : vector<1x16xf32> to vector<16xf32>
      %swap3A_300 = vector.shape_cast %scan3A_277#2 : vector<16xf32> to vector<1x16xf32>
      tpu.vector_store %arg12[%swap3A_296, %swap3A_297], %swap3A_300 {strides = array<i32>} : memref<16x128xf32, #tpu.memory_space<vmem>>, vector<1x16xf32>,
      %swap3A_301 = arith.index_cast %add3A_229 : i32 to index
      %swap3A_302 = arith.constant 48 : index
      %swap3A_303 = tpu.vector_load %arg12[%swap3A_301, %swap3A_302] {strides = array<i32>} : memref<16x128xf32, #tpu.memory_space<vmem>>, vector<1x16xf32>,
      %swap3A_304 = vector.shape_cast %swap3A_303 : vector<1x16xf32> to vector<16xf32>
      %swap3A_305 = vector.shape_cast %scan3A_277#3 : vector<16xf32> to vector<1x16xf32>
      tpu.vector_store %arg12[%swap3A_301, %swap3A_302], %swap3A_305 {strides = array<i32>} : memref<16x128xf32, #tpu.memory_space<vmem>>, vector<1x16xf32>,
      %swap3A_306 = arith.index_cast %add3A_229 : i32 to index
      %swap3A_307 = arith.constant 64 : index
      %swap3A_308 = tpu.vector_load %arg12[%swap3A_306, %swap3A_307] {strides = array<i32>} : memref<16x128xf32, #tpu.memory_space<vmem>>, vector<1x16xf32>,
      %swap3A_309 = vector.shape_cast %swap3A_308 : vector<1x16xf32> to vector<16xf32>
      %swap3A_310 = vector.shape_cast %scan3A_277#4 : vector<16xf32> to vector<1x16xf32>
      tpu.vector_store %arg12[%swap3A_306, %swap3A_307], %swap3A_310 {strides = array<i32>} : memref<16x128xf32, #tpu.memory_space<vmem>>, vector<1x16xf32>,
      %swap3A_311 = arith.index_cast %add3A_229 : i32 to index
      %swap3A_312 = arith.constant 80 : index
      %swap3A_313 = tpu.vector_load %arg12[%swap3A_311, %swap3A_312] {strides = array<i32>} : memref<16x128xf32, #tpu.memory_space<vmem>>, vector<1x16xf32>,
      %swap3A_314 = vector.shape_cast %swap3A_313 : vector<1x16xf32> to vector<16xf32>
      %swap3A_315 = vector.shape_cast %scan3A_277#5 : vector<16xf32> to vector<1x16xf32>
      tpu.vector_store %arg12[%swap3A_311, %swap3A_312], %swap3A_315 {strides = array<i32>} : memref<16x128xf32, #tpu.memory_space<vmem>>, vector<1x16xf32>,
      %swap3A_316 = arith.index_cast %add3A_229 : i32 to index
      %swap3A_317 = arith.constant 96 : index
      %swap3A_318 = tpu.vector_load %arg12[%swap3A_316, %swap3A_317] {strides = array<i32>} : memref<16x128xf32, #tpu.memory_space<vmem>>, vector<1x16xf32>,
      %swap3A_319 = vector.shape_cast %swap3A_318 : vector<1x16xf32> to vector<16xf32>
      %swap3A_320 = vector.shape_cast %scan3A_277#6 : vector<16xf32> to vector<1x16xf32>
      tpu.vector_store %arg12[%swap3A_316, %swap3A_317], %swap3A_320 {strides = array<i32>} : memref<16x128xf32, #tpu.memory_space<vmem>>, vector<1x16xf32>,
      %swap3A_321 = arith.index_cast %add3A_229 : i32 to index
      %swap3A_322 = arith.constant 112 : index
      %swap3A_323 = tpu.vector_load %arg12[%swap3A_321, %swap3A_322] {strides = array<i32>} : memref<16x128xf32, #tpu.memory_space<vmem>>, vector<1x16xf32>,
      %swap3A_324 = vector.shape_cast %swap3A_323 : vector<1x16xf32> to vector<16xf32>
      %swap3A_325 = vector.shape_cast %scan3A_277#7 : vector<16xf32> to vector<1x16xf32>
      tpu.vector_store %arg12[%swap3A_321, %swap3A_322], %swap3A_325 {strides = array<i32>} : memref<16x128xf32, #tpu.memory_space<vmem>>, vector<1x16xf32>,
      %mul3A_326 = arith.constant 3 : i32
      %mul3A_327 = arith.muli %mul3A_326, %scan3A_127 : i32
      %add3A_328 = arith.constant 2 : i32
      %add3A_329 = arith.addi %mul3A_327, %add3A_328 : i32
      %broadcast_in_dim3A_330 = arith.constant 0.000000e+00 : f32
      %broadcast_in_dim3A_331 = vector.broadcast %broadcast_in_dim3A_330 : f32 to vector<16xf32>
      %broadcast_in_dim3A_332 = arith.constant 0.000000e+00 : f32
      %broadcast_in_dim3A_333 = vector.broadcast %broadcast_in_dim3A_332 : f32 to vector<16xf32>
      %broadcast_in_dim3A_334 = arith.constant 0.000000e+00 : f32
      %broadcast_in_dim3A_335 = vector.broadcast %broadcast_in_dim3A_334 : f32 to vector<16xf32>
      %broadcast_in_dim3A_336 = arith.constant 0.000000e+00 : f32
      %broadcast_in_dim3A_337 = vector.broadcast %broadcast_in_dim3A_336 : f32 to vector<16xf32>
      %broadcast_in_dim3A_338 = arith.constant 0.000000e+00 : f32
      %broadcast_in_dim3A_339 = vector.broadcast %broadcast_in_dim3A_338 : f32 to vector<16xf32>
      %broadcast_in_dim3A_340 = arith.constant 0.000000e+00 : f32
      %broadcast_in_dim3A_341 = vector.broadcast %broadcast_in_dim3A_340 : f32 to vector<16xf32>
      %broadcast_in_dim3A_342 = arith.constant 0.000000e+00 : f32
      %broadcast_in_dim3A_343 = vector.broadcast %broadcast_in_dim3A_342 : f32 to vector<16xf32>
      %broadcast_in_dim3A_344 = arith.constant 0.000000e+00 : f32
      %broadcast_in_dim3A_345 = vector.broadcast %broadcast_in_dim3A_344 : f32 to vector<16xf32>
      %mul3A_346 = arith.constant 200 : i32
      %mul3A_347 = arith.muli %add3A_329, %mul3A_346 : i32
      %dma_wait3A_348 = tpu.memref_slice %arg5[%mul3A_347] : memref<3200xi32, #tpu.memory_space<vmem>> -> memref<104xi32, #tpu.memory_space<vmem>>
      %dma_wait3A_349 = arith.constant 0 : i32
      %dma_wait3A_350 = arith.constant 0 : i32
      %dma_wait3A_351 = tpu.memref_slice %arg3[%dma_wait3A_349, %dma_wait3A_350] : memref<100000x128xf32, #tpu.memory_space<hbm>> -> memref<100000x128xf32, #tpu.memory_space<hbm>>
      tpu.wait_indirect_dma semaphore(%arg17 : memref<!tpu.dma_semaphore, #tpu.memory_space<semaphore_mem>>) src(%dma_wait3A_351 : memref<100000x128xf32, #tpu.memory_space<hbm>>) dst(%arg10 : memref<104x128xf32, #tpu.memory_space<vmem>>)
      %scan3A_352 = arith.constant 0 : i32
      %scan3A_353 = arith.constant 26 : i32
      %scan3A_354 = arith.addi %scan3A_352, %scan3A_353 : i32
      %scan3A_355 = arith.constant 1 : i32
      %scan3A_356:8 = scf.for %scan3A_427 = %scan3A_352 to %scan3A_354 step %scan3A_355 iter_args(%scan3A_428 = %broadcast_in_dim3A_331, %scan3A_429 = %broadcast_in_dim3A_333, %scan3A_430 = %broadcast_in_dim3A_335, %scan3A_431 = %broadcast_in_dim3A_337, %scan3A_432 = %broadcast_in_dim3A_339, %scan3A_433 = %broadcast_in_dim3A_341, %scan3A_434 = %broadcast_in_dim3A_343, %scan3A_435 = %broadcast_in_dim3A_345) -> (vector<16xf32>, vector<16xf32>, vector<16xf32>, vector<16xf32>, vector<16xf32>, vector<16xf32>, vector<16xf32>, vector<16xf32>)  : i32 {
        %mul3A_436 = arith.constant 4 : i32
        %mul3A_437 = arith.muli %scan3A_427, %mul3A_436 : i32
        %add3A_438 = arith.constant 0 : i32
        %add3A_439 = arith.addi %mul3A_437, %add3A_438 : i32
        %get3A = arith.index_cast %add3A_439 : i32 to index
        %get3A_440 = arith.constant 0 : index
        %get3A_441 = tpu.vector_load %arg10[%get3A, %get3A_440] {strides = array<i32>} : memref<104x128xf32, #tpu.memory_space<vmem>>, vector<1x16xf32>,
        %get3A_442 = vector.shape_cast %get3A_441 : vector<1x16xf32> to vector<16xf32>
        %add3A_443 = arith.addf %scan3A_428, %get3A_442 : vector<16xf32>
        %add3A_444 = arith.constant 0 : i32
        %add3A_445 = arith.addi %mul3A_437, %add3A_444 : i32
        %get3A_446 = arith.index_cast %add3A_445 : i32 to index
        %get3A_447 = arith.constant 16 : index
        %get3A_448 = tpu.vector_load %arg10[%get3A_446, %get3A_447] {strides = array<i32>} : memref<104x128xf32, #tpu.memory_space<vmem>>, vector<1x16xf32>,
        %get3A_449 = vector.shape_cast %get3A_448 : vector<1x16xf32> to vector<16xf32>
        %add3A_450 = arith.addf %scan3A_429, %get3A_449 : vector<16xf32>
        %add3A_451 = arith.constant 0 : i32
        %add3A_452 = arith.addi %mul3A_437, %add3A_451 : i32
        %get3A_453 = arith.index_cast %add3A_452 : i32 to index
        %get3A_454 = arith.constant 32 : index
        %get3A_455 = tpu.vector_load %arg10[%get3A_453, %get3A_454] {strides = array<i32>} : memref<104x128xf32, #tpu.memory_space<vmem>>, vector<1x16xf32>,
        %get3A_456 = vector.shape_cast %get3A_455 : vector<1x16xf32> to vector<16xf32>
        %add3A_457 = arith.addf %scan3A_430, %get3A_456 : vector<16xf32>
        %add3A_458 = arith.constant 0 : i32
        %add3A_459 = arith.addi %mul3A_437, %add3A_458 : i32
        %get3A_460 = arith.index_cast %add3A_459 : i32 to index
        %get3A_461 = arith.constant 48 : index
        %get3A_462 = tpu.vector_load %arg10[%get3A_460, %get3A_461] {strides = array<i32>} : memref<104x128xf32, #tpu.memory_space<vmem>>, vector<1x16xf32>,
        %get3A_463 = vector.shape_cast %get3A_462 : vector<1x16xf32> to vector<16xf32>
        %add3A_464 = arith.addf %scan3A_431, %get3A_463 : vector<16xf32>
        %add3A_465 = arith.constant 0 : i32
        %add3A_466 = arith.addi %mul3A_437, %add3A_465 : i32
        %get3A_467 = arith.index_cast %add3A_466 : i32 to index
        %get3A_468 = arith.constant 64 : index
        %get3A_469 = tpu.vector_load %arg10[%get3A_467, %get3A_468] {strides = array<i32>} : memref<104x128xf32, #tpu.memory_space<vmem>>, vector<1x16xf32>,
        %get3A_470 = vector.shape_cast %get3A_469 : vector<1x16xf32> to vector<16xf32>
        %add3A_471 = arith.addf %scan3A_432, %get3A_470 : vector<16xf32>
        %add3A_472 = arith.constant 0 : i32
        %add3A_473 = arith.addi %mul3A_437, %add3A_472 : i32
        %get3A_474 = arith.index_cast %add3A_473 : i32 to index
        %get3A_475 = arith.constant 80 : index
        %get3A_476 = tpu.vector_load %arg10[%get3A_474, %get3A_475] {strides = array<i32>} : memref<104x128xf32, #tpu.memory_space<vmem>>, vector<1x16xf32>,
        %get3A_477 = vector.shape_cast %get3A_476 : vector<1x16xf32> to vector<16xf32>
        %add3A_478 = arith.addf %scan3A_433, %get3A_477 : vector<16xf32>
        %add3A_479 = arith.constant 0 : i32
        %add3A_480 = arith.addi %mul3A_437, %add3A_479 : i32
        %get3A_481 = arith.index_cast %add3A_480 : i32 to index
        %get3A_482 = arith.constant 96 : index
        %get3A_483 = tpu.vector_load %arg10[%get3A_481, %get3A_482] {strides = array<i32>} : memref<104x128xf32, #tpu.memory_space<vmem>>, vector<1x16xf32>,
        %get3A_484 = vector.shape_cast %get3A_483 : vector<1x16xf32> to vector<16xf32>
        %add3A_485 = arith.addf %scan3A_434, %get3A_484 : vector<16xf32>
        %add3A_486 = arith.constant 0 : i32
        %add3A_487 = arith.addi %mul3A_437, %add3A_486 : i32
        %get3A_488 = arith.index_cast %add3A_487 : i32 to index
        %get3A_489 = arith.constant 112 : index
        %get3A_490 = tpu.vector_load %arg10[%get3A_488, %get3A_489] {strides = array<i32>} : memref<104x128xf32, #tpu.memory_space<vmem>>, vector<1x16xf32>,
        %get3A_491 = vector.shape_cast %get3A_490 : vector<1x16xf32> to vector<16xf32>
        %add3A_492 = arith.addf %scan3A_435, %get3A_491 : vector<16xf32>
        %add3A_493 = arith.constant 1 : i32
        %add3A_494 = arith.addi %mul3A_437, %add3A_493 : i32
        %get3A_495 = arith.index_cast %add3A_494 : i32 to index
        %get3A_496 = arith.constant 0 : index
        %get3A_497 = tpu.vector_load %arg10[%get3A_495, %get3A_496] {strides = array<i32>} : memref<104x128xf32, #tpu.memory_space<vmem>>, vector<1x16xf32>,
        %get3A_498 = vector.shape_cast %get3A_497 : vector<1x16xf32> to vector<16xf32>
        %add3A_499 = arith.addf %add3A_443, %get3A_498 : vector<16xf32>
        %add3A_500 = arith.constant 1 : i32
        %add3A_501 = arith.addi %mul3A_437, %add3A_500 : i32
        %get3A_502 = arith.index_cast %add3A_501 : i32 to index
        %get3A_503 = arith.constant 16 : index
        %get3A_504 = tpu.vector_load %arg10[%get3A_502, %get3A_503] {strides = array<i32>} : memref<104x128xf32, #tpu.memory_space<vmem>>, vector<1x16xf32>,
        %get3A_505 = vector.shape_cast %get3A_504 : vector<1x16xf32> to vector<16xf32>
        %add3A_506 = arith.addf %add3A_450, %get3A_505 : vector<16xf32>
        %add3A_507 = arith.constant 1 : i32
        %add3A_508 = arith.addi %mul3A_437, %add3A_507 : i32
        %get3A_509 = arith.index_cast %add3A_508 : i32 to index
        %get3A_510 = arith.constant 32 : index
        %get3A_511 = tpu.vector_load %arg10[%get3A_509, %get3A_510] {strides = array<i32>} : memref<104x128xf32, #tpu.memory_space<vmem>>, vector<1x16xf32>,
        %get3A_512 = vector.shape_cast %get3A_511 : vector<1x16xf32> to vector<16xf32>
        %add3A_513 = arith.addf %add3A_457, %get3A_512 : vector<16xf32>
        %add3A_514 = arith.constant 1 : i32
        %add3A_515 = arith.addi %mul3A_437, %add3A_514 : i32
        %get3A_516 = arith.index_cast %add3A_515 : i32 to index
        %get3A_517 = arith.constant 48 : index
        %get3A_518 = tpu.vector_load %arg10[%get3A_516, %get3A_517] {strides = array<i32>} : memref<104x128xf32, #tpu.memory_space<vmem>>, vector<1x16xf32>,
        %get3A_519 = vector.shape_cast %get3A_518 : vector<1x16xf32> to vector<16xf32>
        %add3A_520 = arith.addf %add3A_464, %get3A_519 : vector<16xf32>
        %add3A_521 = arith.constant 1 : i32
        %add3A_522 = arith.addi %mul3A_437, %add3A_521 : i32
        %get3A_523 = arith.index_cast %add3A_522 : i32 to index
        %get3A_524 = arith.constant 64 : index
        %get3A_525 = tpu.vector_load %arg10[%get3A_523, %get3A_524] {strides = array<i32>} : memref<104x128xf32, #tpu.memory_space<vmem>>, vector<1x16xf32>,
        %get3A_526 = vector.shape_cast %get3A_525 : vector<1x16xf32> to vector<16xf32>
        %add3A_527 = arith.addf %add3A_471, %get3A_526 : vector<16xf32>
        %add3A_528 = arith.constant 1 : i32
        %add3A_529 = arith.addi %mul3A_437, %add3A_528 : i32
        %get3A_530 = arith.index_cast %add3A_529 : i32 to index
        %get3A_531 = arith.constant 80 : index
        %get3A_532 = tpu.vector_load %arg10[%get3A_530, %get3A_531] {strides = array<i32>} : memref<104x128xf32, #tpu.memory_space<vmem>>, vector<1x16xf32>,
        %get3A_533 = vector.shape_cast %get3A_532 : vector<1x16xf32> to vector<16xf32>
        %add3A_534 = arith.addf %add3A_478, %get3A_533 : vector<16xf32>
        %add3A_535 = arith.constant 1 : i32
        %add3A_536 = arith.addi %mul3A_437, %add3A_535 : i32
        %get3A_537 = arith.index_cast %add3A_536 : i32 to index
        %get3A_538 = arith.constant 96 : index
        %get3A_539 = tpu.vector_load %arg10[%get3A_537, %get3A_538] {strides = array<i32>} : memref<104x128xf32, #tpu.memory_space<vmem>>, vector<1x16xf32>,
        %get3A_540 = vector.shape_cast %get3A_539 : vector<1x16xf32> to vector<16xf32>
        %add3A_541 = arith.addf %add3A_485, %get3A_540 : vector<16xf32>
        %add3A_542 = arith.constant 1 : i32
        %add3A_543 = arith.addi %mul3A_437, %add3A_542 : i32
        %get3A_544 = arith.index_cast %add3A_543 : i32 to index
        %get3A_545 = arith.constant 112 : index
        %get3A_546 = tpu.vector_load %arg10[%get3A_544, %get3A_545] {strides = array<i32>} : memref<104x128xf32, #tpu.memory_space<vmem>>, vector<1x16xf32>,
        %get3A_547 = vector.shape_cast %get3A_546 : vector<1x16xf32> to vector<16xf32>
        %add3A_548 = arith.addf %add3A_492, %get3A_547 : vector<16xf32>
        %add3A_549 = arith.constant 2 : i32
        %add3A_550 = arith.addi %mul3A_437, %add3A_549 : i32
        %get3A_551 = arith.index_cast %add3A_550 : i32 to index
        %get3A_552 = arith.constant 0 : index
        %get3A_553 = tpu.vector_load %arg10[%get3A_551, %get3A_552] {strides = array<i32>} : memref<104x128xf32, #tpu.memory_space<vmem>>, vector<1x16xf32>,
        %get3A_554 = vector.shape_cast %get3A_553 : vector<1x16xf32> to vector<16xf32>
        %add3A_555 = arith.addf %add3A_499, %get3A_554 : vector<16xf32>
        %add3A_556 = arith.constant 2 : i32
        %add3A_557 = arith.addi %mul3A_437, %add3A_556 : i32
        %get3A_558 = arith.index_cast %add3A_557 : i32 to index
        %get3A_559 = arith.constant 16 : index
        %get3A_560 = tpu.vector_load %arg10[%get3A_558, %get3A_559] {strides = array<i32>} : memref<104x128xf32, #tpu.memory_space<vmem>>, vector<1x16xf32>,
        %get3A_561 = vector.shape_cast %get3A_560 : vector<1x16xf32> to vector<16xf32>
        %add3A_562 = arith.addf %add3A_506, %get3A_561 : vector<16xf32>
        %add3A_563 = arith.constant 2 : i32
        %add3A_564 = arith.addi %mul3A_437, %add3A_563 : i32
        %get3A_565 = arith.index_cast %add3A_564 : i32 to index
        %get3A_566 = arith.constant 32 : index
        %get3A_567 = tpu.vector_load %arg10[%get3A_565, %get3A_566] {strides = array<i32>} : memref<104x128xf32, #tpu.memory_space<vmem>>, vector<1x16xf32>,
        %get3A_568 = vector.shape_cast %get3A_567 : vector<1x16xf32> to vector<16xf32>
        %add3A_569 = arith.addf %add3A_513, %get3A_568 : vector<16xf32>
        %add3A_570 = arith.constant 2 : i32
        %add3A_571 = arith.addi %mul3A_437, %add3A_570 : i32
        %get3A_572 = arith.index_cast %add3A_571 : i32 to index
        %get3A_573 = arith.constant 48 : index
        %get3A_574 = tpu.vector_load %arg10[%get3A_572, %get3A_573] {strides = array<i32>} : memref<104x128xf32, #tpu.memory_space<vmem>>, vector<1x16xf32>,
        %get3A_575 = vector.shape_cast %get3A_574 : vector<1x16xf32> to vector<16xf32>
        %add3A_576 = arith.addf %add3A_520, %get3A_575 : vector<16xf32>
        %add3A_577 = arith.constant 2 : i32
        %add3A_578 = arith.addi %mul3A_437, %add3A_577 : i32
        %get3A_579 = arith.index_cast %add3A_578 : i32 to index
        %get3A_580 = arith.constant 64 : index
        %get3A_581 = tpu.vector_load %arg10[%get3A_579, %get3A_580] {strides = array<i32>} : memref<104x128xf32, #tpu.memory_space<vmem>>, vector<1x16xf32>,
        %get3A_582 = vector.shape_cast %get3A_581 : vector<1x16xf32> to vector<16xf32>
        %add3A_583 = arith.addf %add3A_527, %get3A_582 : vector<16xf32>
        %add3A_584 = arith.constant 2 : i32
        %add3A_585 = arith.addi %mul3A_437, %add3A_584 : i32
        %get3A_586 = arith.index_cast %add3A_585 : i32 to index
        %get3A_587 = arith.constant 80 : index
        %get3A_588 = tpu.vector_load %arg10[%get3A_586, %get3A_587] {strides = array<i32>} : memref<104x128xf32, #tpu.memory_space<vmem>>, vector<1x16xf32>,
        %get3A_589 = vector.shape_cast %get3A_588 : vector<1x16xf32> to vector<16xf32>
        %add3A_590 = arith.addf %add3A_534, %get3A_589 : vector<16xf32>
        %add3A_591 = arith.constant 2 : i32
        %add3A_592 = arith.addi %mul3A_437, %add3A_591 : i32
        %get3A_593 = arith.index_cast %add3A_592 : i32 to index
        %get3A_594 = arith.constant 96 : index
        %get3A_595 = tpu.vector_load %arg10[%get3A_593, %get3A_594] {strides = array<i32>} : memref<104x128xf32, #tpu.memory_space<vmem>>, vector<1x16xf32>,
        %get3A_596 = vector.shape_cast %get3A_595 : vector<1x16xf32> to vector<16xf32>
        %add3A_597 = arith.addf %add3A_541, %get3A_596 : vector<16xf32>
        %add3A_598 = arith.constant 2 : i32
        %add3A_599 = arith.addi %mul3A_437, %add3A_598 : i32
        %get3A_600 = arith.index_cast %add3A_599 : i32 to index
        %get3A_601 = arith.constant 112 : index
        %get3A_602 = tpu.vector_load %arg10[%get3A_600, %get3A_601] {strides = array<i32>} : memref<104x128xf32, #tpu.memory_space<vmem>>, vector<1x16xf32>,
        %get3A_603 = vector.shape_cast %get3A_602 : vector<1x16xf32> to vector<16xf32>
        %add3A_604 = arith.addf %add3A_548, %get3A_603 : vector<16xf32>
        %add3A_605 = arith.constant 3 : i32
        %add3A_606 = arith.addi %mul3A_437, %add3A_605 : i32
        %get3A_607 = arith.index_cast %add3A_606 : i32 to index
        %get3A_608 = arith.constant 0 : index
        %get3A_609 = tpu.vector_load %arg10[%get3A_607, %get3A_608] {strides = array<i32>} : memref<104x128xf32, #tpu.memory_space<vmem>>, vector<1x16xf32>,
        %get3A_610 = vector.shape_cast %get3A_609 : vector<1x16xf32> to vector<16xf32>
        %add3A_611 = arith.addf %add3A_555, %get3A_610 : vector<16xf32>
        %add3A_612 = arith.constant 3 : i32
        %add3A_613 = arith.addi %mul3A_437, %add3A_612 : i32
        %get3A_614 = arith.index_cast %add3A_613 : i32 to index
        %get3A_615 = arith.constant 16 : index
        %get3A_616 = tpu.vector_load %arg10[%get3A_614, %get3A_615] {strides = array<i32>} : memref<104x128xf32, #tpu.memory_space<vmem>>, vector<1x16xf32>,
        %get3A_617 = vector.shape_cast %get3A_616 : vector<1x16xf32> to vector<16xf32>
        %add3A_618 = arith.addf %add3A_562, %get3A_617 : vector<16xf32>
        %add3A_619 = arith.constant 3 : i32
        %add3A_620 = arith.addi %mul3A_437, %add3A_619 : i32
        %get3A_621 = arith.index_cast %add3A_620 : i32 to index
        %get3A_622 = arith.constant 32 : index
        %get3A_623 = tpu.vector_load %arg10[%get3A_621, %get3A_622] {strides = array<i32>} : memref<104x128xf32, #tpu.memory_space<vmem>>, vector<1x16xf32>,
        %get3A_624 = vector.shape_cast %get3A_623 : vector<1x16xf32> to vector<16xf32>
        %add3A_625 = arith.addf %add3A_569, %get3A_624 : vector<16xf32>
        %add3A_626 = arith.constant 3 : i32
        %add3A_627 = arith.addi %mul3A_437, %add3A_626 : i32
        %get3A_628 = arith.index_cast %add3A_627 : i32 to index
        %get3A_629 = arith.constant 48 : index
        %get3A_630 = tpu.vector_load %arg10[%get3A_628, %get3A_629] {strides = array<i32>} : memref<104x128xf32, #tpu.memory_space<vmem>>, vector<1x16xf32>,
        %get3A_631 = vector.shape_cast %get3A_630 : vector<1x16xf32> to vector<16xf32>
        %add3A_632 = arith.addf %add3A_576, %get3A_631 : vector<16xf32>
        %add3A_633 = arith.constant 3 : i32
        %add3A_634 = arith.addi %mul3A_437, %add3A_633 : i32
        %get3A_635 = arith.index_cast %add3A_634 : i32 to index
        %get3A_636 = arith.constant 64 : index
        %get3A_637 = tpu.vector_load %arg10[%get3A_635, %get3A_636] {strides = array<i32>} : memref<104x128xf32, #tpu.memory_space<vmem>>, vector<1x16xf32>,
        %get3A_638 = vector.shape_cast %get3A_637 : vector<1x16xf32> to vector<16xf32>
        %add3A_639 = arith.addf %add3A_583, %get3A_638 : vector<16xf32>
        %add3A_640 = arith.constant 3 : i32
        %add3A_641 = arith.addi %mul3A_437, %add3A_640 : i32
        %get3A_642 = arith.index_cast %add3A_641 : i32 to index
        %get3A_643 = arith.constant 80 : index
        %get3A_644 = tpu.vector_load %arg10[%get3A_642, %get3A_643] {strides = array<i32>} : memref<104x128xf32, #tpu.memory_space<vmem>>, vector<1x16xf32>,
        %get3A_645 = vector.shape_cast %get3A_644 : vector<1x16xf32> to vector<16xf32>
        %add3A_646 = arith.addf %add3A_590, %get3A_645 : vector<16xf32>
        %add3A_647 = arith.constant 3 : i32
        %add3A_648 = arith.addi %mul3A_437, %add3A_647 : i32
        %get3A_649 = arith.index_cast %add3A_648 : i32 to index
        %get3A_650 = arith.constant 96 : index
        %get3A_651 = tpu.vector_load %arg10[%get3A_649, %get3A_650] {strides = array<i32>} : memref<104x128xf32, #tpu.memory_space<vmem>>, vector<1x16xf32>,
        %get3A_652 = vector.shape_cast %get3A_651 : vector<1x16xf32> to vector<16xf32>
        %add3A_653 = arith.addf %add3A_597, %get3A_652 : vector<16xf32>
        %add3A_654 = arith.constant 3 : i32
        %add3A_655 = arith.addi %mul3A_437, %add3A_654 : i32
        %get3A_656 = arith.index_cast %add3A_655 : i32 to index
        %get3A_657 = arith.constant 112 : index
        %get3A_658 = tpu.vector_load %arg10[%get3A_656, %get3A_657] {strides = array<i32>} : memref<104x128xf32, #tpu.memory_space<vmem>>, vector<1x16xf32>,
        %get3A_659 = vector.shape_cast %get3A_658 : vector<1x16xf32> to vector<16xf32>
        %add3A_660 = arith.addf %add3A_604, %get3A_659 : vector<16xf32>
        scf.yield %add3A_611, %add3A_618, %add3A_625, %add3A_632, %add3A_639, %add3A_646, %add3A_653, %add3A_660 : vector<16xf32>, vector<16xf32>, vector<16xf32>, vector<16xf32>, vector<16xf32>, vector<16xf32>, vector<16xf32>, vector<16xf32>
      }
      %scan3A_357 = arith.constant 26 : i32
      %add3A_358 = arith.constant 3 : i32
      %add3A_359 = arith.addi %add3A_329, %add3A_358 : i32
      %lt3A_360 = arith.constant 16 : i32
      %lt3A_361 = arith.cmpi slt, %add3A_359, %lt3A_360 : i32
      %convert_element_type3A_362 = arith.extui %lt3A_361 : i1 to i32
      %cond3A_363 = arith.constant 0 : i32
      %cond3A_364 = arith.cmpi ne, %convert_element_type3A_362, %cond3A_363 : i32
      scf.if %cond3A_364 {
        %add3A_427 = arith.constant 3 : i32
        %add3A_428 = arith.addi %add3A_329, %add3A_427 : i32
        %mul3A_429 = arith.constant 200 : i32
        %mul3A_430 = arith.muli %add3A_428, %mul3A_429 : i32
        %dma_start3A_431 = tpu.memref_slice %arg5[%mul3A_430] : memref<3200xi32, #tpu.memory_space<vmem>> -> memref<104xi32, #tpu.memory_space<vmem>>
        %dma_start3A_432 = arith.constant 0 : i32
        %dma_start3A_433 = arith.constant 0 : i32
        %dma_start3A_434 = tpu.memref_slice %arg3[%dma_start3A_432, %dma_start3A_433] : memref<100000x128xf32, #tpu.memory_space<hbm>> -> memref<100000x128xf32, #tpu.memory_space<hbm>>
        tpu.enqueue_indirect_dma source(%dma_start3A_434 : memref<100000x128xf32, #tpu.memory_space<hbm>>) target(%arg10 : memref<104x128xf32, #tpu.memory_space<vmem>>) offsets(%dma_start3A_431 : memref<104xi32, #tpu.memory_space<vmem>>) semaphore(%arg17 : memref<!tpu.dma_semaphore, #tpu.memory_space<semaphore_mem>>)
      } else {
      }
      %mul3A_365 = arith.constant 200 : i32
      %mul3A_366 = arith.muli %add3A_329, %mul3A_365 : i32
      %add3A_367 = arith.constant 104 : i32
      %add3A_368 = arith.addi %mul3A_366, %add3A_367 : i32
      %dma_wait3A_369 = tpu.memref_slice %arg5[%add3A_368] : memref<3200xi32, #tpu.memory_space<vmem>> -> memref<96xi32, #tpu.memory_space<vmem>>
      %dma_wait3A_370 = arith.constant 0 : i32
      %dma_wait3A_371 = arith.constant 0 : i32
      %dma_wait3A_372 = tpu.memref_slice %arg3[%dma_wait3A_370, %dma_wait3A_371] : memref<100000x128xf32, #tpu.memory_space<hbm>> -> memref<100000x128xf32, #tpu.memory_space<hbm>>
      tpu.wait_indirect_dma semaphore(%arg18 : memref<!tpu.dma_semaphore, #tpu.memory_space<semaphore_mem>>) src(%dma_wait3A_372 : memref<100000x128xf32, #tpu.memory_space<hbm>>) dst(%arg11 : memref<96x128xf32, #tpu.memory_space<vmem>>)
      %scan3A_373 = arith.constant 0 : i32
      %scan3A_374 = arith.constant 24 : i32
      %scan3A_375 = arith.addi %scan3A_373, %scan3A_374 : i32
      %scan3A_376 = arith.constant 1 : i32
      %scan3A_377:8 = scf.for %scan3A_427 = %scan3A_373 to %scan3A_375 step %scan3A_376 iter_args(%scan3A_428 = %scan3A_356#0, %scan3A_429 = %scan3A_356#1, %scan3A_430 = %scan3A_356#2, %scan3A_431 = %scan3A_356#3, %scan3A_432 = %scan3A_356#4, %scan3A_433 = %scan3A_356#5, %scan3A_434 = %scan3A_356#6, %scan3A_435 = %scan3A_356#7) -> (vector<16xf32>, vector<16xf32>, vector<16xf32>, vector<16xf32>, vector<16xf32>, vector<16xf32>, vector<16xf32>, vector<16xf32>)  : i32 {
        %mul3A_436 = arith.constant 4 : i32
        %mul3A_437 = arith.muli %scan3A_427, %mul3A_436 : i32
        %add3A_438 = arith.constant 0 : i32
        %add3A_439 = arith.addi %mul3A_437, %add3A_438 : i32
        %get3A = arith.index_cast %add3A_439 : i32 to index
        %get3A_440 = arith.constant 0 : index
        %get3A_441 = tpu.vector_load %arg11[%get3A, %get3A_440] {strides = array<i32>} : memref<96x128xf32, #tpu.memory_space<vmem>>, vector<1x16xf32>,
        %get3A_442 = vector.shape_cast %get3A_441 : vector<1x16xf32> to vector<16xf32>
        %add3A_443 = arith.addf %scan3A_428, %get3A_442 : vector<16xf32>
        %add3A_444 = arith.constant 0 : i32
        %add3A_445 = arith.addi %mul3A_437, %add3A_444 : i32
        %get3A_446 = arith.index_cast %add3A_445 : i32 to index
        %get3A_447 = arith.constant 16 : index
        %get3A_448 = tpu.vector_load %arg11[%get3A_446, %get3A_447] {strides = array<i32>} : memref<96x128xf32, #tpu.memory_space<vmem>>, vector<1x16xf32>,
        %get3A_449 = vector.shape_cast %get3A_448 : vector<1x16xf32> to vector<16xf32>
        %add3A_450 = arith.addf %scan3A_429, %get3A_449 : vector<16xf32>
        %add3A_451 = arith.constant 0 : i32
        %add3A_452 = arith.addi %mul3A_437, %add3A_451 : i32
        %get3A_453 = arith.index_cast %add3A_452 : i32 to index
        %get3A_454 = arith.constant 32 : index
        %get3A_455 = tpu.vector_load %arg11[%get3A_453, %get3A_454] {strides = array<i32>} : memref<96x128xf32, #tpu.memory_space<vmem>>, vector<1x16xf32>,
        %get3A_456 = vector.shape_cast %get3A_455 : vector<1x16xf32> to vector<16xf32>
        %add3A_457 = arith.addf %scan3A_430, %get3A_456 : vector<16xf32>
        %add3A_458 = arith.constant 0 : i32
        %add3A_459 = arith.addi %mul3A_437, %add3A_458 : i32
        %get3A_460 = arith.index_cast %add3A_459 : i32 to index
        %get3A_461 = arith.constant 48 : index
        %get3A_462 = tpu.vector_load %arg11[%get3A_460, %get3A_461] {strides = array<i32>} : memref<96x128xf32, #tpu.memory_space<vmem>>, vector<1x16xf32>,
        %get3A_463 = vector.shape_cast %get3A_462 : vector<1x16xf32> to vector<16xf32>
        %add3A_464 = arith.addf %scan3A_431, %get3A_463 : vector<16xf32>
        %add3A_465 = arith.constant 0 : i32
        %add3A_466 = arith.addi %mul3A_437, %add3A_465 : i32
        %get3A_467 = arith.index_cast %add3A_466 : i32 to index
        %get3A_468 = arith.constant 64 : index
        %get3A_469 = tpu.vector_load %arg11[%get3A_467, %get3A_468] {strides = array<i32>} : memref<96x128xf32, #tpu.memory_space<vmem>>, vector<1x16xf32>,
        %get3A_470 = vector.shape_cast %get3A_469 : vector<1x16xf32> to vector<16xf32>
        %add3A_471 = arith.addf %scan3A_432, %get3A_470 : vector<16xf32>
        %add3A_472 = arith.constant 0 : i32
        %add3A_473 = arith.addi %mul3A_437, %add3A_472 : i32
        %get3A_474 = arith.index_cast %add3A_473 : i32 to index
        %get3A_475 = arith.constant 80 : index
        %get3A_476 = tpu.vector_load %arg11[%get3A_474, %get3A_475] {strides = array<i32>} : memref<96x128xf32, #tpu.memory_space<vmem>>, vector<1x16xf32>,
        %get3A_477 = vector.shape_cast %get3A_476 : vector<1x16xf32> to vector<16xf32>
        %add3A_478 = arith.addf %scan3A_433, %get3A_477 : vector<16xf32>
        %add3A_479 = arith.constant 0 : i32
        %add3A_480 = arith.addi %mul3A_437, %add3A_479 : i32
        %get3A_481 = arith.index_cast %add3A_480 : i32 to index
        %get3A_482 = arith.constant 96 : index
        %get3A_483 = tpu.vector_load %arg11[%get3A_481, %get3A_482] {strides = array<i32>} : memref<96x128xf32, #tpu.memory_space<vmem>>, vector<1x16xf32>,
        %get3A_484 = vector.shape_cast %get3A_483 : vector<1x16xf32> to vector<16xf32>
        %add3A_485 = arith.addf %scan3A_434, %get3A_484 : vector<16xf32>
        %add3A_486 = arith.constant 0 : i32
        %add3A_487 = arith.addi %mul3A_437, %add3A_486 : i32
        %get3A_488 = arith.index_cast %add3A_487 : i32 to index
        %get3A_489 = arith.constant 112 : index
        %get3A_490 = tpu.vector_load %arg11[%get3A_488, %get3A_489] {strides = array<i32>} : memref<96x128xf32, #tpu.memory_space<vmem>>, vector<1x16xf32>,
        %get3A_491 = vector.shape_cast %get3A_490 : vector<1x16xf32> to vector<16xf32>
        %add3A_492 = arith.addf %scan3A_435, %get3A_491 : vector<16xf32>
        %add3A_493 = arith.constant 1 : i32
        %add3A_494 = arith.addi %mul3A_437, %add3A_493 : i32
        %get3A_495 = arith.index_cast %add3A_494 : i32 to index
        %get3A_496 = arith.constant 0 : index
        %get3A_497 = tpu.vector_load %arg11[%get3A_495, %get3A_496] {strides = array<i32>} : memref<96x128xf32, #tpu.memory_space<vmem>>, vector<1x16xf32>,
        %get3A_498 = vector.shape_cast %get3A_497 : vector<1x16xf32> to vector<16xf32>
        %add3A_499 = arith.addf %add3A_443, %get3A_498 : vector<16xf32>
        %add3A_500 = arith.constant 1 : i32
        %add3A_501 = arith.addi %mul3A_437, %add3A_500 : i32
        %get3A_502 = arith.index_cast %add3A_501 : i32 to index
        %get3A_503 = arith.constant 16 : index
        %get3A_504 = tpu.vector_load %arg11[%get3A_502, %get3A_503] {strides = array<i32>} : memref<96x128xf32, #tpu.memory_space<vmem>>, vector<1x16xf32>,
        %get3A_505 = vector.shape_cast %get3A_504 : vector<1x16xf32> to vector<16xf32>
        %add3A_506 = arith.addf %add3A_450, %get3A_505 : vector<16xf32>
        %add3A_507 = arith.constant 1 : i32
        %add3A_508 = arith.addi %mul3A_437, %add3A_507 : i32
        %get3A_509 = arith.index_cast %add3A_508 : i32 to index
        %get3A_510 = arith.constant 32 : index
        %get3A_511 = tpu.vector_load %arg11[%get3A_509, %get3A_510] {strides = array<i32>} : memref<96x128xf32, #tpu.memory_space<vmem>>, vector<1x16xf32>,
        %get3A_512 = vector.shape_cast %get3A_511 : vector<1x16xf32> to vector<16xf32>
        %add3A_513 = arith.addf %add3A_457, %get3A_512 : vector<16xf32>
        %add3A_514 = arith.constant 1 : i32
        %add3A_515 = arith.addi %mul3A_437, %add3A_514 : i32
        %get3A_516 = arith.index_cast %add3A_515 : i32 to index
        %get3A_517 = arith.constant 48 : index
        %get3A_518 = tpu.vector_load %arg11[%get3A_516, %get3A_517] {strides = array<i32>} : memref<96x128xf32, #tpu.memory_space<vmem>>, vector<1x16xf32>,
        %get3A_519 = vector.shape_cast %get3A_518 : vector<1x16xf32> to vector<16xf32>
        %add3A_520 = arith.addf %add3A_464, %get3A_519 : vector<16xf32>
        %add3A_521 = arith.constant 1 : i32
        %add3A_522 = arith.addi %mul3A_437, %add3A_521 : i32
        %get3A_523 = arith.index_cast %add3A_522 : i32 to index
        %get3A_524 = arith.constant 64 : index
        %get3A_525 = tpu.vector_load %arg11[%get3A_523, %get3A_524] {strides = array<i32>} : memref<96x128xf32, #tpu.memory_space<vmem>>, vector<1x16xf32>,
        %get3A_526 = vector.shape_cast %get3A_525 : vector<1x16xf32> to vector<16xf32>
        %add3A_527 = arith.addf %add3A_471, %get3A_526 : vector<16xf32>
        %add3A_528 = arith.constant 1 : i32
        %add3A_529 = arith.addi %mul3A_437, %add3A_528 : i32
        %get3A_530 = arith.index_cast %add3A_529 : i32 to index
        %get3A_531 = arith.constant 80 : index
        %get3A_532 = tpu.vector_load %arg11[%get3A_530, %get3A_531] {strides = array<i32>} : memref<96x128xf32, #tpu.memory_space<vmem>>, vector<1x16xf32>,
        %get3A_533 = vector.shape_cast %get3A_532 : vector<1x16xf32> to vector<16xf32>
        %add3A_534 = arith.addf %add3A_478, %get3A_533 : vector<16xf32>
        %add3A_535 = arith.constant 1 : i32
        %add3A_536 = arith.addi %mul3A_437, %add3A_535 : i32
        %get3A_537 = arith.index_cast %add3A_536 : i32 to index
        %get3A_538 = arith.constant 96 : index
        %get3A_539 = tpu.vector_load %arg11[%get3A_537, %get3A_538] {strides = array<i32>} : memref<96x128xf32, #tpu.memory_space<vmem>>, vector<1x16xf32>,
        %get3A_540 = vector.shape_cast %get3A_539 : vector<1x16xf32> to vector<16xf32>
        %add3A_541 = arith.addf %add3A_485, %get3A_540 : vector<16xf32>
        %add3A_542 = arith.constant 1 : i32
        %add3A_543 = arith.addi %mul3A_437, %add3A_542 : i32
        %get3A_544 = arith.index_cast %add3A_543 : i32 to index
        %get3A_545 = arith.constant 112 : index
        %get3A_546 = tpu.vector_load %arg11[%get3A_544, %get3A_545] {strides = array<i32>} : memref<96x128xf32, #tpu.memory_space<vmem>>, vector<1x16xf32>,
        %get3A_547 = vector.shape_cast %get3A_546 : vector<1x16xf32> to vector<16xf32>
        %add3A_548 = arith.addf %add3A_492, %get3A_547 : vector<16xf32>
        %add3A_549 = arith.constant 2 : i32
        %add3A_550 = arith.addi %mul3A_437, %add3A_549 : i32
        %get3A_551 = arith.index_cast %add3A_550 : i32 to index
        %get3A_552 = arith.constant 0 : index
        %get3A_553 = tpu.vector_load %arg11[%get3A_551, %get3A_552] {strides = array<i32>} : memref<96x128xf32, #tpu.memory_space<vmem>>, vector<1x16xf32>,
        %get3A_554 = vector.shape_cast %get3A_553 : vector<1x16xf32> to vector<16xf32>
        %add3A_555 = arith.addf %add3A_499, %get3A_554 : vector<16xf32>
        %add3A_556 = arith.constant 2 : i32
        %add3A_557 = arith.addi %mul3A_437, %add3A_556 : i32
        %get3A_558 = arith.index_cast %add3A_557 : i32 to index
        %get3A_559 = arith.constant 16 : index
        %get3A_560 = tpu.vector_load %arg11[%get3A_558, %get3A_559] {strides = array<i32>} : memref<96x128xf32, #tpu.memory_space<vmem>>, vector<1x16xf32>,
        %get3A_561 = vector.shape_cast %get3A_560 : vector<1x16xf32> to vector<16xf32>
        %add3A_562 = arith.addf %add3A_506, %get3A_561 : vector<16xf32>
        %add3A_563 = arith.constant 2 : i32
        %add3A_564 = arith.addi %mul3A_437, %add3A_563 : i32
        %get3A_565 = arith.index_cast %add3A_564 : i32 to index
        %get3A_566 = arith.constant 32 : index
        %get3A_567 = tpu.vector_load %arg11[%get3A_565, %get3A_566] {strides = array<i32>} : memref<96x128xf32, #tpu.memory_space<vmem>>, vector<1x16xf32>,
        %get3A_568 = vector.shape_cast %get3A_567 : vector<1x16xf32> to vector<16xf32>
        %add3A_569 = arith.addf %add3A_513, %get3A_568 : vector<16xf32>
        %add3A_570 = arith.constant 2 : i32
        %add3A_571 = arith.addi %mul3A_437, %add3A_570 : i32
        %get3A_572 = arith.index_cast %add3A_571 : i32 to index
        %get3A_573 = arith.constant 48 : index
        %get3A_574 = tpu.vector_load %arg11[%get3A_572, %get3A_573] {strides = array<i32>} : memref<96x128xf32, #tpu.memory_space<vmem>>, vector<1x16xf32>,
        %get3A_575 = vector.shape_cast %get3A_574 : vector<1x16xf32> to vector<16xf32>
        %add3A_576 = arith.addf %add3A_520, %get3A_575 : vector<16xf32>
        %add3A_577 = arith.constant 2 : i32
        %add3A_578 = arith.addi %mul3A_437, %add3A_577 : i32
        %get3A_579 = arith.index_cast %add3A_578 : i32 to index
        %get3A_580 = arith.constant 64 : index
        %get3A_581 = tpu.vector_load %arg11[%get3A_579, %get3A_580] {strides = array<i32>} : memref<96x128xf32, #tpu.memory_space<vmem>>, vector<1x16xf32>,
        %get3A_582 = vector.shape_cast %get3A_581 : vector<1x16xf32> to vector<16xf32>
        %add3A_583 = arith.addf %add3A_527, %get3A_582 : vector<16xf32>
        %add3A_584 = arith.constant 2 : i32
        %add3A_585 = arith.addi %mul3A_437, %add3A_584 : i32
        %get3A_586 = arith.index_cast %add3A_585 : i32 to index
        %get3A_587 = arith.constant 80 : index
        %get3A_588 = tpu.vector_load %arg11[%get3A_586, %get3A_587] {strides = array<i32>} : memref<96x128xf32, #tpu.memory_space<vmem>>, vector<1x16xf32>,
        %get3A_589 = vector.shape_cast %get3A_588 : vector<1x16xf32> to vector<16xf32>
        %add3A_590 = arith.addf %add3A_534, %get3A_589 : vector<16xf32>
        %add3A_591 = arith.constant 2 : i32
        %add3A_592 = arith.addi %mul3A_437, %add3A_591 : i32
        %get3A_593 = arith.index_cast %add3A_592 : i32 to index
        %get3A_594 = arith.constant 96 : index
        %get3A_595 = tpu.vector_load %arg11[%get3A_593, %get3A_594] {strides = array<i32>} : memref<96x128xf32, #tpu.memory_space<vmem>>, vector<1x16xf32>,
        %get3A_596 = vector.shape_cast %get3A_595 : vector<1x16xf32> to vector<16xf32>
        %add3A_597 = arith.addf %add3A_541, %get3A_596 : vector<16xf32>
        %add3A_598 = arith.constant 2 : i32
        %add3A_599 = arith.addi %mul3A_437, %add3A_598 : i32
        %get3A_600 = arith.index_cast %add3A_599 : i32 to index
        %get3A_601 = arith.constant 112 : index
        %get3A_602 = tpu.vector_load %arg11[%get3A_600, %get3A_601] {strides = array<i32>} : memref<96x128xf32, #tpu.memory_space<vmem>>, vector<1x16xf32>,
        %get3A_603 = vector.shape_cast %get3A_602 : vector<1x16xf32> to vector<16xf32>
        %add3A_604 = arith.addf %add3A_548, %get3A_603 : vector<16xf32>
        %add3A_605 = arith.constant 3 : i32
        %add3A_606 = arith.addi %mul3A_437, %add3A_605 : i32
        %get3A_607 = arith.index_cast %add3A_606 : i32 to index
        %get3A_608 = arith.constant 0 : index
        %get3A_609 = tpu.vector_load %arg11[%get3A_607, %get3A_608] {strides = array<i32>} : memref<96x128xf32, #tpu.memory_space<vmem>>, vector<1x16xf32>,
        %get3A_610 = vector.shape_cast %get3A_609 : vector<1x16xf32> to vector<16xf32>
        %add3A_611 = arith.addf %add3A_555, %get3A_610 : vector<16xf32>
        %add3A_612 = arith.constant 3 : i32
        %add3A_613 = arith.addi %mul3A_437, %add3A_612 : i32
        %get3A_614 = arith.index_cast %add3A_613 : i32 to index
        %get3A_615 = arith.constant 16 : index
        %get3A_616 = tpu.vector_load %arg11[%get3A_614, %get3A_615] {strides = array<i32>} : memref<96x128xf32, #tpu.memory_space<vmem>>, vector<1x16xf32>,
        %get3A_617 = vector.shape_cast %get3A_616 : vector<1x16xf32> to vector<16xf32>
        %add3A_618 = arith.addf %add3A_562, %get3A_617 : vector<16xf32>
        %add3A_619 = arith.constant 3 : i32
        %add3A_620 = arith.addi %mul3A_437, %add3A_619 : i32
        %get3A_621 = arith.index_cast %add3A_620 : i32 to index
        %get3A_622 = arith.constant 32 : index
        %get3A_623 = tpu.vector_load %arg11[%get3A_621, %get3A_622] {strides = array<i32>} : memref<96x128xf32, #tpu.memory_space<vmem>>, vector<1x16xf32>,
        %get3A_624 = vector.shape_cast %get3A_623 : vector<1x16xf32> to vector<16xf32>
        %add3A_625 = arith.addf %add3A_569, %get3A_624 : vector<16xf32>
        %add3A_626 = arith.constant 3 : i32
        %add3A_627 = arith.addi %mul3A_437, %add3A_626 : i32
        %get3A_628 = arith.index_cast %add3A_627 : i32 to index
        %get3A_629 = arith.constant 48 : index
        %get3A_630 = tpu.vector_load %arg11[%get3A_628, %get3A_629] {strides = array<i32>} : memref<96x128xf32, #tpu.memory_space<vmem>>, vector<1x16xf32>,
        %get3A_631 = vector.shape_cast %get3A_630 : vector<1x16xf32> to vector<16xf32>
        %add3A_632 = arith.addf %add3A_576, %get3A_631 : vector<16xf32>
        %add3A_633 = arith.constant 3 : i32
        %add3A_634 = arith.addi %mul3A_437, %add3A_633 : i32
        %get3A_635 = arith.index_cast %add3A_634 : i32 to index
        %get3A_636 = arith.constant 64 : index
        %get3A_637 = tpu.vector_load %arg11[%get3A_635, %get3A_636] {strides = array<i32>} : memref<96x128xf32, #tpu.memory_space<vmem>>, vector<1x16xf32>,
        %get3A_638 = vector.shape_cast %get3A_637 : vector<1x16xf32> to vector<16xf32>
        %add3A_639 = arith.addf %add3A_583, %get3A_638 : vector<16xf32>
        %add3A_640 = arith.constant 3 : i32
        %add3A_641 = arith.addi %mul3A_437, %add3A_640 : i32
        %get3A_642 = arith.index_cast %add3A_641 : i32 to index
        %get3A_643 = arith.constant 80 : index
        %get3A_644 = tpu.vector_load %arg11[%get3A_642, %get3A_643] {strides = array<i32>} : memref<96x128xf32, #tpu.memory_space<vmem>>, vector<1x16xf32>,
        %get3A_645 = vector.shape_cast %get3A_644 : vector<1x16xf32> to vector<16xf32>
        %add3A_646 = arith.addf %add3A_590, %get3A_645 : vector<16xf32>
        %add3A_647 = arith.constant 3 : i32
        %add3A_648 = arith.addi %mul3A_437, %add3A_647 : i32
        %get3A_649 = arith.index_cast %add3A_648 : i32 to index
        %get3A_650 = arith.constant 96 : index
        %get3A_651 = tpu.vector_load %arg11[%get3A_649, %get3A_650] {strides = array<i32>} : memref<96x128xf32, #tpu.memory_space<vmem>>, vector<1x16xf32>,
        %get3A_652 = vector.shape_cast %get3A_651 : vector<1x16xf32> to vector<16xf32>
        %add3A_653 = arith.addf %add3A_597, %get3A_652 : vector<16xf32>
        %add3A_654 = arith.constant 3 : i32
        %add3A_655 = arith.addi %mul3A_437, %add3A_654 : i32
        %get3A_656 = arith.index_cast %add3A_655 : i32 to index
        %get3A_657 = arith.constant 112 : index
        %get3A_658 = tpu.vector_load %arg11[%get3A_656, %get3A_657] {strides = array<i32>} : memref<96x128xf32, #tpu.memory_space<vmem>>, vector<1x16xf32>,
        %get3A_659 = vector.shape_cast %get3A_658 : vector<1x16xf32> to vector<16xf32>
        %add3A_660 = arith.addf %add3A_604, %get3A_659 : vector<16xf32>
        scf.yield %add3A_611, %add3A_618, %add3A_625, %add3A_632, %add3A_639, %add3A_646, %add3A_653, %add3A_660 : vector<16xf32>, vector<16xf32>, vector<16xf32>, vector<16xf32>, vector<16xf32>, vector<16xf32>, vector<16xf32>, vector<16xf32>
      }
      %scan3A_378 = arith.constant 24 : i32
      %add3A_379 = arith.constant 3 : i32
      %add3A_380 = arith.addi %add3A_329, %add3A_379 : i32
      %lt3A_381 = arith.constant 16 : i32
      %lt3A_382 = arith.cmpi slt, %add3A_380, %lt3A_381 : i32
      %convert_element_type3A_383 = arith.extui %lt3A_382 : i1 to i32
      %cond3A_384 = arith.constant 0 : i32
      %cond3A_385 = arith.cmpi ne, %convert_element_type3A_383, %cond3A_384 : i32
      scf.if %cond3A_385 {
        %add3A_427 = arith.constant 3 : i32
        %add3A_428 = arith.addi %add3A_329, %add3A_427 : i32
        %mul3A_429 = arith.constant 200 : i32
        %mul3A_430 = arith.muli %add3A_428, %mul3A_429 : i32
        %add3A_431 = arith.constant 104 : i32
        %add3A_432 = arith.addi %mul3A_430, %add3A_431 : i32
        %dma_start3A_433 = tpu.memref_slice %arg5[%add3A_432] : memref<3200xi32, #tpu.memory_space<vmem>> -> memref<96xi32, #tpu.memory_space<vmem>>
        %dma_start3A_434 = arith.constant 0 : i32
        %dma_start3A_435 = arith.constant 0 : i32
        %dma_start3A_436 = tpu.memref_slice %arg3[%dma_start3A_434, %dma_start3A_435] : memref<100000x128xf32, #tpu.memory_space<hbm>> -> memref<100000x128xf32, #tpu.memory_space<hbm>>
        tpu.enqueue_indirect_dma source(%dma_start3A_436 : memref<100000x128xf32, #tpu.memory_space<hbm>>) target(%arg11 : memref<96x128xf32, #tpu.memory_space<vmem>>) offsets(%dma_start3A_433 : memref<96xi32, #tpu.memory_space<vmem>>) semaphore(%arg18 : memref<!tpu.dma_semaphore, #tpu.memory_space<semaphore_mem>>)
      } else {
      }
      %swap3A_386 = arith.index_cast %add3A_329 : i32 to index
      %swap3A_387 = arith.constant 0 : index
      %swap3A_388 = tpu.vector_load %arg12[%swap3A_386, %swap3A_387] {strides = array<i32>} : memref<16x128xf32, #tpu.memory_space<vmem>>, vector<1x16xf32>,
      %swap3A_389 = vector.shape_cast %swap3A_388 : vector<1x16xf32> to vector<16xf32>
      %swap3A_390 = vector.shape_cast %scan3A_377#0 : vector<16xf32> to vector<1x16xf32>
      tpu.vector_store %arg12[%swap3A_386, %swap3A_387], %swap3A_390 {strides = array<i32>} : memref<16x128xf32, #tpu.memory_space<vmem>>, vector<1x16xf32>,
      %swap3A_391 = arith.index_cast %add3A_329 : i32 to index
      %swap3A_392 = arith.constant 16 : index
      %swap3A_393 = tpu.vector_load %arg12[%swap3A_391, %swap3A_392] {strides = array<i32>} : memref<16x128xf32, #tpu.memory_space<vmem>>, vector<1x16xf32>,
      %swap3A_394 = vector.shape_cast %swap3A_393 : vector<1x16xf32> to vector<16xf32>
      %swap3A_395 = vector.shape_cast %scan3A_377#1 : vector<16xf32> to vector<1x16xf32>
      tpu.vector_store %arg12[%swap3A_391, %swap3A_392], %swap3A_395 {strides = array<i32>} : memref<16x128xf32, #tpu.memory_space<vmem>>, vector<1x16xf32>,
      %swap3A_396 = arith.index_cast %add3A_329 : i32 to index
      %swap3A_397 = arith.constant 32 : index
      %swap3A_398 = tpu.vector_load %arg12[%swap3A_396, %swap3A_397] {strides = array<i32>} : memref<16x128xf32, #tpu.memory_space<vmem>>, vector<1x16xf32>,
      %swap3A_399 = vector.shape_cast %swap3A_398 : vector<1x16xf32> to vector<16xf32>
      %swap3A_400 = vector.shape_cast %scan3A_377#2 : vector<16xf32> to vector<1x16xf32>
      tpu.vector_store %arg12[%swap3A_396, %swap3A_397], %swap3A_400 {strides = array<i32>} : memref<16x128xf32, #tpu.memory_space<vmem>>, vector<1x16xf32>,
      %swap3A_401 = arith.index_cast %add3A_329 : i32 to index
      %swap3A_402 = arith.constant 48 : index
      %swap3A_403 = tpu.vector_load %arg12[%swap3A_401, %swap3A_402] {strides = array<i32>} : memref<16x128xf32, #tpu.memory_space<vmem>>, vector<1x16xf32>,
      %swap3A_404 = vector.shape_cast %swap3A_403 : vector<1x16xf32> to vector<16xf32>
      %swap3A_405 = vector.shape_cast %scan3A_377#3 : vector<16xf32> to vector<1x16xf32>
      tpu.vector_store %arg12[%swap3A_401, %swap3A_402], %swap3A_405 {strides = array<i32>} : memref<16x128xf32, #tpu.memory_space<vmem>>, vector<1x16xf32>,
      %swap3A_406 = arith.index_cast %add3A_329 : i32 to index
      %swap3A_407 = arith.constant 64 : index
      %swap3A_408 = tpu.vector_load %arg12[%swap3A_406, %swap3A_407] {strides = array<i32>} : memref<16x128xf32, #tpu.memory_space<vmem>>, vector<1x16xf32>,
      %swap3A_409 = vector.shape_cast %swap3A_408 : vector<1x16xf32> to vector<16xf32>
      %swap3A_410 = vector.shape_cast %scan3A_377#4 : vector<16xf32> to vector<1x16xf32>
      tpu.vector_store %arg12[%swap3A_406, %swap3A_407], %swap3A_410 {strides = array<i32>} : memref<16x128xf32, #tpu.memory_space<vmem>>, vector<1x16xf32>,
      %swap3A_411 = arith.index_cast %add3A_329 : i32 to index
      %swap3A_412 = arith.constant 80 : index
      %swap3A_413 = tpu.vector_load %arg12[%swap3A_411, %swap3A_412] {strides = array<i32>} : memref<16x128xf32, #tpu.memory_space<vmem>>, vector<1x16xf32>,
      %swap3A_414 = vector.shape_cast %swap3A_413 : vector<1x16xf32> to vector<16xf32>
      %swap3A_415 = vector.shape_cast %scan3A_377#5 : vector<16xf32> to vector<1x16xf32>
      tpu.vector_store %arg12[%swap3A_411, %swap3A_412], %swap3A_415 {strides = array<i32>} : memref<16x128xf32, #tpu.memory_space<vmem>>, vector<1x16xf32>,
      %swap3A_416 = arith.index_cast %add3A_329 : i32 to index
      %swap3A_417 = arith.constant 96 : index
      %swap3A_418 = tpu.vector_load %arg12[%swap3A_416, %swap3A_417] {strides = array<i32>} : memref<16x128xf32, #tpu.memory_space<vmem>>, vector<1x16xf32>,
      %swap3A_419 = vector.shape_cast %swap3A_418 : vector<1x16xf32> to vector<16xf32>
      %swap3A_420 = vector.shape_cast %scan3A_377#6 : vector<16xf32> to vector<1x16xf32>
      tpu.vector_store %arg12[%swap3A_416, %swap3A_417], %swap3A_420 {strides = array<i32>} : memref<16x128xf32, #tpu.memory_space<vmem>>, vector<1x16xf32>,
      %swap3A_421 = arith.index_cast %add3A_329 : i32 to index
      %swap3A_422 = arith.constant 112 : index
      %swap3A_423 = tpu.vector_load %arg12[%swap3A_421, %swap3A_422] {strides = array<i32>} : memref<16x128xf32, #tpu.memory_space<vmem>>, vector<1x16xf32>,
      %swap3A_424 = vector.shape_cast %swap3A_423 : vector<1x16xf32> to vector<16xf32>
      %swap3A_425 = vector.shape_cast %scan3A_377#7 : vector<16xf32> to vector<1x16xf32>
      tpu.vector_store %arg12[%swap3A_421, %swap3A_422], %swap3A_425 {strides = array<i32>} : memref<16x128xf32, #tpu.memory_space<vmem>>, vector<1x16xf32>,
      %scan3A_426 = arith.constant 0 : i32
      scf.yield %scan3A_426 : i32
    }
    %scan3A_41 = arith.constant 5 : i32
    %broadcast_in_dim3A = arith.constant 0.000000e+00 : f32
    %broadcast_in_dim3A_42 = vector.broadcast %broadcast_in_dim3A : f32 to vector<16xf32>
    %broadcast_in_dim3A_43 = arith.constant 0.000000e+00 : f32
    %broadcast_in_dim3A_44 = vector.broadcast %broadcast_in_dim3A_43 : f32 to vector<16xf32>
    %broadcast_in_dim3A_45 = arith.constant 0.000000e+00 : f32
    %broadcast_in_dim3A_46 = vector.broadcast %broadcast_in_dim3A_45 : f32 to vector<16xf32>
    %broadcast_in_dim3A_47 = arith.constant 0.000000e+00 : f32
    %broadcast_in_dim3A_48 = vector.broadcast %broadcast_in_dim3A_47 : f32 to vector<16xf32>
    %broadcast_in_dim3A_49 = arith.constant 0.000000e+00 : f32
    %broadcast_in_dim3A_50 = vector.broadcast %broadcast_in_dim3A_49 : f32 to vector<16xf32>
    %broadcast_in_dim3A_51 = arith.constant 0.000000e+00 : f32
    %broadcast_in_dim3A_52 = vector.broadcast %broadcast_in_dim3A_51 : f32 to vector<16xf32>
    %broadcast_in_dim3A_53 = arith.constant 0.000000e+00 : f32
    %broadcast_in_dim3A_54 = vector.broadcast %broadcast_in_dim3A_53 : f32 to vector<16xf32>
    %broadcast_in_dim3A_55 = arith.constant 0.000000e+00 : f32
    %broadcast_in_dim3A_56 = vector.broadcast %broadcast_in_dim3A_55 : f32 to vector<16xf32>
    %dma_wait3A = arith.constant 3000 : i32
    %dma_wait3A_57 = tpu.memref_slice %arg5[%dma_wait3A] : memref<3200xi32, #tpu.memory_space<vmem>> -> memref<104xi32, #tpu.memory_space<vmem>>
    %dma_wait3A_58 = arith.constant 0 : i32
    %dma_wait3A_59 = arith.constant 0 : i32
    %dma_wait3A_60 = tpu.memref_slice %arg3[%dma_wait3A_58, %dma_wait3A_59] : memref<100000x128xf32, #tpu.memory_space<hbm>> -> memref<100000x128xf32, #tpu.memory_space<hbm>>
    tpu.wait_indirect_dma semaphore(%arg13 : memref<!tpu.dma_semaphore, #tpu.memory_space<semaphore_mem>>) src(%dma_wait3A_60 : memref<100000x128xf32, #tpu.memory_space<hbm>>) dst(%arg6 : memref<104x128xf32, #tpu.memory_space<vmem>>)
    %scan3A_61 = arith.constant 0 : i32
    %scan3A_62 = arith.constant 26 : i32
    %scan3A_63 = arith.addi %scan3A_61, %scan3A_62 : i32
    %scan3A_64 = arith.constant 1 : i32
    %scan3A_65:8 = scf.for %scan3A_127 = %scan3A_61 to %scan3A_63 step %scan3A_64 iter_args(%scan3A_128 = %broadcast_in_dim3A_42, %scan3A_129 = %broadcast_in_dim3A_44, %scan3A_130 = %broadcast_in_dim3A_46, %scan3A_131 = %broadcast_in_dim3A_48, %scan3A_132 = %broadcast_in_dim3A_50, %scan3A_133 = %broadcast_in_dim3A_52, %scan3A_134 = %broadcast_in_dim3A_54, %scan3A_135 = %broadcast_in_dim3A_56) -> (vector<16xf32>, vector<16xf32>, vector<16xf32>, vector<16xf32>, vector<16xf32>, vector<16xf32>, vector<16xf32>, vector<16xf32>)  : i32 {
      %mul3A_136 = arith.constant 4 : i32
      %mul3A_137 = arith.muli %scan3A_127, %mul3A_136 : i32
      %add3A_138 = arith.constant 0 : i32
      %add3A_139 = arith.addi %mul3A_137, %add3A_138 : i32
      %get3A = arith.index_cast %add3A_139 : i32 to index
      %get3A_140 = arith.constant 0 : index
      %get3A_141 = tpu.vector_load %arg6[%get3A, %get3A_140] {strides = array<i32>} : memref<104x128xf32, #tpu.memory_space<vmem>>, vector<1x16xf32>,
      %get3A_142 = vector.shape_cast %get3A_141 : vector<1x16xf32> to vector<16xf32>
      %add3A_143 = arith.addf %scan3A_128, %get3A_142 : vector<16xf32>
      %add3A_144 = arith.constant 0 : i32
      %add3A_145 = arith.addi %mul3A_137, %add3A_144 : i32
      %get3A_146 = arith.index_cast %add3A_145 : i32 to index
      %get3A_147 = arith.constant 16 : index
      %get3A_148 = tpu.vector_load %arg6[%get3A_146, %get3A_147] {strides = array<i32>} : memref<104x128xf32, #tpu.memory_space<vmem>>, vector<1x16xf32>,
      %get3A_149 = vector.shape_cast %get3A_148 : vector<1x16xf32> to vector<16xf32>
      %add3A_150 = arith.addf %scan3A_129, %get3A_149 : vector<16xf32>
      %add3A_151 = arith.constant 0 : i32
      %add3A_152 = arith.addi %mul3A_137, %add3A_151 : i32
      %get3A_153 = arith.index_cast %add3A_152 : i32 to index
      %get3A_154 = arith.constant 32 : index
      %get3A_155 = tpu.vector_load %arg6[%get3A_153, %get3A_154] {strides = array<i32>} : memref<104x128xf32, #tpu.memory_space<vmem>>, vector<1x16xf32>,
      %get3A_156 = vector.shape_cast %get3A_155 : vector<1x16xf32> to vector<16xf32>
      %add3A_157 = arith.addf %scan3A_130, %get3A_156 : vector<16xf32>
      %add3A_158 = arith.constant 0 : i32
      %add3A_159 = arith.addi %mul3A_137, %add3A_158 : i32
      %get3A_160 = arith.index_cast %add3A_159 : i32 to index
      %get3A_161 = arith.constant 48 : index
      %get3A_162 = tpu.vector_load %arg6[%get3A_160, %get3A_161] {strides = array<i32>} : memref<104x128xf32, #tpu.memory_space<vmem>>, vector<1x16xf32>,
      %get3A_163 = vector.shape_cast %get3A_162 : vector<1x16xf32> to vector<16xf32>
      %add3A_164 = arith.addf %scan3A_131, %get3A_163 : vector<16xf32>
      %add3A_165 = arith.constant 0 : i32
      %add3A_166 = arith.addi %mul3A_137, %add3A_165 : i32
      %get3A_167 = arith.index_cast %add3A_166 : i32 to index
      %get3A_168 = arith.constant 64 : index
      %get3A_169 = tpu.vector_load %arg6[%get3A_167, %get3A_168] {strides = array<i32>} : memref<104x128xf32, #tpu.memory_space<vmem>>, vector<1x16xf32>,
      %get3A_170 = vector.shape_cast %get3A_169 : vector<1x16xf32> to vector<16xf32>
      %add3A_171 = arith.addf %scan3A_132, %get3A_170 : vector<16xf32>
      %add3A_172 = arith.constant 0 : i32
      %add3A_173 = arith.addi %mul3A_137, %add3A_172 : i32
      %get3A_174 = arith.index_cast %add3A_173 : i32 to index
      %get3A_175 = arith.constant 80 : index
      %get3A_176 = tpu.vector_load %arg6[%get3A_174, %get3A_175] {strides = array<i32>} : memref<104x128xf32, #tpu.memory_space<vmem>>, vector<1x16xf32>,
      %get3A_177 = vector.shape_cast %get3A_176 : vector<1x16xf32> to vector<16xf32>
      %add3A_178 = arith.addf %scan3A_133, %get3A_177 : vector<16xf32>
      %add3A_179 = arith.constant 0 : i32
      %add3A_180 = arith.addi %mul3A_137, %add3A_179 : i32
      %get3A_181 = arith.index_cast %add3A_180 : i32 to index
      %get3A_182 = arith.constant 96 : index
      %get3A_183 = tpu.vector_load %arg6[%get3A_181, %get3A_182] {strides = array<i32>} : memref<104x128xf32, #tpu.memory_space<vmem>>, vector<1x16xf32>,
      %get3A_184 = vector.shape_cast %get3A_183 : vector<1x16xf32> to vector<16xf32>
      %add3A_185 = arith.addf %scan3A_134, %get3A_184 : vector<16xf32>
      %add3A_186 = arith.constant 0 : i32
      %add3A_187 = arith.addi %mul3A_137, %add3A_186 : i32
      %get3A_188 = arith.index_cast %add3A_187 : i32 to index
      %get3A_189 = arith.constant 112 : index
      %get3A_190 = tpu.vector_load %arg6[%get3A_188, %get3A_189] {strides = array<i32>} : memref<104x128xf32, #tpu.memory_space<vmem>>, vector<1x16xf32>,
      %get3A_191 = vector.shape_cast %get3A_190 : vector<1x16xf32> to vector<16xf32>
      %add3A_192 = arith.addf %scan3A_135, %get3A_191 : vector<16xf32>
      %add3A_193 = arith.constant 1 : i32
      %add3A_194 = arith.addi %mul3A_137, %add3A_193 : i32
      %get3A_195 = arith.index_cast %add3A_194 : i32 to index
      %get3A_196 = arith.constant 0 : index
      %get3A_197 = tpu.vector_load %arg6[%get3A_195, %get3A_196] {strides = array<i32>} : memref<104x128xf32, #tpu.memory_space<vmem>>, vector<1x16xf32>,
      %get3A_198 = vector.shape_cast %get3A_197 : vector<1x16xf32> to vector<16xf32>
      %add3A_199 = arith.addf %add3A_143, %get3A_198 : vector<16xf32>
      %add3A_200 = arith.constant 1 : i32
      %add3A_201 = arith.addi %mul3A_137, %add3A_200 : i32
      %get3A_202 = arith.index_cast %add3A_201 : i32 to index
      %get3A_203 = arith.constant 16 : index
      %get3A_204 = tpu.vector_load %arg6[%get3A_202, %get3A_203] {strides = array<i32>} : memref<104x128xf32, #tpu.memory_space<vmem>>, vector<1x16xf32>,
      %get3A_205 = vector.shape_cast %get3A_204 : vector<1x16xf32> to vector<16xf32>
      %add3A_206 = arith.addf %add3A_150, %get3A_205 : vector<16xf32>
      %add3A_207 = arith.constant 1 : i32
      %add3A_208 = arith.addi %mul3A_137, %add3A_207 : i32
      %get3A_209 = arith.index_cast %add3A_208 : i32 to index
      %get3A_210 = arith.constant 32 : index
      %get3A_211 = tpu.vector_load %arg6[%get3A_209, %get3A_210] {strides = array<i32>} : memref<104x128xf32, #tpu.memory_space<vmem>>, vector<1x16xf32>,
      %get3A_212 = vector.shape_cast %get3A_211 : vector<1x16xf32> to vector<16xf32>
      %add3A_213 = arith.addf %add3A_157, %get3A_212 : vector<16xf32>
      %add3A_214 = arith.constant 1 : i32
      %add3A_215 = arith.addi %mul3A_137, %add3A_214 : i32
      %get3A_216 = arith.index_cast %add3A_215 : i32 to index
      %get3A_217 = arith.constant 48 : index
      %get3A_218 = tpu.vector_load %arg6[%get3A_216, %get3A_217] {strides = array<i32>} : memref<104x128xf32, #tpu.memory_space<vmem>>, vector<1x16xf32>,
      %get3A_219 = vector.shape_cast %get3A_218 : vector<1x16xf32> to vector<16xf32>
      %add3A_220 = arith.addf %add3A_164, %get3A_219 : vector<16xf32>
      %add3A_221 = arith.constant 1 : i32
      %add3A_222 = arith.addi %mul3A_137, %add3A_221 : i32
      %get3A_223 = arith.index_cast %add3A_222 : i32 to index
      %get3A_224 = arith.constant 64 : index
      %get3A_225 = tpu.vector_load %arg6[%get3A_223, %get3A_224] {strides = array<i32>} : memref<104x128xf32, #tpu.memory_space<vmem>>, vector<1x16xf32>,
      %get3A_226 = vector.shape_cast %get3A_225 : vector<1x16xf32> to vector<16xf32>
      %add3A_227 = arith.addf %add3A_171, %get3A_226 : vector<16xf32>
      %add3A_228 = arith.constant 1 : i32
      %add3A_229 = arith.addi %mul3A_137, %add3A_228 : i32
      %get3A_230 = arith.index_cast %add3A_229 : i32 to index
      %get3A_231 = arith.constant 80 : index
      %get3A_232 = tpu.vector_load %arg6[%get3A_230, %get3A_231] {strides = array<i32>} : memref<104x128xf32, #tpu.memory_space<vmem>>, vector<1x16xf32>,
      %get3A_233 = vector.shape_cast %get3A_232 : vector<1x16xf32> to vector<16xf32>
      %add3A_234 = arith.addf %add3A_178, %get3A_233 : vector<16xf32>
      %add3A_235 = arith.constant 1 : i32
      %add3A_236 = arith.addi %mul3A_137, %add3A_235 : i32
      %get3A_237 = arith.index_cast %add3A_236 : i32 to index
      %get3A_238 = arith.constant 96 : index
      %get3A_239 = tpu.vector_load %arg6[%get3A_237, %get3A_238] {strides = array<i32>} : memref<104x128xf32, #tpu.memory_space<vmem>>, vector<1x16xf32>,
      %get3A_240 = vector.shape_cast %get3A_239 : vector<1x16xf32> to vector<16xf32>
      %add3A_241 = arith.addf %add3A_185, %get3A_240 : vector<16xf32>
      %add3A_242 = arith.constant 1 : i32
      %add3A_243 = arith.addi %mul3A_137, %add3A_242 : i32
      %get3A_244 = arith.index_cast %add3A_243 : i32 to index
      %get3A_245 = arith.constant 112 : index
      %get3A_246 = tpu.vector_load %arg6[%get3A_244, %get3A_245] {strides = array<i32>} : memref<104x128xf32, #tpu.memory_space<vmem>>, vector<1x16xf32>,
      %get3A_247 = vector.shape_cast %get3A_246 : vector<1x16xf32> to vector<16xf32>
      %add3A_248 = arith.addf %add3A_192, %get3A_247 : vector<16xf32>
      %add3A_249 = arith.constant 2 : i32
      %add3A_250 = arith.addi %mul3A_137, %add3A_249 : i32
      %get3A_251 = arith.index_cast %add3A_250 : i32 to index
      %get3A_252 = arith.constant 0 : index
      %get3A_253 = tpu.vector_load %arg6[%get3A_251, %get3A_252] {strides = array<i32>} : memref<104x128xf32, #tpu.memory_space<vmem>>, vector<1x16xf32>,
      %get3A_254 = vector.shape_cast %get3A_253 : vector<1x16xf32> to vector<16xf32>
      %add3A_255 = arith.addf %add3A_199, %get3A_254 : vector<16xf32>
      %add3A_256 = arith.constant 2 : i32
      %add3A_257 = arith.addi %mul3A_137, %add3A_256 : i32
      %get3A_258 = arith.index_cast %add3A_257 : i32 to index
      %get3A_259 = arith.constant 16 : index
      %get3A_260 = tpu.vector_load %arg6[%get3A_258, %get3A_259] {strides = array<i32>} : memref<104x128xf32, #tpu.memory_space<vmem>>, vector<1x16xf32>,
      %get3A_261 = vector.shape_cast %get3A_260 : vector<1x16xf32> to vector<16xf32>
      %add3A_262 = arith.addf %add3A_206, %get3A_261 : vector<16xf32>
      %add3A_263 = arith.constant 2 : i32
      %add3A_264 = arith.addi %mul3A_137, %add3A_263 : i32
      %get3A_265 = arith.index_cast %add3A_264 : i32 to index
      %get3A_266 = arith.constant 32 : index
      %get3A_267 = tpu.vector_load %arg6[%get3A_265, %get3A_266] {strides = array<i32>} : memref<104x128xf32, #tpu.memory_space<vmem>>, vector<1x16xf32>,
      %get3A_268 = vector.shape_cast %get3A_267 : vector<1x16xf32> to vector<16xf32>
      %add3A_269 = arith.addf %add3A_213, %get3A_268 : vector<16xf32>
      %add3A_270 = arith.constant 2 : i32
      %add3A_271 = arith.addi %mul3A_137, %add3A_270 : i32
      %get3A_272 = arith.index_cast %add3A_271 : i32 to index
      %get3A_273 = arith.constant 48 : index
      %get3A_274 = tpu.vector_load %arg6[%get3A_272, %get3A_273] {strides = array<i32>} : memref<104x128xf32, #tpu.memory_space<vmem>>, vector<1x16xf32>,
      %get3A_275 = vector.shape_cast %get3A_274 : vector<1x16xf32> to vector<16xf32>
      %add3A_276 = arith.addf %add3A_220, %get3A_275 : vector<16xf32>
      %add3A_277 = arith.constant 2 : i32
      %add3A_278 = arith.addi %mul3A_137, %add3A_277 : i32
      %get3A_279 = arith.index_cast %add3A_278 : i32 to index
      %get3A_280 = arith.constant 64 : index
      %get3A_281 = tpu.vector_load %arg6[%get3A_279, %get3A_280] {strides = array<i32>} : memref<104x128xf32, #tpu.memory_space<vmem>>, vector<1x16xf32>,
      %get3A_282 = vector.shape_cast %get3A_281 : vector<1x16xf32> to vector<16xf32>
      %add3A_283 = arith.addf %add3A_227, %get3A_282 : vector<16xf32>
      %add3A_284 = arith.constant 2 : i32
      %add3A_285 = arith.addi %mul3A_137, %add3A_284 : i32
      %get3A_286 = arith.index_cast %add3A_285 : i32 to index
      %get3A_287 = arith.constant 80 : index
      %get3A_288 = tpu.vector_load %arg6[%get3A_286, %get3A_287] {strides = array<i32>} : memref<104x128xf32, #tpu.memory_space<vmem>>, vector<1x16xf32>,
      %get3A_289 = vector.shape_cast %get3A_288 : vector<1x16xf32> to vector<16xf32>
      %add3A_290 = arith.addf %add3A_234, %get3A_289 : vector<16xf32>
      %add3A_291 = arith.constant 2 : i32
      %add3A_292 = arith.addi %mul3A_137, %add3A_291 : i32
      %get3A_293 = arith.index_cast %add3A_292 : i32 to index
      %get3A_294 = arith.constant 96 : index
      %get3A_295 = tpu.vector_load %arg6[%get3A_293, %get3A_294] {strides = array<i32>} : memref<104x128xf32, #tpu.memory_space<vmem>>, vector<1x16xf32>,
      %get3A_296 = vector.shape_cast %get3A_295 : vector<1x16xf32> to vector<16xf32>
      %add3A_297 = arith.addf %add3A_241, %get3A_296 : vector<16xf32>
      %add3A_298 = arith.constant 2 : i32
      %add3A_299 = arith.addi %mul3A_137, %add3A_298 : i32
      %get3A_300 = arith.index_cast %add3A_299 : i32 to index
      %get3A_301 = arith.constant 112 : index
      %get3A_302 = tpu.vector_load %arg6[%get3A_300, %get3A_301] {strides = array<i32>} : memref<104x128xf32, #tpu.memory_space<vmem>>, vector<1x16xf32>,
      %get3A_303 = vector.shape_cast %get3A_302 : vector<1x16xf32> to vector<16xf32>
      %add3A_304 = arith.addf %add3A_248, %get3A_303 : vector<16xf32>
      %add3A_305 = arith.constant 3 : i32
      %add3A_306 = arith.addi %mul3A_137, %add3A_305 : i32
      %get3A_307 = arith.index_cast %add3A_306 : i32 to index
      %get3A_308 = arith.constant 0 : index
      %get3A_309 = tpu.vector_load %arg6[%get3A_307, %get3A_308] {strides = array<i32>} : memref<104x128xf32, #tpu.memory_space<vmem>>, vector<1x16xf32>,
      %get3A_310 = vector.shape_cast %get3A_309 : vector<1x16xf32> to vector<16xf32>
      %add3A_311 = arith.addf %add3A_255, %get3A_310 : vector<16xf32>
      %add3A_312 = arith.constant 3 : i32
      %add3A_313 = arith.addi %mul3A_137, %add3A_312 : i32
      %get3A_314 = arith.index_cast %add3A_313 : i32 to index
      %get3A_315 = arith.constant 16 : index
      %get3A_316 = tpu.vector_load %arg6[%get3A_314, %get3A_315] {strides = array<i32>} : memref<104x128xf32, #tpu.memory_space<vmem>>, vector<1x16xf32>,
      %get3A_317 = vector.shape_cast %get3A_316 : vector<1x16xf32> to vector<16xf32>
      %add3A_318 = arith.addf %add3A_262, %get3A_317 : vector<16xf32>
      %add3A_319 = arith.constant 3 : i32
      %add3A_320 = arith.addi %mul3A_137, %add3A_319 : i32
      %get3A_321 = arith.index_cast %add3A_320 : i32 to index
      %get3A_322 = arith.constant 32 : index
      %get3A_323 = tpu.vector_load %arg6[%get3A_321, %get3A_322] {strides = array<i32>} : memref<104x128xf32, #tpu.memory_space<vmem>>, vector<1x16xf32>,
      %get3A_324 = vector.shape_cast %get3A_323 : vector<1x16xf32> to vector<16xf32>
      %add3A_325 = arith.addf %add3A_269, %get3A_324 : vector<16xf32>
      %add3A_326 = arith.constant 3 : i32
      %add3A_327 = arith.addi %mul3A_137, %add3A_326 : i32
      %get3A_328 = arith.index_cast %add3A_327 : i32 to index
      %get3A_329 = arith.constant 48 : index
      %get3A_330 = tpu.vector_load %arg6[%get3A_328, %get3A_329] {strides = array<i32>} : memref<104x128xf32, #tpu.memory_space<vmem>>, vector<1x16xf32>,
      %get3A_331 = vector.shape_cast %get3A_330 : vector<1x16xf32> to vector<16xf32>
      %add3A_332 = arith.addf %add3A_276, %get3A_331 : vector<16xf32>
      %add3A_333 = arith.constant 3 : i32
      %add3A_334 = arith.addi %mul3A_137, %add3A_333 : i32
      %get3A_335 = arith.index_cast %add3A_334 : i32 to index
      %get3A_336 = arith.constant 64 : index
      %get3A_337 = tpu.vector_load %arg6[%get3A_335, %get3A_336] {strides = array<i32>} : memref<104x128xf32, #tpu.memory_space<vmem>>, vector<1x16xf32>,
      %get3A_338 = vector.shape_cast %get3A_337 : vector<1x16xf32> to vector<16xf32>
      %add3A_339 = arith.addf %add3A_283, %get3A_338 : vector<16xf32>
      %add3A_340 = arith.constant 3 : i32
      %add3A_341 = arith.addi %mul3A_137, %add3A_340 : i32
      %get3A_342 = arith.index_cast %add3A_341 : i32 to index
      %get3A_343 = arith.constant 80 : index
      %get3A_344 = tpu.vector_load %arg6[%get3A_342, %get3A_343] {strides = array<i32>} : memref<104x128xf32, #tpu.memory_space<vmem>>, vector<1x16xf32>,
      %get3A_345 = vector.shape_cast %get3A_344 : vector<1x16xf32> to vector<16xf32>
      %add3A_346 = arith.addf %add3A_290, %get3A_345 : vector<16xf32>
      %add3A_347 = arith.constant 3 : i32
      %add3A_348 = arith.addi %mul3A_137, %add3A_347 : i32
      %get3A_349 = arith.index_cast %add3A_348 : i32 to index
      %get3A_350 = arith.constant 96 : index
      %get3A_351 = tpu.vector_load %arg6[%get3A_349, %get3A_350] {strides = array<i32>} : memref<104x128xf32, #tpu.memory_space<vmem>>, vector<1x16xf32>,
      %get3A_352 = vector.shape_cast %get3A_351 : vector<1x16xf32> to vector<16xf32>
      %add3A_353 = arith.addf %add3A_297, %get3A_352 : vector<16xf32>
      %add3A_354 = arith.constant 3 : i32
      %add3A_355 = arith.addi %mul3A_137, %add3A_354 : i32
      %get3A_356 = arith.index_cast %add3A_355 : i32 to index
      %get3A_357 = arith.constant 112 : index
      %get3A_358 = tpu.vector_load %arg6[%get3A_356, %get3A_357] {strides = array<i32>} : memref<104x128xf32, #tpu.memory_space<vmem>>, vector<1x16xf32>,
      %get3A_359 = vector.shape_cast %get3A_358 : vector<1x16xf32> to vector<16xf32>
      %add3A_360 = arith.addf %add3A_304, %get3A_359 : vector<16xf32>
      scf.yield %add3A_311, %add3A_318, %add3A_325, %add3A_332, %add3A_339, %add3A_346, %add3A_353, %add3A_360 : vector<16xf32>, vector<16xf32>, vector<16xf32>, vector<16xf32>, vector<16xf32>, vector<16xf32>, vector<16xf32>, vector<16xf32>
    }
    %scan3A_66 = arith.constant 26 : i32
    %dma_wait3A_67 = arith.constant 3104 : i32
    %dma_wait3A_68 = tpu.memref_slice %arg5[%dma_wait3A_67] : memref<3200xi32, #tpu.memory_space<vmem>> -> memref<96xi32, #tpu.memory_space<vmem>>
    %dma_wait3A_69 = arith.constant 0 : i32
    %dma_wait3A_70 = arith.constant 0 : i32
    %dma_wait3A_71 = tpu.memref_slice %arg3[%dma_wait3A_69, %dma_wait3A_70] : memref<100000x128xf32, #tpu.memory_space<hbm>> -> memref<100000x128xf32, #tpu.memory_space<hbm>>
    tpu.wait_indirect_dma semaphore(%arg14 : memref<!tpu.dma_semaphore, #tpu.memory_space<semaphore_mem>>) src(%dma_wait3A_71 : memref<100000x128xf32, #tpu.memory_space<hbm>>) dst(%arg7 : memref<96x128xf32, #tpu.memory_space<vmem>>)
    %scan3A_72 = arith.constant 0 : i32
    %scan3A_73 = arith.constant 24 : i32
    %scan3A_74 = arith.addi %scan3A_72, %scan3A_73 : i32
    %scan3A_75 = arith.constant 1 : i32
    %scan3A_76:8 = scf.for %scan3A_127 = %scan3A_72 to %scan3A_74 step %scan3A_75 iter_args(%scan3A_128 = %scan3A_65#0, %scan3A_129 = %scan3A_65#1, %scan3A_130 = %scan3A_65#2, %scan3A_131 = %scan3A_65#3, %scan3A_132 = %scan3A_65#4, %scan3A_133 = %scan3A_65#5, %scan3A_134 = %scan3A_65#6, %scan3A_135 = %scan3A_65#7) -> (vector<16xf32>, vector<16xf32>, vector<16xf32>, vector<16xf32>, vector<16xf32>, vector<16xf32>, vector<16xf32>, vector<16xf32>)  : i32 {
      %mul3A_136 = arith.constant 4 : i32
      %mul3A_137 = arith.muli %scan3A_127, %mul3A_136 : i32
      %add3A_138 = arith.constant 0 : i32
      %add3A_139 = arith.addi %mul3A_137, %add3A_138 : i32
      %get3A = arith.index_cast %add3A_139 : i32 to index
      %get3A_140 = arith.constant 0 : index
      %get3A_141 = tpu.vector_load %arg7[%get3A, %get3A_140] {strides = array<i32>} : memref<96x128xf32, #tpu.memory_space<vmem>>, vector<1x16xf32>,
      %get3A_142 = vector.shape_cast %get3A_141 : vector<1x16xf32> to vector<16xf32>
      %add3A_143 = arith.addf %scan3A_128, %get3A_142 : vector<16xf32>
      %add3A_144 = arith.constant 0 : i32
      %add3A_145 = arith.addi %mul3A_137, %add3A_144 : i32
      %get3A_146 = arith.index_cast %add3A_145 : i32 to index
      %get3A_147 = arith.constant 16 : index
      %get3A_148 = tpu.vector_load %arg7[%get3A_146, %get3A_147] {strides = array<i32>} : memref<96x128xf32, #tpu.memory_space<vmem>>, vector<1x16xf32>,
      %get3A_149 = vector.shape_cast %get3A_148 : vector<1x16xf32> to vector<16xf32>
      %add3A_150 = arith.addf %scan3A_129, %get3A_149 : vector<16xf32>
      %add3A_151 = arith.constant 0 : i32
      %add3A_152 = arith.addi %mul3A_137, %add3A_151 : i32
      %get3A_153 = arith.index_cast %add3A_152 : i32 to index
      %get3A_154 = arith.constant 32 : index
      %get3A_155 = tpu.vector_load %arg7[%get3A_153, %get3A_154] {strides = array<i32>} : memref<96x128xf32, #tpu.memory_space<vmem>>, vector<1x16xf32>,
      %get3A_156 = vector.shape_cast %get3A_155 : vector<1x16xf32> to vector<16xf32>
      %add3A_157 = arith.addf %scan3A_130, %get3A_156 : vector<16xf32>
      %add3A_158 = arith.constant 0 : i32
      %add3A_159 = arith.addi %mul3A_137, %add3A_158 : i32
      %get3A_160 = arith.index_cast %add3A_159 : i32 to index
      %get3A_161 = arith.constant 48 : index
      %get3A_162 = tpu.vector_load %arg7[%get3A_160, %get3A_161] {strides = array<i32>} : memref<96x128xf32, #tpu.memory_space<vmem>>, vector<1x16xf32>,
      %get3A_163 = vector.shape_cast %get3A_162 : vector<1x16xf32> to vector<16xf32>
      %add3A_164 = arith.addf %scan3A_131, %get3A_163 : vector<16xf32>
      %add3A_165 = arith.constant 0 : i32
      %add3A_166 = arith.addi %mul3A_137, %add3A_165 : i32
      %get3A_167 = arith.index_cast %add3A_166 : i32 to index
      %get3A_168 = arith.constant 64 : index
      %get3A_169 = tpu.vector_load %arg7[%get3A_167, %get3A_168] {strides = array<i32>} : memref<96x128xf32, #tpu.memory_space<vmem>>, vector<1x16xf32>,
      %get3A_170 = vector.shape_cast %get3A_169 : vector<1x16xf32> to vector<16xf32>
      %add3A_171 = arith.addf %scan3A_132, %get3A_170 : vector<16xf32>
      %add3A_172 = arith.constant 0 : i32
      %add3A_173 = arith.addi %mul3A_137, %add3A_172 : i32
      %get3A_174 = arith.index_cast %add3A_173 : i32 to index
      %get3A_175 = arith.constant 80 : index
      %get3A_176 = tpu.vector_load %arg7[%get3A_174, %get3A_175] {strides = array<i32>} : memref<96x128xf32, #tpu.memory_space<vmem>>, vector<1x16xf32>,
      %get3A_177 = vector.shape_cast %get3A_176 : vector<1x16xf32> to vector<16xf32>
      %add3A_178 = arith.addf %scan3A_133, %get3A_177 : vector<16xf32>
      %add3A_179 = arith.constant 0 : i32
      %add3A_180 = arith.addi %mul3A_137, %add3A_179 : i32
      %get3A_181 = arith.index_cast %add3A_180 : i32 to index
      %get3A_182 = arith.constant 96 : index
      %get3A_183 = tpu.vector_load %arg7[%get3A_181, %get3A_182] {strides = array<i32>} : memref<96x128xf32, #tpu.memory_space<vmem>>, vector<1x16xf32>,
      %get3A_184 = vector.shape_cast %get3A_183 : vector<1x16xf32> to vector<16xf32>
      %add3A_185 = arith.addf %scan3A_134, %get3A_184 : vector<16xf32>
      %add3A_186 = arith.constant 0 : i32
      %add3A_187 = arith.addi %mul3A_137, %add3A_186 : i32
      %get3A_188 = arith.index_cast %add3A_187 : i32 to index
      %get3A_189 = arith.constant 112 : index
      %get3A_190 = tpu.vector_load %arg7[%get3A_188, %get3A_189] {strides = array<i32>} : memref<96x128xf32, #tpu.memory_space<vmem>>, vector<1x16xf32>,
      %get3A_191 = vector.shape_cast %get3A_190 : vector<1x16xf32> to vector<16xf32>
      %add3A_192 = arith.addf %scan3A_135, %get3A_191 : vector<16xf32>
      %add3A_193 = arith.constant 1 : i32
      %add3A_194 = arith.addi %mul3A_137, %add3A_193 : i32
      %get3A_195 = arith.index_cast %add3A_194 : i32 to index
      %get3A_196 = arith.constant 0 : index
      %get3A_197 = tpu.vector_load %arg7[%get3A_195, %get3A_196] {strides = array<i32>} : memref<96x128xf32, #tpu.memory_space<vmem>>, vector<1x16xf32>,
      %get3A_198 = vector.shape_cast %get3A_197 : vector<1x16xf32> to vector<16xf32>
      %add3A_199 = arith.addf %add3A_143, %get3A_198 : vector<16xf32>
      %add3A_200 = arith.constant 1 : i32
      %add3A_201 = arith.addi %mul3A_137, %add3A_200 : i32
      %get3A_202 = arith.index_cast %add3A_201 : i32 to index
      %get3A_203 = arith.constant 16 : index
      %get3A_204 = tpu.vector_load %arg7[%get3A_202, %get3A_203] {strides = array<i32>} : memref<96x128xf32, #tpu.memory_space<vmem>>, vector<1x16xf32>,
      %get3A_205 = vector.shape_cast %get3A_204 : vector<1x16xf32> to vector<16xf32>
      %add3A_206 = arith.addf %add3A_150, %get3A_205 : vector<16xf32>
      %add3A_207 = arith.constant 1 : i32
      %add3A_208 = arith.addi %mul3A_137, %add3A_207 : i32
      %get3A_209 = arith.index_cast %add3A_208 : i32 to index
      %get3A_210 = arith.constant 32 : index
      %get3A_211 = tpu.vector_load %arg7[%get3A_209, %get3A_210] {strides = array<i32>} : memref<96x128xf32, #tpu.memory_space<vmem>>, vector<1x16xf32>,
      %get3A_212 = vector.shape_cast %get3A_211 : vector<1x16xf32> to vector<16xf32>
      %add3A_213 = arith.addf %add3A_157, %get3A_212 : vector<16xf32>
      %add3A_214 = arith.constant 1 : i32
      %add3A_215 = arith.addi %mul3A_137, %add3A_214 : i32
      %get3A_216 = arith.index_cast %add3A_215 : i32 to index
      %get3A_217 = arith.constant 48 : index
      %get3A_218 = tpu.vector_load %arg7[%get3A_216, %get3A_217] {strides = array<i32>} : memref<96x128xf32, #tpu.memory_space<vmem>>, vector<1x16xf32>,
      %get3A_219 = vector.shape_cast %get3A_218 : vector<1x16xf32> to vector<16xf32>
      %add3A_220 = arith.addf %add3A_164, %get3A_219 : vector<16xf32>
      %add3A_221 = arith.constant 1 : i32
      %add3A_222 = arith.addi %mul3A_137, %add3A_221 : i32
      %get3A_223 = arith.index_cast %add3A_222 : i32 to index
      %get3A_224 = arith.constant 64 : index
      %get3A_225 = tpu.vector_load %arg7[%get3A_223, %get3A_224] {strides = array<i32>} : memref<96x128xf32, #tpu.memory_space<vmem>>, vector<1x16xf32>,
      %get3A_226 = vector.shape_cast %get3A_225 : vector<1x16xf32> to vector<16xf32>
      %add3A_227 = arith.addf %add3A_171, %get3A_226 : vector<16xf32>
      %add3A_228 = arith.constant 1 : i32
      %add3A_229 = arith.addi %mul3A_137, %add3A_228 : i32
      %get3A_230 = arith.index_cast %add3A_229 : i32 to index
      %get3A_231 = arith.constant 80 : index
      %get3A_232 = tpu.vector_load %arg7[%get3A_230, %get3A_231] {strides = array<i32>} : memref<96x128xf32, #tpu.memory_space<vmem>>, vector<1x16xf32>,
      %get3A_233 = vector.shape_cast %get3A_232 : vector<1x16xf32> to vector<16xf32>
      %add3A_234 = arith.addf %add3A_178, %get3A_233 : vector<16xf32>
      %add3A_235 = arith.constant 1 : i32
      %add3A_236 = arith.addi %mul3A_137, %add3A_235 : i32
      %get3A_237 = arith.index_cast %add3A_236 : i32 to index
      %get3A_238 = arith.constant 96 : index
      %get3A_239 = tpu.vector_load %arg7[%get3A_237, %get3A_238] {strides = array<i32>} : memref<96x128xf32, #tpu.memory_space<vmem>>, vector<1x16xf32>,
      %get3A_240 = vector.shape_cast %get3A_239 : vector<1x16xf32> to vector<16xf32>
      %add3A_241 = arith.addf %add3A_185, %get3A_240 : vector<16xf32>
      %add3A_242 = arith.constant 1 : i32
      %add3A_243 = arith.addi %mul3A_137, %add3A_242 : i32
      %get3A_244 = arith.index_cast %add3A_243 : i32 to index
      %get3A_245 = arith.constant 112 : index
      %get3A_246 = tpu.vector_load %arg7[%get3A_244, %get3A_245] {strides = array<i32>} : memref<96x128xf32, #tpu.memory_space<vmem>>, vector<1x16xf32>,
      %get3A_247 = vector.shape_cast %get3A_246 : vector<1x16xf32> to vector<16xf32>
      %add3A_248 = arith.addf %add3A_192, %get3A_247 : vector<16xf32>
      %add3A_249 = arith.constant 2 : i32
      %add3A_250 = arith.addi %mul3A_137, %add3A_249 : i32
      %get3A_251 = arith.index_cast %add3A_250 : i32 to index
      %get3A_252 = arith.constant 0 : index
      %get3A_253 = tpu.vector_load %arg7[%get3A_251, %get3A_252] {strides = array<i32>} : memref<96x128xf32, #tpu.memory_space<vmem>>, vector<1x16xf32>,
      %get3A_254 = vector.shape_cast %get3A_253 : vector<1x16xf32> to vector<16xf32>
      %add3A_255 = arith.addf %add3A_199, %get3A_254 : vector<16xf32>
      %add3A_256 = arith.constant 2 : i32
      %add3A_257 = arith.addi %mul3A_137, %add3A_256 : i32
      %get3A_258 = arith.index_cast %add3A_257 : i32 to index
      %get3A_259 = arith.constant 16 : index
      %get3A_260 = tpu.vector_load %arg7[%get3A_258, %get3A_259] {strides = array<i32>} : memref<96x128xf32, #tpu.memory_space<vmem>>, vector<1x16xf32>,
      %get3A_261 = vector.shape_cast %get3A_260 : vector<1x16xf32> to vector<16xf32>
      %add3A_262 = arith.addf %add3A_206, %get3A_261 : vector<16xf32>
      %add3A_263 = arith.constant 2 : i32
      %add3A_264 = arith.addi %mul3A_137, %add3A_263 : i32
      %get3A_265 = arith.index_cast %add3A_264 : i32 to index
      %get3A_266 = arith.constant 32 : index
      %get3A_267 = tpu.vector_load %arg7[%get3A_265, %get3A_266] {strides = array<i32>} : memref<96x128xf32, #tpu.memory_space<vmem>>, vector<1x16xf32>,
      %get3A_268 = vector.shape_cast %get3A_267 : vector<1x16xf32> to vector<16xf32>
      %add3A_269 = arith.addf %add3A_213, %get3A_268 : vector<16xf32>
      %add3A_270 = arith.constant 2 : i32
      %add3A_271 = arith.addi %mul3A_137, %add3A_270 : i32
      %get3A_272 = arith.index_cast %add3A_271 : i32 to index
      %get3A_273 = arith.constant 48 : index
      %get3A_274 = tpu.vector_load %arg7[%get3A_272, %get3A_273] {strides = array<i32>} : memref<96x128xf32, #tpu.memory_space<vmem>>, vector<1x16xf32>,
      %get3A_275 = vector.shape_cast %get3A_274 : vector<1x16xf32> to vector<16xf32>
      %add3A_276 = arith.addf %add3A_220, %get3A_275 : vector<16xf32>
      %add3A_277 = arith.constant 2 : i32
      %add3A_278 = arith.addi %mul3A_137, %add3A_277 : i32
      %get3A_279 = arith.index_cast %add3A_278 : i32 to index
      %get3A_280 = arith.constant 64 : index
      %get3A_281 = tpu.vector_load %arg7[%get3A_279, %get3A_280] {strides = array<i32>} : memref<96x128xf32, #tpu.memory_space<vmem>>, vector<1x16xf32>,
      %get3A_282 = vector.shape_cast %get3A_281 : vector<1x16xf32> to vector<16xf32>
      %add3A_283 = arith.addf %add3A_227, %get3A_282 : vector<16xf32>
      %add3A_284 = arith.constant 2 : i32
      %add3A_285 = arith.addi %mul3A_137, %add3A_284 : i32
      %get3A_286 = arith.index_cast %add3A_285 : i32 to index
      %get3A_287 = arith.constant 80 : index
      %get3A_288 = tpu.vector_load %arg7[%get3A_286, %get3A_287] {strides = array<i32>} : memref<96x128xf32, #tpu.memory_space<vmem>>, vector<1x16xf32>,
      %get3A_289 = vector.shape_cast %get3A_288 : vector<1x16xf32> to vector<16xf32>
      %add3A_290 = arith.addf %add3A_234, %get3A_289 : vector<16xf32>
      %add3A_291 = arith.constant 2 : i32
      %add3A_292 = arith.addi %mul3A_137, %add3A_291 : i32
      %get3A_293 = arith.index_cast %add3A_292 : i32 to index
      %get3A_294 = arith.constant 96 : index
      %get3A_295 = tpu.vector_load %arg7[%get3A_293, %get3A_294] {strides = array<i32>} : memref<96x128xf32, #tpu.memory_space<vmem>>, vector<1x16xf32>,
      %get3A_296 = vector.shape_cast %get3A_295 : vector<1x16xf32> to vector<16xf32>
      %add3A_297 = arith.addf %add3A_241, %get3A_296 : vector<16xf32>
      %add3A_298 = arith.constant 2 : i32
      %add3A_299 = arith.addi %mul3A_137, %add3A_298 : i32
      %get3A_300 = arith.index_cast %add3A_299 : i32 to index
      %get3A_301 = arith.constant 112 : index
      %get3A_302 = tpu.vector_load %arg7[%get3A_300, %get3A_301] {strides = array<i32>} : memref<96x128xf32, #tpu.memory_space<vmem>>, vector<1x16xf32>,
      %get3A_303 = vector.shape_cast %get3A_302 : vector<1x16xf32> to vector<16xf32>
      %add3A_304 = arith.addf %add3A_248, %get3A_303 : vector<16xf32>
      %add3A_305 = arith.constant 3 : i32
      %add3A_306 = arith.addi %mul3A_137, %add3A_305 : i32
      %get3A_307 = arith.index_cast %add3A_306 : i32 to index
      %get3A_308 = arith.constant 0 : index
      %get3A_309 = tpu.vector_load %arg7[%get3A_307, %get3A_308] {strides = array<i32>} : memref<96x128xf32, #tpu.memory_space<vmem>>, vector<1x16xf32>,
      %get3A_310 = vector.shape_cast %get3A_309 : vector<1x16xf32> to vector<16xf32>
      %add3A_311 = arith.addf %add3A_255, %get3A_310 : vector<16xf32>
      %add3A_312 = arith.constant 3 : i32
      %add3A_313 = arith.addi %mul3A_137, %add3A_312 : i32
      %get3A_314 = arith.index_cast %add3A_313 : i32 to index
      %get3A_315 = arith.constant 16 : index
      %get3A_316 = tpu.vector_load %arg7[%get3A_314, %get3A_315] {strides = array<i32>} : memref<96x128xf32, #tpu.memory_space<vmem>>, vector<1x16xf32>,
      %get3A_317 = vector.shape_cast %get3A_316 : vector<1x16xf32> to vector<16xf32>
      %add3A_318 = arith.addf %add3A_262, %get3A_317 : vector<16xf32>
      %add3A_319 = arith.constant 3 : i32
      %add3A_320 = arith.addi %mul3A_137, %add3A_319 : i32
      %get3A_321 = arith.index_cast %add3A_320 : i32 to index
      %get3A_322 = arith.constant 32 : index
      %get3A_323 = tpu.vector_load %arg7[%get3A_321, %get3A_322] {strides = array<i32>} : memref<96x128xf32, #tpu.memory_space<vmem>>, vector<1x16xf32>,
      %get3A_324 = vector.shape_cast %get3A_323 : vector<1x16xf32> to vector<16xf32>
      %add3A_325 = arith.addf %add3A_269, %get3A_324 : vector<16xf32>
      %add3A_326 = arith.constant 3 : i32
      %add3A_327 = arith.addi %mul3A_137, %add3A_326 : i32
      %get3A_328 = arith.index_cast %add3A_327 : i32 to index
      %get3A_329 = arith.constant 48 : index
      %get3A_330 = tpu.vector_load %arg7[%get3A_328, %get3A_329] {strides = array<i32>} : memref<96x128xf32, #tpu.memory_space<vmem>>, vector<1x16xf32>,
      %get3A_331 = vector.shape_cast %get3A_330 : vector<1x16xf32> to vector<16xf32>
      %add3A_332 = arith.addf %add3A_276, %get3A_331 : vector<16xf32>
      %add3A_333 = arith.constant 3 : i32
      %add3A_334 = arith.addi %mul3A_137, %add3A_333 : i32
      %get3A_335 = arith.index_cast %add3A_334 : i32 to index
      %get3A_336 = arith.constant 64 : index
      %get3A_337 = tpu.vector_load %arg7[%get3A_335, %get3A_336] {strides = array<i32>} : memref<96x128xf32, #tpu.memory_space<vmem>>, vector<1x16xf32>,
      %get3A_338 = vector.shape_cast %get3A_337 : vector<1x16xf32> to vector<16xf32>
      %add3A_339 = arith.addf %add3A_283, %get3A_338 : vector<16xf32>
      %add3A_340 = arith.constant 3 : i32
      %add3A_341 = arith.addi %mul3A_137, %add3A_340 : i32
      %get3A_342 = arith.index_cast %add3A_341 : i32 to index
      %get3A_343 = arith.constant 80 : index
      %get3A_344 = tpu.vector_load %arg7[%get3A_342, %get3A_343] {strides = array<i32>} : memref<96x128xf32, #tpu.memory_space<vmem>>, vector<1x16xf32>,
      %get3A_345 = vector.shape_cast %get3A_344 : vector<1x16xf32> to vector<16xf32>
      %add3A_346 = arith.addf %add3A_290, %get3A_345 : vector<16xf32>
      %add3A_347 = arith.constant 3 : i32
      %add3A_348 = arith.addi %mul3A_137, %add3A_347 : i32
      %get3A_349 = arith.index_cast %add3A_348 : i32 to index
      %get3A_350 = arith.constant 96 : index
      %get3A_351 = tpu.vector_load %arg7[%get3A_349, %get3A_350] {strides = array<i32>} : memref<96x128xf32, #tpu.memory_space<vmem>>, vector<1x16xf32>,
      %get3A_352 = vector.shape_cast %get3A_351 : vector<1x16xf32> to vector<16xf32>
      %add3A_353 = arith.addf %add3A_297, %get3A_352 : vector<16xf32>
      %add3A_354 = arith.constant 3 : i32
      %add3A_355 = arith.addi %mul3A_137, %add3A_354 : i32
      %get3A_356 = arith.index_cast %add3A_355 : i32 to index
      %get3A_357 = arith.constant 112 : index
      %get3A_358 = tpu.vector_load %arg7[%get3A_356, %get3A_357] {strides = array<i32>} : memref<96x128xf32, #tpu.memory_space<vmem>>, vector<1x16xf32>,
      %get3A_359 = vector.shape_cast %get3A_358 : vector<1x16xf32> to vector<16xf32>
      %add3A_360 = arith.addf %add3A_304, %get3A_359 : vector<16xf32>
      scf.yield %add3A_311, %add3A_318, %add3A_325, %add3A_332, %add3A_339, %add3A_346, %add3A_353, %add3A_360 : vector<16xf32>, vector<16xf32>, vector<16xf32>, vector<16xf32>, vector<16xf32>, vector<16xf32>, vector<16xf32>, vector<16xf32>
    }
    %scan3A_77 = arith.constant 24 : i32
    %swap3A = arith.constant 15 : i32
    %swap3A_78 = arith.index_cast %swap3A : i32 to index
    %swap3A_79 = arith.constant 0 : index
    %swap3A_80 = tpu.vector_load %arg12[%swap3A_78, %swap3A_79] {strides = array<i32>} : memref<16x128xf32, #tpu.memory_space<vmem>>, vector<1x16xf32>,
    %swap3A_81 = vector.shape_cast %swap3A_80 : vector<1x16xf32> to vector<16xf32>
    %swap3A_82 = vector.shape_cast %scan3A_76#0 : vector<16xf32> to vector<1x16xf32>
    tpu.vector_store %arg12[%swap3A_78, %swap3A_79], %swap3A_82 {strides = array<i32>} : memref<16x128xf32, #tpu.memory_space<vmem>>, vector<1x16xf32>,
    %swap3A_83 = arith.constant 15 : i32
    %swap3A_84 = arith.index_cast %swap3A_83 : i32 to index
    %swap3A_85 = arith.constant 16 : index
    %swap3A_86 = tpu.vector_load %arg12[%swap3A_84, %swap3A_85] {strides = array<i32>} : memref<16x128xf32, #tpu.memory_space<vmem>>, vector<1x16xf32>,
    %swap3A_87 = vector.shape_cast %swap3A_86 : vector<1x16xf32> to vector<16xf32>
    %swap3A_88 = vector.shape_cast %scan3A_76#1 : vector<16xf32> to vector<1x16xf32>
    tpu.vector_store %arg12[%swap3A_84, %swap3A_85], %swap3A_88 {strides = array<i32>} : memref<16x128xf32, #tpu.memory_space<vmem>>, vector<1x16xf32>,
    %swap3A_89 = arith.constant 15 : i32
    %swap3A_90 = arith.index_cast %swap3A_89 : i32 to index
    %swap3A_91 = arith.constant 32 : index
    %swap3A_92 = tpu.vector_load %arg12[%swap3A_90, %swap3A_91] {strides = array<i32>} : memref<16x128xf32, #tpu.memory_space<vmem>>, vector<1x16xf32>,
    %swap3A_93 = vector.shape_cast %swap3A_92 : vector<1x16xf32> to vector<16xf32>
    %swap3A_94 = vector.shape_cast %scan3A_76#2 : vector<16xf32> to vector<1x16xf32>
    tpu.vector_store %arg12[%swap3A_90, %swap3A_91], %swap3A_94 {strides = array<i32>} : memref<16x128xf32, #tpu.memory_space<vmem>>, vector<1x16xf32>,
    %swap3A_95 = arith.constant 15 : i32
    %swap3A_96 = arith.index_cast %swap3A_95 : i32 to index
    %swap3A_97 = arith.constant 48 : index
    %swap3A_98 = tpu.vector_load %arg12[%swap3A_96, %swap3A_97] {strides = array<i32>} : memref<16x128xf32, #tpu.memory_space<vmem>>, vector<1x16xf32>,
    %swap3A_99 = vector.shape_cast %swap3A_98 : vector<1x16xf32> to vector<16xf32>
    %swap3A_100 = vector.shape_cast %scan3A_76#3 : vector<16xf32> to vector<1x16xf32>
    tpu.vector_store %arg12[%swap3A_96, %swap3A_97], %swap3A_100 {strides = array<i32>} : memref<16x128xf32, #tpu.memory_space<vmem>>, vector<1x16xf32>,
    %swap3A_101 = arith.constant 15 : i32
    %swap3A_102 = arith.index_cast %swap3A_101 : i32 to index
    %swap3A_103 = arith.constant 64 : index
    %swap3A_104 = tpu.vector_load %arg12[%swap3A_102, %swap3A_103] {strides = array<i32>} : memref<16x128xf32, #tpu.memory_space<vmem>>, vector<1x16xf32>,
    %swap3A_105 = vector.shape_cast %swap3A_104 : vector<1x16xf32> to vector<16xf32>
    %swap3A_106 = vector.shape_cast %scan3A_76#4 : vector<16xf32> to vector<1x16xf32>
    tpu.vector_store %arg12[%swap3A_102, %swap3A_103], %swap3A_106 {strides = array<i32>} : memref<16x128xf32, #tpu.memory_space<vmem>>, vector<1x16xf32>,
    %swap3A_107 = arith.constant 15 : i32
    %swap3A_108 = arith.index_cast %swap3A_107 : i32 to index
    %swap3A_109 = arith.constant 80 : index
    %swap3A_110 = tpu.vector_load %arg12[%swap3A_108, %swap3A_109] {strides = array<i32>} : memref<16x128xf32, #tpu.memory_space<vmem>>, vector<1x16xf32>,
    %swap3A_111 = vector.shape_cast %swap3A_110 : vector<1x16xf32> to vector<16xf32>
    %swap3A_112 = vector.shape_cast %scan3A_76#5 : vector<16xf32> to vector<1x16xf32>
    tpu.vector_store %arg12[%swap3A_108, %swap3A_109], %swap3A_112 {strides = array<i32>} : memref<16x128xf32, #tpu.memory_space<vmem>>, vector<1x16xf32>,
    %swap3A_113 = arith.constant 15 : i32
    %swap3A_114 = arith.index_cast %swap3A_113 : i32 to index
    %swap3A_115 = arith.constant 96 : index
    %swap3A_116 = tpu.vector_load %arg12[%swap3A_114, %swap3A_115] {strides = array<i32>} : memref<16x128xf32, #tpu.memory_space<vmem>>, vector<1x16xf32>,
    %swap3A_117 = vector.shape_cast %swap3A_116 : vector<1x16xf32> to vector<16xf32>
    %swap3A_118 = vector.shape_cast %scan3A_76#6 : vector<16xf32> to vector<1x16xf32>
    tpu.vector_store %arg12[%swap3A_114, %swap3A_115], %swap3A_118 {strides = array<i32>} : memref<16x128xf32, #tpu.memory_space<vmem>>, vector<1x16xf32>,
    %swap3A_119 = arith.constant 15 : i32
    %swap3A_120 = arith.index_cast %swap3A_119 : i32 to index
    %swap3A_121 = arith.constant 112 : index
    %swap3A_122 = tpu.vector_load %arg12[%swap3A_120, %swap3A_121] {strides = array<i32>} : memref<16x128xf32, #tpu.memory_space<vmem>>, vector<1x16xf32>,
    %swap3A_123 = vector.shape_cast %swap3A_122 : vector<1x16xf32> to vector<16xf32>
    %swap3A_124 = vector.shape_cast %scan3A_76#7 : vector<16xf32> to vector<1x16xf32>
    tpu.vector_store %arg12[%swap3A_120, %swap3A_121], %swap3A_124 {strides = array<i32>} : memref<16x128xf32, #tpu.memory_space<vmem>>, vector<1x16xf32>,
    %mul3A_125 = arith.constant 16 : i32
    %mul3A_126 = arith.muli %add3A, %mul3A_125 : i32
    "tpu.region"() ({
      %run_scoped3A = tpu.sem_alloc : memref<!tpu.dma_semaphore, #tpu.memory_space<semaphore_mem>>
      %dma_start3A_127 = arith.constant 0 : i32
      %dma_start3A_128 = tpu.memref_slice %arg4[%mul3A_126, %dma_start3A_127] : memref<512x128xf32, #tpu.memory_space<hbm>> -> memref<16x128xf32, #tpu.memory_space<hbm>>
      %dma_start3A_129 = arith.constant 0 : i32
      %dma_start3A_130 = tpu.memref_slice %arg4[%mul3A_126, %dma_start3A_129] : memref<512x128xf32, #tpu.memory_space<hbm>> -> memref<16x128xf32, #tpu.memory_space<hbm>>
      tpu.enqueue_dma source(%arg12 : memref<16x128xf32, #tpu.memory_space<vmem>>) target(%dma_start3A_130 : memref<16x128xf32, #tpu.memory_space<hbm>>) target_semaphore(%run_scoped3A : memref<!tpu.dma_semaphore, #tpu.memory_space<semaphore_mem>>)
      %dma_wait3A_131 = arith.constant 0 : i32
      %dma_wait3A_132 = tpu.memref_slice %arg4[%mul3A_126, %dma_wait3A_131] : memref<512x128xf32, #tpu.memory_space<hbm>> -> memref<16x128xf32, #tpu.memory_space<hbm>>
      %dma_wait3A_133 = arith.constant 0 : i32
      %dma_wait3A_134 = tpu.memref_slice %arg4[%mul3A_126, %dma_wait3A_133] : memref<512x128xf32, #tpu.memory_space<hbm>> -> memref<16x128xf32, #tpu.memory_space<hbm>>
      tpu.wait_dma2 semaphore(%run_scoped3A : memref<!tpu.dma_semaphore, #tpu.memory_space<semaphore_mem>>) src(%arg12 : memref<16x128xf32, #tpu.memory_space<vmem>>) dst(%dma_wait3A_134 : memref<16x128xf32, #tpu.memory_space<hbm>>)
      tpu.yield
    }) : () -> ()
    return
  }
}

module attributes {stable_mosaic.version = 14 : i64} {
  func.func @_head_body(%arg0: i32, %arg1: memref<256x128xf32, #tpu.memory_space<vmem>>, %arg2: memref<1000x128xf32, #tpu.memory_space<vmem>>, %arg3: memref<1000x1xf32, #tpu.memory_space<vmem>>, %arg4: memref<1000x256xf32, #tpu.memory_space<vmem>>) attributes {dimension_semantics = [#tpu.dimension_semantics<arbitrary>], iteration_bounds = array<i64: 14>, scalar_prefetch = 0 : i64, scratch_operands = 0 : i64, tpu.core_type = #tpu.core_type<tc>, window_params = [{transform_indices = @transform_0, window_bounds = array<i64: 256, 128>}, {pipeline_mode = #tpu.pipeline_mode<synchronous>, transform_indices = @transform_1, window_bounds = array<i64: 1000, 128>}, {pipeline_mode = #tpu.pipeline_mode<synchronous>, transform_indices = @transform_2, window_bounds = array<i64: 1000, 1>}, {transform_indices = @transform_3, window_bounds = array<i64: 1000, 256>}]} {
    %get3A = arith.constant 0 : index
    %get3A_0 = arith.constant 0 : index
    %get3A_1 = vector.load %arg1[%get3A, %get3A_0] : memref<256x128xf32, #tpu.memory_space<vmem>>, vector<256x128xf32>
    %mul3A = arith.constant 5.000000e-03 : f32
    %mul3A_2 = vector.broadcast %mul3A : f32 to vector<256x128xf32>
    %mul3A_3 = arith.mulf %get3A_1, %mul3A_2 : vector<256x128xf32>
    %get3A_4 = arith.constant 0 : index
    %get3A_5 = arith.constant 0 : index
    %get3A_6 = vector.load %arg2[%get3A_4, %get3A_5] : memref<1000x128xf32, #tpu.memory_space<vmem>>, vector<1000x128xf32>
    %dot_general3A = arith.constant dense<0.000000e+00> : vector<1000x256xf32>
    %dot_general3A_7 = tpu.matmul %get3A_6, %mul3A_3, %dot_general3A {dimension_numbers = #tpu.dot_dimension_numbers<[1], [1], [0], [0], [0, 0, 1, 0], [], []>, transpose_lhs_hint = false} : vector<1000x128xf32>, vector<256x128xf32>, vector<1000x256xf32> -> vector<1000x256xf32>
    %get3A_8 = arith.constant 0 : index
    %get3A_9 = arith.constant 0 : index
    %get3A_10 = vector.load %arg3[%get3A_8, %get3A_9] : memref<1000x1xf32, #tpu.memory_space<vmem>>, vector<1000x1xf32>
    %add3A = vector.broadcast %get3A_10 : vector<1000x1xf32> to vector<1000x256xf32>
    %add3A_11 = arith.addf %dot_general3A_7, %add3A : vector<1000x256xf32>
    %reduce_max3A = arith.constant dense<0xFF800000> : vector<256xf32>
    %reduce_max3A_12 = vector.multi_reduction <maximumf>, %add3A_11, %reduce_max3A [0] : vector<1000x256xf32> to vector<256xf32>
    %broadcast_in_dim3A = vector.shape_cast %reduce_max3A_12 : vector<256xf32> to vector<1x256xf32>
    %sub3A = vector.broadcast %broadcast_in_dim3A : vector<1x256xf32> to vector<1000x256xf32>
    %sub3A_13 = arith.subf %add3A_11, %sub3A : vector<1000x256xf32>
    %exp3A = math.exp %sub3A_13 : vector<1000x256xf32>
    %reduce_sum3A = arith.constant dense<0.000000e+00> : vector<256xf32>
    %reduce_sum3A_14 = vector.multi_reduction <add>, %exp3A, %reduce_sum3A [0] : vector<1000x256xf32> to vector<256xf32>
    %broadcast_in_dim3A_15 = vector.shape_cast %reduce_sum3A_14 : vector<256xf32> to vector<1x256xf32>
    %log3A = math.log %broadcast_in_dim3A_15 : vector<1x256xf32>
    %sub3A_16 = vector.broadcast %log3A : vector<1x256xf32> to vector<1000x256xf32>
    %sub3A_17 = arith.subf %sub3A_13, %sub3A_16 : vector<1000x256xf32>
    %swap3A = arith.constant 0 : index
    %swap3A_18 = arith.constant 0 : index
    %swap3A_19 = vector.load %arg4[%swap3A, %swap3A_18] : memref<1000x256xf32, #tpu.memory_space<vmem>>, vector<1000x256xf32>
    tpu.vector_store %arg4[%swap3A, %swap3A_18], %sub3A_17 {strides = array<i32>} : memref<1000x256xf32, #tpu.memory_space<vmem>>, vector<1000x256xf32>,
    return
  }
  func.func @transform_0(%arg0: i32) -> (i32, i32) {
    %c0_i32 = arith.constant 0 : i32
    %c0_i32_0 = arith.constant 0 : i32
    return %arg0, %c0_i32 : i32, i32
  }
  func.func @transform_1(%arg0: i32) -> (i32, i32) {
    %c0_i32 = arith.constant 0 : i32
    %c0_i32_0 = arith.constant 0 : i32
    %c0_i32_1 = arith.constant 0 : i32
    return %c0_i32, %c0_i32_0 : i32, i32
  }
  func.func @transform_2(%arg0: i32) -> (i32, i32) {
    %c0_i32 = arith.constant 0 : i32
    %c0_i32_0 = arith.constant 0 : i32
    %c0_i32_1 = arith.constant 0 : i32
    return %c0_i32, %c0_i32_0 : i32, i32
  }
  func.func @transform_3(%arg0: i32) -> (i32, i32) {
    %c0_i32 = arith.constant 0 : i32
    %c0_i32_0 = arith.constant 0 : i32
    return %c0_i32, %arg0 : i32, i32
  }
}

module attributes {stable_mosaic.version = 14 : i64} {
  func.func @_head_body2(%arg0: i32, %arg1: memref<1000x4096xf32, #tpu.memory_space<hbm>>, %arg2: memref<256x128xf32, #tpu.memory_space<vmem>>, %arg3: memref<1000x128xf32, #tpu.memory_space<vmem>>, %arg4: memref<1000x1xf32, #tpu.memory_space<vmem>>, %arg5: memref<1000x256xf32, #tpu.memory_space<vmem>>) attributes {dimension_semantics = [#tpu.dimension_semantics<arbitrary>], iteration_bounds = array<i64: 2>, scalar_prefetch = 0 : i64, scratch_operands = 0 : i64, tpu.core_type = #tpu.core_type<tc>, window_params = [{}, {transform_indices = @transform_1, window_bounds = array<i64: 256, 128>}, {pipeline_mode = #tpu.pipeline_mode<synchronous>, transform_indices = @transform_2, window_bounds = array<i64: 1000, 128>}, {pipeline_mode = #tpu.pipeline_mode<synchronous>, transform_indices = @transform_3, window_bounds = array<i64: 1000, 1>}, {transform_indices = @transform_4, window_bounds = array<i64: 1000, 256>}]} {
    %get3A = arith.constant 0 : index
    %get3A_0 = arith.constant 0 : index
    %get3A_1 = vector.load %arg2[%get3A, %get3A_0] : memref<256x128xf32, #tpu.memory_space<vmem>>, vector<256x128xf32>
    %mul3A = arith.constant 5.000000e-03 : f32
    %mul3A_2 = vector.broadcast %mul3A : f32 to vector<256x128xf32>
    %mul3A_3 = arith.mulf %get3A_1, %mul3A_2 : vector<256x128xf32>
    %get3A_4 = arith.constant 0 : index
    %get3A_5 = arith.constant 0 : index
    %get3A_6 = vector.load %arg3[%get3A_4, %get3A_5] : memref<1000x128xf32, #tpu.memory_space<vmem>>, vector<1000x128xf32>
    %dot_general3A = arith.constant dense<0.000000e+00> : vector<1000x256xf32>
    %dot_general3A_7 = tpu.matmul %get3A_6, %mul3A_3, %dot_general3A {dimension_numbers = #tpu.dot_dimension_numbers<[1], [1], [0], [0], [0, 0, 1, 0], [], []>, transpose_lhs_hint = false} : vector<1000x128xf32>, vector<256x128xf32>, vector<1000x256xf32> -> vector<1000x256xf32>
    %get3A_8 = arith.constant 0 : index
    %get3A_9 = arith.constant 0 : index
    %get3A_10 = vector.load %arg4[%get3A_8, %get3A_9] : memref<1000x1xf32, #tpu.memory_space<vmem>>, vector<1000x1xf32>
    %add3A = vector.broadcast %get3A_10 : vector<1000x1xf32> to vector<1000x256xf32>
    %add3A_11 = arith.addf %dot_general3A_7, %add3A : vector<1000x256xf32>
    %reduce_max3A = arith.constant dense<0xFF800000> : vector<256xf32>
    %reduce_max3A_12 = vector.multi_reduction <maximumf>, %add3A_11, %reduce_max3A [0] : vector<1000x256xf32> to vector<256xf32>
    %broadcast_in_dim3A = vector.shape_cast %reduce_max3A_12 : vector<256xf32> to vector<1x256xf32>
    %sub3A = vector.broadcast %broadcast_in_dim3A : vector<1x256xf32> to vector<1000x256xf32>
    %sub3A_13 = arith.subf %add3A_11, %sub3A : vector<1000x256xf32>
    %exp3A = math.exp %sub3A_13 : vector<1000x256xf32>
    %reduce_sum3A = arith.constant dense<0.000000e+00> : vector<256xf32>
    %reduce_sum3A_14 = vector.multi_reduction <add>, %exp3A, %reduce_sum3A [0] : vector<1000x256xf32> to vector<256xf32>
    %broadcast_in_dim3A_15 = vector.shape_cast %reduce_sum3A_14 : vector<256xf32> to vector<1x256xf32>
    %log3A = math.log %broadcast_in_dim3A_15 : vector<1x256xf32>
    %sub3A_16 = vector.broadcast %log3A : vector<1x256xf32> to vector<1000x256xf32>
    %sub3A_17 = arith.subf %sub3A_13, %sub3A_16 : vector<1000x256xf32>
    %swap3A = arith.constant 0 : index
    %swap3A_18 = arith.constant 0 : index
    %swap3A_19 = vector.load %arg5[%swap3A, %swap3A_18] : memref<1000x256xf32, #tpu.memory_space<vmem>>, vector<1000x256xf32>
    tpu.vector_store %arg5[%swap3A, %swap3A_18], %sub3A_17 {strides = array<i32>} : memref<1000x256xf32, #tpu.memory_space<vmem>>, vector<1000x256xf32>,
    return
  }
  func.func @transform_1(%arg0: i32) -> (i32, i32) {
    %c0_i32 = arith.constant 0 : i32
    %c0_i32_0 = arith.constant 0 : i32
    return %arg0, %c0_i32 : i32, i32
  }
  func.func @transform_2(%arg0: i32) -> (i32, i32) {
    %c0_i32 = arith.constant 0 : i32
    %c0_i32_0 = arith.constant 0 : i32
    %c0_i32_1 = arith.constant 0 : i32
    return %c0_i32, %c0_i32_0 : i32, i32
  }
  func.func @transform_3(%arg0: i32) -> (i32, i32) {
    %c0_i32 = arith.constant 0 : i32
    %c0_i32_0 = arith.constant 0 : i32
    %c0_i32_1 = arith.constant 0 : i32
    return %c0_i32, %c0_i32_0 : i32, i32
  }
  func.func @transform_4(%arg0: i32) -> (i32, i32) {
    %add3A = arith.constant 14 : i32
    %add3A_0 = arith.addi %arg0, %add3A : i32
    %c0_i32 = arith.constant 0 : i32
    %c0_i32_1 = arith.constant 0 : i32
    return %c0_i32, %add3A_0 : i32, i32
  }
}

</mosaic_0001>

<sc_bundles>
// kernel: kernel.6.cloned.1.call-start
scs
__scs_entry_jumppad:
0x0: {  	(pc) =	sbr.rel $0x88, $3  }
0x1: {  	(tag) =	ssettag $0x0;
	lr =	simm.s32 $0x1  }
0x2: {  	[smem:$0x3F9D] =	sst lr;
	_ =	strace $0xD0000000  }
0x3: {  	_ = 	snop  }
0x4: {  	_ = 	snop  }
0x5: {  	_ = 	snop  }
0x6: {  	_ = 	snop  }
0x7: {  	_ = 	snop  }
__scs_overlays_trampoline_lowered:
0x8: {  	[smem:$0x3FAC] =	sst s0  }
0x9: {  	[smem:$0x3FAD] =	sst s1  }
0xa: {  	[smem:$0x3FAE] =	sst s2  }
0xb: {  	[smem:$0x3FAF] =	sst s3  }
0xc: {  	[smem:$0x3FB0] =	sst s4  }
0xd: {  	[smem:$0x3FB1] =	sst s5  }
0xe: {  	[smem:$0x3FB2] =	sst s6  }
0xf: {  	[smem:$0x3FB3] =	sst s7  }
0x10: {  	[smem:$0x3FB4] =	sst s8  }
0x11: {  	[smem:$0x3FB5] =	sst s9;
	s0 =	simm.s32 @!p0 $0x0  }
0x12: {  	s1 =	sld [smem:$0x3F9B];
	s0 =	simm.s32 @p0 $0x1  }
0x13: {  	[smem:$0x3FB6] =	sst s0;
	s0 =	simm.s32 @!p1 $0x0  }
0x14: {  	s2 =	sld [smem:$0x3F9A];
	s0 =	simm.s32 @p1 $0x1  }
0x15: {  	[smem:$0x3FB7] =	sst s0;
	s0 =	simm.s32 @!p2 $0x0  }
0x16: {  	s3 =	sld [smem:$0x3FDB];
	s0 =	simm.s32 @p2 $0x1  }
0x17: {  	s4 =	simm.s32 $0x1BF5;
	[smem:$0x3FB9] =	sst s0  }
0x18: {  	s0 =	sld [smem:$0x3F9C];
	_ =	swait.ge [sflag:s4], $0x0  }
0x19: {  	s7 =	sld [smem:$0x3F9D]  }
0x1a: {  	s8 =	sadd.s32 $0xFFFFE003, lr  }
0x1b: {  	s9 =	sadd.s32 $0xFFFFFEF7, lr;
	s5 =	simm.s32 $0xFFFFFFFF;
	p2 =	slt.u32 s8, $0xFFFFF086  }
0x1c: {  	p1 =	slt.u32 s9, $0xF7A;
	s5 =	simm.s32 @!p2 $0x0  }
0x1d: {  	s5 =	simm.s32 @p1 $0x1;
	p0 =	seq.s32 s7, s2  }
0x1e: {  	s7 =	smul.u32 @!p0 $0xF7A, s2;
	p2 =	seq.s32 @!p0 s5, $0x0  }
0x1f: {  	s9 =	smul.u32 $0xF7A, s1;
	s8 =	simm.s32 @!p0 $0x1BF5;
	p2 =	por !p2, p0  }
0x20: {  	[sflag:s8] =	ssyncset.s32 @!p0 $0xFFFFF086;
	s6 =	sadd.s32 @!p0 s3, s7;
	s7 =	simm.s32 @!p0 $0x108  }
0x21: {  	s3 =	sadd.s32 s3, s9;
	s6 =	sadd.s32 @!p0 $0x88, s6;
	s7 =	simm.s32 @p2 $0x1082  }
0x22: {  	[simem:s7], [sflag:s8] =	dma.local @!p0 [hbm:s6], $0xF7A  }
0x23: {  	s9 =	sor.u32 $0xD0000000, s2;
	s6 =	simm.s32 $0x108;
	_ =	swait.ge @!p0 [sflag:s8], $0x0  }
0x24: {  	s3 =	sadd.s32 $0x88, s3;
	s6 =	simm.s32 @!p1 $0x1082;
	[sflag:s4] =	ssyncset.s32 $0xFFFFF086  }
0x25: {  	[simem:s6], [sflag:s4] =	dma.local [hbm:s3], $0xF7A  }
0x26: {  	[smem:$0x3F9D] =	sst s1;
	(tag) =	ssettag s2;
	_ =	strace s9  }
0x27: {  	s1 =	sld [smem:$0x3FAD]  }
0x28: {  	s2 =	sld [smem:$0x3FAE]  }
0x29: {  	s4 =	sld [smem:$0x3FB0]  }
0x2a: {  	p0 =	seq.s32 s5, $0x0;
	s5 =	sld [smem:$0x3FB1]  }
0x2b: {  	s6 =	sld [smem:$0x3FB2]  }
0x2c: {  	s7 =	sld [smem:$0x3FB3]  }
0x2d: {  	s3 =	simm.s32 $0x108;
	s8 =	sld [smem:$0x3FB4]  }
0x2e: {  	s3 =	simm.s32 @!p0 $0x1082;
	s9 =	sld [smem:$0x3FB5]  }
0x2f: {  	lr =	sadd.s32 s0, s3;
	s0 =	sld [smem:$0x3FAC]  }
0x30: {  	s3 =	sld [smem:$0x3FAF]  }
0x31: {  	[smem:$0x3FB8] =	sst s10  }
0x32: {  	s10 =	sld [smem:$0x3FB6];
	_ =	sdelay $0x3  }
0x33: {  	p0 =	seq.s32 s10, $0x1;
	s10 =	sld [smem:$0x3FB8];
	_ =	sdelay $0x3  }
0x34: {  	[smem:$0x3FB8] =	sst s10  }
0x35: {  	s10 =	sld [smem:$0x3FB7];
	_ =	sdelay $0x3  }
0x36: {  	p1 =	seq.s32 s10, $0x1;
	s10 =	sld [smem:$0x3FB8];
	_ =	sdelay $0x3  }
0x37: {  	[smem:$0x3FB8] =	sst s10  }
0x38: {  	s10 =	sld [smem:$0x3FB9]  }
0x39: {  	_ = 	snop;
	(pc) =	sbr.ind lr, $3  }
0x3a: {  	_ = 	snop  }
0x3b: {  	_ = 	snop  }
0x3c: {  	p2 =	seq.s32 s10, $0x1;
	s10 =	sld [smem:$0x3FB8]  }
0x3d: {  	_ =	shalt  }
0x3e: {  	_ =	shalt  }
0x3f: {  	_ =	shalt  }
0x40: {  	_ =	shalt  }
0x41: {  	_ =	shalt  }
0x42: {  	_ =	shalt  }
0x43: {  	_ =	shalt  }
0x44: {  	_ =	shalt  }
0x45: {  	_ =	shalt  }
0x46: {  	_ =	shalt  }
0x47: {  	_ =	shalt  }
0x48: {  	_ =	shalt  }
0x49: {  	_ =	shalt  }
0x4a: {  	_ =	shalt  }
0x4b: {  	_ =	shalt  }
0x4c: {  	_ =	shalt  }
0x4d: {  	_ =	shalt  }
0x4e: {  	_ =	shalt  }
0x4f: {  	_ =	shalt  }
0x50: {  	_ =	shalt  }
0x51: {  	_ =	shalt  }
0x52: {  	_ =	shalt  }
0x53: {  	_ =	shalt  }
0x54: {  	_ =	shalt  }
0x55: {  	_ =	shalt  }
0x56: {  	_ =	shalt  }
0x57: {  	_ =	shalt  }
0x58: {  	_ =	shalt  }
0x59: {  	_ =	shalt  }
0x5a: {  	_ =	shalt  }
0x5b: {  	_ =	shalt  }
0x5c: {  	_ =	shalt  }
0x5d: {  	_ =	shalt  }
0x5e: {  	_ =	shalt  }
0x5f: {  	_ =	shalt  }
0x60: {  	_ =	shalt  }
0x61: {  	_ =	shalt  }
0x62: {  	_ =	shalt  }
0x63: {  	_ =	shalt  }
0x64: {  	_ =	shalt  }
0x65: {  	_ =	shalt  }
0x66: {  	_ =	shalt  }
0x67: {  	_ =	shalt  }
0x68: {  	_ =	shalt  }
0x69: {  	_ =	shalt  }
0x6a: {  	_ =	shalt  }
0x6b: {  	_ =	shalt  }
0x6c: {  	_ =	shalt  }
0x6d: {  	_ =	shalt  }
0x6e: {  	_ =	shalt  }
0x6f: {  	_ =	shalt  }
0x70: {  	_ =	shalt  }
0x71: {  	_ =	shalt  }
0x72: {  	_ =	shalt  }
0x73: {  	_ =	shalt  }
0x74: {  	_ =	shalt  }
0x75: {  	_ =	shalt  }
0x76: {  	_ =	shalt  }
0x77: {  	_ =	shalt  }
0x78: {  	_ =	shalt  }
0x79: {  	_ =	shalt  }
0x7a: {  	_ =	shalt  }
0x7b: {  	_ =	shalt  }
0x7c: {  	_ =	shalt  }
0x7d: {  	_ =	shalt  }
0x7e: {  	_ =	shalt  }
0x7f: {  	_ =	shalt  }
0x80: {  	_ =	shalt  }
0x81: {  	_ =	shalt  }
0x82: {  	_ =	shalt  }
0x83: {  	_ =	shalt  }
0x84: {  	_ =	shalt  }
0x85: {  	_ =	shalt  }
0x86: {  	_ =	shalt  }
0x87: {  	_ =	shalt  }
.Lfunc_end0:
.L_simem_size_0:
called_computation_lowered:
.L_overlay_start_0:
0x88: {  	s2 =	sld [smem:$0x3FD9]  }
0x89: {  	s3 =	sld [smem:$0x3FFE];
	_ =	sdelay $0x1  }
0x8a: {  	s1 =	srdreg.scid  }
0x8b: {  	s0 =	sand.u32 $0x1, s1  }
0x8c: {  	s17 =	sshll.u32 s0, $0xA;
	s2 =	sadd.s32 s3, s2  }
0x8d: {  	s2 =	sadd.s32 s2, s17  }
0x8e: {  	[smem:$0x3FC4] =	sst s2  }
0x8f: {  	_ = 	snop  }
0x90: {  	s2 =	sld [smem:$0x3FC8]  }
0x91: {  	s18 =	sld [smem:$0x3FD0];
	(tm) =	ssettm $0x1  }
0x92: {  	s4 =	sld [smem:$0x3FFB];
	_ =	sdelay $0x3  }
0x93: {  	_ =	strace s4  }
0x94: {  	s4 =	sld [smem:$0x3FFC];
	_ =	sdelay $0x3  }
0x95: {  	_ =	strace s4  }
0x96: {  	s4 =	sld [smem:$0x3FFD];
	_ =	sdelay $0x3  }
0x97: {  	_ =	strace s4  }
0x98: {  	_ =	strace $0x8FFFFFFF  }
0x99: {  	s19 =	sld [smem:$0x3FDB];
	_ =	sdelay $0x1  }
0x9a: {  	s5 =	simm.s32 $_scs_section_size  }
0x9b: {  	s6 =	simm.s32 $_size__tile_overlayer_lowered;
	s7 =	simm.s32 $_tile_overlayer_lowered  }
0x9c: {  	s22 =	simm.s32 $0x1BFF;
	s21 =	sshll.u32 s7, $0x1;
	s4 =	sadd.s32 s5, s19  }
0x9d: {  	s8 =	simm.s32 $0x0;
	s20 =	sshll.u32 s6, $0x1;
	s6 =	sadd.s32 s21, s4  }
0x9e: {  	[timem:s8], [sflag:s22] =	dma.local [hbm:s6], s20  }
0x9f: {  	_ =	swait.ge [sflag:s22], s20  }
0xa0: {  	s5 =	ssub.s32 $0x0, s20;
	[sflag:s22] =	ssyncset.done $0x0  }
0xa1: {  	[sflag:s22] =	ssyncadd.s32 s5;
	_ =	sdelay $0x1  }
0xa2: {  	s23 =	simm.s32 $0x1B8B  }
0xa3: {  	_ =	swait.ge [sflag:s23], $0x1  }
0xa4: {  	[sflag:s23] =	ssyncset.done $0x0  }
0xa5: {  	s25 =	simm.s32 $0x1B8E;
	s24 =	sld [smem:$0x3FFE];
	[sflag:s23] =	ssyncadd.s32 $0xFFFFFFFF  }
0xa6: {  	s26 =	simm.s32 $execute0_lowered;
	[smem:$0x3FD2] =	sst s25  }
0xa7: {  	s6 =	sshll.u32 s26, $0x1;
	_ =	strace $0x80000046;
	[dreg:$0x1] =	wrdreg $0xFFFFFFFF  }
0xa8: {  	s28 =	simm.s32 $_size_execute0_lowered;
	s4 =	sadd.s32 s4, s6;
	[dreg:$0x0] =	wrdreg $0x0  }
0xa9: {  	s6 =	sshll.u32 s28, $0x1;
	[dreg:$0x2] =	wrdreg s4  }
0xaa: {  	[dreg:$0x3] =	wrdreg s6  }
0xab: {  	[dreg:$0x4] =	wrdreg $0xC0  }
0xac: {  	_ =	task [dreg:s8], $0x5FFFF  }
0xad: {  	[dreg:$0x1] =	wrdreg $0xFFFFFFFF  }
0xae: {  	[dreg:$0x0] =	wrdreg $0x60  }
0xaf: {  	[dreg:$0x2] =	wrdreg s24  }
0xb0: {  	[dreg:$0x3] =	wrdreg s2  }
0xb1: {  	[dreg:$0x4] =	wrdreg s18  }
0xb2: {  	[dreg:$0x5] =	wrdreg $0x9  }
0xb3: {  	_ =	task.clear_ibuf [dreg:s8], $0x6FFFF;
	_ =	strace $0x90000046  }
0xb4: {  	s29 =	simm.s32 $0x9;
	_ =	strace $0x80000048  }
0xb5: {  	_ =	swait.ge [sflag:s29], $0x1  }
0xb6: {  	[sflag:s29] =	ssyncadd.s32 $0xFFFFFFFF  }
0xb7: {  	_ =	strace $0x90000048  }
0xb8: {  	_ =	sfence  }
0xb9: {  	s30 =	sld [smem:$0x0];
	_ =	sdelay $0x2  }
0xba: {  	s31 =	sshll.u32 s1, $0xD;
	s1 =	sshrl.u32 s1, $0x2  }
0xbb: {  	s3 =	sand.u32 $0x4000, s31;
	s1 =	sadd.s32 s1, s30  }
0xbc: {  	s0 =	sor.u32 s3, s0;
	s1 =	sshll.u32 s1, $0x11  }
0xbd: {  	s0 =	sor.u32 s1, s0  }
0xbe: {  	s0 =	sadd.s32 $0x8F2B, s0  }
0xbf: {  	[sflag:s0] =	ssyncadd.remote.s32 $0x1  }
0xc0: {  	_ =	sfence.sel $0xFFFF  }
0xc1: {  	[dreg:$0x0] =	wrdreg $0xFFFFFFFF;
	(pc) =	sbr.abs _section_cstart, $3  }
0xc2: {  	[dreg:$0x1] =	wrdreg $0xFFFFFFFF  }
0xc3: {  	_ =	task.clear_ibuf [dreg:s8], $0x2FFFF;
	_ =	strace $0x9FFFFFFF  }
0xc4: {  	(tm) =	ssettm $0x7FFFFFFF  }
0xc5: {  	_ =	shalt  }
tec
execute0_lowered:
.L_overlay_start_1:
0x0: {  	(tag) =	ssettag $0x1  }
0x1: {  	s0 =	rddreg [dreg:$0x0]  }
0x2: {  	s2 =	rddreg [dreg:$0x1]  }
0x3: {  	s1 =	srdreg.scid;
	s3 =	stileid.u32  }
0x4: {  	s5 =	rddreg [dreg:$0x2];
	s9 =	simm.s32 $0x5780;
	s10 =	simm.s32 $0x60  }
0x5: {  	s11 =	simm.s32 $0x8B80;
	s13 =	simm.s32 $0xBB80;
	s14 =	simm.s32 $0x130  }
0x6: {  	s15 =	simm.s32 $0xEF80;
	s16 =	simm.s32 $0x190;
	s17 =	simm.s32 $0x11F80  }
0x7: {  	s18 =	simm.s32 $0x1F8;
	s19 =	simm.s32 $0x15380;
	s20 =	simm.s32 $0x1  }
0x8: {  	s21 =	simm.s32 $0x2;
	s22 =	simm.s32 $0x3;
	s23 =	simm.s32 $0x4  }
0x9: {  	s24 =	simm.s32 $0x5;
	s1 =	sand.u32 $0x1, s1;
	s3 =	sshll.u32 s3, $0x1  }
0xa: {  	s25 =	simm.s32 $0x6;
	s26 =	simm.s32 $0x18380;
	s4 =	sor.u32 s1, s3  }
0xb: {  	s3 =	simm.s32 $0x0;
	s1 =	ssub.s32 $0x2, s1;
	s6 =	smul.u32 $0xAF0, s4  }
0xc: {  	[smem:$0x7FF] =	sst s3;
	s7 =	sshrl.u32 s1, $0x1;
	s8 =	smul.u32 $0x700, s4  }
0xd: {  	s28 =	simm.s32 $0x0;
	_ =	strace $0x80000047;
	s1 =	ssub.s32 s1, s7  }
0xe: {  	s7 =	simm.s32 $0x7;
	s0 =	sadd.s32 s6, s0;
	s5 =	sadd.s32 s5, s8  }
0xf: {  	s6 =	smax.u32 s1, $0x1;
	s8 =	simm.s32 $0x68;
	s4 =	sadd.s32 $0x1000, s0  }
.LBB2_1:
0x10: {  	[tilespmem:s3], [sflag:$0x7] =	stream.linear.gather [hbm4b:s4+s3], $0x5780, $0x38;
	[tilespmem:$0x1BB80] =	vst v63  }
0x11: {  	_ =	swait.ge [sflag:s7], $0x5780  }
0x12: {  	[sflag:s7] =	ssyncset.done $0x0  }
0x13: {  	[sflag:s7] =	ssyncadd.s32 $0xFFFFA880  }
0x14: {  	[tilespmem:s9], [sflag:$0x1] =	stream.indirect.gather [hbm4b:s2+s8], $0x80, s3, s8, $0xb8;
	[tilespmem:$0x1BB80] =	vst v63  }
0x15: {  	_ = 	snop  }
0x16: {  	[tilespmem:s11], [sflag:$0x2] =	stream.indirect.gather [hbm4b:s2+s10], $0x80, s8, s10, $0xb8;
	[tilespmem:$0x1BB80] =	vst v63  }
0x17: {  	s0 =	simm.s32 $0xC8  }
0x18: {  	[tilespmem:s13], [sflag:$0x3] =	stream.indirect.gather [hbm4b:s2+s8], $0x80, s0, s8, $0xb8;
	[tilespmem:$0x1BB80] =	vst v63  }
0x19: {  	_ = 	snop  }
0x1a: {  	[tilespmem:s15], [sflag:$0x4] =	stream.indirect.gather [hbm4b:s2+s10], $0x80, s14, s10, $0xb8;
	[tilespmem:$0x1BB80] =	vst v63  }
0x1b: {  	_ = 	snop  }
0x1c: {  	[tilespmem:s17], [sflag:$0x5] =	stream.indirect.gather [hbm4b:s2+s8], $0x80, s16, s8, $0xb8;
	[tilespmem:$0x1BB80] =	vst v63  }
0x1d: {  	s29 =	simm.s32 $0x0  }
0x1e: {  	[tilespmem:s19], [sflag:$0x6] =	stream.indirect.gather [hbm4b:s2+s10], $0x80, s18, s10, $0xb8;
	[tilespmem:$0x1BB80] =	vst v63  }
.LBB2_2:
0x1f: {  	_ =	swait.ge [sflag:s20], $0x3400  }
0x20: {  	[sflag:s20] =	ssyncset.done $0x0  }
0x21: {  	s0 =	simm.s32 $0x0;
	[sflag:s20] =	ssyncadd.s32 $0xFFFFCC00  }
0x22: {  	v5 =	vld [tilespmem:s0+$0x5900]  }
0x23: {  	v7 =	vld [tilespmem:s0+$0x5910]  }
0x24: {  	v8 =	vld [tilespmem:s0+$0x5920]  }
0x25: {  	v12 =	vld [tilespmem:s0+$0x5930]  }
0x26: {  	v0 =	vld [tilespmem:s0+$0x5940]  }
0x27: {  	v2 =	vld [tilespmem:s0+$0x5950]  }
0x28: {  	v19 =	vld [tilespmem:s0+$0x5880]  }
0x29: {  	v21 =	vld [tilespmem:s0+$0x5890]  }
0x2a: {  	v9 =	vld [tilespmem:s0+$0x58A0]  }
0x2b: {  	v20 =	vld [tilespmem:s0+$0x58B0]  }
0x2c: {  	v4 =	vld [tilespmem:s0+$0x58C0]  }
0x2d: {  	v1 =	vld [tilespmem:s0+$0x5800]  }
0x2e: {  	v3 =	vld [tilespmem:s0+$0x5810]  }
0x2f: {  	v6 =	vld [tilespmem:s0+$0x5780]  }
0x30: {  	v10 =	vld [tilespmem:s0+$0x5790]  }
0x31: {  	v11 =	vld [tilespmem:s0+$0x57A0]  }
0x32: {  	v13 =	vld [tilespmem:s0+$0x57B0]  }
0x33: {  	v16 =	vld [tilespmem:s0+$0x5820]  }
0x34: {  	v17 =	vld [tilespmem:s0+$0x5830]  }
0x35: {  	v15 =	vimm.f32 $0.0e+00;
	v14 =	vld [tilespmem:s0+$0x58D0]  }
0x36: {  	v23 =	vld [tilespmem:s0+$0x5840];
	v6 =	vadd.f32 v6, v15  }
0x37: {  	v26 =	vld [tilespmem:s0+$0x5850];
	v10 =	vadd.f32 v10, v15;
	v11 =	vadd.f32 v11, v15  }
0x38: {  	v27 =	vld [tilespmem:s0+$0x57C0];
	v13 =	vadd.f32 v13, v15;
	v30 =	vadd.f32 v1, v6  }
0x39: {  	v18 =	vimm.f32 $0.0e+00;
	v28 =	vld [tilespmem:s0+$0x57D0];
	v31 =	vadd.f32 v3, v10;
	v32 =	vadd.f32 v16, v11  }
0x3a: {  	s1 =	simm.s32 $0x800;
	v29 =	vld [tilespmem:s0+$0x57E0];
	v33 =	vadd.f32 v17, v13;
	v16 =	vimm.f32 $0.0e+00;
	v17 =	vimm.f32 $0.0e+00  }
.LBB2_3:
0x3b: {  	p0 =	sne.s32 s1, $0xC800;
	v1 =	vld [tilespmem:s0+$0x57F0];
	v3 =	vadd.f32 v19, v30;
	v6 =	vadd.f32 v21, v31  }
0x3c: {  	v10 =	vld [tilespmem:s0+$0x5860];
	v9 =	vadd.f32 v9, v32;
	v11 =	vadd.f32 v20, v33  }
0x3d: {  	v13 =	vld [tilespmem:s0+$0x5870];
	v3 =	vadd.f32 v5, v3;
	v6 =	vadd.f32 v7, v6  }
0x3e: {  	v19 =	vld [tilespmem:s0+$0x58E0];
	v22 =	vadd.f32 v8, v9;
	v11 =	vadd.f32 v12, v11  }
0x3f: {  	v5 =	vadd.f32 v27, v15;
	v7 =	vadd.f32 v28, v18;
	v9 =	vld [tilespmem:s0+$0x58F0]  }
0x40: {  	v8 =	vadd.f32 v29, v16;
	v1 =	vadd.f32 v1, v17;
	v16 =	vld [tilespmem:s0+$0x5960]  }
0x41: {  	v12 =	vadd.f32 v23, v5;
	v15 =	vadd.f32 v26, v7;
	v17 =	vld [tilespmem:s0+$0x5970];
	s0 =	sshra.s32 s1, $0x2  }
0x42: {  	v10 =	vadd.f32 v10, v8;
	v5 =	vld [tilespmem:s0+$0x5900];
	v1 =	vadd.f32 v13, v1  }
0x43: {  	v4 =	vadd.f32 v4, v12;
	v13 =	vadd.f32 v14, v15;
	v7 =	vld [tilespmem:s0+$0x5910]  }
0x44: {  	v10 =	vadd.f32 v19, v10;
	v8 =	vld [tilespmem:s0+$0x5920];
	v1 =	vadd.f32 v9, v1  }
0x45: {  	v15 =	vadd.f32 v0, v4;
	v18 =	vadd.f32 v2, v13;
	v12 =	vld [tilespmem:s0+$0x5930]  }
0x46: {  	v16 =	vadd.f32 v16, v10;
	v0 =	vld [tilespmem:s0+$0x5940];
	v17 =	vadd.f32 v17, v1  }
0x47: {  	v2 =	vld [tilespmem:s0+$0x5950]  }
0x48: {  	v19 =	vld [tilespmem:s0+$0x5880]  }
0x49: {  	v21 =	vld [tilespmem:s0+$0x5890]  }
0x4a: {  	v9 =	vld [tilespmem:s0+$0x58A0]  }
0x4b: {  	v20 =	vld [tilespmem:s0+$0x58B0]  }
0x4c: {  	v4 =	vld [tilespmem:s0+$0x58C0]  }
0x4d: {  	v14 =	vld [tilespmem:s0+$0x58D0]  }
0x4e: {  	v1 =	vld [tilespmem:s0+$0x5800]  }
0x4f: {  	v10 =	vld [tilespmem:s0+$0x5810]  }
0x50: {  	v13 =	vld [tilespmem:s0+$0x5780]  }
0x51: {  	v24 =	vld [tilespmem:s0+$0x5790]  }
0x52: {  	v25 =	vld [tilespmem:s0+$0x57A0]  }
0x53: {  	v27 =	vld [tilespmem:s0+$0x57B0]  }
0x54: {  	v32 =	vld [tilespmem:s0+$0x5820]  }
0x55: {  	v33 =	vld [tilespmem:s0+$0x5830]  }
.Ltmp0:
0x56: {  	v23 =	vld [tilespmem:s0+$0x5840];
	(pc) =	sbr.rel @p0 .LBB2_3-.Ltmp0, $4  }
0x57: {  	v3 =	vadd.f32 v13, v3;
	v6 =	vadd.f32 v24, v6;
	v26 =	vld [tilespmem:s0+$0x5850]  }
0x58: {  	v13 =	vadd.f32 v25, v22;
	v11 =	vadd.f32 v27, v11;
	v27 =	vld [tilespmem:s0+$0x57C0]  }
0x59: {  	v30 =	vadd.f32 v1, v3;
	v31 =	vadd.f32 v10, v6;
	v28 =	vld [tilespmem:s0+$0x57D0]  }
0x5a: {  	s1 =	sadd.s32 $0x800, s1;
	v32 =	vadd.f32 v32, v13;
	v29 =	vld [tilespmem:s0+$0x57E0];
	v33 =	vadd.f32 v33, v11  }
0x5b: {  	v34 =	vld [tilespmem:s0+$0x57F0]  }
0x5c: {  	v35 =	vld [tilespmem:s0+$0x5860]  }
0x5d: {  	v36 =	vld [tilespmem:s0+$0x5870];
	s1 =	smul.u32 $0x960, s29  }
0x5e: {  	v37 =	vld [tilespmem:s0+$0x58E0]  }
0x5f: {  	v38 =	vld [tilespmem:s0+$0x58F0];
	s1 =	sshra.s32 s1, $0x2  }
0x60: {  	v39 =	vld [tilespmem:s0+$0x5960];
	s31 =	sadd.s32 $0x258, s1  }
0x61: {  	v40 =	vld [tilespmem:s0+$0x5970];
	[tilespmem:s9], [sflag:$0x1] =	stream.indirect.gather [hbm4b:s2+s8], $0x80, s31, s8, $0xb8  }
0x62: {  	_ =	swait.ge [sflag:s21], $0x3000  }
0x63: {  	[sflag:s21] =	ssyncset.done $0x0  }
0x64: {  	s0 =	simm.s32 $0x0;
	[sflag:s21] =	ssyncadd.s32 $0xFFFFD000  }
0x65: {  	v6 =	vld [tilespmem:s0+$0x8D00]  }
0x66: {  	v10 =	vld [tilespmem:s0+$0x8D10]  }
0x67: {  	v11 =	vld [tilespmem:s0+$0x8D20]  }
0x68: {  	v13 =	vld [tilespmem:s0+$0x8D30]  }
0x69: {  	v1 =	vld [tilespmem:s0+$0x8D40]  }
0x6a: {  	v3 =	vld [tilespmem:s0+$0x8D50]  }
0x6b: {  	v24 =	vld [tilespmem:s0+$0x8C80]  }
0x6c: {  	v25 =	vld [tilespmem:s0+$0x8C90]  }
0x6d: {  	v22 =	vld [tilespmem:s0+$0x8CA0]  }
0x6e: {  	v30 =	vadd.f32 v19, v30;
	v21 =	vadd.f32 v21, v31;
	v19 =	vld [tilespmem:s0+$0x8CB0]  }
0x6f: {  	v62 =	vadd.f32 v9, v32;
	v20 =	vadd.f32 v20, v33;
	v9 =	vld [tilespmem:s0+$0x8CC0]  }
0x70: {  	v30 =	vadd.f32 v5, v30;
	v21 =	vadd.f32 v7, v21;
	v5 =	vld [tilespmem:s0+$0x8CD0]  }
0x71: {  	v7 =	vadd.f32 v27, v15;
	v31 =	vadd.f32 v8, v62;
	v63 =	vld [tilespmem:s0+$0x8C00]  }
0x72: {  	v20 =	vadd.f32 v12, v20;
	v8 =	vadd.f32 v28, v18;
	v15 =	vld [tilespmem:s0+$0x8C10]  }
0x73: {  	v12 =	vadd.f32 v29, v16;
	v16 =	vadd.f32 v34, v17;
	v17 =	vld [tilespmem:s0+$0x8B80]  }
0x74: {  	v7 =	vadd.f32 v23, v7;
	v8 =	vadd.f32 v26, v8;
	v18 =	vld [tilespmem:s0+$0x8B90]  }
0x75: {  	v12 =	vadd.f32 v35, v12;
	v16 =	vadd.f32 v36, v16;
	v23 =	vld [tilespmem:s0+$0x8BA0]  }
0x76: {  	v4 =	vadd.f32 v4, v7;
	v8 =	vadd.f32 v14, v8;
	v14 =	vld [tilespmem:s0+$0x8BB0]  }
0x77: {  	v12 =	vadd.f32 v37, v12;
	v26 =	vld [tilespmem:s0+$0x8C20];
	v16 =	vadd.f32 v38, v16  }
0x78: {  	v7 =	vadd.f32 v0, v4;
	v27 =	vld [tilespmem:s0+$0x8C30];
	v4 =	vadd.f32 v2, v8  }
0x79: {  	v8 =	vld [tilespmem:s0+$0x8C40];
	v2 =	vadd.f32 v39, v12;
	v0 =	vadd.f32 v40, v16  }
0x7a: {  	v12 =	vld [tilespmem:s0+$0x8C50];
	v17 =	vadd.f32 v17, v30;
	v18 =	vadd.f32 v18, v21  }
0x7b: {  	v16 =	vld [tilespmem:s0+$0x8BC0];
	v21 =	vadd.f32 v23, v31;
	v23 =	vadd.f32 v14, v20  }
0x7c: {  	v14 =	vld [tilespmem:s0+$0x8BD0];
	v17 =	vadd.f32 v63, v17;
	v18 =	vadd.f32 v15, v18  }
0x7d: {  	s30 =	simm.s32 $0x800;
	v15 =	vld [tilespmem:s0+$0x8BE0];
	v20 =	vadd.f32 v26, v21;
	v21 =	vadd.f32 v27, v23  }
.LBB2_5:
0x7e: {  	p0 =	sne.s32 s30, $0xB800;
	v23 =	vld [tilespmem:s0+$0x8BF0];
	v17 =	vadd.f32 v24, v17;
	v18 =	vadd.f32 v25, v18  }
0x7f: {  	v24 =	vld [tilespmem:s0+$0x8C60];
	v20 =	vadd.f32 v22, v20;
	v19 =	vadd.f32 v19, v21  }
0x80: {  	v21 =	vld [tilespmem:s0+$0x8C70];
	v17 =	vadd.f32 v6, v17;
	v18 =	vadd.f32 v10, v18  }
0x81: {  	v22 =	vld [tilespmem:s0+$0x8CE0];
	v20 =	vadd.f32 v11, v20;
	v26 =	vadd.f32 v13, v19  }
0x82: {  	v6 =	vadd.f32 v16, v7;
	v4 =	vadd.f32 v14, v4;
	v7 =	vld [tilespmem:s0+$0x8CF0]  }
0x83: {  	v2 =	vadd.f32 v15, v2;
	v0 =	vadd.f32 v23, v0;
	v14 =	vld [tilespmem:s0+$0x8D60]  }
0x84: {  	v8 =	vadd.f32 v8, v6;
	v4 =	vadd.f32 v12, v4;
	v12 =	vld [tilespmem:s0+$0x8D70];
	s0 =	sshra.s32 s30, $0x2  }
0x85: {  	v2 =	vadd.f32 v24, v2;
	v6 =	vld [tilespmem:s0+$0x8D00];
	v0 =	vadd.f32 v21, v0  }
0x86: {  	v8 =	vadd.f32 v9, v8;
	v4 =	vadd.f32 v5, v4;
	v10 =	vld [tilespmem:s0+$0x8D10]  }
0x87: {  	v2 =	vadd.f32 v22, v2;
	v11 =	vld [tilespmem:s0+$0x8D20];
	v0 =	vadd.f32 v7, v0  }
0x88: {  	v7 =	vadd.f32 v1, v8;
	v4 =	vadd.f32 v3, v4;
	v13 =	vld [tilespmem:s0+$0x8D30]  }
0x89: {  	v2 =	vadd.f32 v14, v2;
	v1 =	vld [tilespmem:s0+$0x8D40];
	v0 =	vadd.f32 v12, v0  }
0x8a: {  	v3 =	vld [tilespmem:s0+$0x8D50]  }
0x8b: {  	v24 =	vld [tilespmem:s0+$0x8C80]  }
0x8c: {  	v25 =	vld [tilespmem:s0+$0x8C90]  }
0x8d: {  	v22 =	vld [tilespmem:s0+$0x8CA0]  }
0x8e: {  	v19 =	vld [tilespmem:s0+$0x8CB0]  }
0x8f: {  	v9 =	vld [tilespmem:s0+$0x8CC0]  }
0x90: {  	v5 =	vld [tilespmem:s0+$0x8CD0]  }
0x91: {  	v15 =	vld [tilespmem:s0+$0x8C00]  }
0x92: {  	v21 =	vld [tilespmem:s0+$0x8C10]  }
0x93: {  	v12 =	vld [tilespmem:s0+$0x8B80]  }
0x94: {  	v14 =	vld [tilespmem:s0+$0x8B90]  }
0x95: {  	v16 =	vld [tilespmem:s0+$0x8BA0]  }
0x96: {  	v23 =	vld [tilespmem:s0+$0x8BB0]  }
0x97: {  	v27 =	vld [tilespmem:s0+$0x8C20]  }
0x98: {  	v28 =	vld [tilespmem:s0+$0x8C30]  }
.Ltmp1:
0x99: {  	v8 =	vld [tilespmem:s0+$0x8C40];
	(pc) =	sbr.rel @p0 .LBB2_5-.Ltmp1, $4  }
0x9a: {  	v17 =	vadd.f32 v12, v17;
	v18 =	vadd.f32 v14, v18;
	v12 =	vld [tilespmem:s0+$0x8C50]  }
0x9b: {  	v20 =	vadd.f32 v16, v20;
	v23 =	vadd.f32 v23, v26;
	v16 =	vld [tilespmem:s0+$0x8BC0]  }
0x9c: {  	v17 =	vadd.f32 v15, v17;
	v18 =	vadd.f32 v21, v18;
	v14 =	vld [tilespmem:s0+$0x8BD0]  }
0x9d: {  	s30 =	sadd.s32 $0x800, s30;
	v20 =	vadd.f32 v27, v20;
	v15 =	vld [tilespmem:s0+$0x8BE0];
	v21 =	vadd.f32 v28, v23  }
0x9e: {  	v23 =	vld [tilespmem:s0+$0x8BF0];
	v17 =	vadd.f32 v24, v17;
	v18 =	vadd.f32 v25, v18  }
0x9f: {  	v26 =	vld [tilespmem:s0+$0x8C60];
	v20 =	vadd.f32 v22, v20;
	v19 =	vadd.f32 v19, v21  }
0xa0: {  	v24 =	vld [tilespmem:s0+$0x8C70];
	v6 =	vadd.f32 v6, v17;
	v10 =	vadd.f32 v10, v18  }
0xa1: {  	s31 =	smul.u32 $0x600, s29;
	v21 =	vld [tilespmem:s0+$0x8CE0];
	v7 =	vadd.f32 v16, v7;
	v11 =	vadd.f32 v11, v20  }
0xa2: {  	v17 =	vld [tilespmem:s0+$0x8CF0];
	v13 =	vadd.f32 v13, v19;
	v4 =	vadd.f32 v14, v4  }
0xa3: {  	s12 =	sadd.s32 $0x2C0, s1;
	v16 =	vld [tilespmem:s0+$0x8D60];
	s30 =	sshra.s32 s31, $0x2;
	v2 =	vadd.f32 v15, v2;
	v7 =	vadd.f32 v8, v7  }
0xa4: {  	v14 =	vld [tilespmem:s0+$0x8D70];
	[tilespmem:s11], [sflag:$0x2] =	stream.indirect.gather [hbm4b:s2+s10], $0x80, s12, s10, $0xb8;
	v0 =	vadd.f32 v23, v0;
	v4 =	vadd.f32 v12, v4  }
0xa5: {  	[tilespmem:s30+$0x18380] =	vst v6;
	v2 =	vadd.f32 v26, v2;
	v7 =	vadd.f32 v9, v7  }
0xa6: {  	[tilespmem:s30+$0x18390] =	vst v10;
	v0 =	vadd.f32 v24, v0;
	v4 =	vadd.f32 v5, v4  }
0xa7: {  	[tilespmem:s30+$0x183A0] =	vst v11;
	v2 =	vadd.f32 v21, v2;
	v1 =	vadd.f32 v1, v7  }
0xa8: {  	[tilespmem:s30+$0x183B0] =	vst v13;
	v0 =	vadd.f32 v17, v0;
	v3 =	vadd.f32 v3, v4  }
0xa9: {  	v2 =	vadd.f32 v16, v2;
	[tilespmem:s30+$0x183C0] =	vst v1  }
0xaa: {  	v0 =	vadd.f32 v14, v0;
	[tilespmem:s30+$0x183D0] =	vst v3  }
0xab: {  	[tilespmem:s30+$0x183E0] =	vst v2  }
0xac: {  	[tilespmem:s30+$0x183F0] =	vst v0  }
0xad: {  	_ =	swait.ge [sflag:s22], $0x3400  }
0xae: {  	[sflag:s22] =	ssyncset.done $0x0  }
0xaf: {  	s0 =	simm.s32 $0x0;
	[sflag:s22] =	ssyncadd.s32 $0xFFFFCC00  }
0xb0: {  	v5 =	vld [tilespmem:s0+$0xBD00]  }
0xb1: {  	v6 =	vld [tilespmem:s0+$0xBD10]  }
0xb2: {  	v7 =	vld [tilespmem:s0+$0xBD20]  }
0xb3: {  	v8 =	vld [tilespmem:s0+$0xBD30]  }
0xb4: {  	v0 =	vld [tilespmem:s0+$0xBD40]  }
0xb5: {  	v1 =	vld [tilespmem:s0+$0xBD50]  }
0xb6: {  	v19 =	vld [tilespmem:s0+$0xBC80]  }
0xb7: {  	v21 =	vld [tilespmem:s0+$0xBC90]  }
0xb8: {  	v11 =	vld [tilespmem:s0+$0xBCA0]  }
0xb9: {  	v20 =	vld [tilespmem:s0+$0xBCB0]  }
0xba: {  	v4 =	vld [tilespmem:s0+$0xBCC0]  }
0xbb: {  	v2 =	vld [tilespmem:s0+$0xBC00]  }
0xbc: {  	v3 =	vld [tilespmem:s0+$0xBC10]  }
0xbd: {  	v10 =	vld [tilespmem:s0+$0xBB80]  }
0xbe: {  	v12 =	vld [tilespmem:s0+$0xBB90]  }
0xbf: {  	v13 =	vld [tilespmem:s0+$0xBBA0]  }
0xc0: {  	v14 =	vld [tilespmem:s0+$0xBBB0]  }
0xc1: {  	v16 =	vld [tilespmem:s0+$0xBC20]  }
0xc2: {  	v17 =	vld [tilespmem:s0+$0xBC30]  }
0xc3: {  	v15 =	vimm.f32 $0.0e+00;
	v9 =	vld [tilespmem:s0+$0xBCD0]  }
0xc4: {  	v22 =	vld [tilespmem:s0+$0xBC40];
	v10 =	vadd.f32 v10, v15  }
0xc5: {  	v24 =	vld [tilespmem:s0+$0xBC50];
	v12 =	vadd.f32 v12, v15;
	v13 =	vadd.f32 v13, v15  }
0xc6: {  	v27 =	vld [tilespmem:s0+$0xBBC0];
	v14 =	vadd.f32 v14, v15;
	v30 =	vadd.f32 v2, v10  }
0xc7: {  	v18 =	vimm.f32 $0.0e+00;
	v28 =	vld [tilespmem:s0+$0xBBD0];
	v31 =	vadd.f32 v3, v12;
	v32 =	vadd.f32 v16, v13  }
0xc8: {  	s1 =	simm.s32 $0x800;
	v29 =	vld [tilespmem:s0+$0xBBE0];
	v33 =	vadd.f32 v17, v14;
	v16 =	vimm.f32 $0.0e+00;
	v17 =	vimm.f32 $0.0e+00  }
.LBB2_7:
0xc9: {  	p0 =	sne.s32 s1, $0xC800;
	v2 =	vld [tilespmem:s0+$0xBBF0];
	v3 =	vadd.f32 v19, v30;
	v10 =	vadd.f32 v21, v31  }
0xca: {  	v12 =	vld [tilespmem:s0+$0xBC60];
	v11 =	vadd.f32 v11, v32;
	v13 =	vadd.f32 v20, v33  }
0xcb: {  	v14 =	vld [tilespmem:s0+$0xBC70];
	v3 =	vadd.f32 v5, v3;
	v10 =	vadd.f32 v6, v10  }
0xcc: {  	v19 =	vld [tilespmem:s0+$0xBCE0];
	v23 =	vadd.f32 v7, v11;
	v13 =	vadd.f32 v8, v13  }
0xcd: {  	v5 =	vadd.f32 v27, v15;
	v6 =	vadd.f32 v28, v18;
	v8 =	vld [tilespmem:s0+$0xBCF0]  }
0xce: {  	v7 =	vadd.f32 v29, v16;
	v2 =	vadd.f32 v2, v17;
	v11 =	vld [tilespmem:s0+$0xBD60]  }
0xcf: {  	v15 =	vadd.f32 v22, v5;
	v16 =	vadd.f32 v24, v6;
	v17 =	vld [tilespmem:s0+$0xBD70];
	s0 =	sshra.s32 s1, $0x2  }
0xd0: {  	v12 =	vadd.f32 v12, v7;
	v5 =	vld [tilespmem:s0+$0xBD00];
	v2 =	vadd.f32 v14, v2  }
0xd1: {  	v4 =	vadd.f32 v4, v15;
	v9 =	vadd.f32 v9, v16;
	v6 =	vld [tilespmem:s0+$0xBD10]  }
0xd2: {  	v12 =	vadd.f32 v19, v12;
	v7 =	vld [tilespmem:s0+$0xBD20];
	v2 =	vadd.f32 v8, v2  }
0xd3: {  	v15 =	vadd.f32 v0, v4;
	v18 =	vadd.f32 v1, v9;
	v8 =	vld [tilespmem:s0+$0xBD30]  }
0xd4: {  	v16 =	vadd.f32 v11, v12;
	v0 =	vld [tilespmem:s0+$0xBD40];
	v17 =	vadd.f32 v17, v2  }
0xd5: {  	v1 =	vld [tilespmem:s0+$0xBD50]  }
0xd6: {  	v19 =	vld [tilespmem:s0+$0xBC80]  }
0xd7: {  	v21 =	vld [tilespmem:s0+$0xBC90]  }
0xd8: {  	v11 =	vld [tilespmem:s0+$0xBCA0]  }
0xd9: {  	v20 =	vld [tilespmem:s0+$0xBCB0]  }
0xda: {  	v4 =	vld [tilespmem:s0+$0xBCC0]  }
0xdb: {  	v9 =	vld [tilespmem:s0+$0xBCD0]  }
0xdc: {  	v2 =	vld [tilespmem:s0+$0xBC00]  }
0xdd: {  	v12 =	vld [tilespmem:s0+$0xBC10]  }
0xde: {  	v14 =	vld [tilespmem:s0+$0xBB80]  }
0xdf: {  	v24 =	vld [tilespmem:s0+$0xBB90]  }
0xe0: {  	v25 =	vld [tilespmem:s0+$0xBBA0]  }
0xe1: {  	v26 =	vld [tilespmem:s0+$0xBBB0]  }
0xe2: {  	v32 =	vld [tilespmem:s0+$0xBC20]  }
0xe3: {  	v33 =	vld [tilespmem:s0+$0xBC30]  }
.Ltmp2:
0xe4: {  	v22 =	vld [tilespmem:s0+$0xBC40];
	(pc) =	sbr.rel @p0 .LBB2_7-.Ltmp2, $4  }
0xe5: {  	v3 =	vadd.f32 v14, v3;
	v10 =	vadd.f32 v24, v10;
	v24 =	vld [tilespmem:s0+$0xBC50]  }
0xe6: {  	v14 =	vadd.f32 v25, v23;
	v13 =	vadd.f32 v26, v13;
	v27 =	vld [tilespmem:s0+$0xBBC0]  }
0xe7: {  	v30 =	vadd.f32 v2, v3;
	v31 =	vadd.f32 v12, v10;
	v28 =	vld [tilespmem:s0+$0xBBD0]  }
0xe8: {  	s1 =	sadd.s32 $0x800, s1;
	v32 =	vadd.f32 v32, v14;
	v29 =	vld [tilespmem:s0+$0xBBE0];
	v33 =	vadd.f32 v33, v13  }
0xe9: {  	v34 =	vld [tilespmem:s0+$0xBBF0]  }
0xea: {  	v35 =	vld [tilespmem:s0+$0xBC60];
	s31 =	smul.u32 $0x3, s29  }
0xeb: {  	v36 =	vld [tilespmem:s0+$0xBC70]  }
0xec: {  	v37 =	vld [tilespmem:s0+$0xBCE0];
	p0 =	seq.s32 s29, $0x24;
	s1 =	sadd.s32 $0x4, s31  }
0xed: {  	v38 =	vld [tilespmem:s0+$0xBCF0];
	s1 =	smul.u32 @!p0 $0x320, s1  }
0xee: {  	v39 =	vld [tilespmem:s0+$0xBD60]  }
0xef: {  	v40 =	vld [tilespmem:s0+$0xBD70];
	s0 =	simm.s32 @!p0 $0x68;
	s12 =	simm.s32 @!p0 $0xBB80;
	s1 =	sshra.s32 @!p0 s1, $0x2  }
0xf0: {  	[tilespmem:s12], [sflag:$0x3] =	stream.indirect.gather @!p0 [hbm4b:s2+s0], $0x80, s1, s0, $0xb8;
	[tilespmem:$0x1BB80] =	vst v63  }
0xf1: {  	_ =	swait.ge [sflag:s23], $0x3000  }
0xf2: {  	[sflag:s23] =	ssyncset.done $0x0  }
0xf3: {  	s0 =	simm.s32 $0x0;
	[sflag:s23] =	ssyncadd.s32 $0xFFFFD000  }
0xf4: {  	v10 =	vld [tilespmem:s0+$0xF100]  }
0xf5: {  	v12 =	vld [tilespmem:s0+$0xF110]  }
0xf6: {  	v13 =	vld [tilespmem:s0+$0xF120]  }
0xf7: {  	v14 =	vld [tilespmem:s0+$0xF130]  }
0xf8: {  	v2 =	vld [tilespmem:s0+$0xF140]  }
0xf9: {  	v3 =	vld [tilespmem:s0+$0xF150]  }
0xfa: {  	v25 =	vld [tilespmem:s0+$0xF080]  }
0xfb: {  	v26 =	vld [tilespmem:s0+$0xF090]  }
0xfc: {  	v23 =	vld [tilespmem:s0+$0xF0A0]  }
0xfd: {  	v30 =	vadd.f32 v19, v30;
	v21 =	vadd.f32 v21, v31;
	v19 =	vld [tilespmem:s0+$0xF0B0]  }
0xfe: {  	v61 =	vadd.f32 v11, v32;
	v20 =	vadd.f32 v20, v33;
	v11 =	vld [tilespmem:s0+$0xF0C0]  }
0xff: {  	v30 =	vadd.f32 v5, v30;
	v21 =	vadd.f32 v6, v21;
	v5 =	vld [tilespmem:s0+$0xF0D0]  }
0x100: {  	v6 =	vadd.f32 v27, v15;
	v31 =	vadd.f32 v7, v61;
	v62 =	vld [tilespmem:s0+$0xF000]  }
0x101: {  	v20 =	vadd.f32 v8, v20;
	v7 =	vadd.f32 v28, v18;
	v18 =	vld [tilespmem:s0+$0xF010]  }
0x102: {  	v8 =	vadd.f32 v29, v16;
	v15 =	vadd.f32 v34, v17;
	v16 =	vld [tilespmem:s0+$0xEF80]  }
0x103: {  	v6 =	vadd.f32 v22, v6;
	v7 =	vadd.f32 v24, v7;
	v17 =	vld [tilespmem:s0+$0xEF90]  }
0x104: {  	v8 =	vadd.f32 v35, v8;
	v15 =	vadd.f32 v36, v15;
	v22 =	vld [tilespmem:s0+$0xEFA0]  }
0x105: {  	v4 =	vadd.f32 v4, v6;
	v7 =	vadd.f32 v9, v7;
	v9 =	vld [tilespmem:s0+$0xEFB0]  }
0x106: {  	v8 =	vadd.f32 v37, v8;
	v15 =	vadd.f32 v38, v15;
	v24 =	vld [tilespmem:s0+$0xF020]  }
0x107: {  	v6 =	vadd.f32 v0, v4;
	v1 =	vadd.f32 v1, v7;
	v27 =	vld [tilespmem:s0+$0xF030]  }
0x108: {  	v4 =	vadd.f32 v39, v8;
	v7 =	vld [tilespmem:s0+$0xF040];
	v0 =	vadd.f32 v40, v15  }
0x109: {  	v8 =	vld [tilespmem:s0+$0xF050];
	v16 =	vadd.f32 v16, v30;
	v21 =	vadd.f32 v17, v21  }
0x10a: {  	v15 =	vld [tilespmem:s0+$0xEFC0];
	v22 =	vadd.f32 v22, v31;
	v63 =	vadd.f32 v9, v20  }
0x10b: {  	v9 =	vld [tilespmem:s0+$0xEFD0];
	v17 =	vadd.f32 v62, v16;
	v18 =	vadd.f32 v18, v21  }
0x10c: {  	s12 =	simm.s32 $0x800;
	v16 =	vld [tilespmem:s0+$0xEFE0];
	v20 =	vadd.f32 v24, v22;
	v21 =	vadd.f32 v27, v63  }
.LBB2_9:
0x10d: {  	p1 =	sne.s32 s12, $0xB800;
	v22 =	vld [tilespmem:s0+$0xEFF0];
	v17 =	vadd.f32 v25, v17;
	v18 =	vadd.f32 v26, v18  }
0x10e: {  	v24 =	vld [tilespmem:s0+$0xF060];
	v20 =	vadd.f32 v23, v20;
	v19 =	vadd.f32 v19, v21  }
0x10f: {  	v21 =	vld [tilespmem:s0+$0xF070];
	v17 =	vadd.f32 v10, v17;
	v18 =	vadd.f32 v12, v18  }
0x110: {  	v23 =	vld [tilespmem:s0+$0xF0E0];
	v20 =	vadd.f32 v13, v20;
	v27 =	vadd.f32 v14, v19  }
0x111: {  	v6 =	vadd.f32 v15, v6;
	v1 =	vadd.f32 v9, v1;
	v9 =	vld [tilespmem:s0+$0xF0F0]  }
0x112: {  	v4 =	vadd.f32 v16, v4;
	v0 =	vadd.f32 v22, v0;
	v15 =	vld [tilespmem:s0+$0xF160]  }
0x113: {  	v6 =	vadd.f32 v7, v6;
	v1 =	vadd.f32 v8, v1;
	v7 =	vld [tilespmem:s0+$0xF170];
	s0 =	sshra.s32 s12, $0x2  }
0x114: {  	v4 =	vadd.f32 v24, v4;
	v10 =	vld [tilespmem:s0+$0xF100];
	v0 =	vadd.f32 v21, v0  }
0x115: {  	v6 =	vadd.f32 v11, v6;
	v1 =	vadd.f32 v5, v1;
	v12 =	vld [tilespmem:s0+$0xF110]  }
0x116: {  	v4 =	vadd.f32 v23, v4;
	v13 =	vld [tilespmem:s0+$0xF120];
	v0 =	vadd.f32 v9, v0  }
0x117: {  	v6 =	vadd.f32 v2, v6;
	v1 =	vadd.f32 v3, v1;
	v14 =	vld [tilespmem:s0+$0xF130]  }
0x118: {  	v4 =	vadd.f32 v15, v4;
	v2 =	vld [tilespmem:s0+$0xF140];
	v0 =	vadd.f32 v7, v0  }
0x119: {  	v3 =	vld [tilespmem:s0+$0xF150]  }
0x11a: {  	v25 =	vld [tilespmem:s0+$0xF080]  }
0x11b: {  	v26 =	vld [tilespmem:s0+$0xF090]  }
0x11c: {  	v23 =	vld [tilespmem:s0+$0xF0A0]  }
0x11d: {  	v19 =	vld [tilespmem:s0+$0xF0B0]  }
0x11e: {  	v11 =	vld [tilespmem:s0+$0xF0C0]  }
0x11f: {  	v5 =	vld [tilespmem:s0+$0xF0D0]  }
0x120: {  	v16 =	vld [tilespmem:s0+$0xF000]  }
0x121: {  	v21 =	vld [tilespmem:s0+$0xF010]  }
0x122: {  	v8 =	vld [tilespmem:s0+$0xEF80]  }
0x123: {  	v9 =	vld [tilespmem:s0+$0xEF90]  }
0x124: {  	v15 =	vld [tilespmem:s0+$0xEFA0]  }
0x125: {  	v22 =	vld [tilespmem:s0+$0xEFB0]  }
0x126: {  	v24 =	vld [tilespmem:s0+$0xF020]  }
0x127: {  	v28 =	vld [tilespmem:s0+$0xF030]  }
.Ltmp3:
0x128: {  	v7 =	vld [tilespmem:s0+$0xF040];
	(pc) =	sbr.rel @p1 .LBB2_9-.Ltmp3, $4  }
0x129: {  	v17 =	vadd.f32 v8, v17;
	v18 =	vadd.f32 v9, v18;
	v8 =	vld [tilespmem:s0+$0xF050]  }
0x12a: {  	v20 =	vadd.f32 v15, v20;
	v22 =	vadd.f32 v22, v27;
	v15 =	vld [tilespmem:s0+$0xEFC0]  }
0x12b: {  	v17 =	vadd.f32 v16, v17;
	v18 =	vadd.f32 v21, v18;
	v9 =	vld [tilespmem:s0+$0xEFD0]  }
0x12c: {  	s12 =	sadd.s32 $0x800, s12;
	v20 =	vadd.f32 v24, v20;
	v16 =	vld [tilespmem:s0+$0xEFE0];
	v21 =	vadd.f32 v28, v22  }
0x12d: {  	v22 =	vld [tilespmem:s0+$0xEFF0]  }
0x12e: {  	v17 =	vadd.f32 v25, v17;
	v18 =	vadd.f32 v26, v18;
	v24 =	vld [tilespmem:s0+$0xF060]  }
0x12f: {  	v20 =	vadd.f32 v23, v20;
	v19 =	vadd.f32 v19, v21;
	v21 =	vld [tilespmem:s0+$0xF070]  }
0x130: {  	v10 =	vadd.f32 v10, v17;
	v12 =	vadd.f32 v12, v18;
	v17 =	vld [tilespmem:s0+$0xF0E0]  }
0x131: {  	v6 =	vadd.f32 v15, v6;
	v15 =	vld [tilespmem:s0+$0xF0F0];
	v13 =	vadd.f32 v13, v20  }
0x132: {  	v14 =	vadd.f32 v14, v19;
	v1 =	vadd.f32 v9, v1;
	v9 =	vld [tilespmem:s0+$0xF160]  }
0x133: {  	s12 =	simm.s32 @!p0 $0xEF80;
	v4 =	vadd.f32 v16, v4;
	v6 =	vadd.f32 v7, v6;
	v7 =	vld [tilespmem:s0+$0xF170];
	s0 =	sadd.s32 @!p0 $0x68, s1;
	s1 =	simm.s32 @!p0 $0x60  }
0x134: {  	v0 =	vadd.f32 v22, v0;
	v1 =	vadd.f32 v8, v1;
	[tilespmem:s12], [sflag:$0x4] =	stream.indirect.gather @!p0 [hbm4b:s2+s1], $0x80, s0, s1, $0xb8;
	[tilespmem:$0x1BB80] =	vst v63  }
0x135: {  	v4 =	vadd.f32 v24, v4;
	v6 =	vadd.f32 v11, v6;
	[tilespmem:s30+$0x18400] =	vst v10  }
0x136: {  	[tilespmem:s30+$0x18410] =	vst v12;
	v0 =	vadd.f32 v21, v0;
	v1 =	vadd.f32 v5, v1  }
0x137: {  	[tilespmem:s30+$0x18420] =	vst v13;
	v4 =	vadd.f32 v17, v4;
	v2 =	vadd.f32 v2, v6  }
0x138: {  	[tilespmem:s30+$0x18430] =	vst v14;
	v0 =	vadd.f32 v15, v0;
	v1 =	vadd.f32 v3, v1  }
0x139: {  	v3 =	vadd.f32 v9, v4;
	[tilespmem:s30+$0x18440] =	vst v2  }
0x13a: {  	v0 =	vadd.f32 v7, v0;
	[tilespmem:s30+$0x18450] =	vst v1  }
0x13b: {  	[tilespmem:s30+$0x18460] =	vst v3  }
0x13c: {  	[tilespmem:s30+$0x18470] =	vst v0  }
0x13d: {  	_ =	swait.ge [sflag:s24], $0x3400  }
0x13e: {  	[sflag:s24] =	ssyncset.done $0x0  }
0x13f: {  	s0 =	simm.s32 $0x0;
	[sflag:s24] =	ssyncadd.s32 $0xFFFFCC00  }
0x140: {  	v5 =	vld [tilespmem:s0+$0x12100]  }
0x141: {  	v6 =	vld [tilespmem:s0+$0x12110]  }
0x142: {  	v7 =	vld [tilespmem:s0+$0x12120]  }
0x143: {  	v10 =	vld [tilespmem:s0+$0x12130]  }
0x144: {  	v0 =	vld [tilespmem:s0+$0x12140]  }
0x145: {  	v1 =	vld [tilespmem:s0+$0x12150]  }
0x146: {  	v19 =	vld [tilespmem:s0+$0x12080]  }
0x147: {  	v21 =	vld [tilespmem:s0+$0x12090]  }
0x148: {  	v9 =	vld [tilespmem:s0+$0x120A0]  }
0x149: {  	v20 =	vld [tilespmem:s0+$0x120B0]  }
0x14a: {  	v4 =	vld [tilespmem:s0+$0x120C0]  }
0x14b: {  	v2 =	vld [tilespmem:s0+$0x12000]  }
0x14c: {  	v3 =	vld [tilespmem:s0+$0x12010]  }
0x14d: {  	v8 =	vld [tilespmem:s0+$0x11F80]  }
0x14e: {  	v12 =	vld [tilespmem:s0+$0x11F90]  }
0x14f: {  	v13 =	vld [tilespmem:s0+$0x11FA0]  }
0x150: {  	v14 =	vld [tilespmem:s0+$0x11FB0]  }
0x151: {  	v16 =	vld [tilespmem:s0+$0x12020]  }
0x152: {  	v17 =	vld [tilespmem:s0+$0x12030]  }
0x153: {  	v15 =	vimm.f32 $0.0e+00;
	v11 =	vld [tilespmem:s0+$0x120D0]  }
0x154: {  	v22 =	vld [tilespmem:s0+$0x12040];
	v8 =	vadd.f32 v8, v15  }
0x155: {  	v26 =	vld [tilespmem:s0+$0x12050];
	v12 =	vadd.f32 v12, v15;
	v13 =	vadd.f32 v13, v15  }
0x156: {  	v27 =	vld [tilespmem:s0+$0x11FC0];
	v14 =	vadd.f32 v14, v15;
	v30 =	vadd.f32 v2, v8  }
0x157: {  	v18 =	vimm.f32 $0.0e+00;
	v28 =	vld [tilespmem:s0+$0x11FD0];
	v31 =	vadd.f32 v3, v12;
	v32 =	vadd.f32 v16, v13  }
0x158: {  	s1 =	simm.s32 $0x800;
	v29 =	vld [tilespmem:s0+$0x11FE0];
	v33 =	vadd.f32 v17, v14;
	v16 =	vimm.f32 $0.0e+00;
	v17 =	vimm.f32 $0.0e+00  }
.LBB2_11:
0x159: {  	p1 =	sne.s32 s1, $0xC800;
	v2 =	vld [tilespmem:s0+$0x11FF0];
	v3 =	vadd.f32 v19, v30;
	v8 =	vadd.f32 v21, v31  }
0x15a: {  	v12 =	vld [tilespmem:s0+$0x12060];
	v9 =	vadd.f32 v9, v32;
	v13 =	vadd.f32 v20, v33  }
0x15b: {  	v14 =	vld [tilespmem:s0+$0x12070];
	v3 =	vadd.f32 v5, v3;
	v8 =	vadd.f32 v6, v8  }
0x15c: {  	v19 =	vld [tilespmem:s0+$0x120E0];
	v23 =	vadd.f32 v7, v9;
	v13 =	vadd.f32 v10, v13  }
0x15d: {  	v5 =	vadd.f32 v27, v15;
	v6 =	vadd.f32 v28, v18;
	v9 =	vld [tilespmem:s0+$0x120F0]  }
0x15e: {  	v7 =	vadd.f32 v29, v16;
	v2 =	vadd.f32 v2, v17;
	v16 =	vld [tilespmem:s0+$0x12160]  }
0x15f: {  	v10 =	vadd.f32 v22, v5;
	v15 =	vadd.f32 v26, v6;
	v17 =	vld [tilespmem:s0+$0x12170];
	s0 =	sshra.s32 s1, $0x2  }
0x160: {  	v12 =	vadd.f32 v12, v7;
	v5 =	vld [tilespmem:s0+$0x12100];
	v2 =	vadd.f32 v14, v2  }
0x161: {  	v4 =	vadd.f32 v4, v10;
	v11 =	vadd.f32 v11, v15;
	v6 =	vld [tilespmem:s0+$0x12110]  }
0x162: {  	v12 =	vadd.f32 v19, v12;
	v7 =	vld [tilespmem:s0+$0x12120];
	v2 =	vadd.f32 v9, v2  }
0x163: {  	v15 =	vadd.f32 v0, v4;
	v18 =	vadd.f32 v1, v11;
	v10 =	vld [tilespmem:s0+$0x12130]  }
0x164: {  	v16 =	vadd.f32 v16, v12;
	v0 =	vld [tilespmem:s0+$0x12140];
	v17 =	vadd.f32 v17, v2  }
0x165: {  	v1 =	vld [tilespmem:s0+$0x12150]  }
0x166: {  	v19 =	vld [tilespmem:s0+$0x12080]  }
0x167: {  	v21 =	vld [tilespmem:s0+$0x12090]  }
0x168: {  	v9 =	vld [tilespmem:s0+$0x120A0]  }
0x169: {  	v20 =	vld [tilespmem:s0+$0x120B0]  }
0x16a: {  	v4 =	vld [tilespmem:s0+$0x120C0]  }
0x16b: {  	v11 =	vld [tilespmem:s0+$0x120D0]  }
0x16c: {  	v2 =	vld [tilespmem:s0+$0x12000]  }
0x16d: {  	v12 =	vld [tilespmem:s0+$0x12010]  }
0x16e: {  	v14 =	vld [tilespmem:s0+$0x11F80]  }
0x16f: {  	v24 =	vld [tilespmem:s0+$0x11F90]  }
0x170: {  	v25 =	vld [tilespmem:s0+$0x11FA0]  }
0x171: {  	v27 =	vld [tilespmem:s0+$0x11FB0]  }
0x172: {  	v32 =	vld [tilespmem:s0+$0x12020]  }
0x173: {  	v33 =	vld [tilespmem:s0+$0x12030]  }
.Ltmp4:
0x174: {  	v22 =	vld [tilespmem:s0+$0x12040];
	(pc) =	sbr.rel @p1 .LBB2_11-.Ltmp4, $4  }
0x175: {  	v3 =	vadd.f32 v14, v3;
	v8 =	vadd.f32 v24, v8;
	v26 =	vld [tilespmem:s0+$0x12050]  }
0x176: {  	v14 =	vadd.f32 v25, v23;
	v13 =	vadd.f32 v27, v13;
	v27 =	vld [tilespmem:s0+$0x11FC0]  }
0x177: {  	v30 =	vadd.f32 v2, v3;
	v31 =	vadd.f32 v12, v8;
	v28 =	vld [tilespmem:s0+$0x11FD0]  }
0x178: {  	s1 =	sadd.s32 $0x800, s1;
	v32 =	vadd.f32 v32, v14;
	v29 =	vld [tilespmem:s0+$0x11FE0];
	v33 =	vadd.f32 v33, v13  }
0x179: {  	v34 =	vld [tilespmem:s0+$0x11FF0]  }
0x17a: {  	v35 =	vld [tilespmem:s0+$0x12060]  }
0x17b: {  	v36 =	vld [tilespmem:s0+$0x12070]  }
0x17c: {  	v37 =	vld [tilespmem:s0+$0x120E0];
	s1 =	sadd.s32 $0x5, s31  }
0x17d: {  	v38 =	vld [tilespmem:s0+$0x120F0];
	s1 =	smul.u32 @!p0 $0x320, s1  }
0x17e: {  	v39 =	vld [tilespmem:s0+$0x12160]  }
0x17f: {  	v40 =	vld [tilespmem:s0+$0x12170];
	s0 =	simm.s32 @!p0 $0x68;
	s12 =	simm.s32 @!p0 $0x11F80;
	s1 =	sshra.s32 @!p0 s1, $0x2  }
0x180: {  	[tilespmem:s12], [sflag:$0x5] =	stream.indirect.gather @!p0 [hbm4b:s2+s0], $0x80, s1, s0, $0xb8;
	[tilespmem:$0x1BB80] =	vst v63  }
0x181: {  	_ =	swait.ge [sflag:s25], $0x3000  }
0x182: {  	[sflag:s25] =	ssyncset.done $0x0  }
0x183: {  	s0 =	simm.s32 $0x0;
	[sflag:s25] =	ssyncadd.s32 $0xFFFFD000  }
0x184: {  	v8 =	vld [tilespmem:s0+$0x15500]  }
0x185: {  	v12 =	vld [tilespmem:s0+$0x15510]  }
0x186: {  	v13 =	vld [tilespmem:s0+$0x15520]  }
0x187: {  	v14 =	vld [tilespmem:s0+$0x15530]  }
0x188: {  	v2 =	vld [tilespmem:s0+$0x15540]  }
0x189: {  	v3 =	vld [tilespmem:s0+$0x15550]  }
0x18a: {  	v24 =	vld [tilespmem:s0+$0x15480]  }
0x18b: {  	v25 =	vld [tilespmem:s0+$0x15490]  }
0x18c: {  	v23 =	vld [tilespmem:s0+$0x154A0]  }
0x18d: {  	v30 =	vadd.f32 v19, v30;
	v21 =	vadd.f32 v21, v31;
	v19 =	vld [tilespmem:s0+$0x154B0]  }
0x18e: {  	v61 =	vadd.f32 v9, v32;
	v20 =	vadd.f32 v20, v33;
	v9 =	vld [tilespmem:s0+$0x154C0]  }
0x18f: {  	v30 =	vadd.f32 v5, v30;
	v21 =	vadd.f32 v6, v21;
	v5 =	vld [tilespmem:s0+$0x154D0]  }
0x190: {  	v6 =	vadd.f32 v27, v15;
	v31 =	vadd.f32 v7, v61;
	v62 =	vld [tilespmem:s0+$0x15400]  }
0x191: {  	v20 =	vadd.f32 v10, v20;
	v7 =	vadd.f32 v28, v18;
	v18 =	vld [tilespmem:s0+$0x15410]  }
0x192: {  	v10 =	vadd.f32 v29, v16;
	v15 =	vadd.f32 v34, v17;
	v16 =	vld [tilespmem:s0+$0x15380]  }
0x193: {  	v6 =	vadd.f32 v22, v6;
	v7 =	vadd.f32 v26, v7;
	v17 =	vld [tilespmem:s0+$0x15390]  }
0x194: {  	v10 =	vadd.f32 v35, v10;
	v15 =	vadd.f32 v36, v15;
	v22 =	vld [tilespmem:s0+$0x153A0]  }
0x195: {  	v4 =	vadd.f32 v4, v6;
	v7 =	vadd.f32 v11, v7;
	v11 =	vld [tilespmem:s0+$0x153B0]  }
0x196: {  	v10 =	vadd.f32 v37, v10;
	v26 =	vld [tilespmem:s0+$0x15420];
	v15 =	vadd.f32 v38, v15  }
0x197: {  	v6 =	vadd.f32 v0, v4;
	v27 =	vld [tilespmem:s0+$0x15430];
	v1 =	vadd.f32 v1, v7  }
0x198: {  	v7 =	vld [tilespmem:s0+$0x15440];
	v4 =	vadd.f32 v39, v10;
	v0 =	vadd.f32 v40, v15  }
0x199: {  	v10 =	vld [tilespmem:s0+$0x15450];
	v16 =	vadd.f32 v16, v30;
	v21 =	vadd.f32 v17, v21  }
0x19a: {  	v15 =	vld [tilespmem:s0+$0x153C0];
	v22 =	vadd.f32 v22, v31;
	v63 =	vadd.f32 v11, v20  }
0x19b: {  	v11 =	vld [tilespmem:s0+$0x153D0];
	v17 =	vadd.f32 v62, v16;
	v18 =	vadd.f32 v18, v21  }
0x19c: {  	s12 =	simm.s32 $0x800;
	v16 =	vld [tilespmem:s0+$0x153E0];
	v20 =	vadd.f32 v26, v22;
	v21 =	vadd.f32 v27, v63  }
.LBB2_13:
0x19d: {  	p1 =	sne.s32 s12, $0xB800;
	v22 =	vld [tilespmem:s0+$0x153F0];
	v17 =	vadd.f32 v24, v17;
	v18 =	vadd.f32 v25, v18  }
0x19e: {  	v24 =	vld [tilespmem:s0+$0x15460];
	v20 =	vadd.f32 v23, v20;
	v19 =	vadd.f32 v19, v21  }
0x19f: {  	v21 =	vld [tilespmem:s0+$0x15470];
	v17 =	vadd.f32 v8, v17;
	v18 =	vadd.f32 v12, v18  }
0x1a0: {  	v23 =	vld [tilespmem:s0+$0x154E0];
	v20 =	vadd.f32 v13, v20;
	v26 =	vadd.f32 v14, v19  }
0x1a1: {  	v6 =	vadd.f32 v15, v6;
	v1 =	vadd.f32 v11, v1;
	v11 =	vld [tilespmem:s0+$0x154F0]  }
0x1a2: {  	v4 =	vadd.f32 v16, v4;
	v0 =	vadd.f32 v22, v0;
	v15 =	vld [tilespmem:s0+$0x15560]  }
0x1a3: {  	v6 =	vadd.f32 v7, v6;
	v1 =	vadd.f32 v10, v1;
	v7 =	vld [tilespmem:s0+$0x15570];
	s0 =	sshra.s32 s12, $0x2  }
0x1a4: {  	v4 =	vadd.f32 v24, v4;
	v8 =	vld [tilespmem:s0+$0x15500];
	v0 =	vadd.f32 v21, v0  }
0x1a5: {  	v6 =	vadd.f32 v9, v6;
	v1 =	vadd.f32 v5, v1;
	v12 =	vld [tilespmem:s0+$0x15510]  }
0x1a6: {  	v4 =	vadd.f32 v23, v4;
	v13 =	vld [tilespmem:s0+$0x15520];
	v0 =	vadd.f32 v11, v0  }
0x1a7: {  	v6 =	vadd.f32 v2, v6;
	v1 =	vadd.f32 v3, v1;
	v14 =	vld [tilespmem:s0+$0x15530]  }
0x1a8: {  	v4 =	vadd.f32 v15, v4;
	v2 =	vld [tilespmem:s0+$0x15540];
	v0 =	vadd.f32 v7, v0  }
0x1a9: {  	v3 =	vld [tilespmem:s0+$0x15550]  }
0x1aa: {  	v24 =	vld [tilespmem:s0+$0x15480]  }
0x1ab: {  	v25 =	vld [tilespmem:s0+$0x15490]  }
0x1ac: {  	v23 =	vld [tilespmem:s0+$0x154A0]  }
0x1ad: {  	v19 =	vld [tilespmem:s0+$0x154B0]  }
0x1ae: {  	v9 =	vld [tilespmem:s0+$0x154C0]  }
0x1af: {  	v5 =	vld [tilespmem:s0+$0x154D0]  }
0x1b0: {  	v16 =	vld [tilespmem:s0+$0x15400]  }
0x1b1: {  	v21 =	vld [tilespmem:s0+$0x15410]  }
0x1b2: {  	v10 =	vld [tilespmem:s0+$0x15380]  }
0x1b3: {  	v11 =	vld [tilespmem:s0+$0x15390]  }
0x1b4: {  	v15 =	vld [tilespmem:s0+$0x153A0]  }
0x1b5: {  	v22 =	vld [tilespmem:s0+$0x153B0]  }
0x1b6: {  	v27 =	vld [tilespmem:s0+$0x15420]  }
0x1b7: {  	v28 =	vld [tilespmem:s0+$0x15430]  }
.Ltmp5:
0x1b8: {  	v7 =	vld [tilespmem:s0+$0x15440];
	(pc) =	sbr.rel @p1 .LBB2_13-.Ltmp5, $4  }
0x1b9: {  	v17 =	vadd.f32 v10, v17;
	v18 =	vadd.f32 v11, v18;
	v10 =	vld [tilespmem:s0+$0x15450]  }
0x1ba: {  	v20 =	vadd.f32 v15, v20;
	v22 =	vadd.f32 v22, v26;
	v15 =	vld [tilespmem:s0+$0x153C0]  }
0x1bb: {  	v17 =	vadd.f32 v16, v17;
	v18 =	vadd.f32 v21, v18;
	v11 =	vld [tilespmem:s0+$0x153D0]  }
0x1bc: {  	s12 =	sadd.s32 $0x800, s12;
	v20 =	vadd.f32 v27, v20;
	v16 =	vld [tilespmem:s0+$0x153E0];
	v21 =	vadd.f32 v28, v22  }
0x1bd: {  	v22 =	vld [tilespmem:s0+$0x153F0]  }
0x1be: {  	v17 =	vadd.f32 v24, v17;
	v18 =	vadd.f32 v25, v18;
	v57 =	vld [tilespmem:s0+$0x15460]  }
0x1bf: {  	v58 =	vld [tilespmem:s0+$0x15470];
	v20 =	vadd.f32 v23, v20;
	v19 =	vadd.f32 v19, v21  }
0x1c0: {  	v59 =	vld [tilespmem:s0+$0x154E0];
	v8 =	vadd.f32 v8, v17;
	v12 =	vadd.f32 v12, v18  }
0x1c1: {  	v60 =	vld [tilespmem:s0+$0x154F0];
	v6 =	vadd.f32 v15, v6;
	v13 =	vadd.f32 v13, v20  }
0x1c2: {  	v61 =	vld [tilespmem:s0+$0x15560];
	v14 =	vadd.f32 v14, v19;
	v1 =	vadd.f32 v11, v1  }
0x1c3: {  	v62 =	vld [tilespmem:s0+$0x15570];
	s0 =	sadd.s32 @!p0 $0x68, s1;
	s1 =	simm.s32 @!p0 $0x60;
	s12 =	simm.s32 @!p0 $0x15380;
	v4 =	vadd.f32 v16, v4;
	v6 =	vadd.f32 v7, v6  }
0x1c4: {  	[tilespmem:s12], [sflag:$0x6] =	stream.indirect.gather @!p0 [hbm4b:s2+s1], $0x80, s0, s1, $0xb8;
	v0 =	vadd.f32 v22, v0;
	v1 =	vadd.f32 v10, v1;
	[tilespmem:$0x1BB80] =	vst v63  }
0x1c5: {  	[tilespmem:s30+$0x18480] =	vst v8;
	v4 =	vadd.f32 v57, v4;
	v6 =	vadd.f32 v9, v6  }
0x1c6: {  	s29 =	sadd.s32 $0x1, s29;
	[tilespmem:s30+$0x18490] =	vst v12;
	v0 =	vadd.f32 v58, v0;
	v1 =	vadd.f32 v5, v1  }
0x1c7: {  	p0 =	sne.s32 s29, $0x25;
	[tilespmem:s30+$0x184A0] =	vst v13;
	v4 =	vadd.f32 v59, v4;
	v2 =	vadd.f32 v2, v6  }
.Ltmp6:
0x1c8: {  	[tilespmem:s30+$0x184B0] =	vst v14;
	v0 =	vadd.f32 v60, v0;
	v1 =	vadd.f32 v3, v1;
	(pc) =	sbr.rel @p0 .LBB2_2-.Ltmp6, $4  }
0x1c9: {  	v63 =	vadd.f32 v61, v4;
	[tilespmem:s30+$0x184C0] =	vst v2  }
0x1ca: {  	v0 =	vadd.f32 v62, v0;
	[tilespmem:s30+$0x184D0] =	vst v1  }
0x1cb: {  	[tilespmem:s30+$0x184E0] =	vst v63  }
0x1cc: {  	[tilespmem:s30+$0x184F0] =	vst v0  }
0x1cd: {  	_ =	swait.ge [sflag:s20], $0x3400  }
0x1ce: {  	[sflag:s20] =	ssyncset.done $0x0  }
0x1cf: {  	s0 =	simm.s32 $0x0;
	[sflag:s20] =	ssyncadd.s32 $0xFFFFCC00  }
0x1d0: {  	v6 =	vld [tilespmem:s0+$0x5900]  }
0x1d1: {  	v9 =	vld [tilespmem:s0+$0x5910]  }
0x1d2: {  	v10 =	vld [tilespmem:s0+$0x5920]  }
0x1d3: {  	v13 =	vld [tilespmem:s0+$0x5930]  }
0x1d4: {  	v0 =	vld [tilespmem:s0+$0x5940]  }
0x1d5: {  	v2 =	vld [tilespmem:s0+$0x5950]  }
0x1d6: {  	v21 =	vld [tilespmem:s0+$0x5880]  }
0x1d7: {  	v24 =	vld [tilespmem:s0+$0x5890]  }
0x1d8: {  	v11 =	vld [tilespmem:s0+$0x58A0]  }
0x1d9: {  	v22 =	vld [tilespmem:s0+$0x58B0]  }
0x1da: {  	v4 =	vld [tilespmem:s0+$0x58C0]  }
0x1db: {  	v1 =	vld [tilespmem:s0+$0x5800]  }
0x1dc: {  	v3 =	vld [tilespmem:s0+$0x5810]  }
0x1dd: {  	v5 =	vld [tilespmem:s0+$0x5780]  }
0x1de: {  	v7 =	vld [tilespmem:s0+$0x5790]  }
0x1df: {  	v8 =	vld [tilespmem:s0+$0x57A0]  }
0x1e0: {  	v12 =	vld [tilespmem:s0+$0x57B0]  }
0x1e1: {  	v16 =	vld [tilespmem:s0+$0x5820]  }
0x1e2: {  	v17 =	vld [tilespmem:s0+$0x5830]  }
0x1e3: {  	v15 =	vimm.f32 $0.0e+00;
	v14 =	vld [tilespmem:s0+$0x58D0]  }
0x1e4: {  	v25 =	vld [tilespmem:s0+$0x5840];
	v5 =	vadd.f32 v5, v15  }
0x1e5: {  	v26 =	vld [tilespmem:s0+$0x5850];
	v7 =	vadd.f32 v7, v15;
	v8 =	vadd.f32 v8, v15  }
0x1e6: {  	v27 =	vld [tilespmem:s0+$0x57C0];
	v12 =	vadd.f32 v12, v15;
	v30 =	vadd.f32 v1, v5  }
0x1e7: {  	v18 =	vimm.f32 $0.0e+00;
	v28 =	vld [tilespmem:s0+$0x57D0];
	v31 =	vadd.f32 v3, v7;
	v32 =	vadd.f32 v16, v8  }
0x1e8: {  	s1 =	simm.s32 $0x800;
	v29 =	vld [tilespmem:s0+$0x57E0];
	v33 =	vadd.f32 v17, v12;
	v16 =	vimm.f32 $0.0e+00;
	v17 =	vimm.f32 $0.0e+00  }
.LBB2_16:
0x1e9: {  	p0 =	sne.s32 s1, $0xC800;
	v1 =	vld [tilespmem:s0+$0x57F0];
	v3 =	vadd.f32 v21, v30;
	v5 =	vadd.f32 v24, v31  }
0x1ea: {  	v7 =	vld [tilespmem:s0+$0x5860];
	v8 =	vadd.f32 v11, v32;
	v11 =	vadd.f32 v22, v33  }
0x1eb: {  	v12 =	vld [tilespmem:s0+$0x5870];
	v3 =	vadd.f32 v6, v3;
	v5 =	vadd.f32 v9, v5  }
0x1ec: {  	v19 =	vld [tilespmem:s0+$0x58E0];
	v8 =	vadd.f32 v10, v8;
	v20 =	vadd.f32 v13, v11  }
0x1ed: {  	v6 =	vadd.f32 v27, v15;
	v9 =	vadd.f32 v28, v18;
	v11 =	vld [tilespmem:s0+$0x58F0]  }
0x1ee: {  	v10 =	vadd.f32 v29, v16;
	v1 =	vadd.f32 v1, v17;
	v16 =	vld [tilespmem:s0+$0x5960]  }
0x1ef: {  	v13 =	vadd.f32 v25, v6;
	v15 =	vadd.f32 v26, v9;
	v17 =	vld [tilespmem:s0+$0x5970];
	s0 =	sshra.s32 s1, $0x2  }
0x1f0: {  	v7 =	vadd.f32 v7, v10;
	v6 =	vld [tilespmem:s0+$0x5900];
	v1 =	vadd.f32 v12, v1  }
0x1f1: {  	v4 =	vadd.f32 v4, v13;
	v12 =	vadd.f32 v14, v15;
	v9 =	vld [tilespmem:s0+$0x5910]  }
0x1f2: {  	v7 =	vadd.f32 v19, v7;
	v10 =	vld [tilespmem:s0+$0x5920];
	v1 =	vadd.f32 v11, v1  }
0x1f3: {  	v15 =	vadd.f32 v0, v4;
	v18 =	vadd.f32 v2, v12;
	v13 =	vld [tilespmem:s0+$0x5930]  }
0x1f4: {  	v16 =	vadd.f32 v16, v7;
	v0 =	vld [tilespmem:s0+$0x5940];
	v17 =	vadd.f32 v17, v1  }
0x1f5: {  	v2 =	vld [tilespmem:s0+$0x5950]  }
0x1f6: {  	v21 =	vld [tilespmem:s0+$0x5880]  }
0x1f7: {  	v24 =	vld [tilespmem:s0+$0x5890]  }
0x1f8: {  	v11 =	vld [tilespmem:s0+$0x58A0]  }
0x1f9: {  	v22 =	vld [tilespmem:s0+$0x58B0]  }
0x1fa: {  	v4 =	vld [tilespmem:s0+$0x58C0]  }
0x1fb: {  	v14 =	vld [tilespmem:s0+$0x58D0]  }
0x1fc: {  	v1 =	vld [tilespmem:s0+$0x5800]  }
0x1fd: {  	v7 =	vld [tilespmem:s0+$0x5810]  }
0x1fe: {  	v12 =	vld [tilespmem:s0+$0x5780]  }
0x1ff: {  	v19 =	vld [tilespmem:s0+$0x5790]  }
0x200: {  	v23 =	vld [tilespmem:s0+$0x57A0]  }
0x201: {  	v27 =	vld [tilespmem:s0+$0x57B0]  }
0x202: {  	v32 =	vld [tilespmem:s0+$0x5820]  }
0x203: {  	v33 =	vld [tilespmem:s0+$0x5830]  }
.Ltmp7:
0x204: {  	v25 =	vld [tilespmem:s0+$0x5840];
	(pc) =	sbr.rel @p0 .LBB2_16-.Ltmp7, $4  }
0x205: {  	v3 =	vadd.f32 v12, v3;
	v5 =	vadd.f32 v19, v5;
	v26 =	vld [tilespmem:s0+$0x5850]  }
0x206: {  	v8 =	vadd.f32 v23, v8;
	v12 =	vadd.f32 v27, v20;
	v27 =	vld [tilespmem:s0+$0x57C0]  }
0x207: {  	v30 =	vadd.f32 v1, v3;
	v31 =	vadd.f32 v7, v5;
	v28 =	vld [tilespmem:s0+$0x57D0]  }
0x208: {  	s1 =	sadd.s32 $0x800, s1;
	v32 =	vadd.f32 v32, v8;
	v29 =	vld [tilespmem:s0+$0x57E0];
	v33 =	vadd.f32 v33, v12  }
0x209: {  	v34 =	vld [tilespmem:s0+$0x57F0]  }
0x20a: {  	v35 =	vld [tilespmem:s0+$0x5860]  }
0x20b: {  	v36 =	vld [tilespmem:s0+$0x5870]  }
0x20c: {  	v37 =	vld [tilespmem:s0+$0x58E0]  }
0x20d: {  	v38 =	vld [tilespmem:s0+$0x58F0]  }
0x20e: {  	v39 =	vld [tilespmem:s0+$0x5960]  }
0x20f: {  	v40 =	vld [tilespmem:s0+$0x5970];
	_ =	swait.ge [sflag:s21], $0x3000  }
0x210: {  	[sflag:s21] =	ssyncset.done $0x0  }
0x211: {  	s1 =	simm.s32 $0x0;
	[sflag:s21] =	ssyncadd.s32 $0xFFFFD000  }
0x212: {  	v5 =	vld [tilespmem:s1+$0x8D00]  }
0x213: {  	v7 =	vld [tilespmem:s1+$0x8D10]  }
0x214: {  	v8 =	vld [tilespmem:s1+$0x8D20]  }
0x215: {  	v12 =	vld [tilespmem:s1+$0x8D30]  }
0x216: {  	v1 =	vld [tilespmem:s1+$0x8D40]  }
0x217: {  	v3 =	vld [tilespmem:s1+$0x8D50]  }
0x218: {  	v20 =	vld [tilespmem:s1+$0x8C80]  }
0x219: {  	v23 =	vld [tilespmem:s1+$0x8C90]  }
0x21a: {  	v19 =	vld [tilespmem:s1+$0x8CA0]  }
0x21b: {  	v30 =	vadd.f32 v21, v30;
	v24 =	vadd.f32 v24, v31;
	v21 =	vld [tilespmem:s1+$0x8CB0]  }
0x21c: {  	v61 =	vadd.f32 v11, v32;
	v22 =	vadd.f32 v22, v33;
	v11 =	vld [tilespmem:s1+$0x8CC0]  }
0x21d: {  	v30 =	vadd.f32 v6, v30;
	v24 =	vadd.f32 v9, v24;
	v6 =	vld [tilespmem:s1+$0x8CD0]  }
0x21e: {  	v9 =	vadd.f32 v27, v15;
	v31 =	vadd.f32 v10, v61;
	v62 =	vld [tilespmem:s1+$0x8C00]  }
0x21f: {  	v22 =	vadd.f32 v13, v22;
	v10 =	vadd.f32 v28, v18;
	v18 =	vld [tilespmem:s1+$0x8C10]  }
0x220: {  	v13 =	vadd.f32 v29, v16;
	v16 =	vld [tilespmem:s1+$0x8B80];
	v9 =	vadd.f32 v25, v9  }
0x221: {  	v25 =	vld [tilespmem:s1+$0x8BA0];
	v15 =	vadd.f32 v34, v17;
	v10 =	vadd.f32 v26, v10  }
0x222: {  	v17 =	vld [tilespmem:s1+$0x8B90];
	v13 =	vadd.f32 v35, v13;
	v4 =	vadd.f32 v4, v9  }
0x223: {  	v15 =	vadd.f32 v36, v15;
	v10 =	vadd.f32 v14, v10;
	v14 =	vld [tilespmem:s1+$0x8BB0]  }
0x224: {  	v27 =	vld [tilespmem:s1+$0x8C30];
	v13 =	vadd.f32 v37, v13;
	v9 =	vadd.f32 v0, v4  }
0x225: {  	v26 =	vld [tilespmem:s1+$0x8C20];
	v15 =	vadd.f32 v38, v15;
	v2 =	vadd.f32 v2, v10  }
0x226: {  	v10 =	vld [tilespmem:s1+$0x8C40];
	v16 =	vadd.f32 v16, v30;
	v25 =	vadd.f32 v25, v31  }
0x227: {  	v4 =	vadd.f32 v39, v13;
	v24 =	vadd.f32 v17, v24;
	v13 =	vld [tilespmem:s1+$0x8C50]  }
0x228: {  	v0 =	vadd.f32 v40, v15;
	v15 =	vld [tilespmem:s1+$0x8BD0];
	v63 =	vadd.f32 v14, v22  }
0x229: {  	v17 =	vadd.f32 v62, v16;
	v16 =	vld [tilespmem:s1+$0x8BE0];
	v18 =	vadd.f32 v18, v24  }
0x22a: {  	s0 =	simm.s32 $0x800;
	v14 =	vld [tilespmem:s1+$0x8BC0];
	v22 =	vadd.f32 v26, v25;
	v24 =	vadd.f32 v27, v63  }
.LBB2_18:
0x22b: {  	p0 =	sne.s32 s0, $0xB800;
	v25 =	vld [tilespmem:s1+$0x8BF0];
	v17 =	vadd.f32 v20, v17;
	v18 =	vadd.f32 v23, v18  }
0x22c: {  	v20 =	vld [tilespmem:s1+$0x8C60];
	v19 =	vadd.f32 v19, v22;
	v21 =	vadd.f32 v21, v24  }
0x22d: {  	v22 =	vld [tilespmem:s1+$0x8C70];
	v17 =	vadd.f32 v5, v17;
	v18 =	vadd.f32 v7, v18  }
0x22e: {  	v23 =	vld [tilespmem:s1+$0x8CE0];
	v24 =	vadd.f32 v8, v19;
	v26 =	vadd.f32 v12, v21  }
0x22f: {  	v5 =	vadd.f32 v14, v9;
	v2 =	vadd.f32 v15, v2;
	v9 =	vld [tilespmem:s1+$0x8CF0]  }
0x230: {  	v4 =	vadd.f32 v16, v4;
	v0 =	vadd.f32 v25, v0;
	v14 =	vld [tilespmem:s1+$0x8D60]  }
0x231: {  	v8 =	vadd.f32 v10, v5;
	v2 =	vadd.f32 v13, v2;
	v10 =	vld [tilespmem:s1+$0x8D70];
	s1 =	sshra.s32 s0, $0x2  }
0x232: {  	v4 =	vadd.f32 v20, v4;
	v5 =	vld [tilespmem:s1+$0x8D00];
	v0 =	vadd.f32 v22, v0  }
0x233: {  	v11 =	vadd.f32 v11, v8;
	v2 =	vadd.f32 v6, v2;
	v7 =	vld [tilespmem:s1+$0x8D10]  }
0x234: {  	v4 =	vadd.f32 v23, v4;
	v8 =	vld [tilespmem:s1+$0x8D20];
	v0 =	vadd.f32 v9, v0  }
0x235: {  	v9 =	vadd.f32 v1, v11;
	v2 =	vadd.f32 v3, v2;
	v12 =	vld [tilespmem:s1+$0x8D30]  }
0x236: {  	v4 =	vadd.f32 v14, v4;
	v1 =	vld [tilespmem:s1+$0x8D40];
	v0 =	vadd.f32 v10, v0  }
0x237: {  	v3 =	vld [tilespmem:s1+$0x8D50]  }
0x238: {  	v20 =	vld [tilespmem:s1+$0x8C80]  }
0x239: {  	v23 =	vld [tilespmem:s1+$0x8C90]  }
0x23a: {  	v19 =	vld [tilespmem:s1+$0x8CA0]  }
0x23b: {  	v21 =	vld [tilespmem:s1+$0x8CB0]  }
0x23c: {  	v11 =	vld [tilespmem:s1+$0x8CC0]  }
0x23d: {  	v6 =	vld [tilespmem:s1+$0x8CD0]  }
0x23e: {  	v16 =	vld [tilespmem:s1+$0x8C00]  }
0x23f: {  	v22 =	vld [tilespmem:s1+$0x8C10]  }
0x240: {  	v13 =	vld [tilespmem:s1+$0x8B80]  }
0x241: {  	v14 =	vld [tilespmem:s1+$0x8B90]  }
0x242: {  	v15 =	vld [tilespmem:s1+$0x8BA0]  }
0x243: {  	v25 =	vld [tilespmem:s1+$0x8BB0]  }
0x244: {  	v27 =	vld [tilespmem:s1+$0x8C20]  }
0x245: {  	v28 =	vld [tilespmem:s1+$0x8C30]  }
.Ltmp8:
0x246: {  	v10 =	vld [tilespmem:s1+$0x8C40];
	(pc) =	sbr.rel @p0 .LBB2_18-.Ltmp8, $4  }
0x247: {  	v17 =	vadd.f32 v13, v17;
	v18 =	vadd.f32 v14, v18;
	v13 =	vld [tilespmem:s1+$0x8C50]  }
0x248: {  	v24 =	vadd.f32 v15, v24;
	v25 =	vadd.f32 v25, v26;
	v14 =	vld [tilespmem:s1+$0x8BC0]  }
0x249: {  	v17 =	vadd.f32 v16, v17;
	v18 =	vadd.f32 v22, v18;
	v15 =	vld [tilespmem:s1+$0x8BD0]  }
0x24a: {  	s0 =	sadd.s32 $0x800, s0;
	v22 =	vadd.f32 v27, v24;
	v16 =	vld [tilespmem:s1+$0x8BE0];
	v24 =	vadd.f32 v28, v25  }
0x24b: {  	v17 =	vadd.f32 v20, v17;
	v18 =	vadd.f32 v23, v18  }
0x24c: {  	v25 =	vld [tilespmem:s1+$0x8BF0];
	v19 =	vadd.f32 v19, v22;
	v21 =	vadd.f32 v21, v24  }
0x24d: {  	v57 =	vld [tilespmem:s1+$0x8C60];
	v5 =	vadd.f32 v5, v17;
	v7 =	vadd.f32 v7, v18  }
0x24e: {  	v58 =	vld [tilespmem:s1+$0x8C70];
	v9 =	vadd.f32 v14, v9;
	v8 =	vadd.f32 v8, v19  }
0x24f: {  	v59 =	vld [tilespmem:s1+$0x8CE0];
	v12 =	vadd.f32 v12, v21;
	v2 =	vadd.f32 v15, v2  }
0x250: {  	v60 =	vld [tilespmem:s1+$0x8CF0];
	v4 =	vadd.f32 v16, v4;
	v9 =	vadd.f32 v10, v9  }
0x251: {  	v61 =	vld [tilespmem:s1+$0x8D60];
	v0 =	vadd.f32 v25, v0;
	v2 =	vadd.f32 v13, v2  }
0x252: {  	v62 =	vld [tilespmem:s1+$0x8D70];
	[tilespmem:$0x1BB00] =	vst v5;
	v4 =	vadd.f32 v57, v4;
	v9 =	vadd.f32 v11, v9  }
0x253: {  	[tilespmem:$0x1BB10] =	vst v7;
	v0 =	vadd.f32 v58, v0;
	v2 =	vadd.f32 v6, v2  }
0x254: {  	[tilespmem:$0x1BB20] =	vst v8;
	v4 =	vadd.f32 v59, v4;
	v1 =	vadd.f32 v1, v9  }
0x255: {  	[tilespmem:$0x1BB30] =	vst v12;
	v0 =	vadd.f32 v60, v0;
	v2 =	vadd.f32 v3, v2  }
0x256: {  	v63 =	vadd.f32 v61, v4;
	[tilespmem:$0x1BB40] =	vst v1  }
0x257: {  	s28 =	sadd.s32 $0x1, s28;
	v0 =	vadd.f32 v62, v0;
	[tilespmem:$0x1BB50] =	vst v2  }
0x258: {  	p0 =	sne.s32 s28, s6;
	[tilespmem:$0x1BB60] =	vst v63  }
.Ltmp9:
0x259: {  	[tilespmem:$0x1BB70] =	vst v0;
	(pc) =	sbr.rel @p0 .LBB2_1-.Ltmp9, $4  }
0x25a: {  	[hbm4b:s5+s3] =	stream.linear.scatter [tilespmem:s26], [sflag:$0x7], $0x3800, $0x38;
	[tilespmem:$0x1BB80] =	vst v63  }
0x25b: {  	_ =	swait.ge [sflag:s7], $0x3800  }
0x25c: {  	[sflag:s7] =	ssyncset.done $0x0  }
0x25d: {  	[sflag:s7] =	ssyncadd.s32 $0xFFFFC800  }
0x25e: {  	_ =	sfence.sel $0x180000  }
0x25f: {  	[bflag:$0x0] =	sbarrier.arrive $0xFFFF  }
0x260: {  	_ =	strace $0x90000047  }
0x261: {  	s0 =	stileid.u32;
	[bflag:$0x2] =	sbarrier.arrive $0xFFFF  }
0x262: {  	p0 =	sne.s32 s0, $0x0;
	s0 =	rddreg [dreg:$0x3]  }
0x263: {  	s0 =	sadd.s32 @!p0 $0x100000, s0  }
0x264: {  	[sflag:s0] =	ssyncadd.tile.s32 @!p0 $0x1;
	_ =	shalt  }
.Lfunc_end2:
_tile_overlayer_lowered:
.L_overlay_start_2:
0x265: {  	(tag) =	ssettag $0x2  }
0x266: {  	s0 =	rddreg [dreg:$0x0];
	s2 =	stileid.u32  }
0x267: {  	s1 =	rddreg [dreg:$0x1];
	p0 =	sne.s32 s2, $0x0  }
0x268: {  	s3 =	rddreg [dreg:$0x2];
	[bflag:$0x3] =	sbarrier.arrive $0xFFFF;
	s2 =	simm.s32 @!p0 $0x1C07  }
0x269: {  	[timem:s3], [sflag:s2] =	dma.local @!p0 [hbm:s0], s1  }
0x26a: {  	s0 =	simm.s32 @!p0 $0x7  }
0x26b: {  	_ =	swait.ge @!p0 [sflag:s0], s1  }
0x26c: {  	s1 =	ssub.s32 @!p0 $0x0, s1;
	[sflag:s0] =	ssyncset.done @!p0 $0x0  }
0x26d: {  	[sflag:s0] =	ssyncadd.s32 @!p0 s1  }
0x26e: {  	[bflag:$0x3] =	sbarrier.arrive $0xFFFF  }
0x26f: {  	_ =	shalt  }

// kernel: kernel.9.cloned.1.call-start
scs
__scs_entry_jumppad:
0x0: {  	(pc) =	sbr.rel $0x88, $3  }
0x1: {  	(tag) =	ssettag $0x0;
	lr =	simm.s32 $0x1  }
0x2: {  	[smem:$0x3F9D] =	sst lr;
	_ =	strace $0xD0000000  }
0x3: {  	_ = 	snop  }
0x4: {  	_ = 	snop  }
0x5: {  	_ = 	snop  }
0x6: {  	_ = 	snop  }
0x7: {  	_ = 	snop  }
__scs_overlays_trampoline_lowered:
0x8: {  	[smem:$0x3FAC] =	sst s0  }
0x9: {  	[smem:$0x3FAD] =	sst s1  }
0xa: {  	[smem:$0x3FAE] =	sst s2  }
0xb: {  	[smem:$0x3FAF] =	sst s3  }
0xc: {  	[smem:$0x3FB0] =	sst s4  }
0xd: {  	[smem:$0x3FB1] =	sst s5  }
0xe: {  	[smem:$0x3FB2] =	sst s6  }
0xf: {  	[smem:$0x3FB3] =	sst s7  }
0x10: {  	[smem:$0x3FB4] =	sst s8  }
0x11: {  	[smem:$0x3FB5] =	sst s9;
	s0 =	simm.s32 @!p0 $0x0  }
0x12: {  	s1 =	sld [smem:$0x3F9B];
	s0 =	simm.s32 @p0 $0x1  }
0x13: {  	[smem:$0x3FB6] =	sst s0;
	s0 =	simm.s32 @!p1 $0x0  }
0x14: {  	s2 =	sld [smem:$0x3F9A];
	s0 =	simm.s32 @p1 $0x1  }
0x15: {  	[smem:$0x3FB7] =	sst s0;
	s0 =	simm.s32 @!p2 $0x0  }
0x16: {  	s3 =	sld [smem:$0x3FDB];
	s0 =	simm.s32 @p2 $0x1  }
0x17: {  	s4 =	simm.s32 $0x1BF5;
	[smem:$0x3FB9] =	sst s0  }
0x18: {  	s0 =	sld [smem:$0x3F9C];
	_ =	swait.ge [sflag:s4], $0x0  }
0x19: {  	s7 =	sld [smem:$0x3F9D]  }
0x1a: {  	s8 =	sadd.s32 $0xFFFFE003, lr  }
0x1b: {  	s9 =	sadd.s32 $0xFFFFFEF7, lr;
	s5 =	simm.s32 $0xFFFFFFFF;
	p2 =	slt.u32 s8, $0xFFFFF086  }
0x1c: {  	p1 =	slt.u32 s9, $0xF7A;
	s5 =	simm.s32 @!p2 $0x0  }
0x1d: {  	s5 =	simm.s32 @p1 $0x1;
	p0 =	seq.s32 s7, s2  }
0x1e: {  	s7 =	smul.u32 @!p0 $0xF7A, s2;
	p2 =	seq.s32 @!p0 s5, $0x0  }
0x1f: {  	s9 =	smul.u32 $0xF7A, s1;
	s8 =	simm.s32 @!p0 $0x1BF5;
	p2 =	por !p2, p0  }
0x20: {  	[sflag:s8] =	ssyncset.s32 @!p0 $0xFFFFF086;
	s6 =	sadd.s32 @!p0 s3, s7;
	s7 =	simm.s32 @!p0 $0x108  }
0x21: {  	s3 =	sadd.s32 s3, s9;
	s6 =	sadd.s32 @!p0 $0x88, s6;
	s7 =	simm.s32 @p2 $0x1082  }
0x22: {  	[simem:s7], [sflag:s8] =	dma.local @!p0 [hbm:s6], $0xF7A  }
0x23: {  	s9 =	sor.u32 $0xD0000000, s2;
	s6 =	simm.s32 $0x108;
	_ =	swait.ge @!p0 [sflag:s8], $0x0  }
0x24: {  	s3 =	sadd.s32 $0x88, s3;
	s6 =	simm.s32 @!p1 $0x1082;
	[sflag:s4] =	ssyncset.s32 $0xFFFFF086  }
0x25: {  	[simem:s6], [sflag:s4] =	dma.local [hbm:s3], $0xF7A  }
0x26: {  	[smem:$0x3F9D] =	sst s1;
	(tag) =	ssettag s2;
	_ =	strace s9  }
0x27: {  	s1 =	sld [smem:$0x3FAD]  }
0x28: {  	s2 =	sld [smem:$0x3FAE]  }
0x29: {  	s4 =	sld [smem:$0x3FB0]  }
0x2a: {  	p0 =	seq.s32 s5, $0x0;
	s5 =	sld [smem:$0x3FB1]  }
0x2b: {  	s6 =	sld [smem:$0x3FB2]  }
0x2c: {  	s7 =	sld [smem:$0x3FB3]  }
0x2d: {  	s3 =	simm.s32 $0x108;
	s8 =	sld [smem:$0x3FB4]  }
0x2e: {  	s3 =	simm.s32 @!p0 $0x1082;
	s9 =	sld [smem:$0x3FB5]  }
0x2f: {  	lr =	sadd.s32 s0, s3;
	s0 =	sld [smem:$0x3FAC]  }
0x30: {  	s3 =	sld [smem:$0x3FAF]  }
0x31: {  	[smem:$0x3FB8] =	sst s10  }
0x32: {  	s10 =	sld [smem:$0x3FB6];
	_ =	sdelay $0x3  }
0x33: {  	p0 =	seq.s32 s10, $0x1;
	s10 =	sld [smem:$0x3FB8];
	_ =	sdelay $0x3  }
0x34: {  	[smem:$0x3FB8] =	sst s10  }
0x35: {  	s10 =	sld [smem:$0x3FB7];
	_ =	sdelay $0x3  }
0x36: {  	p1 =	seq.s32 s10, $0x1;
	s10 =	sld [smem:$0x3FB8];
	_ =	sdelay $0x3  }
0x37: {  	[smem:$0x3FB8] =	sst s10  }
0x38: {  	s10 =	sld [smem:$0x3FB9]  }
0x39: {  	_ = 	snop;
	(pc) =	sbr.ind lr, $3  }
0x3a: {  	_ = 	snop  }
0x3b: {  	_ = 	snop  }
0x3c: {  	p2 =	seq.s32 s10, $0x1;
	s10 =	sld [smem:$0x3FB8]  }
0x3d: {  	_ =	shalt  }
0x3e: {  	_ =	shalt  }
0x3f: {  	_ =	shalt  }
0x40: {  	_ =	shalt  }
0x41: {  	_ =	shalt  }
0x42: {  	_ =	shalt  }
0x43: {  	_ =	shalt  }
0x44: {  	_ =	shalt  }
0x45: {  	_ =	shalt  }
0x46: {  	_ =	shalt  }
0x47: {  	_ =	shalt  }
0x48: {  	_ =	shalt  }
0x49: {  	_ =	shalt  }
0x4a: {  	_ =	shalt  }
0x4b: {  	_ =	shalt  }
0x4c: {  	_ =	shalt  }
0x4d: {  	_ =	shalt  }
0x4e: {  	_ =	shalt  }
0x4f: {  	_ =	shalt  }
0x50: {  	_ =	shalt  }
0x51: {  	_ =	shalt  }
0x52: {  	_ =	shalt  }
0x53: {  	_ =	shalt  }
0x54: {  	_ =	shalt  }
0x55: {  	_ =	shalt  }
0x56: {  	_ =	shalt  }
0x57: {  	_ =	shalt  }
0x58: {  	_ =	shalt  }
0x59: {  	_ =	shalt  }
0x5a: {  	_ =	shalt  }
0x5b: {  	_ =	shalt  }
0x5c: {  	_ =	shalt  }
0x5d: {  	_ =	shalt  }
0x5e: {  	_ =	shalt  }
0x5f: {  	_ =	shalt  }
0x60: {  	_ =	shalt  }
0x61: {  	_ =	shalt  }
0x62: {  	_ =	shalt  }
0x63: {  	_ =	shalt  }
0x64: {  	_ =	shalt  }
0x65: {  	_ =	shalt  }
0x66: {  	_ =	shalt  }
0x67: {  	_ =	shalt  }
0x68: {  	_ =	shalt  }
0x69: {  	_ =	shalt  }
0x6a: {  	_ =	shalt  }
0x6b: {  	_ =	shalt  }
0x6c: {  	_ =	shalt  }
0x6d: {  	_ =	shalt  }
0x6e: {  	_ =	shalt  }
0x6f: {  	_ =	shalt  }
0x70: {  	_ =	shalt  }
0x71: {  	_ =	shalt  }
0x72: {  	_ =	shalt  }
0x73: {  	_ =	shalt  }
0x74: {  	_ =	shalt  }
0x75: {  	_ =	shalt  }
0x76: {  	_ =	shalt  }
0x77: {  	_ =	shalt  }
0x78: {  	_ =	shalt  }
0x79: {  	_ =	shalt  }
0x7a: {  	_ =	shalt  }
0x7b: {  	_ =	shalt  }
0x7c: {  	_ =	shalt  }
0x7d: {  	_ =	shalt  }
0x7e: {  	_ =	shalt  }
0x7f: {  	_ =	shalt  }
0x80: {  	_ =	shalt  }
0x81: {  	_ =	shalt  }
0x82: {  	_ =	shalt  }
0x83: {  	_ =	shalt  }
0x84: {  	_ =	shalt  }
0x85: {  	_ =	shalt  }
0x86: {  	_ =	shalt  }
0x87: {  	_ =	shalt  }
.Lfunc_end0:
.L_simem_size_0:
called_computation.1_lowered:
.L_overlay_start_0:
0x88: {  	s2 =	sld [smem:$0x3FD9]  }
0x89: {  	s3 =	sld [smem:$0x3FFE];
	_ =	sdelay $0x1  }
0x8a: {  	s1 =	srdreg.scid  }
0x8b: {  	s0 =	sand.u32 $0x1, s1  }
0x8c: {  	s17 =	sshll.u32 s0, $0xA;
	s2 =	sadd.s32 s3, s2  }
0x8d: {  	s2 =	sadd.s32 s2, s17  }
0x8e: {  	[smem:$0x3FC4] =	sst s2  }
0x8f: {  	_ = 	snop  }
0x90: {  	s18 =	sld [smem:$0x3FC8];
	(tm) =	ssettm $0x1  }
0x91: {  	s19 =	sld [smem:$0x3FFB];
	_ =	sdelay $0x3  }
0x92: {  	_ =	strace s19  }
0x93: {  	s2 =	sld [smem:$0x3FFC];
	_ =	sdelay $0x3  }
0x94: {  	_ =	strace s2  }
0x95: {  	s2 =	sld [smem:$0x3FFD];
	_ =	sdelay $0x3  }
0x96: {  	_ =	strace s2  }
0x97: {  	_ =	strace $0x8FFFFFFF  }
0x98: {  	s20 =	sld [smem:$0x3FDB];
	_ =	sdelay $0x1  }
0x99: {  	s4 =	simm.s32 $_scs_section_size  }
0x9a: {  	s5 =	simm.s32 $_size__tile_overlayer_lowered;
	s6 =	simm.s32 $_tile_overlayer_lowered  }
0x9b: {  	s7 =	simm.s32 $0x1BFF;
	s21 =	sshll.u32 s6, $0x1;
	s4 =	sadd.s32 s4, s20  }
0x9c: {  	s22 =	simm.s32 $0x0;
	s5 =	sshll.u32 s5, $0x1;
	s6 =	sadd.s32 s21, s4  }
0x9d: {  	[timem:s22], [sflag:s7] =	dma.local [hbm:s6], s5  }
0x9e: {  	_ =	swait.ge [sflag:s7], s5  }
0x9f: {  	s5 =	ssub.s32 $0x0, s5;
	[sflag:s7] =	ssyncset.done $0x0  }
0xa0: {  	[sflag:s7] =	ssyncadd.s32 s5;
	_ =	sdelay $0x1  }
0xa1: {  	s23 =	simm.s32 $0x1B8B  }
0xa2: {  	_ =	swait.ge [sflag:s23], $0x1  }
0xa3: {  	[sflag:s23] =	ssyncset.done $0x0  }
0xa4: {  	[sflag:s23] =	ssyncadd.s32 $0xFFFFFFFF  }
0xa5: {  	s5 =	sld [smem:$0x0]  }
0xa6: {  	s6 =	sand.u32 $0xFFFFFFFE, s1  }
0xa7: {  	p0 =	sne.s32 s1, s6  }
0xa8: {  	s6 =	sshll.u32 @p0 s6, $0xE  }
0xa9: {  	s6 =	sadd.s32 @p0 $0x11B8D, s6;
	s7 =	sshll.u32 @p0 s5, $0x11  }
0xaa: {  	s6 =	sor.u32 @p0 s7, s6  }
0xab: {  	[sflag:s6] =	ssyncadd.remote.s32 @p0 $0x1;
	_ =	sdelay $0x1  }
0xac: {  	s6 =	simm.s32 @p0 $0x1B8D  }
0xad: {  	_ =	swait.eq @p0 [sflag:s6], $0x1  }
0xae: {  	[sflag:s6] =	ssyncadd.s32 @p0 $0xFFFFFFFF  }
0xaf: {  	s7 =	sshll.u32 @!p0 s1, $0xE  }
0xb0: {  	s7 =	sor.u32 @!p0 $0x4000, s7;
	s6 =	simm.s32 @!p0 $0x1B8D  }
0xb1: {  	s5 =	sshll.u32 @!p0 s5, $0x11;
	s7 =	sadd.s32 @!p0 $0x11B8D, s7;
	_ =	swait.eq @!p0 [sflag:s6], $0x1  }
0xb2: {  	s5 =	sor.u32 @!p0 s5, s7;
	[sflag:s6] =	ssyncadd.s32 @!p0 $0xFFFFFFFF  }
0xb3: {  	s25 =	simm.s32 $0x1B8E;
	s24 =	sld [smem:$0x3FFE];
	[sflag:s5] =	ssyncadd.remote.s32 @!p0 $0x1  }
0xb4: {  	s26 =	simm.s32 $execute0_lowered;
	[smem:$0x3FD2] =	sst s25  }
0xb5: {  	s6 =	sshll.u32 s26, $0x1;
	_ =	strace $0x80000049;
	[dreg:$0x1] =	wrdreg $0xFFFFFFFF  }
0xb6: {  	s28 =	simm.s32 $_size_execute0_lowered;
	s4 =	sadd.s32 s4, s6;
	[dreg:$0x0] =	wrdreg $0x0  }
0xb7: {  	s6 =	sshll.u32 s28, $0x1;
	[dreg:$0x2] =	wrdreg s4  }
0xb8: {  	[dreg:$0x3] =	wrdreg s6  }
0xb9: {  	[dreg:$0x4] =	wrdreg $0xC0  }
0xba: {  	_ =	task [dreg:s22], $0x5FFFF  }
0xbb: {  	[dreg:$0x1] =	wrdreg $0xFFFFFFFF  }
0xbc: {  	[dreg:$0x0] =	wrdreg $0x60  }
0xbd: {  	[dreg:$0x2] =	wrdreg s24  }
0xbe: {  	[dreg:$0x3] =	wrdreg s18  }
0xbf: {  	[dreg:$0x4] =	wrdreg $0xA  }
0xc0: {  	_ =	task.clear_ibuf [dreg:s22], $0x5FFFF;
	_ =	strace $0x90000049  }
0xc1: {  	s29 =	simm.s32 $0xA;
	_ =	strace $0x8000004B  }
0xc2: {  	_ =	swait.ge [sflag:s29], $0x1  }
0xc3: {  	[sflag:s29] =	ssyncadd.s32 $0xFFFFFFFF  }
0xc4: {  	_ =	strace $0x9000004B  }
0xc5: {  	_ =	sfence  }
0xc6: {  	s30 =	sld [smem:$0x0];
	_ =	sdelay $0x2  }
0xc7: {  	s31 =	sshll.u32 s1, $0xD;
	s1 =	sshrl.u32 s1, $0x2  }
0xc8: {  	s4 =	sand.u32 $0x4000, s31;
	s1 =	sadd.s32 s1, s30  }
0xc9: {  	s0 =	sor.u32 s4, s0;
	s1 =	sshll.u32 s1, $0x11  }
0xca: {  	s0 =	sor.u32 s1, s0  }
0xcb: {  	s0 =	sadd.s32 $0x8F2B, s0  }
0xcc: {  	[sflag:s0] =	ssyncadd.remote.s32 $0x1  }
0xcd: {  	_ =	sfence.sel $0xFFFF  }
0xce: {  	[dreg:$0x0] =	wrdreg $0xFFFFFFFF;
	(pc) =	sbr.abs _section_cstart, $3  }
0xcf: {  	[dreg:$0x1] =	wrdreg $0xFFFFFFFF  }
0xd0: {  	_ =	task.clear_ibuf [dreg:s22], $0x2FFFF;
	_ =	strace $0x9FFFFFFF  }
0xd1: {  	(tm) =	ssettm $0x7FFFFFFF  }
tec
execute0_lowered:
.L_overlay_start_1:
0x0: {  	(tag) =	ssettag $0x1  }
0x1: {  	s0 =	srdreg.scid  }
0x2: {  	s1 =	rddreg [dreg:$0x0];
	s3 =	stileid.u32  }
0x3: {  	s2 =	rddreg [dreg:$0x1];
	s8 =	simm.s32 $0x68;
	s9 =	simm.s32 $0xC80  }
0x4: {  	s10 =	simm.s32 $0x60;
	s11 =	simm.s32 $0x4080;
	s13 =	simm.s32 $0x7080  }
0x5: {  	s14 =	simm.s32 $0x130;
	s15 =	simm.s32 $0xA480;
	s16 =	simm.s32 $0x190  }
0x6: {  	s17 =	simm.s32 $0xD480;
	s18 =	simm.s32 $0x1F8;
	s19 =	simm.s32 $0x10880  }
0x7: {  	s20 =	simm.s32 $0x1;
	s21 =	simm.s32 $0x2;
	s22 =	simm.s32 $0x3  }
0x8: {  	s23 =	simm.s32 $0x4;
	s24 =	simm.s32 $0x5;
	s0 =	sand.u32 $0x1, s0  }
0x9: {  	s25 =	simm.s32 $0x6;
	s4 =	sshll.u32 s3, $0x5;
	s5 =	sshll.u32 s0, $0x4  }
0xa: {  	s26 =	simm.s32 $0x13880;
	s3 =	simm.s32 $0x0;
	s4 =	sor.u32 s5, s4  }
0xb: {  	[smem:$0x7FF] =	sst s3;
	s0 =	ssub.s32 $0x2, s0;
	s5 =	smul.u32 $0xC8, s4  }
0xc: {  	s28 =	simm.s32 $0x0;
	_ =	strace $0x8000004A;
	s6 =	sshrl.u32 s0, $0x1  }
0xd: {  	s4 =	sshll.u32 s4, $0x4;
	s0 =	ssub.s32 s0, s6;
	s5 =	sshrl.u32 s5, $0x3  }
0xe: {  	s7 =	sadd.s32 s4, s1;
	s6 =	smax.u32 s0, $0x1;
	s1 =	sadd.s32 s1, s5  }
0xf: {  	s5 =	sadd.s32 $0x1A000, s7;
	s7 =	simm.s32 $0x7;
	s4 =	sadd.s32 $0x16E00, s1  }
.LBB2_1:
0x10: {  	[tilespmem:s3], [sflag:$0x7] =	stream.linear.gather [hbm4b:s4+s3], $0xC80, $0x38;
	[tilespmem:$0x14080] =	vst v63  }
0x11: {  	_ =	swait.ge [sflag:s7], $0xC80  }
0x12: {  	[sflag:s7] =	ssyncset.done $0x0  }
0x13: {  	[sflag:s7] =	ssyncadd.s32 $0xFFFFF380  }
0x14: {  	[tilespmem:s9], [sflag:$0x1] =	stream.indirect.gather [hbm4b:s2+s8], $0x80, s3, s8, $0xb8;
	[tilespmem:$0x14080] =	vst v63  }
0x15: {  	_ = 	snop  }
0x16: {  	[tilespmem:s11], [sflag:$0x2] =	stream.indirect.gather [hbm4b:s2+s10], $0x80, s8, s10, $0xb8;
	[tilespmem:$0x14080] =	vst v63  }
0x17: {  	s0 =	simm.s32 $0xC8  }
0x18: {  	[tilespmem:s13], [sflag:$0x3] =	stream.indirect.gather [hbm4b:s2+s8], $0x80, s0, s8, $0xb8;
	[tilespmem:$0x14080] =	vst v63  }
0x19: {  	_ = 	snop  }
0x1a: {  	[tilespmem:s15], [sflag:$0x4] =	stream.indirect.gather [hbm4b:s2+s10], $0x80, s14, s10, $0xb8;
	[tilespmem:$0x14080] =	vst v63  }
0x1b: {  	_ = 	snop  }
0x1c: {  	[tilespmem:s17], [sflag:$0x5] =	stream.indirect.gather [hbm4b:s2+s8], $0x80, s16, s8, $0xb8;
	[tilespmem:$0x14080] =	vst v63  }
0x1d: {  	s29 =	simm.s32 $0x0  }
0x1e: {  	[tilespmem:s19], [sflag:$0x6] =	stream.indirect.gather [hbm4b:s2+s10], $0x80, s18, s10, $0xb8;
	[tilespmem:$0x14080] =	vst v63  }
.LBB2_2:
0x1f: {  	_ =	swait.ge [sflag:s20], $0x3400  }
0x20: {  	[sflag:s20] =	ssyncset.done $0x0  }
0x21: {  	s0 =	simm.s32 $0x0;
	[sflag:s20] =	ssyncadd.s32 $0xFFFFCC00  }
0x22: {  	v5 =	vld [tilespmem:s0+$0xE00]  }
0x23: {  	v7 =	vld [tilespmem:s0+$0xE10]  }
0x24: {  	v8 =	vld [tilespmem:s0+$0xE20]  }
0x25: {  	v12 =	vld [tilespmem:s0+$0xE30]  }
0x26: {  	v0 =	vld [tilespmem:s0+$0xE40]  }
0x27: {  	v2 =	vld [tilespmem:s0+$0xE50]  }
0x28: {  	v19 =	vld [tilespmem:s0+$0xD80]  }
0x29: {  	v21 =	vld [tilespmem:s0+$0xD90]  }
0x2a: {  	v9 =	vld [tilespmem:s0+$0xDA0]  }
0x2b: {  	v20 =	vld [tilespmem:s0+$0xDB0]  }
0x2c: {  	v4 =	vld [tilespmem:s0+$0xDC0]  }
0x2d: {  	v1 =	vld [tilespmem:s0+$0xD00]  }
0x2e: {  	v3 =	vld [tilespmem:s0+$0xD10]  }
0x2f: {  	v6 =	vld [tilespmem:s0+$0xC80]  }
0x30: {  	v10 =	vld [tilespmem:s0+$0xC90]  }
0x31: {  	v11 =	vld [tilespmem:s0+$0xCA0]  }
0x32: {  	v13 =	vld [tilespmem:s0+$0xCB0]  }
0x33: {  	v16 =	vld [tilespmem:s0+$0xD20]  }
0x34: {  	v17 =	vld [tilespmem:s0+$0xD30]  }
0x35: {  	v15 =	vimm.f32 $0.0e+00;
	v14 =	vld [tilespmem:s0+$0xDD0]  }
0x36: {  	v23 =	vld [tilespmem:s0+$0xD40];
	v6 =	vadd.f32 v6, v15  }
0x37: {  	v26 =	vld [tilespmem:s0+$0xD50];
	v10 =	vadd.f32 v10, v15;
	v11 =	vadd.f32 v11, v15  }
0x38: {  	v27 =	vld [tilespmem:s0+$0xCC0];
	v13 =	vadd.f32 v13, v15;
	v30 =	vadd.f32 v1, v6  }
0x39: {  	v18 =	vimm.f32 $0.0e+00;
	v28 =	vld [tilespmem:s0+$0xCD0];
	v31 =	vadd.f32 v3, v10;
	v32 =	vadd.f32 v16, v11  }
0x3a: {  	s1 =	simm.s32 $0x800;
	v29 =	vld [tilespmem:s0+$0xCE0];
	v33 =	vadd.f32 v17, v13;
	v16 =	vimm.f32 $0.0e+00;
	v17 =	vimm.f32 $0.0e+00  }
.LBB2_3:
0x3b: {  	p0 =	sne.s32 s1, $0xC800;
	v1 =	vld [tilespmem:s0+$0xCF0];
	v3 =	vadd.f32 v19, v30;
	v6 =	vadd.f32 v21, v31  }
0x3c: {  	v10 =	vld [tilespmem:s0+$0xD60];
	v9 =	vadd.f32 v9, v32;
	v11 =	vadd.f32 v20, v33  }
0x3d: {  	v13 =	vld [tilespmem:s0+$0xD70];
	v3 =	vadd.f32 v5, v3;
	v6 =	vadd.f32 v7, v6  }
0x3e: {  	v19 =	vld [tilespmem:s0+$0xDE0];
	v22 =	vadd.f32 v8, v9;
	v11 =	vadd.f32 v12, v11  }
0x3f: {  	v5 =	vadd.f32 v27, v15;
	v7 =	vadd.f32 v28, v18;
	v9 =	vld [tilespmem:s0+$0xDF0]  }
0x40: {  	v8 =	vadd.f32 v29, v16;
	v1 =	vadd.f32 v1, v17;
	v16 =	vld [tilespmem:s0+$0xE60]  }
0x41: {  	v12 =	vadd.f32 v23, v5;
	v15 =	vadd.f32 v26, v7;
	v17 =	vld [tilespmem:s0+$0xE70];
	s0 =	sshra.s32 s1, $0x2  }
0x42: {  	v10 =	vadd.f32 v10, v8;
	v5 =	vld [tilespmem:s0+$0xE00];
	v1 =	vadd.f32 v13, v1  }
0x43: {  	v4 =	vadd.f32 v4, v12;
	v13 =	vadd.f32 v14, v15;
	v7 =	vld [tilespmem:s0+$0xE10]  }
0x44: {  	v10 =	vadd.f32 v19, v10;
	v8 =	vld [tilespmem:s0+$0xE20];
	v1 =	vadd.f32 v9, v1  }
0x45: {  	v15 =	vadd.f32 v0, v4;
	v18 =	vadd.f32 v2, v13;
	v12 =	vld [tilespmem:s0+$0xE30]  }
0x46: {  	v16 =	vadd.f32 v16, v10;
	v0 =	vld [tilespmem:s0+$0xE40];
	v17 =	vadd.f32 v17, v1  }
0x47: {  	v2 =	vld [tilespmem:s0+$0xE50]  }
0x48: {  	v19 =	vld [tilespmem:s0+$0xD80]  }
0x49: {  	v21 =	vld [tilespmem:s0+$0xD90]  }
0x4a: {  	v9 =	vld [tilespmem:s0+$0xDA0]  }
0x4b: {  	v20 =	vld [tilespmem:s0+$0xDB0]  }
0x4c: {  	v4 =	vld [tilespmem:s0+$0xDC0]  }
0x4d: {  	v14 =	vld [tilespmem:s0+$0xDD0]  }
0x4e: {  	v1 =	vld [tilespmem:s0+$0xD00]  }
0x4f: {  	v10 =	vld [tilespmem:s0+$0xD10]  }
0x50: {  	v13 =	vld [tilespmem:s0+$0xC80]  }
0x51: {  	v24 =	vld [tilespmem:s0+$0xC90]  }
0x52: {  	v25 =	vld [tilespmem:s0+$0xCA0]  }
0x53: {  	v27 =	vld [tilespmem:s0+$0xCB0]  }
0x54: {  	v32 =	vld [tilespmem:s0+$0xD20]  }
0x55: {  	v33 =	vld [tilespmem:s0+$0xD30]  }
.Ltmp0:
0x56: {  	v23 =	vld [tilespmem:s0+$0xD40];
	(pc) =	sbr.rel @p0 .LBB2_3-.Ltmp0, $4  }
0x57: {  	v3 =	vadd.f32 v13, v3;
	v6 =	vadd.f32 v24, v6;
	v26 =	vld [tilespmem:s0+$0xD50]  }
0x58: {  	v13 =	vadd.f32 v25, v22;
	v11 =	vadd.f32 v27, v11;
	v27 =	vld [tilespmem:s0+$0xCC0]  }
0x59: {  	v30 =	vadd.f32 v1, v3;
	v31 =	vadd.f32 v10, v6;
	v28 =	vld [tilespmem:s0+$0xCD0]  }
0x5a: {  	s1 =	sadd.s32 $0x800, s1;
	v32 =	vadd.f32 v32, v13;
	v29 =	vld [tilespmem:s0+$0xCE0];
	v33 =	vadd.f32 v33, v11  }
0x5b: {  	v34 =	vld [tilespmem:s0+$0xCF0]  }
0x5c: {  	v35 =	vld [tilespmem:s0+$0xD60]  }
0x5d: {  	v36 =	vld [tilespmem:s0+$0xD70];
	s1 =	smul.u32 $0x960, s29  }
0x5e: {  	v37 =	vld [tilespmem:s0+$0xDE0]  }
0x5f: {  	v38 =	vld [tilespmem:s0+$0xDF0];
	s1 =	sshra.s32 s1, $0x2  }
0x60: {  	v39 =	vld [tilespmem:s0+$0xE60];
	s31 =	sadd.s32 $0x258, s1  }
0x61: {  	v40 =	vld [tilespmem:s0+$0xE70];
	[tilespmem:s9], [sflag:$0x1] =	stream.indirect.gather [hbm4b:s2+s8], $0x80, s31, s8, $0xb8  }
0x62: {  	_ =	swait.ge [sflag:s21], $0x3000  }
0x63: {  	[sflag:s21] =	ssyncset.done $0x0  }
0x64: {  	s0 =	simm.s32 $0x0;
	[sflag:s21] =	ssyncadd.s32 $0xFFFFD000  }
0x65: {  	v6 =	vld [tilespmem:s0+$0x4200]  }
0x66: {  	v10 =	vld [tilespmem:s0+$0x4210]  }
0x67: {  	v11 =	vld [tilespmem:s0+$0x4220]  }
0x68: {  	v13 =	vld [tilespmem:s0+$0x4230]  }
0x69: {  	v1 =	vld [tilespmem:s0+$0x4240]  }
0x6a: {  	v3 =	vld [tilespmem:s0+$0x4250]  }
0x6b: {  	v24 =	vld [tilespmem:s0+$0x4180]  }
0x6c: {  	v25 =	vld [tilespmem:s0+$0x4190]  }
0x6d: {  	v22 =	vld [tilespmem:s0+$0x41A0]  }
0x6e: {  	v30 =	vadd.f32 v19, v30;
	v21 =	vadd.f32 v21, v31;
	v19 =	vld [tilespmem:s0+$0x41B0]  }
0x6f: {  	v62 =	vadd.f32 v9, v32;
	v20 =	vadd.f32 v20, v33;
	v9 =	vld [tilespmem:s0+$0x41C0]  }
0x70: {  	v30 =	vadd.f32 v5, v30;
	v21 =	vadd.f32 v7, v21;
	v5 =	vld [tilespmem:s0+$0x41D0]  }
0x71: {  	v7 =	vadd.f32 v27, v15;
	v31 =	vadd.f32 v8, v62;
	v63 =	vld [tilespmem:s0+$0x4100]  }
0x72: {  	v20 =	vadd.f32 v12, v20;
	v8 =	vadd.f32 v28, v18;
	v15 =	vld [tilespmem:s0+$0x4110]  }
0x73: {  	v12 =	vadd.f32 v29, v16;
	v16 =	vadd.f32 v34, v17;
	v17 =	vld [tilespmem:s0+$0x4080]  }
0x74: {  	v7 =	vadd.f32 v23, v7;
	v8 =	vadd.f32 v26, v8;
	v18 =	vld [tilespmem:s0+$0x4090]  }
0x75: {  	v12 =	vadd.f32 v35, v12;
	v16 =	vadd.f32 v36, v16;
	v23 =	vld [tilespmem:s0+$0x40A0]  }
0x76: {  	v4 =	vadd.f32 v4, v7;
	v8 =	vadd.f32 v14, v8;
	v14 =	vld [tilespmem:s0+$0x40B0]  }
0x77: {  	v12 =	vadd.f32 v37, v12;
	v26 =	vld [tilespmem:s0+$0x4120];
	v16 =	vadd.f32 v38, v16  }
0x78: {  	v7 =	vadd.f32 v0, v4;
	v27 =	vld [tilespmem:s0+$0x4130];
	v4 =	vadd.f32 v2, v8  }
0x79: {  	v8 =	vld [tilespmem:s0+$0x4140];
	v2 =	vadd.f32 v39, v12;
	v0 =	vadd.f32 v40, v16  }
0x7a: {  	v12 =	vld [tilespmem:s0+$0x4150];
	v17 =	vadd.f32 v17, v30;
	v18 =	vadd.f32 v18, v21  }
0x7b: {  	v16 =	vld [tilespmem:s0+$0x40C0];
	v21 =	vadd.f32 v23, v31;
	v23 =	vadd.f32 v14, v20  }
0x7c: {  	v14 =	vld [tilespmem:s0+$0x40D0];
	v17 =	vadd.f32 v63, v17;
	v18 =	vadd.f32 v15, v18  }
0x7d: {  	s30 =	simm.s32 $0x800;
	v15 =	vld [tilespmem:s0+$0x40E0];
	v20 =	vadd.f32 v26, v21;
	v21 =	vadd.f32 v27, v23  }
.LBB2_5:
0x7e: {  	p0 =	sne.s32 s30, $0xB800;
	v23 =	vld [tilespmem:s0+$0x40F0];
	v17 =	vadd.f32 v24, v17;
	v18 =	vadd.f32 v25, v18  }
0x7f: {  	v24 =	vld [tilespmem:s0+$0x4160];
	v20 =	vadd.f32 v22, v20;
	v19 =	vadd.f32 v19, v21  }
0x80: {  	v21 =	vld [tilespmem:s0+$0x4170];
	v17 =	vadd.f32 v6, v17;
	v18 =	vadd.f32 v10, v18  }
0x81: {  	v22 =	vld [tilespmem:s0+$0x41E0];
	v20 =	vadd.f32 v11, v20;
	v26 =	vadd.f32 v13, v19  }
0x82: {  	v6 =	vadd.f32 v16, v7;
	v4 =	vadd.f32 v14, v4;
	v7 =	vld [tilespmem:s0+$0x41F0]  }
0x83: {  	v2 =	vadd.f32 v15, v2;
	v0 =	vadd.f32 v23, v0;
	v14 =	vld [tilespmem:s0+$0x4260]  }
0x84: {  	v8 =	vadd.f32 v8, v6;
	v4 =	vadd.f32 v12, v4;
	v12 =	vld [tilespmem:s0+$0x4270];
	s0 =	sshra.s32 s30, $0x2  }
0x85: {  	v2 =	vadd.f32 v24, v2;
	v6 =	vld [tilespmem:s0+$0x4200];
	v0 =	vadd.f32 v21, v0  }
0x86: {  	v8 =	vadd.f32 v9, v8;
	v4 =	vadd.f32 v5, v4;
	v10 =	vld [tilespmem:s0+$0x4210]  }
0x87: {  	v2 =	vadd.f32 v22, v2;
	v11 =	vld [tilespmem:s0+$0x4220];
	v0 =	vadd.f32 v7, v0  }
0x88: {  	v7 =	vadd.f32 v1, v8;
	v4 =	vadd.f32 v3, v4;
	v13 =	vld [tilespmem:s0+$0x4230]  }
0x89: {  	v2 =	vadd.f32 v14, v2;
	v1 =	vld [tilespmem:s0+$0x4240];
	v0 =	vadd.f32 v12, v0  }
0x8a: {  	v3 =	vld [tilespmem:s0+$0x4250]  }
0x8b: {  	v24 =	vld [tilespmem:s0+$0x4180]  }
0x8c: {  	v25 =	vld [tilespmem:s0+$0x4190]  }
0x8d: {  	v22 =	vld [tilespmem:s0+$0x41A0]  }
0x8e: {  	v19 =	vld [tilespmem:s0+$0x41B0]  }
0x8f: {  	v9 =	vld [tilespmem:s0+$0x41C0]  }
0x90: {  	v5 =	vld [tilespmem:s0+$0x41D0]  }
0x91: {  	v15 =	vld [tilespmem:s0+$0x4100]  }
0x92: {  	v21 =	vld [tilespmem:s0+$0x4110]  }
0x93: {  	v12 =	vld [tilespmem:s0+$0x4080]  }
0x94: {  	v14 =	vld [tilespmem:s0+$0x4090]  }
0x95: {  	v16 =	vld [tilespmem:s0+$0x40A0]  }
0x96: {  	v23 =	vld [tilespmem:s0+$0x40B0]  }
0x97: {  	v27 =	vld [tilespmem:s0+$0x4120]  }
0x98: {  	v28 =	vld [tilespmem:s0+$0x4130]  }
.Ltmp1:
0x99: {  	v8 =	vld [tilespmem:s0+$0x4140];
	(pc) =	sbr.rel @p0 .LBB2_5-.Ltmp1, $4  }
0x9a: {  	v17 =	vadd.f32 v12, v17;
	v18 =	vadd.f32 v14, v18;
	v12 =	vld [tilespmem:s0+$0x4150]  }
0x9b: {  	v20 =	vadd.f32 v16, v20;
	v23 =	vadd.f32 v23, v26;
	v16 =	vld [tilespmem:s0+$0x40C0]  }
0x9c: {  	v17 =	vadd.f32 v15, v17;
	v18 =	vadd.f32 v21, v18;
	v14 =	vld [tilespmem:s0+$0x40D0]  }
0x9d: {  	s30 =	sadd.s32 $0x800, s30;
	v20 =	vadd.f32 v27, v20;
	v15 =	vld [tilespmem:s0+$0x40E0];
	v21 =	vadd.f32 v28, v23  }
0x9e: {  	v23 =	vld [tilespmem:s0+$0x40F0];
	v17 =	vadd.f32 v24, v17;
	v18 =	vadd.f32 v25, v18  }
0x9f: {  	v26 =	vld [tilespmem:s0+$0x4160];
	v20 =	vadd.f32 v22, v20;
	v19 =	vadd.f32 v19, v21  }
0xa0: {  	v24 =	vld [tilespmem:s0+$0x4170];
	v6 =	vadd.f32 v6, v17;
	v10 =	vadd.f32 v10, v18  }
0xa1: {  	s31 =	smul.u32 $0x600, s29;
	v21 =	vld [tilespmem:s0+$0x41E0];
	v7 =	vadd.f32 v16, v7;
	v11 =	vadd.f32 v11, v20  }
0xa2: {  	v17 =	vld [tilespmem:s0+$0x41F0];
	v13 =	vadd.f32 v13, v19;
	v4 =	vadd.f32 v14, v4  }
0xa3: {  	s12 =	sadd.s32 $0x2C0, s1;
	v16 =	vld [tilespmem:s0+$0x4260];
	s30 =	sshra.s32 s31, $0x2;
	v2 =	vadd.f32 v15, v2;
	v7 =	vadd.f32 v8, v7  }
0xa4: {  	v14 =	vld [tilespmem:s0+$0x4270];
	[tilespmem:s11], [sflag:$0x2] =	stream.indirect.gather [hbm4b:s2+s10], $0x80, s12, s10, $0xb8;
	v0 =	vadd.f32 v23, v0;
	v4 =	vadd.f32 v12, v4  }
0xa5: {  	[tilespmem:s30+$0x13880] =	vst v6;
	v2 =	vadd.f32 v26, v2;
	v7 =	vadd.f32 v9, v7  }
0xa6: {  	[tilespmem:s30+$0x13890] =	vst v10;
	v0 =	vadd.f32 v24, v0;
	v4 =	vadd.f32 v5, v4  }
0xa7: {  	[tilespmem:s30+$0x138A0] =	vst v11;
	v2 =	vadd.f32 v21, v2;
	v1 =	vadd.f32 v1, v7  }
0xa8: {  	[tilespmem:s30+$0x138B0] =	vst v13;
	v0 =	vadd.f32 v17, v0;
	v3 =	vadd.f32 v3, v4  }
0xa9: {  	v2 =	vadd.f32 v16, v2;
	[tilespmem:s30+$0x138C0] =	vst v1  }
0xaa: {  	v0 =	vadd.f32 v14, v0;
	[tilespmem:s30+$0x138D0] =	vst v3  }
0xab: {  	[tilespmem:s30+$0x138E0] =	vst v2  }
0xac: {  	[tilespmem:s30+$0x138F0] =	vst v0  }
0xad: {  	_ =	swait.ge [sflag:s22], $0x3400  }
0xae: {  	[sflag:s22] =	ssyncset.done $0x0  }
0xaf: {  	s0 =	simm.s32 $0x0;
	[sflag:s22] =	ssyncadd.s32 $0xFFFFCC00  }
0xb0: {  	v5 =	vld [tilespmem:s0+$0x7200]  }
0xb1: {  	v6 =	vld [tilespmem:s0+$0x7210]  }
0xb2: {  	v7 =	vld [tilespmem:s0+$0x7220]  }
0xb3: {  	v8 =	vld [tilespmem:s0+$0x7230]  }
0xb4: {  	v0 =	vld [tilespmem:s0+$0x7240]  }
0xb5: {  	v1 =	vld [tilespmem:s0+$0x7250]  }
0xb6: {  	v19 =	vld [tilespmem:s0+$0x7180]  }
0xb7: {  	v21 =	vld [tilespmem:s0+$0x7190]  }
0xb8: {  	v11 =	vld [tilespmem:s0+$0x71A0]  }
0xb9: {  	v20 =	vld [tilespmem:s0+$0x71B0]  }
0xba: {  	v4 =	vld [tilespmem:s0+$0x71C0]  }
0xbb: {  	v2 =	vld [tilespmem:s0+$0x7100]  }
0xbc: {  	v3 =	vld [tilespmem:s0+$0x7110]  }
0xbd: {  	v10 =	vld [tilespmem:s0+$0x7080]  }
0xbe: {  	v12 =	vld [tilespmem:s0+$0x7090]  }
0xbf: {  	v13 =	vld [tilespmem:s0+$0x70A0]  }
0xc0: {  	v14 =	vld [tilespmem:s0+$0x70B0]  }
0xc1: {  	v16 =	vld [tilespmem:s0+$0x7120]  }
0xc2: {  	v17 =	vld [tilespmem:s0+$0x7130]  }
0xc3: {  	v15 =	vimm.f32 $0.0e+00;
	v9 =	vld [tilespmem:s0+$0x71D0]  }
0xc4: {  	v22 =	vld [tilespmem:s0+$0x7140];
	v10 =	vadd.f32 v10, v15  }
0xc5: {  	v24 =	vld [tilespmem:s0+$0x7150];
	v12 =	vadd.f32 v12, v15;
	v13 =	vadd.f32 v13, v15  }
0xc6: {  	v27 =	vld [tilespmem:s0+$0x70C0];
	v14 =	vadd.f32 v14, v15;
	v30 =	vadd.f32 v2, v10  }
0xc7: {  	v18 =	vimm.f32 $0.0e+00;
	v28 =	vld [tilespmem:s0+$0x70D0];
	v31 =	vadd.f32 v3, v12;
	v32 =	vadd.f32 v16, v13  }
0xc8: {  	s1 =	simm.s32 $0x800;
	v29 =	vld [tilespmem:s0+$0x70E0];
	v33 =	vadd.f32 v17, v14;
	v16 =	vimm.f32 $0.0e+00;
	v17 =	vimm.f32 $0.0e+00  }
.LBB2_7:
0xc9: {  	p0 =	sne.s32 s1, $0xC800;
	v2 =	vld [tilespmem:s0+$0x70F0];
	v3 =	vadd.f32 v19, v30;
	v10 =	vadd.f32 v21, v31  }
0xca: {  	v12 =	vld [tilespmem:s0+$0x7160];
	v11 =	vadd.f32 v11, v32;
	v13 =	vadd.f32 v20, v33  }
0xcb: {  	v14 =	vld [tilespmem:s0+$0x7170];
	v3 =	vadd.f32 v5, v3;
	v10 =	vadd.f32 v6, v10  }
0xcc: {  	v19 =	vld [tilespmem:s0+$0x71E0];
	v23 =	vadd.f32 v7, v11;
	v13 =	vadd.f32 v8, v13  }
0xcd: {  	v5 =	vadd.f32 v27, v15;
	v6 =	vadd.f32 v28, v18;
	v8 =	vld [tilespmem:s0+$0x71F0]  }
0xce: {  	v7 =	vadd.f32 v29, v16;
	v2 =	vadd.f32 v2, v17;
	v11 =	vld [tilespmem:s0+$0x7260]  }
0xcf: {  	v15 =	vadd.f32 v22, v5;
	v16 =	vadd.f32 v24, v6;
	v17 =	vld [tilespmem:s0+$0x7270];
	s0 =	sshra.s32 s1, $0x2  }
0xd0: {  	v12 =	vadd.f32 v12, v7;
	v5 =	vld [tilespmem:s0+$0x7200];
	v2 =	vadd.f32 v14, v2  }
0xd1: {  	v4 =	vadd.f32 v4, v15;
	v9 =	vadd.f32 v9, v16;
	v6 =	vld [tilespmem:s0+$0x7210]  }
0xd2: {  	v12 =	vadd.f32 v19, v12;
	v7 =	vld [tilespmem:s0+$0x7220];
	v2 =	vadd.f32 v8, v2  }
0xd3: {  	v15 =	vadd.f32 v0, v4;
	v18 =	vadd.f32 v1, v9;
	v8 =	vld [tilespmem:s0+$0x7230]  }
0xd4: {  	v16 =	vadd.f32 v11, v12;
	v0 =	vld [tilespmem:s0+$0x7240];
	v17 =	vadd.f32 v17, v2  }
0xd5: {  	v1 =	vld [tilespmem:s0+$0x7250]  }
0xd6: {  	v19 =	vld [tilespmem:s0+$0x7180]  }
0xd7: {  	v21 =	vld [tilespmem:s0+$0x7190]  }
0xd8: {  	v11 =	vld [tilespmem:s0+$0x71A0]  }
0xd9: {  	v20 =	vld [tilespmem:s0+$0x71B0]  }
0xda: {  	v4 =	vld [tilespmem:s0+$0x71C0]  }
0xdb: {  	v9 =	vld [tilespmem:s0+$0x71D0]  }
0xdc: {  	v2 =	vld [tilespmem:s0+$0x7100]  }
0xdd: {  	v12 =	vld [tilespmem:s0+$0x7110]  }
0xde: {  	v14 =	vld [tilespmem:s0+$0x7080]  }
0xdf: {  	v24 =	vld [tilespmem:s0+$0x7090]  }
0xe0: {  	v25 =	vld [tilespmem:s0+$0x70A0]  }
0xe1: {  	v26 =	vld [tilespmem:s0+$0x70B0]  }
0xe2: {  	v32 =	vld [tilespmem:s0+$0x7120]  }
0xe3: {  	v33 =	vld [tilespmem:s0+$0x7130]  }
.Ltmp2:
0xe4: {  	v22 =	vld [tilespmem:s0+$0x7140];
	(pc) =	sbr.rel @p0 .LBB2_7-.Ltmp2, $4  }
0xe5: {  	v3 =	vadd.f32 v14, v3;
	v10 =	vadd.f32 v24, v10;
	v24 =	vld [tilespmem:s0+$0x7150]  }
0xe6: {  	v14 =	vadd.f32 v25, v23;
	v13 =	vadd.f32 v26, v13;
	v27 =	vld [tilespmem:s0+$0x70C0]  }
0xe7: {  	v30 =	vadd.f32 v2, v3;
	v31 =	vadd.f32 v12, v10;
	v28 =	vld [tilespmem:s0+$0x70D0]  }
0xe8: {  	s1 =	sadd.s32 $0x800, s1;
	v32 =	vadd.f32 v32, v14;
	v29 =	vld [tilespmem:s0+$0x70E0];
	v33 =	vadd.f32 v33, v13  }
0xe9: {  	v34 =	vld [tilespmem:s0+$0x70F0]  }
0xea: {  	v35 =	vld [tilespmem:s0+$0x7160];
	s31 =	smul.u32 $0x3, s29  }
0xeb: {  	v36 =	vld [tilespmem:s0+$0x7170]  }
0xec: {  	v37 =	vld [tilespmem:s0+$0x71E0];
	p0 =	seq.s32 s29, $0x4;
	s1 =	sadd.s32 $0x4, s31  }
0xed: {  	v38 =	vld [tilespmem:s0+$0x71F0];
	s1 =	smul.u32 @!p0 $0x320, s1  }
0xee: {  	v39 =	vld [tilespmem:s0+$0x7260]  }
0xef: {  	v40 =	vld [tilespmem:s0+$0x7270];
	s0 =	simm.s32 @!p0 $0x68;
	s12 =	simm.s32 @!p0 $0x7080;
	s1 =	sshra.s32 @!p0 s1, $0x2  }
0xf0: {  	[tilespmem:s12], [sflag:$0x3] =	stream.indirect.gather @!p0 [hbm4b:s2+s0], $0x80, s1, s0, $0xb8;
	[tilespmem:$0x14080] =	vst v63  }
0xf1: {  	_ =	swait.ge [sflag:s23], $0x3000  }
0xf2: {  	[sflag:s23] =	ssyncset.done $0x0  }
0xf3: {  	s0 =	simm.s32 $0x0;
	[sflag:s23] =	ssyncadd.s32 $0xFFFFD000  }
0xf4: {  	v10 =	vld [tilespmem:s0+$0xA600]  }
0xf5: {  	v12 =	vld [tilespmem:s0+$0xA610]  }
0xf6: {  	v13 =	vld [tilespmem:s0+$0xA620]  }
0xf7: {  	v14 =	vld [tilespmem:s0+$0xA630]  }
0xf8: {  	v2 =	vld [tilespmem:s0+$0xA640]  }
0xf9: {  	v3 =	vld [tilespmem:s0+$0xA650]  }
0xfa: {  	v25 =	vld [tilespmem:s0+$0xA580]  }
0xfb: {  	v26 =	vld [tilespmem:s0+$0xA590]  }
0xfc: {  	v23 =	vld [tilespmem:s0+$0xA5A0]  }
0xfd: {  	v30 =	vadd.f32 v19, v30;
	v21 =	vadd.f32 v21, v31;
	v19 =	vld [tilespmem:s0+$0xA5B0]  }
0xfe: {  	v61 =	vadd.f32 v11, v32;
	v20 =	vadd.f32 v20, v33;
	v11 =	vld [tilespmem:s0+$0xA5C0]  }
0xff: {  	v30 =	vadd.f32 v5, v30;
	v21 =	vadd.f32 v6, v21;
	v5 =	vld [tilespmem:s0+$0xA5D0]  }
0x100: {  	v6 =	vadd.f32 v27, v15;
	v31 =	vadd.f32 v7, v61;
	v62 =	vld [tilespmem:s0+$0xA500]  }
0x101: {  	v20 =	vadd.f32 v8, v20;
	v7 =	vadd.f32 v28, v18;
	v18 =	vld [tilespmem:s0+$0xA510]  }
0x102: {  	v8 =	vadd.f32 v29, v16;
	v15 =	vadd.f32 v34, v17;
	v16 =	vld [tilespmem:s0+$0xA480]  }
0x103: {  	v6 =	vadd.f32 v22, v6;
	v7 =	vadd.f32 v24, v7;
	v17 =	vld [tilespmem:s0+$0xA490]  }
0x104: {  	v8 =	vadd.f32 v35, v8;
	v15 =	vadd.f32 v36, v15;
	v22 =	vld [tilespmem:s0+$0xA4A0]  }
0x105: {  	v4 =	vadd.f32 v4, v6;
	v7 =	vadd.f32 v9, v7;
	v9 =	vld [tilespmem:s0+$0xA4B0]  }
0x106: {  	v8 =	vadd.f32 v37, v8;
	v15 =	vadd.f32 v38, v15;
	v24 =	vld [tilespmem:s0+$0xA520]  }
0x107: {  	v6 =	vadd.f32 v0, v4;
	v1 =	vadd.f32 v1, v7;
	v27 =	vld [tilespmem:s0+$0xA530]  }
0x108: {  	v4 =	vadd.f32 v39, v8;
	v7 =	vld [tilespmem:s0+$0xA540];
	v0 =	vadd.f32 v40, v15  }
0x109: {  	v8 =	vld [tilespmem:s0+$0xA550];
	v16 =	vadd.f32 v16, v30;
	v21 =	vadd.f32 v17, v21  }
0x10a: {  	v15 =	vld [tilespmem:s0+$0xA4C0];
	v22 =	vadd.f32 v22, v31;
	v63 =	vadd.f32 v9, v20  }
0x10b: {  	v9 =	vld [tilespmem:s0+$0xA4D0];
	v17 =	vadd.f32 v62, v16;
	v18 =	vadd.f32 v18, v21  }
0x10c: {  	s12 =	simm.s32 $0x800;
	v16 =	vld [tilespmem:s0+$0xA4E0];
	v20 =	vadd.f32 v24, v22;
	v21 =	vadd.f32 v27, v63  }
.LBB2_9:
0x10d: {  	p1 =	sne.s32 s12, $0xB800;
	v22 =	vld [tilespmem:s0+$0xA4F0];
	v17 =	vadd.f32 v25, v17;
	v18 =	vadd.f32 v26, v18  }
0x10e: {  	v24 =	vld [tilespmem:s0+$0xA560];
	v20 =	vadd.f32 v23, v20;
	v19 =	vadd.f32 v19, v21  }
0x10f: {  	v21 =	vld [tilespmem:s0+$0xA570];
	v17 =	vadd.f32 v10, v17;
	v18 =	vadd.f32 v12, v18  }
0x110: {  	v23 =	vld [tilespmem:s0+$0xA5E0];
	v20 =	vadd.f32 v13, v20;
	v27 =	vadd.f32 v14, v19  }
0x111: {  	v6 =	vadd.f32 v15, v6;
	v1 =	vadd.f32 v9, v1;
	v9 =	vld [tilespmem:s0+$0xA5F0]  }
0x112: {  	v4 =	vadd.f32 v16, v4;
	v0 =	vadd.f32 v22, v0;
	v15 =	vld [tilespmem:s0+$0xA660]  }
0x113: {  	v6 =	vadd.f32 v7, v6;
	v1 =	vadd.f32 v8, v1;
	v7 =	vld [tilespmem:s0+$0xA670];
	s0 =	sshra.s32 s12, $0x2  }
0x114: {  	v4 =	vadd.f32 v24, v4;
	v10 =	vld [tilespmem:s0+$0xA600];
	v0 =	vadd.f32 v21, v0  }
0x115: {  	v6 =	vadd.f32 v11, v6;
	v1 =	vadd.f32 v5, v1;
	v12 =	vld [tilespmem:s0+$0xA610]  }
0x116: {  	v4 =	vadd.f32 v23, v4;
	v13 =	vld [tilespmem:s0+$0xA620];
	v0 =	vadd.f32 v9, v0  }
0x117: {  	v6 =	vadd.f32 v2, v6;
	v1 =	vadd.f32 v3, v1;
	v14 =	vld [tilespmem:s0+$0xA630]  }
0x118: {  	v4 =	vadd.f32 v15, v4;
	v2 =	vld [tilespmem:s0+$0xA640];
	v0 =	vadd.f32 v7, v0  }
0x119: {  	v3 =	vld [tilespmem:s0+$0xA650]  }
0x11a: {  	v25 =	vld [tilespmem:s0+$0xA580]  }
0x11b: {  	v26 =	vld [tilespmem:s0+$0xA590]  }
0x11c: {  	v23 =	vld [tilespmem:s0+$0xA5A0]  }
0x11d: {  	v19 =	vld [tilespmem:s0+$0xA5B0]  }
0x11e: {  	v11 =	vld [tilespmem:s0+$0xA5C0]  }
0x11f: {  	v5 =	vld [tilespmem:s0+$0xA5D0]  }
0x120: {  	v16 =	vld [tilespmem:s0+$0xA500]  }
0x121: {  	v21 =	vld [tilespmem:s0+$0xA510]  }
0x122: {  	v8 =	vld [tilespmem:s0+$0xA480]  }
0x123: {  	v9 =	vld [tilespmem:s0+$0xA490]  }
0x124: {  	v15 =	vld [tilespmem:s0+$0xA4A0]  }
0x125: {  	v22 =	vld [tilespmem:s0+$0xA4B0]  }
0x126: {  	v24 =	vld [tilespmem:s0+$0xA520]  }
0x127: {  	v28 =	vld [tilespmem:s0+$0xA530]  }
.Ltmp3:
0x128: {  	v7 =	vld [tilespmem:s0+$0xA540];
	(pc) =	sbr.rel @p1 .LBB2_9-.Ltmp3, $4  }
0x129: {  	v17 =	vadd.f32 v8, v17;
	v18 =	vadd.f32 v9, v18;
	v8 =	vld [tilespmem:s0+$0xA550]  }
0x12a: {  	v20 =	vadd.f32 v15, v20;
	v22 =	vadd.f32 v22, v27;
	v15 =	vld [tilespmem:s0+$0xA4C0]  }
0x12b: {  	v17 =	vadd.f32 v16, v17;
	v18 =	vadd.f32 v21, v18;
	v9 =	vld [tilespmem:s0+$0xA4D0]  }
0x12c: {  	s12 =	sadd.s32 $0x800, s12;
	v20 =	vadd.f32 v24, v20;
	v16 =	vld [tilespmem:s0+$0xA4E0];
	v21 =	vadd.f32 v28, v22  }
0x12d: {  	v22 =	vld [tilespmem:s0+$0xA4F0]  }
0x12e: {  	v17 =	vadd.f32 v25, v17;
	v18 =	vadd.f32 v26, v18;
	v24 =	vld [tilespmem:s0+$0xA560]  }
0x12f: {  	v20 =	vadd.f32 v23, v20;
	v19 =	vadd.f32 v19, v21;
	v21 =	vld [tilespmem:s0+$0xA570]  }
0x130: {  	v10 =	vadd.f32 v10, v17;
	v12 =	vadd.f32 v12, v18;
	v17 =	vld [tilespmem:s0+$0xA5E0]  }
0x131: {  	v6 =	vadd.f32 v15, v6;
	v15 =	vld [tilespmem:s0+$0xA5F0];
	v13 =	vadd.f32 v13, v20  }
0x132: {  	v14 =	vadd.f32 v14, v19;
	v1 =	vadd.f32 v9, v1;
	v9 =	vld [tilespmem:s0+$0xA660]  }
0x133: {  	s12 =	simm.s32 @!p0 $0xA480;
	v4 =	vadd.f32 v16, v4;
	v6 =	vadd.f32 v7, v6;
	v7 =	vld [tilespmem:s0+$0xA670];
	s0 =	sadd.s32 @!p0 $0x68, s1;
	s1 =	simm.s32 @!p0 $0x60  }
0x134: {  	v0 =	vadd.f32 v22, v0;
	v1 =	vadd.f32 v8, v1;
	[tilespmem:s12], [sflag:$0x4] =	stream.indirect.gather @!p0 [hbm4b:s2+s1], $0x80, s0, s1, $0xb8;
	[tilespmem:$0x14080] =	vst v63  }
0x135: {  	v4 =	vadd.f32 v24, v4;
	v6 =	vadd.f32 v11, v6;
	[tilespmem:s30+$0x13900] =	vst v10  }
0x136: {  	[tilespmem:s30+$0x13910] =	vst v12;
	v0 =	vadd.f32 v21, v0;
	v1 =	vadd.f32 v5, v1  }
0x137: {  	[tilespmem:s30+$0x13920] =	vst v13;
	v4 =	vadd.f32 v17, v4;
	v2 =	vadd.f32 v2, v6  }
0x138: {  	[tilespmem:s30+$0x13930] =	vst v14;
	v0 =	vadd.f32 v15, v0;
	v1 =	vadd.f32 v3, v1  }
0x139: {  	v3 =	vadd.f32 v9, v4;
	[tilespmem:s30+$0x13940] =	vst v2  }
0x13a: {  	v0 =	vadd.f32 v7, v0;
	[tilespmem:s30+$0x13950] =	vst v1  }
0x13b: {  	[tilespmem:s30+$0x13960] =	vst v3  }
0x13c: {  	[tilespmem:s30+$0x13970] =	vst v0  }
0x13d: {  	_ =	swait.ge [sflag:s24], $0x3400  }
0x13e: {  	[sflag:s24] =	ssyncset.done $0x0  }
0x13f: {  	s0 =	simm.s32 $0x0;
	[sflag:s24] =	ssyncadd.s32 $0xFFFFCC00  }
0x140: {  	v5 =	vld [tilespmem:s0+$0xD600]  }
0x141: {  	v6 =	vld [tilespmem:s0+$0xD610]  }
0x142: {  	v7 =	vld [tilespmem:s0+$0xD620]  }
0x143: {  	v10 =	vld [tilespmem:s0+$0xD630]  }
0x144: {  	v0 =	vld [tilespmem:s0+$0xD640]  }
0x145: {  	v1 =	vld [tilespmem:s0+$0xD650]  }
0x146: {  	v19 =	vld [tilespmem:s0+$0xD580]  }
0x147: {  	v21 =	vld [tilespmem:s0+$0xD590]  }
0x148: {  	v9 =	vld [tilespmem:s0+$0xD5A0]  }
0x149: {  	v20 =	vld [tilespmem:s0+$0xD5B0]  }
0x14a: {  	v4 =	vld [tilespmem:s0+$0xD5C0]  }
0x14b: {  	v2 =	vld [tilespmem:s0+$0xD500]  }
0x14c: {  	v3 =	vld [tilespmem:s0+$0xD510]  }
0x14d: {  	v8 =	vld [tilespmem:s0+$0xD480]  }
0x14e: {  	v12 =	vld [tilespmem:s0+$0xD490]  }
0x14f: {  	v13 =	vld [tilespmem:s0+$0xD4A0]  }
0x150: {  	v14 =	vld [tilespmem:s0+$0xD4B0]  }
0x151: {  	v16 =	vld [tilespmem:s0+$0xD520]  }
0x152: {  	v17 =	vld [tilespmem:s0+$0xD530]  }
0x153: {  	v15 =	vimm.f32 $0.0e+00;
	v11 =	vld [tilespmem:s0+$0xD5D0]  }
0x154: {  	v22 =	vld [tilespmem:s0+$0xD540];
	v8 =	vadd.f32 v8, v15  }
0x155: {  	v26 =	vld [tilespmem:s0+$0xD550];
	v12 =	vadd.f32 v12, v15;
	v13 =	vadd.f32 v13, v15  }
0x156: {  	v27 =	vld [tilespmem:s0+$0xD4C0];
	v14 =	vadd.f32 v14, v15;
	v30 =	vadd.f32 v2, v8  }
0x157: {  	v18 =	vimm.f32 $0.0e+00;
	v28 =	vld [tilespmem:s0+$0xD4D0];
	v31 =	vadd.f32 v3, v12;
	v32 =	vadd.f32 v16, v13  }
0x158: {  	s1 =	simm.s32 $0x800;
	v29 =	vld [tilespmem:s0+$0xD4E0];
	v33 =	vadd.f32 v17, v14;
	v16 =	vimm.f32 $0.0e+00;
	v17 =	vimm.f32 $0.0e+00  }
.LBB2_11:
0x159: {  	p1 =	sne.s32 s1, $0xC800;
	v2 =	vld [tilespmem:s0+$0xD4F0];
	v3 =	vadd.f32 v19, v30;
	v8 =	vadd.f32 v21, v31  }
0x15a: {  	v12 =	vld [tilespmem:s0+$0xD560];
	v9 =	vadd.f32 v9, v32;
	v13 =	vadd.f32 v20, v33  }
0x15b: {  	v14 =	vld [tilespmem:s0+$0xD570];
	v3 =	vadd.f32 v5, v3;
	v8 =	vadd.f32 v6, v8  }
0x15c: {  	v19 =	vld [tilespmem:s0+$0xD5E0];
	v23 =	vadd.f32 v7, v9;
	v13 =	vadd.f32 v10, v13  }
0x15d: {  	v5 =	vadd.f32 v27, v15;
	v6 =	vadd.f32 v28, v18;
	v9 =	vld [tilespmem:s0+$0xD5F0]  }
0x15e: {  	v7 =	vadd.f32 v29, v16;
	v2 =	vadd.f32 v2, v17;
	v16 =	vld [tilespmem:s0+$0xD660]  }
0x15f: {  	v10 =	vadd.f32 v22, v5;
	v15 =	vadd.f32 v26, v6;
	v17 =	vld [tilespmem:s0+$0xD670];
	s0 =	sshra.s32 s1, $0x2  }
0x160: {  	v12 =	vadd.f32 v12, v7;
	v5 =	vld [tilespmem:s0+$0xD600];
	v2 =	vadd.f32 v14, v2  }
0x161: {  	v4 =	vadd.f32 v4, v10;
	v11 =	vadd.f32 v11, v15;
	v6 =	vld [tilespmem:s0+$0xD610]  }
0x162: {  	v12 =	vadd.f32 v19, v12;
	v7 =	vld [tilespmem:s0+$0xD620];
	v2 =	vadd.f32 v9, v2  }
0x163: {  	v15 =	vadd.f32 v0, v4;
	v18 =	vadd.f32 v1, v11;
	v10 =	vld [tilespmem:s0+$0xD630]  }
0x164: {  	v16 =	vadd.f32 v16, v12;
	v0 =	vld [tilespmem:s0+$0xD640];
	v17 =	vadd.f32 v17, v2  }
0x165: {  	v1 =	vld [tilespmem:s0+$0xD650]  }
0x166: {  	v19 =	vld [tilespmem:s0+$0xD580]  }
0x167: {  	v21 =	vld [tilespmem:s0+$0xD590]  }
0x168: {  	v9 =	vld [tilespmem:s0+$0xD5A0]  }
0x169: {  	v20 =	vld [tilespmem:s0+$0xD5B0]  }
0x16a: {  	v4 =	vld [tilespmem:s0+$0xD5C0]  }
0x16b: {  	v11 =	vld [tilespmem:s0+$0xD5D0]  }
0x16c: {  	v2 =	vld [tilespmem:s0+$0xD500]  }
0x16d: {  	v12 =	vld [tilespmem:s0+$0xD510]  }
0x16e: {  	v14 =	vld [tilespmem:s0+$0xD480]  }
0x16f: {  	v24 =	vld [tilespmem:s0+$0xD490]  }
0x170: {  	v25 =	vld [tilespmem:s0+$0xD4A0]  }
0x171: {  	v27 =	vld [tilespmem:s0+$0xD4B0]  }
0x172: {  	v32 =	vld [tilespmem:s0+$0xD520]  }
0x173: {  	v33 =	vld [tilespmem:s0+$0xD530]  }
.Ltmp4:
0x174: {  	v22 =	vld [tilespmem:s0+$0xD540];
	(pc) =	sbr.rel @p1 .LBB2_11-.Ltmp4, $4  }
0x175: {  	v3 =	vadd.f32 v14, v3;
	v8 =	vadd.f32 v24, v8;
	v26 =	vld [tilespmem:s0+$0xD550]  }
0x176: {  	v14 =	vadd.f32 v25, v23;
	v13 =	vadd.f32 v27, v13;
	v27 =	vld [tilespmem:s0+$0xD4C0]  }
0x177: {  	v30 =	vadd.f32 v2, v3;
	v31 =	vadd.f32 v12, v8;
	v28 =	vld [tilespmem:s0+$0xD4D0]  }
0x178: {  	s1 =	sadd.s32 $0x800, s1;
	v32 =	vadd.f32 v32, v14;
	v29 =	vld [tilespmem:s0+$0xD4E0];
	v33 =	vadd.f32 v33, v13  }
0x179: {  	v34 =	vld [tilespmem:s0+$0xD4F0]  }
0x17a: {  	v35 =	vld [tilespmem:s0+$0xD560]  }
0x17b: {  	v36 =	vld [tilespmem:s0+$0xD570]  }
0x17c: {  	v37 =	vld [tilespmem:s0+$0xD5E0];
	s1 =	sadd.s32 $0x5, s31  }
0x17d: {  	v38 =	vld [tilespmem:s0+$0xD5F0];
	s1 =	smul.u32 @!p0 $0x320, s1  }
0x17e: {  	v39 =	vld [tilespmem:s0+$0xD660]  }
0x17f: {  	v40 =	vld [tilespmem:s0+$0xD670];
	s0 =	simm.s32 @!p0 $0x68;
	s12 =	simm.s32 @!p0 $0xD480;
	s1 =	sshra.s32 @!p0 s1, $0x2  }
0x180: {  	[tilespmem:s12], [sflag:$0x5] =	stream.indirect.gather @!p0 [hbm4b:s2+s0], $0x80, s1, s0, $0xb8;
	[tilespmem:$0x14080] =	vst v63  }
0x181: {  	_ =	swait.ge [sflag:s25], $0x3000  }
0x182: {  	[sflag:s25] =	ssyncset.done $0x0  }
0x183: {  	s0 =	simm.s32 $0x0;
	[sflag:s25] =	ssyncadd.s32 $0xFFFFD000  }
0x184: {  	v8 =	vld [tilespmem:s0+$0x10A00]  }
0x185: {  	v12 =	vld [tilespmem:s0+$0x10A10]  }
0x186: {  	v13 =	vld [tilespmem:s0+$0x10A20]  }
0x187: {  	v14 =	vld [tilespmem:s0+$0x10A30]  }
0x188: {  	v2 =	vld [tilespmem:s0+$0x10A40]  }
0x189: {  	v3 =	vld [tilespmem:s0+$0x10A50]  }
0x18a: {  	v24 =	vld [tilespmem:s0+$0x10980]  }
0x18b: {  	v25 =	vld [tilespmem:s0+$0x10990]  }
0x18c: {  	v23 =	vld [tilespmem:s0+$0x109A0]  }
0x18d: {  	v30 =	vadd.f32 v19, v30;
	v21 =	vadd.f32 v21, v31;
	v19 =	vld [tilespmem:s0+$0x109B0]  }
0x18e: {  	v61 =	vadd.f32 v9, v32;
	v20 =	vadd.f32 v20, v33;
	v9 =	vld [tilespmem:s0+$0x109C0]  }
0x18f: {  	v30 =	vadd.f32 v5, v30;
	v21 =	vadd.f32 v6, v21;
	v5 =	vld [tilespmem:s0+$0x109D0]  }
0x190: {  	v6 =	vadd.f32 v27, v15;
	v31 =	vadd.f32 v7, v61;
	v62 =	vld [tilespmem:s0+$0x10900]  }
0x191: {  	v20 =	vadd.f32 v10, v20;
	v7 =	vadd.f32 v28, v18;
	v18 =	vld [tilespmem:s0+$0x10910]  }
0x192: {  	v10 =	vadd.f32 v29, v16;
	v15 =	vadd.f32 v34, v17;
	v16 =	vld [tilespmem:s0+$0x10880]  }
0x193: {  	v6 =	vadd.f32 v22, v6;
	v7 =	vadd.f32 v26, v7;
	v17 =	vld [tilespmem:s0+$0x10890]  }
0x194: {  	v10 =	vadd.f32 v35, v10;
	v15 =	vadd.f32 v36, v15;
	v22 =	vld [tilespmem:s0+$0x108A0]  }
0x195: {  	v4 =	vadd.f32 v4, v6;
	v7 =	vadd.f32 v11, v7;
	v11 =	vld [tilespmem:s0+$0x108B0]  }
0x196: {  	v10 =	vadd.f32 v37, v10;
	v26 =	vld [tilespmem:s0+$0x10920];
	v15 =	vadd.f32 v38, v15  }
0x197: {  	v6 =	vadd.f32 v0, v4;
	v27 =	vld [tilespmem:s0+$0x10930];
	v1 =	vadd.f32 v1, v7  }
0x198: {  	v7 =	vld [tilespmem:s0+$0x10940];
	v4 =	vadd.f32 v39, v10;
	v0 =	vadd.f32 v40, v15  }
0x199: {  	v10 =	vld [tilespmem:s0+$0x10950];
	v16 =	vadd.f32 v16, v30;
	v21 =	vadd.f32 v17, v21  }
0x19a: {  	v15 =	vld [tilespmem:s0+$0x108C0];
	v22 =	vadd.f32 v22, v31;
	v63 =	vadd.f32 v11, v20  }
0x19b: {  	v11 =	vld [tilespmem:s0+$0x108D0];
	v17 =	vadd.f32 v62, v16;
	v18 =	vadd.f32 v18, v21  }
0x19c: {  	s12 =	simm.s32 $0x800;
	v16 =	vld [tilespmem:s0+$0x108E0];
	v20 =	vadd.f32 v26, v22;
	v21 =	vadd.f32 v27, v63  }
.LBB2_13:
0x19d: {  	p1 =	sne.s32 s12, $0xB800;
	v22 =	vld [tilespmem:s0+$0x108F0];
	v17 =	vadd.f32 v24, v17;
	v18 =	vadd.f32 v25, v18  }
0x19e: {  	v24 =	vld [tilespmem:s0+$0x10960];
	v20 =	vadd.f32 v23, v20;
	v19 =	vadd.f32 v19, v21  }
0x19f: {  	v21 =	vld [tilespmem:s0+$0x10970];
	v17 =	vadd.f32 v8, v17;
	v18 =	vadd.f32 v12, v18  }
0x1a0: {  	v23 =	vld [tilespmem:s0+$0x109E0];
	v20 =	vadd.f32 v13, v20;
	v26 =	vadd.f32 v14, v19  }
0x1a1: {  	v6 =	vadd.f32 v15, v6;
	v1 =	vadd.f32 v11, v1;
	v11 =	vld [tilespmem:s0+$0x109F0]  }
0x1a2: {  	v4 =	vadd.f32 v16, v4;
	v0 =	vadd.f32 v22, v0;
	v15 =	vld [tilespmem:s0+$0x10A60]  }
0x1a3: {  	v6 =	vadd.f32 v7, v6;
	v1 =	vadd.f32 v10, v1;
	v7 =	vld [tilespmem:s0+$0x10A70];
	s0 =	sshra.s32 s12, $0x2  }
0x1a4: {  	v4 =	vadd.f32 v24, v4;
	v8 =	vld [tilespmem:s0+$0x10A00];
	v0 =	vadd.f32 v21, v0  }
0x1a5: {  	v6 =	vadd.f32 v9, v6;
	v1 =	vadd.f32 v5, v1;
	v12 =	vld [tilespmem:s0+$0x10A10]  }
0x1a6: {  	v4 =	vadd.f32 v23, v4;
	v13 =	vld [tilespmem:s0+$0x10A20];
	v0 =	vadd.f32 v11, v0  }
0x1a7: {  	v6 =	vadd.f32 v2, v6;
	v1 =	vadd.f32 v3, v1;
	v14 =	vld [tilespmem:s0+$0x10A30]  }
0x1a8: {  	v4 =	vadd.f32 v15, v4;
	v2 =	vld [tilespmem:s0+$0x10A40];
	v0 =	vadd.f32 v7, v0  }
0x1a9: {  	v3 =	vld [tilespmem:s0+$0x10A50]  }
0x1aa: {  	v24 =	vld [tilespmem:s0+$0x10980]  }
0x1ab: {  	v25 =	vld [tilespmem:s0+$0x10990]  }
0x1ac: {  	v23 =	vld [tilespmem:s0+$0x109A0]  }
0x1ad: {  	v19 =	vld [tilespmem:s0+$0x109B0]  }
0x1ae: {  	v9 =	vld [tilespmem:s0+$0x109C0]  }
0x1af: {  	v5 =	vld [tilespmem:s0+$0x109D0]  }
0x1b0: {  	v16 =	vld [tilespmem:s0+$0x10900]  }
0x1b1: {  	v21 =	vld [tilespmem:s0+$0x10910]  }
0x1b2: {  	v10 =	vld [tilespmem:s0+$0x10880]  }
0x1b3: {  	v11 =	vld [tilespmem:s0+$0x10890]  }
0x1b4: {  	v15 =	vld [tilespmem:s0+$0x108A0]  }
0x1b5: {  	v22 =	vld [tilespmem:s0+$0x108B0]  }
0x1b6: {  	v27 =	vld [tilespmem:s0+$0x10920]  }
0x1b7: {  	v28 =	vld [tilespmem:s0+$0x10930]  }
.Ltmp5:
0x1b8: {  	v7 =	vld [tilespmem:s0+$0x10940];
	(pc) =	sbr.rel @p1 .LBB2_13-.Ltmp5, $4  }
0x1b9: {  	v17 =	vadd.f32 v10, v17;
	v18 =	vadd.f32 v11, v18;
	v10 =	vld [tilespmem:s0+$0x10950]  }
0x1ba: {  	v20 =	vadd.f32 v15, v20;
	v22 =	vadd.f32 v22, v26;
	v15 =	vld [tilespmem:s0+$0x108C0]  }
0x1bb: {  	v17 =	vadd.f32 v16, v17;
	v18 =	vadd.f32 v21, v18;
	v11 =	vld [tilespmem:s0+$0x108D0]  }
0x1bc: {  	s12 =	sadd.s32 $0x800, s12;
	v20 =	vadd.f32 v27, v20;
	v16 =	vld [tilespmem:s0+$0x108E0];
	v21 =	vadd.f32 v28, v22  }
0x1bd: {  	v22 =	vld [tilespmem:s0+$0x108F0]  }
0x1be: {  	v17 =	vadd.f32 v24, v17;
	v18 =	vadd.f32 v25, v18;
	v57 =	vld [tilespmem:s0+$0x10960]  }
0x1bf: {  	v58 =	vld [tilespmem:s0+$0x10970];
	v20 =	vadd.f32 v23, v20;
	v19 =	vadd.f32 v19, v21  }
0x1c0: {  	v59 =	vld [tilespmem:s0+$0x109E0];
	v8 =	vadd.f32 v8, v17;
	v12 =	vadd.f32 v12, v18  }
0x1c1: {  	v60 =	vld [tilespmem:s0+$0x109F0];
	v6 =	vadd.f32 v15, v6;
	v13 =	vadd.f32 v13, v20  }
0x1c2: {  	v61 =	vld [tilespmem:s0+$0x10A60];
	v14 =	vadd.f32 v14, v19;
	v1 =	vadd.f32 v11, v1  }
0x1c3: {  	v62 =	vld [tilespmem:s0+$0x10A70];
	s0 =	sadd.s32 @!p0 $0x68, s1;
	s1 =	simm.s32 @!p0 $0x60;
	s12 =	simm.s32 @!p0 $0x10880;
	v4 =	vadd.f32 v16, v4;
	v6 =	vadd.f32 v7, v6  }
0x1c4: {  	[tilespmem:s12], [sflag:$0x6] =	stream.indirect.gather @!p0 [hbm4b:s2+s1], $0x80, s0, s1, $0xb8;
	v0 =	vadd.f32 v22, v0;
	v1 =	vadd.f32 v10, v1;
	[tilespmem:$0x14080] =	vst v63  }
0x1c5: {  	[tilespmem:s30+$0x13980] =	vst v8;
	v4 =	vadd.f32 v57, v4;
	v6 =	vadd.f32 v9, v6  }
0x1c6: {  	s29 =	sadd.s32 $0x1, s29;
	[tilespmem:s30+$0x13990] =	vst v12;
	v0 =	vadd.f32 v58, v0;
	v1 =	vadd.f32 v5, v1  }
0x1c7: {  	p0 =	sne.s32 s29, $0x5;
	[tilespmem:s30+$0x139A0] =	vst v13;
	v4 =	vadd.f32 v59, v4;
	v2 =	vadd.f32 v2, v6  }
.Ltmp6:
0x1c8: {  	[tilespmem:s30+$0x139B0] =	vst v14;
	v0 =	vadd.f32 v60, v0;
	v1 =	vadd.f32 v3, v1;
	(pc) =	sbr.rel @p0 .LBB2_2-.Ltmp6, $4  }
0x1c9: {  	v63 =	vadd.f32 v61, v4;
	[tilespmem:s30+$0x139C0] =	vst v2  }
0x1ca: {  	v0 =	vadd.f32 v62, v0;
	[tilespmem:s30+$0x139D0] =	vst v1  }
0x1cb: {  	[tilespmem:s30+$0x139E0] =	vst v63  }
0x1cc: {  	[tilespmem:s30+$0x139F0] =	vst v0  }
0x1cd: {  	_ =	swait.ge [sflag:s20], $0x3400  }
0x1ce: {  	[sflag:s20] =	ssyncset.done $0x0  }
0x1cf: {  	s0 =	simm.s32 $0x0;
	[sflag:s20] =	ssyncadd.s32 $0xFFFFCC00  }
0x1d0: {  	v6 =	vld [tilespmem:s0+$0xE00]  }
0x1d1: {  	v9 =	vld [tilespmem:s0+$0xE10]  }
0x1d2: {  	v10 =	vld [tilespmem:s0+$0xE20]  }
0x1d3: {  	v13 =	vld [tilespmem:s0+$0xE30]  }
0x1d4: {  	v0 =	vld [tilespmem:s0+$0xE40]  }
0x1d5: {  	v2 =	vld [tilespmem:s0+$0xE50]  }
0x1d6: {  	v21 =	vld [tilespmem:s0+$0xD80]  }
0x1d7: {  	v24 =	vld [tilespmem:s0+$0xD90]  }
0x1d8: {  	v11 =	vld [tilespmem:s0+$0xDA0]  }
0x1d9: {  	v22 =	vld [tilespmem:s0+$0xDB0]  }
0x1da: {  	v4 =	vld [tilespmem:s0+$0xDC0]  }
0x1db: {  	v1 =	vld [tilespmem:s0+$0xD00]  }
0x1dc: {  	v3 =	vld [tilespmem:s0+$0xD10]  }
0x1dd: {  	v5 =	vld [tilespmem:s0+$0xC80]  }
0x1de: {  	v7 =	vld [tilespmem:s0+$0xC90]  }
0x1df: {  	v8 =	vld [tilespmem:s0+$0xCA0]  }
0x1e0: {  	v12 =	vld [tilespmem:s0+$0xCB0]  }
0x1e1: {  	v16 =	vld [tilespmem:s0+$0xD20]  }
0x1e2: {  	v17 =	vld [tilespmem:s0+$0xD30]  }
0x1e3: {  	v15 =	vimm.f32 $0.0e+00;
	v14 =	vld [tilespmem:s0+$0xDD0]  }
0x1e4: {  	v25 =	vld [tilespmem:s0+$0xD40];
	v5 =	vadd.f32 v5, v15  }
0x1e5: {  	v26 =	vld [tilespmem:s0+$0xD50];
	v7 =	vadd.f32 v7, v15;
	v8 =	vadd.f32 v8, v15  }
0x1e6: {  	v27 =	vld [tilespmem:s0+$0xCC0];
	v12 =	vadd.f32 v12, v15;
	v30 =	vadd.f32 v1, v5  }
0x1e7: {  	v18 =	vimm.f32 $0.0e+00;
	v28 =	vld [tilespmem:s0+$0xCD0];
	v31 =	vadd.f32 v3, v7;
	v32 =	vadd.f32 v16, v8  }
0x1e8: {  	s1 =	simm.s32 $0x800;
	v29 =	vld [tilespmem:s0+$0xCE0];
	v33 =	vadd.f32 v17, v12;
	v16 =	vimm.f32 $0.0e+00;
	v17 =	vimm.f32 $0.0e+00  }
.LBB2_16:
0x1e9: {  	p0 =	sne.s32 s1, $0xC800;
	v1 =	vld [tilespmem:s0+$0xCF0];
	v3 =	vadd.f32 v21, v30;
	v5 =	vadd.f32 v24, v31  }
0x1ea: {  	v7 =	vld [tilespmem:s0+$0xD60];
	v8 =	vadd.f32 v11, v32;
	v11 =	vadd.f32 v22, v33  }
0x1eb: {  	v12 =	vld [tilespmem:s0+$0xD70];
	v3 =	vadd.f32 v6, v3;
	v5 =	vadd.f32 v9, v5  }
0x1ec: {  	v19 =	vld [tilespmem:s0+$0xDE0];
	v8 =	vadd.f32 v10, v8;
	v20 =	vadd.f32 v13, v11  }
0x1ed: {  	v6 =	vadd.f32 v27, v15;
	v9 =	vadd.f32 v28, v18;
	v11 =	vld [tilespmem:s0+$0xDF0]  }
0x1ee: {  	v10 =	vadd.f32 v29, v16;
	v1 =	vadd.f32 v1, v17;
	v16 =	vld [tilespmem:s0+$0xE60]  }
0x1ef: {  	v13 =	vadd.f32 v25, v6;
	v15 =	vadd.f32 v26, v9;
	v17 =	vld [tilespmem:s0+$0xE70];
	s0 =	sshra.s32 s1, $0x2  }
0x1f0: {  	v7 =	vadd.f32 v7, v10;
	v6 =	vld [tilespmem:s0+$0xE00];
	v1 =	vadd.f32 v12, v1  }
0x1f1: {  	v4 =	vadd.f32 v4, v13;
	v12 =	vadd.f32 v14, v15;
	v9 =	vld [tilespmem:s0+$0xE10]  }
0x1f2: {  	v7 =	vadd.f32 v19, v7;
	v10 =	vld [tilespmem:s0+$0xE20];
	v1 =	vadd.f32 v11, v1  }
0x1f3: {  	v15 =	vadd.f32 v0, v4;
	v18 =	vadd.f32 v2, v12;
	v13 =	vld [tilespmem:s0+$0xE30]  }
0x1f4: {  	v16 =	vadd.f32 v16, v7;
	v0 =	vld [tilespmem:s0+$0xE40];
	v17 =	vadd.f32 v17, v1  }
0x1f5: {  	v2 =	vld [tilespmem:s0+$0xE50]  }
0x1f6: {  	v21 =	vld [tilespmem:s0+$0xD80]  }
0x1f7: {  	v24 =	vld [tilespmem:s0+$0xD90]  }
0x1f8: {  	v11 =	vld [tilespmem:s0+$0xDA0]  }
0x1f9: {  	v22 =	vld [tilespmem:s0+$0xDB0]  }
0x1fa: {  	v4 =	vld [tilespmem:s0+$0xDC0]  }
0x1fb: {  	v14 =	vld [tilespmem:s0+$0xDD0]  }
0x1fc: {  	v1 =	vld [tilespmem:s0+$0xD00]  }
0x1fd: {  	v7 =	vld [tilespmem:s0+$0xD10]  }
0x1fe: {  	v12 =	vld [tilespmem:s0+$0xC80]  }
0x1ff: {  	v19 =	vld [tilespmem:s0+$0xC90]  }
0x200: {  	v23 =	vld [tilespmem:s0+$0xCA0]  }
0x201: {  	v27 =	vld [tilespmem:s0+$0xCB0]  }
0x202: {  	v32 =	vld [tilespmem:s0+$0xD20]  }
0x203: {  	v33 =	vld [tilespmem:s0+$0xD30]  }
.Ltmp7:
0x204: {  	v25 =	vld [tilespmem:s0+$0xD40];
	(pc) =	sbr.rel @p0 .LBB2_16-.Ltmp7, $4  }
0x205: {  	v3 =	vadd.f32 v12, v3;
	v5 =	vadd.f32 v19, v5;
	v26 =	vld [tilespmem:s0+$0xD50]  }
0x206: {  	v8 =	vadd.f32 v23, v8;
	v12 =	vadd.f32 v27, v20;
	v27 =	vld [tilespmem:s0+$0xCC0]  }
0x207: {  	v30 =	vadd.f32 v1, v3;
	v31 =	vadd.f32 v7, v5;
	v28 =	vld [tilespmem:s0+$0xCD0]  }
0x208: {  	s1 =	sadd.s32 $0x800, s1;
	v32 =	vadd.f32 v32, v8;
	v29 =	vld [tilespmem:s0+$0xCE0];
	v33 =	vadd.f32 v33, v12  }
0x209: {  	v34 =	vld [tilespmem:s0+$0xCF0]  }
0x20a: {  	v35 =	vld [tilespmem:s0+$0xD60]  }
0x20b: {  	v36 =	vld [tilespmem:s0+$0xD70]  }
0x20c: {  	v37 =	vld [tilespmem:s0+$0xDE0]  }
0x20d: {  	v38 =	vld [tilespmem:s0+$0xDF0]  }
0x20e: {  	v39 =	vld [tilespmem:s0+$0xE60]  }
0x20f: {  	v40 =	vld [tilespmem:s0+$0xE70];
	_ =	swait.ge [sflag:s21], $0x3000  }
0x210: {  	[sflag:s21] =	ssyncset.done $0x0  }
0x211: {  	s1 =	simm.s32 $0x0;
	[sflag:s21] =	ssyncadd.s32 $0xFFFFD000  }
0x212: {  	v5 =	vld [tilespmem:s1+$0x4200]  }
0x213: {  	v7 =	vld [tilespmem:s1+$0x4210]  }
0x214: {  	v8 =	vld [tilespmem:s1+$0x4220]  }
0x215: {  	v12 =	vld [tilespmem:s1+$0x4230]  }
0x216: {  	v1 =	vld [tilespmem:s1+$0x4240]  }
0x217: {  	v3 =	vld [tilespmem:s1+$0x4250]  }
0x218: {  	v20 =	vld [tilespmem:s1+$0x4180]  }
0x219: {  	v23 =	vld [tilespmem:s1+$0x4190]  }
0x21a: {  	v19 =	vld [tilespmem:s1+$0x41A0]  }
0x21b: {  	v30 =	vadd.f32 v21, v30;
	v24 =	vadd.f32 v24, v31;
	v21 =	vld [tilespmem:s1+$0x41B0]  }
0x21c: {  	v61 =	vadd.f32 v11, v32;
	v22 =	vadd.f32 v22, v33;
	v11 =	vld [tilespmem:s1+$0x41C0]  }
0x21d: {  	v30 =	vadd.f32 v6, v30;
	v24 =	vadd.f32 v9, v24;
	v6 =	vld [tilespmem:s1+$0x41D0]  }
0x21e: {  	v9 =	vadd.f32 v27, v15;
	v31 =	vadd.f32 v10, v61;
	v62 =	vld [tilespmem:s1+$0x4100]  }
0x21f: {  	v22 =	vadd.f32 v13, v22;
	v10 =	vadd.f32 v28, v18;
	v18 =	vld [tilespmem:s1+$0x4110]  }
0x220: {  	v13 =	vadd.f32 v29, v16;
	v16 =	vld [tilespmem:s1+$0x4080];
	v9 =	vadd.f32 v25, v9  }
0x221: {  	v25 =	vld [tilespmem:s1+$0x40A0];
	v15 =	vadd.f32 v34, v17;
	v10 =	vadd.f32 v26, v10  }
0x222: {  	v17 =	vld [tilespmem:s1+$0x4090];
	v13 =	vadd.f32 v35, v13;
	v4 =	vadd.f32 v4, v9  }
0x223: {  	v15 =	vadd.f32 v36, v15;
	v10 =	vadd.f32 v14, v10;
	v14 =	vld [tilespmem:s1+$0x40B0]  }
0x224: {  	v27 =	vld [tilespmem:s1+$0x4130];
	v13 =	vadd.f32 v37, v13;
	v9 =	vadd.f32 v0, v4  }
0x225: {  	v26 =	vld [tilespmem:s1+$0x4120];
	v15 =	vadd.f32 v38, v15;
	v2 =	vadd.f32 v2, v10  }
0x226: {  	v10 =	vld [tilespmem:s1+$0x4140];
	v16 =	vadd.f32 v16, v30;
	v25 =	vadd.f32 v25, v31  }
0x227: {  	v4 =	vadd.f32 v39, v13;
	v24 =	vadd.f32 v17, v24;
	v13 =	vld [tilespmem:s1+$0x4150]  }
0x228: {  	v0 =	vadd.f32 v40, v15;
	v15 =	vld [tilespmem:s1+$0x40D0];
	v63 =	vadd.f32 v14, v22  }
0x229: {  	v17 =	vadd.f32 v62, v16;
	v16 =	vld [tilespmem:s1+$0x40E0];
	v18 =	vadd.f32 v18, v24  }
0x22a: {  	s0 =	simm.s32 $0x800;
	v14 =	vld [tilespmem:s1+$0x40C0];
	v22 =	vadd.f32 v26, v25;
	v24 =	vadd.f32 v27, v63  }
.LBB2_18:
0x22b: {  	p0 =	sne.s32 s0, $0xB800;
	v25 =	vld [tilespmem:s1+$0x40F0];
	v17 =	vadd.f32 v20, v17;
	v18 =	vadd.f32 v23, v18  }
0x22c: {  	v20 =	vld [tilespmem:s1+$0x4160];
	v19 =	vadd.f32 v19, v22;
	v21 =	vadd.f32 v21, v24  }
0x22d: {  	v22 =	vld [tilespmem:s1+$0x4170];
	v17 =	vadd.f32 v5, v17;
	v18 =	vadd.f32 v7, v18  }
0x22e: {  	v23 =	vld [tilespmem:s1+$0x41E0];
	v24 =	vadd.f32 v8, v19;
	v26 =	vadd.f32 v12, v21  }
0x22f: {  	v5 =	vadd.f32 v14, v9;
	v2 =	vadd.f32 v15, v2;
	v9 =	vld [tilespmem:s1+$0x41F0]  }
0x230: {  	v4 =	vadd.f32 v16, v4;
	v0 =	vadd.f32 v25, v0;
	v14 =	vld [tilespmem:s1+$0x4260]  }
0x231: {  	v8 =	vadd.f32 v10, v5;
	v2 =	vadd.f32 v13, v2;
	v10 =	vld [tilespmem:s1+$0x4270];
	s1 =	sshra.s32 s0, $0x2  }
0x232: {  	v4 =	vadd.f32 v20, v4;
	v5 =	vld [tilespmem:s1+$0x4200];
	v0 =	vadd.f32 v22, v0  }
0x233: {  	v11 =	vadd.f32 v11, v8;
	v2 =	vadd.f32 v6, v2;
	v7 =	vld [tilespmem:s1+$0x4210]  }
0x234: {  	v4 =	vadd.f32 v23, v4;
	v8 =	vld [tilespmem:s1+$0x4220];
	v0 =	vadd.f32 v9, v0  }
0x235: {  	v9 =	vadd.f32 v1, v11;
	v2 =	vadd.f32 v3, v2;
	v12 =	vld [tilespmem:s1+$0x4230]  }
0x236: {  	v4 =	vadd.f32 v14, v4;
	v1 =	vld [tilespmem:s1+$0x4240];
	v0 =	vadd.f32 v10, v0  }
0x237: {  	v3 =	vld [tilespmem:s1+$0x4250]  }
0x238: {  	v20 =	vld [tilespmem:s1+$0x4180]  }
0x239: {  	v23 =	vld [tilespmem:s1+$0x4190]  }
0x23a: {  	v19 =	vld [tilespmem:s1+$0x41A0]  }
0x23b: {  	v21 =	vld [tilespmem:s1+$0x41B0]  }
0x23c: {  	v11 =	vld [tilespmem:s1+$0x41C0]  }
0x23d: {  	v6 =	vld [tilespmem:s1+$0x41D0]  }
0x23e: {  	v16 =	vld [tilespmem:s1+$0x4100]  }
0x23f: {  	v22 =	vld [tilespmem:s1+$0x4110]  }
0x240: {  	v13 =	vld [tilespmem:s1+$0x4080]  }
0x241: {  	v14 =	vld [tilespmem:s1+$0x4090]  }
0x242: {  	v15 =	vld [tilespmem:s1+$0x40A0]  }
0x243: {  	v25 =	vld [tilespmem:s1+$0x40B0]  }
0x244: {  	v27 =	vld [tilespmem:s1+$0x4120]  }
0x245: {  	v28 =	vld [tilespmem:s1+$0x4130]  }
.Ltmp8:
0x246: {  	v10 =	vld [tilespmem:s1+$0x4140];
	(pc) =	sbr.rel @p0 .LBB2_18-.Ltmp8, $4  }
0x247: {  	v17 =	vadd.f32 v13, v17;
	v18 =	vadd.f32 v14, v18;
	v13 =	vld [tilespmem:s1+$0x4150]  }
0x248: {  	v24 =	vadd.f32 v15, v24;
	v25 =	vadd.f32 v25, v26;
	v14 =	vld [tilespmem:s1+$0x40C0]  }
0x249: {  	v17 =	vadd.f32 v16, v17;
	v18 =	vadd.f32 v22, v18;
	v15 =	vld [tilespmem:s1+$0x40D0]  }
0x24a: {  	s0 =	sadd.s32 $0x800, s0;
	v22 =	vadd.f32 v27, v24;
	v16 =	vld [tilespmem:s1+$0x40E0];
	v24 =	vadd.f32 v28, v25  }
0x24b: {  	v17 =	vadd.f32 v20, v17;
	v18 =	vadd.f32 v23, v18  }
0x24c: {  	v25 =	vld [tilespmem:s1+$0x40F0];
	v19 =	vadd.f32 v19, v22;
	v21 =	vadd.f32 v21, v24  }
0x24d: {  	v57 =	vld [tilespmem:s1+$0x4160];
	v5 =	vadd.f32 v5, v17;
	v7 =	vadd.f32 v7, v18  }
0x24e: {  	v58 =	vld [tilespmem:s1+$0x4170];
	v9 =	vadd.f32 v14, v9;
	v8 =	vadd.f32 v8, v19  }
0x24f: {  	v59 =	vld [tilespmem:s1+$0x41E0];
	v12 =	vadd.f32 v12, v21;
	v2 =	vadd.f32 v15, v2  }
0x250: {  	v60 =	vld [tilespmem:s1+$0x41F0];
	v4 =	vadd.f32 v16, v4;
	v9 =	vadd.f32 v10, v9  }
0x251: {  	v61 =	vld [tilespmem:s1+$0x4260];
	v0 =	vadd.f32 v25, v0;
	v2 =	vadd.f32 v13, v2  }
0x252: {  	v62 =	vld [tilespmem:s1+$0x4270];
	[tilespmem:$0x14000] =	vst v5;
	v4 =	vadd.f32 v57, v4;
	v9 =	vadd.f32 v11, v9  }
0x253: {  	[tilespmem:$0x14010] =	vst v7;
	v0 =	vadd.f32 v58, v0;
	v2 =	vadd.f32 v6, v2  }
0x254: {  	[tilespmem:$0x14020] =	vst v8;
	v4 =	vadd.f32 v59, v4;
	v1 =	vadd.f32 v1, v9  }
0x255: {  	[tilespmem:$0x14030] =	vst v12;
	v0 =	vadd.f32 v60, v0;
	v2 =	vadd.f32 v3, v2  }
0x256: {  	v63 =	vadd.f32 v61, v4;
	[tilespmem:$0x14040] =	vst v1  }
0x257: {  	s28 =	sadd.s32 $0x1, s28;
	v0 =	vadd.f32 v62, v0;
	[tilespmem:$0x14050] =	vst v2  }
0x258: {  	p0 =	sne.s32 s28, s6;
	[tilespmem:$0x14060] =	vst v63  }
.Ltmp9:
0x259: {  	[tilespmem:$0x14070] =	vst v0;
	(pc) =	sbr.rel @p0 .LBB2_1-.Ltmp9, $4  }
0x25a: {  	[hbm4b:s5+s3] =	stream.linear.scatter [tilespmem:s26], [sflag:$0x7], $0x800, $0x38;
	[tilespmem:$0x14080] =	vst v63  }
0x25b: {  	_ =	swait.ge [sflag:s7], $0x800  }
0x25c: {  	[sflag:s7] =	ssyncset.done $0x0  }
0x25d: {  	[sflag:s7] =	ssyncadd.s32 $0xFFFFF800  }
0x25e: {  	_ =	sfence.sel $0x180000  }
0x25f: {  	[bflag:$0x0] =	sbarrier.arrive $0xFFFF  }
0x260: {  	_ =	strace $0x9000004A  }
0x261: {  	s0 =	stileid.u32;
	[bflag:$0x2] =	sbarrier.arrive $0xFFFF  }
0x262: {  	p0 =	sne.s32 s0, $0x0;
	s0 =	rddreg [dreg:$0x2]  }
0x263: {  	s0 =	sadd.s32 @!p0 $0x100000, s0  }
0x264: {  	[sflag:s0] =	ssyncadd.tile.s32 @!p0 $0x1;
	_ =	shalt  }
.Lfunc_end2:
_tile_overlayer_lowered:
.L_overlay_start_2:
0x265: {  	(tag) =	ssettag $0x2  }
0x266: {  	s0 =	rddreg [dreg:$0x0];
	s2 =	stileid.u32  }
0x267: {  	s1 =	rddreg [dreg:$0x1];
	p0 =	sne.s32 s2, $0x0  }
0x268: {  	s3 =	rddreg [dreg:$0x2];
	[bflag:$0x3] =	sbarrier.arrive $0xFFFF;
	s2 =	simm.s32 @!p0 $0x1C07  }
0x269: {  	[timem:s3], [sflag:s2] =	dma.local @!p0 [hbm:s0], s1  }
0x26a: {  	s0 =	simm.s32 @!p0 $0x7  }
0x26b: {  	_ =	swait.ge @!p0 [sflag:s0], s1  }
0x26c: {  	s1 =	ssub.s32 @!p0 $0x0, s1;
	[sflag:s0] =	ssyncset.done @!p0 $0x0  }
0x26d: {  	[sflag:s0] =	ssyncadd.s32 @!p0 s1  }
0x26e: {  	[bflag:$0x3] =	sbarrier.arrive $0xFFFF  }
0x26f: {  	_ =	shalt  }

</sc_bundles>
